<compile_context>
chip_gen: v7x
topology: tpu7x:2x2x1
jax: 0.10.2.dev20260603
libtpu: 0.0.44.dev20260713+nightly
codegen_flags: <defaults>
</compile_context>

<pallas_src>
import functools

import jax
import jax.numpy as jnp
from jax import lax
from jax.experimental import pallas as pl
from jax.experimental.pallas import tpu as pltpu
from jax.experimental.pallas import tpu_sc as plsc

N = 10000
E = 320000
D_IN = 128
H = 256
G = 64
NHID = 512
NOUT = 128

NPAD = 10240
NB = 10
BR = N // NB
NTILES = 16
ETILE = E // (2 * NTILES)
KE = 2000
KB = 64
EPAD = 327680
EROWS = EPAD // KB
TROW = EROWS // NTILES
EB = TROW // 8
NROWP = NPAD // NTILES
NSL = NPAD // NTILES



def _dense0_body(x_ref, w_ref, h_ref, av_ref):
    haug = jnp.dot(x_ref[...], w_ref[...], preferred_element_type=jnp.float32)
    h_ref[0] = haug[:, :128]
    h_ref[1] = haug[:, 128:256]
    av_ref[...] = haug[:, 256:258]


def _dense_norm_body(a_ref, s_ref, b_ref, w_ref, h_ref, av_ref):
    inv = 1.0 / (s_ref[0] + s_ref[1] + 1e-16)
    b = b_ref[...]
    z0 = jnp.maximum(a_ref[0] * inv + b[:, :128], 0.0)
    z1 = jnp.maximum(a_ref[1] * inv + b[:, 128:], 0.0)
    haug = (jnp.dot(z0, w_ref[0], preferred_element_type=jnp.float32)
            + jnp.dot(z1, w_ref[1], preferred_element_type=jnp.float32))
    h_ref[0] = haug[:, :128]
    h_ref[1] = haug[:, 128:256]
    av_ref[...] = haug[:, 256:258]


def _pool_body(a_ref, s_ref, b_ref, bf_ref, wm1_ref, bm1_ref,
               wm2_ref, bm2_ref, out_ref, acc_ref, cnt_ref):
    i = pl.program_id(0)

    @pl.when(i == 0)
    def _():
        acc_ref[...] = jnp.zeros_like(acc_ref)
        cnt_ref[...] = jnp.zeros_like(cnt_ref)

    inv = 1.0 / (s_ref[0] + s_ref[1] + 1e-16)
    b = b_ref[...]
    r0 = a_ref[0] * inv + b[:, :128]
    r1 = a_ref[1] * inv + b[:, 128:]
    rows = jnp.concatenate([r0, r1], axis=1)
    gids = lax.broadcasted_iota(jnp.int32, (BR, G), 1).astype(jnp.float32)
    onehot = jnp.where(bf_ref[...] == gids, 1.0, 0.0)
    dn = (((0,), (0,)), ((), ()))
    acc_ref[...] += lax.dot_general(onehot, rows, dn,
                                    preferred_element_type=jnp.float32)
    cnt_ref[...] += lax.dot_general(onehot, jnp.ones((BR, 1), jnp.float32),
                                    dn, preferred_element_type=jnp.float32)

    @pl.when(i == NB - 1)
    def _():
        pooled = acc_ref[...] / jnp.maximum(cnt_ref[...], 1.0)
        t = jnp.maximum(
            jnp.dot(pooled, wm1_ref[...], preferred_element_type=jnp.float32)
            + bm1_ref[...], 0.0)
        out_ref[...] = (jnp.dot(t, wm2_ref[...],
                                preferred_element_type=jnp.float32)
                        + bm2_ref[...])


def _make_dense0():
    return pl.pallas_call(
        _dense0_body,
        grid=(NB,),
        in_specs=[
            pl.BlockSpec((BR, D_IN), lambda i: (i, 0)),
            pl.BlockSpec((D_IN, 384), lambda i: (0, 0)),
        ],
        out_specs=[
            pl.BlockSpec((2, BR, 128), lambda i: (0, i, 0)),
            pl.BlockSpec((BR, 2), lambda i: (i, 0)),
        ],
        out_shape=[
            jax.ShapeDtypeStruct((2, N, 128), jnp.float32),
            jax.ShapeDtypeStruct((N, 2), jnp.float32),
        ],
    )


def _make_dense_norm():
    return pl.pallas_call(
        _dense_norm_body,
        grid=(NB,),
        in_specs=[
            pl.BlockSpec((2, BR, 128), lambda i: (0, i, 0)),
            pl.BlockSpec((2, BR, 1), lambda i: (0, i, 0)),
            pl.BlockSpec((1, H), lambda i: (0, 0)),
            pl.BlockSpec((2, 128, 384), lambda i: (0, 0, 0)),
        ],
        out_specs=[
            pl.BlockSpec((2, BR, 128), lambda i: (0, i, 0)),
            pl.BlockSpec((BR, 2), lambda i: (i, 0)),
        ],
        out_shape=[
            jax.ShapeDtypeStruct((2, N, 128), jnp.float32),
            jax.ShapeDtypeStruct((N, 2), jnp.float32),
        ],
    )


def _make_pool():
    return pl.pallas_call(
        _pool_body,
        grid=(NB,),
        in_specs=[
            pl.BlockSpec((2, BR, 128), lambda i: (0, i, 0)),
            pl.BlockSpec((2, BR, 1), lambda i: (0, i, 0)),
            pl.BlockSpec((1, H), lambda i: (0, 0)),
            pl.BlockSpec((BR, 1), lambda i: (i, 0)),
            pl.BlockSpec((H, NHID), lambda i: (0, 0)),
            pl.BlockSpec((1, NHID), lambda i: (0, 0)),
            pl.BlockSpec((NHID, NOUT), lambda i: (0, 0)),
            pl.BlockSpec((1, NOUT), lambda i: (0, 0)),
        ],
        out_specs=pl.BlockSpec((G, NOUT), lambda i: (0, 0)),
        out_shape=jax.ShapeDtypeStruct((G, NOUT), jnp.float32),
        scratch_shapes=[
            pltpu.VMEM((G, H), jnp.float32),
            pltpu.VMEM((G, 1), jnp.float32),
        ],
    )



def _edge_body(asrc_hbm, adst_hbm, src_hbm, dst_hbm, ex_hbm, s_hbm,
               a_v, d_v, src_v, dst_v, ex_v, s_v, slab_v, res_v, s_sh):
    c = lax.axis_index("c")
    t = lax.axis_index("s")

    pltpu.sync_copy(asrc_hbm, a_v)
    pltpu.sync_copy(adst_hbm, d_v)

    def zero(i, _):
        s_v[pl.ds(i * 16, 16)] = jnp.zeros((16,), jnp.float32)
        return 0
    lax.fori_loop(0, NPAD // 16, zero, 0)

    def mx(i, carry):
        ms, md = carry
        return (jnp.maximum(ms, a_v[pl.ds(i * 16, 16)]),
                jnp.maximum(md, d_v[pl.ds(i * 16, 16)]))
    neg = jnp.full((16,), -1e30, jnp.float32)
    ms, md = lax.fori_loop(0, NPAD // 16, mx, (neg, neg))
    sm = ms[0]
    dm = md[0]
    for l in range(1, 16):
        sm = jnp.maximum(sm, ms[l])
        dm = jnp.maximum(dm, md[l])
    msum = sm + dm
    cmax = jnp.where(msum > 0, msum, 0.2 * msum)

    base0 = (c * NTILES + t) * ETILE

    def chunk(k, _):
        base = base0 + k * KE
        pltpu.sync_copy(src_hbm.at[pl.ds(base, KE)], src_v)
        pltpu.sync_copy(dst_hbm.at[pl.ds(base, KE)], dst_v)

        def grp(j, _):
            sv = src_v[pl.ds(j * 16, 16)]
            dv = dst_v[pl.ds(j * 16, 16)]
            e = plsc.load_gather(a_v, [sv]) + plsc.load_gather(d_v, [dv])
            e = jnp.where(e > 0, e, 0.2 * e)
            ev = jnp.exp(e - cmax)
            ex_v[pl.ds(j * 16, 16)] = ev
            plsc.addupdate_scatter(s_v, [dv], ev)
            return 0
        lax.fori_loop(0, KE // 16, grp, 0)

        pltpu.sync_copy(ex_v, ex_hbm.at[pl.ds(base, KE)])
        return 0
    lax.fori_loop(0, ETILE // KE, chunk, 0)

    pltpu.sync_copy(s_v, s_sh.at[t])
    plsc.subcore_barrier()
    col0 = t * NSL
    pltpu.sync_copy(s_sh.at[:, pl.ds(col0, NSL)], slab_v)

    def red(i, _):
        acc = jnp.zeros((16,), jnp.float32)
        for r in range(NTILES):
            acc = acc + slab_v[r, pl.ds(i * 16, 16)]
        res_v[pl.ds(i * 16, 16)] = acc
        return 0
    lax.fori_loop(0, NSL // 16, red, 0)

    pltpu.sync_copy(res_v, s_hbm.at[pl.ds(c * NPAD + col0, NSL)])


def _make_edge():
    mesh = plsc.VectorSubcoreMesh(core_axis_name="c", subcore_axis_name="s")
    return pl.kernel(
        _edge_body,
        out_type=[
            jax.ShapeDtypeStruct((E,), jnp.float32),
            jax.ShapeDtypeStruct((2 * NPAD,), jnp.float32),
        ],
        mesh=mesh,
        compiler_params=pltpu.CompilerParams(needs_layout_passes=False),
        scratch_types=[
            pltpu.VMEM((NPAD,), jnp.float32),
            pltpu.VMEM((NPAD,), jnp.float32),
            pltpu.VMEM((KE,), jnp.int32),
            pltpu.VMEM((KE,), jnp.int32),
            pltpu.VMEM((KE,), jnp.float32),
            pltpu.VMEM((NPAD,), jnp.float32),
            pltpu.VMEM((NTILES, NSL), jnp.float32),
            pltpu.VMEM((NSL,), jnp.float32),
            pltpu.VMEM_SHARED((NTILES, NPAD), jnp.float32),
        ],
    )



def _agg_body(h_hbm, src_hbm, dst_hbm, ex_hbm, agg_hbm,
              r0, r1, r2, r3, srcb, dstb, exb,
              g0, g1, g2, g3, c0, c1, c2, c3, out_sh):
    c = lax.axis_index("c")
    t = lax.axis_index("s")
    rows = (r0, r1, r2, r3)
    gsem = (g0, g1, g2, g3)
    ssem = (c0, c1, c2, c3)
    coff = c * N

    zv = jnp.zeros((16,), jnp.float32)

    def zr(i, _):
        for u in range(8):
            r0[i, pl.ds(u * 16, 16)] = zv
        return 0
    lax.fori_loop(0, KB, zr, 0)
    for q in range(NROWP // KB):
        pltpu.sync_copy(r0, out_sh.at[pl.ds(t * NROWP + q * KB, KB)])
    plsc.subcore_barrier()

    row0 = t * TROW

    def load_q(quarter):
        rb = row0 + quarter * EB
        pltpu.sync_copy(src_hbm.at[pl.ds(rb, EB)], srcb)
        pltpu.sync_copy(dst_hbm.at[pl.ds(rb, EB)], dstb)
        pltpu.sync_copy(ex_hbm.at[pl.ds(rb, EB)], exb)

        def off(i, _):
            for u in range(KB // 16):
                sl = pl.ds(u * 16, 16)
                srcb[i, sl] = srcb[i, sl] + coff
            return 0
        lax.fori_loop(0, EB, off, 0)

    def issue_gather(k, b, jb):
        pltpu.async_copy(h_hbm.at[srcb.at[k - jb]], rows[b], gsem[b])

    def wait_gather(k, b, jb):
        pltpu.make_async_copy(h_hbm.at[srcb.at[k - jb]], rows[b],
                              gsem[b]).wait()

    def issue_scat(k, b, jb):
        pltpu.async_copy(rows[b], out_sh.at[dstb.at[k - jb]], ssem[b],
                         add=True)

    def wait_scat(k, b, jb):
        pltpu.make_async_copy(rows[b], out_sh.at[dstb.at[k - jb]],
                              ssem[b]).wait()

    def process(k, b, jb):
        del k, b, jb

    def qloop(q, _):
        jb = q * EB
        load_q(q)
        issue_gather(jb, 0, jb)
        issue_gather(jb + 1, 1, jb)

        def stepf(p, _):
            for b in range(4):
                k = jb + 4 * p + b
                bb = (b + 2) % 4
                if b < 2:
                    @pl.when(p > 0)
                    def _():
                        wait_scat(k - 2, bb, jb)
                    issue_gather(k + 2, bb, jb)
                else:
                    @pl.when(p < EB // 4 - 1)
                    def _():
                        wait_scat(k - 2, bb, jb)
                        issue_gather(k + 2, bb, jb)
                wait_gather(k, b, jb)
                process(k, b, jb)
                issue_scat(k, b, jb)
            return 0
        lax.fori_loop(0, EB // 4, stepf, 0)
        for b in range(4):
            wait_scat(jb + EB - 4 + b, b, jb)
        return 0
    lax.fori_loop(0, 8, qloop, 0)

    plsc.subcore_barrier()
    pltpu.sync_copy(out_sh.at[pl.ds(t * NROWP, NROWP)],
                    agg_hbm.at[pl.ds(c * NPAD + t * NROWP, NROWP)])


def _make_agg():
    mesh = plsc.VectorSubcoreMesh(core_axis_name="c", subcore_axis_name="s")
    return pl.kernel(
        _agg_body,
        out_type=[
            jax.ShapeDtypeStruct((2 * NPAD, 128), jnp.float32),
        ],
        mesh=mesh,
        compiler_params=pltpu.CompilerParams(needs_layout_passes=False),
        scratch_types=[
            pltpu.VMEM((KB, 128), jnp.float32),
            pltpu.VMEM((KB, 128), jnp.float32),
            pltpu.VMEM((KB, 128), jnp.float32),
            pltpu.VMEM((KB, 128), jnp.float32),
            pltpu.VMEM((EB, KB), jnp.int32),
            pltpu.VMEM((EB, KB), jnp.int32),
            pltpu.VMEM((EB, KB), jnp.float32),
            pltpu.SemaphoreType.DMA,
            pltpu.SemaphoreType.DMA,
            pltpu.SemaphoreType.DMA,
            pltpu.SemaphoreType.DMA,
            pltpu.SemaphoreType.DMA,
            pltpu.SemaphoreType.DMA,
            pltpu.SemaphoreType.DMA,
            pltpu.SemaphoreType.DMA,
            pltpu.VMEM_SHARED((NPAD, 128), jnp.float32),
        ],
    )



def _augment(W, a_s, a_d):
    cols = W.shape[1]
    return jnp.concatenate(
        [W, (W @ a_s)[:, None], (W @ a_d)[:, None],
         jnp.zeros((W.shape[0], 384 - cols - 2), jnp.float32)], axis=1)


def _pad_logits(v):
    return jnp.concatenate([v, jnp.full((NPAD - N,), -1e30, jnp.float32)])


def kernel(x, edge_index, batch, W0, a_src0, a_dst0, b0, W1, a_src1, a_dst1,
           b1, W2, a_src2, a_dst2, b2, Wm1, bm1, Wm2, bm2):
    src = edge_index[0]
    dst = edge_index[1]
    zpad = jnp.zeros((EPAD - E,), jnp.int32)
    src2 = jnp.concatenate([src, zpad]).reshape(EROWS, KB)
    dst2 = jnp.concatenate([dst, zpad]).reshape(EROWS, KB)
    fpad = jnp.zeros((EPAD - E,), jnp.float32)

    def pad_ex(ex):
        return jnp.concatenate([ex, fpad]).reshape(EROWS, KB)

    dense0 = _make_dense0()
    dense_norm = _make_dense_norm()
    edge = _make_edge()
    agg = _make_agg()
    pool = _make_pool()

    w0a = _augment(W0, a_src0, a_dst0)
    w1a = _augment(W1, a_src1, a_dst1)
    w1s = jnp.stack([w1a[:128], w1a[128:]])
    w2a = _augment(W2, a_src2, a_dst2)
    w2s = jnp.stack([w2a[:128], w2a[128:]])

    h, av = dense0(x, w0a)
    ex, s = edge(_pad_logits(av[:, 0]), _pad_logits(av[:, 1]), src, dst)
    agg_v, = agg(h.reshape(2 * N, 128), src2, dst2, pad_ex(ex))
    agg_v = agg_v.reshape(2, NPAD, 128)

    h, av = dense_norm(agg_v, s.reshape(2, NPAD, 1), b0.reshape(1, H), w1s)
    ex, s = edge(_pad_logits(av[:, 0]), _pad_logits(av[:, 1]), src, dst)
    agg_v, = agg(h.reshape(2 * N, 128), src2, dst2, pad_ex(ex))
    agg_v = agg_v.reshape(2, NPAD, 128)

    h, av = dense_norm(agg_v, s.reshape(2, NPAD, 1), b1.reshape(1, H), w2s)
    ex, s = edge(_pad_logits(av[:, 0]), _pad_logits(av[:, 1]), src, dst)
    agg_v, = agg(h.reshape(2 * N, 128), src2, dst2, pad_ex(ex))
    agg_v = agg_v.reshape(2, NPAD, 128)

    out = pool(agg_v, s.reshape(2, NPAD, 1), b2.reshape(1, H),
               batch.astype(jnp.float32).reshape(N, 1),
               Wm1, bm1.reshape(1, NHID), Wm2, bm2.reshape(1, NOUT))
    return out

# --- scband reference (transcript-rebuilt; emitter-appended) ---
"""Pipeline reference for scband-graph-transformer-75771813036521 (READ-ONLY COPY).

The authoritative reference and input builder live on the scoring server;
editing this copy changes nothing except your own understanding.
"""

import jax, jax.numpy as jnp
import numpy as np

N = 10000
E = 320000
D_IN = 128
H = 256
NHID = 512
NOUT = 128
G = 64


def setup_inputs(seed: int = 0) -> dict:
    key = jax.random.key(seed)
    ks = jax.random.split(key, 24)
    inp = {}
    inp["x"] = jax.random.normal(ks[0], (N, D_IN), dtype=jnp.float32)
    inp["edge_index"] = jax.random.randint(ks[1], (2, E), 0, N, dtype=jnp.int32)
    inp["batch"] = jnp.sort(jax.random.randint(ks[2], (N,), 0, G, dtype=jnp.int32))
    # GATConv layer 0: in=D_IN -> H
    inp["W0"] = jax.random.normal(ks[3], (D_IN, H), dtype=jnp.float32) * (1.0 / np.sqrt(D_IN))
    inp["a_src0"] = jax.random.normal(ks[4], (H,), dtype=jnp.float32) * 0.1
    inp["a_dst0"] = jax.random.normal(ks[5], (H,), dtype=jnp.float32) * 0.1
    inp["b0"] = jnp.zeros((H,), dtype=jnp.float32)
    # GATConv layer 1: H -> H
    inp["W1"] = jax.random.normal(ks[6], (H, H), dtype=jnp.float32) * (1.0 / np.sqrt(H))
    inp["a_src1"] = jax.random.normal(ks[7], (H,), dtype=jnp.float32) * 0.1
    inp["a_dst1"] = jax.random.normal(ks[8], (H,), dtype=jnp.float32) * 0.1
    inp["b1"] = jnp.zeros((H,), dtype=jnp.float32)
    # GATConv layer 2: H -> H (out_channels == hidden_dim)
    inp["W2"] = jax.random.normal(ks[9], (H, H), dtype=jnp.float32) * (1.0 / np.sqrt(H))
    inp["a_src2"] = jax.random.normal(ks[10], (H,), dtype=jnp.float32) * 0.1
    inp["a_dst2"] = jax.random.normal(ks[11], (H,), dtype=jnp.float32) * 0.1
    inp["b2"] = jnp.zeros((H,), dtype=jnp.float32)
    # mol_hidden1: H -> NHID, mol_hidden2: NHID -> NOUT
    inp["Wm1"] = jax.random.normal(ks[12], (H, NHID), dtype=jnp.float32) * (1.0 / np.sqrt(H))
    inp["bm1"] = jnp.zeros((NHID,), dtype=jnp.float32)
    inp["Wm2"] = jax.random.normal(ks[13], (NHID, NOUT), dtype=jnp.float32) * (1.0 / np.sqrt(NHID))
    inp["bm2"] = jnp.zeros((NOUT,), dtype=jnp.float32)
    return inp


def gat_conv(x, edge_index, W, a_s, a_d, b):
    src = edge_index[0]
    dst = edge_index[1]
    n = x.shape[0]
    h = x @ W  # [N, H]
    alpha_src = jnp.sum(h * a_s, axis=-1)  # [N]
    alpha_dst = jnp.sum(h * a_d, axis=-1)  # [N]
    e = alpha_src[src] + alpha_dst[dst]  # gather per edge
    e = jnp.where(e > 0, e, 0.2 * e)  # leaky_relu(0.2)
    # softmax over incoming edges of each dst node
    m = jax.ops.segment_max(e, dst, num_segments=n)
    m = jnp.where(jnp.isfinite(m), m, 0.0)
    ex = jnp.exp(e - m[dst])
    s = jax.ops.segment_sum(ex, dst, num_segments=n)
    alpha = ex / (s[dst] + 1e-16)
    out = jax.ops.segment_sum(h[src] * alpha[:, None], dst, num_segments=n)
    return out + b


def reference(x, edge_index, batch, W0, a_src0, a_dst0, b0, W1, a_src1, a_dst1, b1, W2, a_src2, a_dst2, b2, Wm1, bm1, Wm2, bm2):
    h = gat_conv(x, edge_index, W0, a_src0, a_dst0, b0)
    h = jax.nn.relu(h)
    h = gat_conv(h, edge_index, W1, a_src1, a_dst1, b1)
    h = jax.nn.relu(h)
    h = gat_conv(h, edge_index, W2, a_src2, a_dst2, b2)
    # global_mean_pool over batch vector
    sums = jax.ops.segment_sum(h, batch, num_segments=G)
    cnt = jax.ops.segment_sum(jnp.ones((h.shape[0],), h.dtype), batch, num_segments=G)
    pooled = sums / jnp.maximum(cnt, 1.0)[:, None]
    out = jax.nn.relu(pooled @ Wm1 + bm1)
    out = out @ Wm2 + bm2
    return out

if __name__ == "__main__":
    import jax
    _d = setup_inputs()
    print(jax.jit(kernel)(*tuple(_d.values())))

</pallas_src>

<mosaic_0001>
#map = affine_map<(d0, d1) -> (0, 0)>
module attributes {stable_mosaic.version = 14 : i64} {
  func.func @_agg_body(%arg0: i32, %arg1: i32, %arg2: memref<20000x128xf32, #tpu.memory_space<hbm>>, %arg3: memref<5120x64xi32, #tpu.memory_space<hbm>>, %arg4: memref<5120x64xi32, #tpu.memory_space<hbm>>, %arg5: memref<5120x64xf32, #tpu.memory_space<hbm>>, %arg6: memref<20480x128xf32, #tpu.memory_space<hbm>>, %arg7: memref<64x128xf32, #tpu.memory_space<vmem>>, %arg8: memref<64x128xf32, #tpu.memory_space<vmem>>, %arg9: memref<64x128xf32, #tpu.memory_space<vmem>>, %arg10: memref<64x128xf32, #tpu.memory_space<vmem>>, %arg11: memref<40x64xi32, #tpu.memory_space<vmem>>, %arg12: memref<40x64xi32, #tpu.memory_space<vmem>>, %arg13: memref<40x64xf32, #tpu.memory_space<vmem>>, %arg14: memref<!tpu.dma_semaphore, #tpu.memory_space<semaphore_mem>>, %arg15: memref<!tpu.dma_semaphore, #tpu.memory_space<semaphore_mem>>, %arg16: memref<!tpu.dma_semaphore, #tpu.memory_space<semaphore_mem>>, %arg17: memref<!tpu.dma_semaphore, #tpu.memory_space<semaphore_mem>>, %arg18: memref<!tpu.dma_semaphore, #tpu.memory_space<semaphore_mem>>, %arg19: memref<!tpu.dma_semaphore, #tpu.memory_space<semaphore_mem>>, %arg20: memref<!tpu.dma_semaphore, #tpu.memory_space<semaphore_mem>>, %arg21: memref<!tpu.dma_semaphore, #tpu.memory_space<semaphore_mem>>, %arg22: memref<10240x128xf32, #tpu.memory_space<vmem_shared>>) attributes {dimension_semantics = [#tpu.dimension_semantics<core_parallel>, #tpu.dimension_semantics<subcore_parallel>], iteration_bounds = array<i64: 2, 16>, scalar_prefetch = 0 : i64, scratch_operands = 16 : i64, tpu.core_type = #tpu.core_type<sc_vector_subcore>, window_params = [{transform_indices = #map}, {transform_indices = #map}, {transform_indices = #map}, {transform_indices = #map}, {transform_indices = #map}]} {
    %mul3A = arith.constant 10000 : i32
    %mul3A_0 = arith.muli %arg0, %mul3A : i32
    %broadcast_in_dim3A = arith.constant 0.000000e+00 : f32
    %broadcast_in_dim3A_1 = vector.broadcast %broadcast_in_dim3A : f32 to vector<16xf32>
    %scan3A = arith.constant 0 : i32
    %scan3A_2 = arith.constant 0 : i32
    %scan3A_3 = arith.constant 64 : i32
    %scan3A_4 = arith.addi %scan3A_2, %scan3A_3 : i32
    %scan3A_5 = arith.constant 1 : i32
    %scan3A_6 = scf.for %scan3A_64 = %scan3A_2 to %scan3A_4 step %scan3A_5 iter_args(%scan3A_65 = %scan3A) -> (i32)  : i32 {
      %swap3A = arith.index_cast %scan3A_64 : i32 to index
      %swap3A_66 = arith.constant 0 : index
      %swap3A_67 = tpu.vector_load %arg7[%swap3A, %swap3A_66] {strides = array<i32>} : memref<64x128xf32, #tpu.memory_space<vmem>>, vector<16xf32>,
      tpu.vector_store %arg7[%swap3A, %swap3A_66], %broadcast_in_dim3A_1 {strides = array<i32>} : memref<64x128xf32, #tpu.memory_space<vmem>>, vector<16xf32>,
      %swap3A_68 = arith.index_cast %scan3A_64 : i32 to index
      %swap3A_69 = arith.constant 16 : index
      %swap3A_70 = tpu.vector_load %arg7[%swap3A_68, %swap3A_69] {strides = array<i32>} : memref<64x128xf32, #tpu.memory_space<vmem>>, vector<16xf32>,
      tpu.vector_store %arg7[%swap3A_68, %swap3A_69], %broadcast_in_dim3A_1 {strides = array<i32>} : memref<64x128xf32, #tpu.memory_space<vmem>>, vector<16xf32>,
      %swap3A_71 = arith.index_cast %scan3A_64 : i32 to index
      %swap3A_72 = arith.constant 32 : index
      %swap3A_73 = tpu.vector_load %arg7[%swap3A_71, %swap3A_72] {strides = array<i32>} : memref<64x128xf32, #tpu.memory_space<vmem>>, vector<16xf32>,
      tpu.vector_store %arg7[%swap3A_71, %swap3A_72], %broadcast_in_dim3A_1 {strides = array<i32>} : memref<64x128xf32, #tpu.memory_space<vmem>>, vector<16xf32>,
      %swap3A_74 = arith.index_cast %scan3A_64 : i32 to index
      %swap3A_75 = arith.constant 48 : index
      %swap3A_76 = tpu.vector_load %arg7[%swap3A_74, %swap3A_75] {strides = array<i32>} : memref<64x128xf32, #tpu.memory_space<vmem>>, vector<16xf32>,
      tpu.vector_store %arg7[%swap3A_74, %swap3A_75], %broadcast_in_dim3A_1 {strides = array<i32>} : memref<64x128xf32, #tpu.memory_space<vmem>>, vector<16xf32>,
      %swap3A_77 = arith.index_cast %scan3A_64 : i32 to index
      %swap3A_78 = arith.constant 64 : index
      %swap3A_79 = tpu.vector_load %arg7[%swap3A_77, %swap3A_78] {strides = array<i32>} : memref<64x128xf32, #tpu.memory_space<vmem>>, vector<16xf32>,
      tpu.vector_store %arg7[%swap3A_77, %swap3A_78], %broadcast_in_dim3A_1 {strides = array<i32>} : memref<64x128xf32, #tpu.memory_space<vmem>>, vector<16xf32>,
      %swap3A_80 = arith.index_cast %scan3A_64 : i32 to index
      %swap3A_81 = arith.constant 80 : index
      %swap3A_82 = tpu.vector_load %arg7[%swap3A_80, %swap3A_81] {strides = array<i32>} : memref<64x128xf32, #tpu.memory_space<vmem>>, vector<16xf32>,
      tpu.vector_store %arg7[%swap3A_80, %swap3A_81], %broadcast_in_dim3A_1 {strides = array<i32>} : memref<64x128xf32, #tpu.memory_space<vmem>>, vector<16xf32>,
      %swap3A_83 = arith.index_cast %scan3A_64 : i32 to index
      %swap3A_84 = arith.constant 96 : index
      %swap3A_85 = tpu.vector_load %arg7[%swap3A_83, %swap3A_84] {strides = array<i32>} : memref<64x128xf32, #tpu.memory_space<vmem>>, vector<16xf32>,
      tpu.vector_store %arg7[%swap3A_83, %swap3A_84], %broadcast_in_dim3A_1 {strides = array<i32>} : memref<64x128xf32, #tpu.memory_space<vmem>>, vector<16xf32>,
      %swap3A_86 = arith.index_cast %scan3A_64 : i32 to index
      %swap3A_87 = arith.constant 112 : index
      %swap3A_88 = tpu.vector_load %arg7[%swap3A_86, %swap3A_87] {strides = array<i32>} : memref<64x128xf32, #tpu.memory_space<vmem>>, vector<16xf32>,
      tpu.vector_store %arg7[%swap3A_86, %swap3A_87], %broadcast_in_dim3A_1 {strides = array<i32>} : memref<64x128xf32, #tpu.memory_space<vmem>>, vector<16xf32>,
      %scan3A_89 = arith.constant 0 : i32
      scf.yield %scan3A_89 : i32
    }
    %scan3A_7 = arith.constant 64 : i32
    %mul3A_8 = arith.constant 640 : i32
    %mul3A_9 = arith.muli %arg1, %mul3A_8 : i32
    %add3A = arith.constant 0 : i32
    %add3A_10 = arith.addi %mul3A_9, %add3A : i32
    "tpu.region"() ({
      %run_scoped3A = tpu.sem_alloc : memref<!tpu.dma_semaphore, #tpu.memory_space<semaphore_mem>>
      %dma_start3A = arith.constant 0 : i32
      %dma_start3A_64 = tpu.memref_slice %arg22[%add3A_10, %dma_start3A] : memref<10240x128xf32, #tpu.memory_space<vmem_shared>> -> memref<64x128xf32, #tpu.memory_space<vmem_shared>>
      %dma_start3A_65 = arith.constant 0 : i32
      %dma_start3A_66 = tpu.memref_slice %arg22[%add3A_10, %dma_start3A_65] : memref<10240x128xf32, #tpu.memory_space<vmem_shared>> -> memref<64x128xf32, #tpu.memory_space<vmem_shared>>
      tpu.enqueue_dma source(%arg7 : memref<64x128xf32, #tpu.memory_space<vmem>>) target(%dma_start3A_66 : memref<64x128xf32, #tpu.memory_space<vmem_shared>>) target_semaphore(%run_scoped3A : memref<!tpu.dma_semaphore, #tpu.memory_space<semaphore_mem>>)
      %dma_wait3A = arith.constant 0 : i32
      %dma_wait3A_67 = tpu.memref_slice %arg22[%add3A_10, %dma_wait3A] : memref<10240x128xf32, #tpu.memory_space<vmem_shared>> -> memref<64x128xf32, #tpu.memory_space<vmem_shared>>
      %dma_wait3A_68 = arith.constant 0 : i32
      %dma_wait3A_69 = tpu.memref_slice %arg22[%add3A_10, %dma_wait3A_68] : memref<10240x128xf32, #tpu.memory_space<vmem_shared>> -> memref<64x128xf32, #tpu.memory_space<vmem_shared>>
      tpu.wait_dma2 semaphore(%run_scoped3A : memref<!tpu.dma_semaphore, #tpu.memory_space<semaphore_mem>>) src(%arg7 : memref<64x128xf32, #tpu.memory_space<vmem>>) dst(%dma_wait3A_69 : memref<64x128xf32, #tpu.memory_space<vmem_shared>>)
      tpu.yield
    }) : () -> ()
    %mul3A_11 = arith.constant 640 : i32
    %mul3A_12 = arith.muli %arg1, %mul3A_11 : i32
    %add3A_13 = arith.constant 64 : i32
    %add3A_14 = arith.addi %mul3A_12, %add3A_13 : i32
    "tpu.region"() ({
      %run_scoped3A = tpu.sem_alloc : memref<!tpu.dma_semaphore, #tpu.memory_space<semaphore_mem>>
      %dma_start3A = arith.constant 0 : i32
      %dma_start3A_64 = tpu.memref_slice %arg22[%add3A_14, %dma_start3A] : memref<10240x128xf32, #tpu.memory_space<vmem_shared>> -> memref<64x128xf32, #tpu.memory_space<vmem_shared>>
      %dma_start3A_65 = arith.constant 0 : i32
      %dma_start3A_66 = tpu.memref_slice %arg22[%add3A_14, %dma_start3A_65] : memref<10240x128xf32, #tpu.memory_space<vmem_shared>> -> memref<64x128xf32, #tpu.memory_space<vmem_shared>>
      tpu.enqueue_dma source(%arg7 : memref<64x128xf32, #tpu.memory_space<vmem>>) target(%dma_start3A_66 : memref<64x128xf32, #tpu.memory_space<vmem_shared>>) target_semaphore(%run_scoped3A : memref<!tpu.dma_semaphore, #tpu.memory_space<semaphore_mem>>)
      %dma_wait3A = arith.constant 0 : i32
      %dma_wait3A_67 = tpu.memref_slice %arg22[%add3A_14, %dma_wait3A] : memref<10240x128xf32, #tpu.memory_space<vmem_shared>> -> memref<64x128xf32, #tpu.memory_space<vmem_shared>>
      %dma_wait3A_68 = arith.constant 0 : i32
      %dma_wait3A_69 = tpu.memref_slice %arg22[%add3A_14, %dma_wait3A_68] : memref<10240x128xf32, #tpu.memory_space<vmem_shared>> -> memref<64x128xf32, #tpu.memory_space<vmem_shared>>
      tpu.wait_dma2 semaphore(%run_scoped3A : memref<!tpu.dma_semaphore, #tpu.memory_space<semaphore_mem>>) src(%arg7 : memref<64x128xf32, #tpu.memory_space<vmem>>) dst(%dma_wait3A_69 : memref<64x128xf32, #tpu.memory_space<vmem_shared>>)
      tpu.yield
    }) : () -> ()
    %mul3A_15 = arith.constant 640 : i32
    %mul3A_16 = arith.muli %arg1, %mul3A_15 : i32
    %add3A_17 = arith.constant 128 : i32
    %add3A_18 = arith.addi %mul3A_16, %add3A_17 : i32
    "tpu.region"() ({
      %run_scoped3A = tpu.sem_alloc : memref<!tpu.dma_semaphore, #tpu.memory_space<semaphore_mem>>
      %dma_start3A = arith.constant 0 : i32
      %dma_start3A_64 = tpu.memref_slice %arg22[%add3A_18, %dma_start3A] : memref<10240x128xf32, #tpu.memory_space<vmem_shared>> -> memref<64x128xf32, #tpu.memory_space<vmem_shared>>
      %dma_start3A_65 = arith.constant 0 : i32
      %dma_start3A_66 = tpu.memref_slice %arg22[%add3A_18, %dma_start3A_65] : memref<10240x128xf32, #tpu.memory_space<vmem_shared>> -> memref<64x128xf32, #tpu.memory_space<vmem_shared>>
      tpu.enqueue_dma source(%arg7 : memref<64x128xf32, #tpu.memory_space<vmem>>) target(%dma_start3A_66 : memref<64x128xf32, #tpu.memory_space<vmem_shared>>) target_semaphore(%run_scoped3A : memref<!tpu.dma_semaphore, #tpu.memory_space<semaphore_mem>>)
      %dma_wait3A = arith.constant 0 : i32
      %dma_wait3A_67 = tpu.memref_slice %arg22[%add3A_18, %dma_wait3A] : memref<10240x128xf32, #tpu.memory_space<vmem_shared>> -> memref<64x128xf32, #tpu.memory_space<vmem_shared>>
      %dma_wait3A_68 = arith.constant 0 : i32
      %dma_wait3A_69 = tpu.memref_slice %arg22[%add3A_18, %dma_wait3A_68] : memref<10240x128xf32, #tpu.memory_space<vmem_shared>> -> memref<64x128xf32, #tpu.memory_space<vmem_shared>>
      tpu.wait_dma2 semaphore(%run_scoped3A : memref<!tpu.dma_semaphore, #tpu.memory_space<semaphore_mem>>) src(%arg7 : memref<64x128xf32, #tpu.memory_space<vmem>>) dst(%dma_wait3A_69 : memref<64x128xf32, #tpu.memory_space<vmem_shared>>)
      tpu.yield
    }) : () -> ()
    %mul3A_19 = arith.constant 640 : i32
    %mul3A_20 = arith.muli %arg1, %mul3A_19 : i32
    %add3A_21 = arith.constant 192 : i32
    %add3A_22 = arith.addi %mul3A_20, %add3A_21 : i32
    "tpu.region"() ({
      %run_scoped3A = tpu.sem_alloc : memref<!tpu.dma_semaphore, #tpu.memory_space<semaphore_mem>>
      %dma_start3A = arith.constant 0 : i32
      %dma_start3A_64 = tpu.memref_slice %arg22[%add3A_22, %dma_start3A] : memref<10240x128xf32, #tpu.memory_space<vmem_shared>> -> memref<64x128xf32, #tpu.memory_space<vmem_shared>>
      %dma_start3A_65 = arith.constant 0 : i32
      %dma_start3A_66 = tpu.memref_slice %arg22[%add3A_22, %dma_start3A_65] : memref<10240x128xf32, #tpu.memory_space<vmem_shared>> -> memref<64x128xf32, #tpu.memory_space<vmem_shared>>
      tpu.enqueue_dma source(%arg7 : memref<64x128xf32, #tpu.memory_space<vmem>>) target(%dma_start3A_66 : memref<64x128xf32, #tpu.memory_space<vmem_shared>>) target_semaphore(%run_scoped3A : memref<!tpu.dma_semaphore, #tpu.memory_space<semaphore_mem>>)
      %dma_wait3A = arith.constant 0 : i32
      %dma_wait3A_67 = tpu.memref_slice %arg22[%add3A_22, %dma_wait3A] : memref<10240x128xf32, #tpu.memory_space<vmem_shared>> -> memref<64x128xf32, #tpu.memory_space<vmem_shared>>
      %dma_wait3A_68 = arith.constant 0 : i32
      %dma_wait3A_69 = tpu.memref_slice %arg22[%add3A_22, %dma_wait3A_68] : memref<10240x128xf32, #tpu.memory_space<vmem_shared>> -> memref<64x128xf32, #tpu.memory_space<vmem_shared>>
      tpu.wait_dma2 semaphore(%run_scoped3A : memref<!tpu.dma_semaphore, #tpu.memory_space<semaphore_mem>>) src(%arg7 : memref<64x128xf32, #tpu.memory_space<vmem>>) dst(%dma_wait3A_69 : memref<64x128xf32, #tpu.memory_space<vmem_shared>>)
      tpu.yield
    }) : () -> ()
    %mul3A_23 = arith.constant 640 : i32
    %mul3A_24 = arith.muli %arg1, %mul3A_23 : i32
    %add3A_25 = arith.constant 256 : i32
    %add3A_26 = arith.addi %mul3A_24, %add3A_25 : i32
    "tpu.region"() ({
      %run_scoped3A = tpu.sem_alloc : memref<!tpu.dma_semaphore, #tpu.memory_space<semaphore_mem>>
      %dma_start3A = arith.constant 0 : i32
      %dma_start3A_64 = tpu.memref_slice %arg22[%add3A_26, %dma_start3A] : memref<10240x128xf32, #tpu.memory_space<vmem_shared>> -> memref<64x128xf32, #tpu.memory_space<vmem_shared>>
      %dma_start3A_65 = arith.constant 0 : i32
      %dma_start3A_66 = tpu.memref_slice %arg22[%add3A_26, %dma_start3A_65] : memref<10240x128xf32, #tpu.memory_space<vmem_shared>> -> memref<64x128xf32, #tpu.memory_space<vmem_shared>>
      tpu.enqueue_dma source(%arg7 : memref<64x128xf32, #tpu.memory_space<vmem>>) target(%dma_start3A_66 : memref<64x128xf32, #tpu.memory_space<vmem_shared>>) target_semaphore(%run_scoped3A : memref<!tpu.dma_semaphore, #tpu.memory_space<semaphore_mem>>)
      %dma_wait3A = arith.constant 0 : i32
      %dma_wait3A_67 = tpu.memref_slice %arg22[%add3A_26, %dma_wait3A] : memref<10240x128xf32, #tpu.memory_space<vmem_shared>> -> memref<64x128xf32, #tpu.memory_space<vmem_shared>>
      %dma_wait3A_68 = arith.constant 0 : i32
      %dma_wait3A_69 = tpu.memref_slice %arg22[%add3A_26, %dma_wait3A_68] : memref<10240x128xf32, #tpu.memory_space<vmem_shared>> -> memref<64x128xf32, #tpu.memory_space<vmem_shared>>
      tpu.wait_dma2 semaphore(%run_scoped3A : memref<!tpu.dma_semaphore, #tpu.memory_space<semaphore_mem>>) src(%arg7 : memref<64x128xf32, #tpu.memory_space<vmem>>) dst(%dma_wait3A_69 : memref<64x128xf32, #tpu.memory_space<vmem_shared>>)
      tpu.yield
    }) : () -> ()
    %mul3A_27 = arith.constant 640 : i32
    %mul3A_28 = arith.muli %arg1, %mul3A_27 : i32
    %add3A_29 = arith.constant 320 : i32
    %add3A_30 = arith.addi %mul3A_28, %add3A_29 : i32
    "tpu.region"() ({
      %run_scoped3A = tpu.sem_alloc : memref<!tpu.dma_semaphore, #tpu.memory_space<semaphore_mem>>
      %dma_start3A = arith.constant 0 : i32
      %dma_start3A_64 = tpu.memref_slice %arg22[%add3A_30, %dma_start3A] : memref<10240x128xf32, #tpu.memory_space<vmem_shared>> -> memref<64x128xf32, #tpu.memory_space<vmem_shared>>
      %dma_start3A_65 = arith.constant 0 : i32
      %dma_start3A_66 = tpu.memref_slice %arg22[%add3A_30, %dma_start3A_65] : memref<10240x128xf32, #tpu.memory_space<vmem_shared>> -> memref<64x128xf32, #tpu.memory_space<vmem_shared>>
      tpu.enqueue_dma source(%arg7 : memref<64x128xf32, #tpu.memory_space<vmem>>) target(%dma_start3A_66 : memref<64x128xf32, #tpu.memory_space<vmem_shared>>) target_semaphore(%run_scoped3A : memref<!tpu.dma_semaphore, #tpu.memory_space<semaphore_mem>>)
      %dma_wait3A = arith.constant 0 : i32
      %dma_wait3A_67 = tpu.memref_slice %arg22[%add3A_30, %dma_wait3A] : memref<10240x128xf32, #tpu.memory_space<vmem_shared>> -> memref<64x128xf32, #tpu.memory_space<vmem_shared>>
      %dma_wait3A_68 = arith.constant 0 : i32
      %dma_wait3A_69 = tpu.memref_slice %arg22[%add3A_30, %dma_wait3A_68] : memref<10240x128xf32, #tpu.memory_space<vmem_shared>> -> memref<64x128xf32, #tpu.memory_space<vmem_shared>>
      tpu.wait_dma2 semaphore(%run_scoped3A : memref<!tpu.dma_semaphore, #tpu.memory_space<semaphore_mem>>) src(%arg7 : memref<64x128xf32, #tpu.memory_space<vmem>>) dst(%dma_wait3A_69 : memref<64x128xf32, #tpu.memory_space<vmem_shared>>)
      tpu.yield
    }) : () -> ()
    %mul3A_31 = arith.constant 640 : i32
    %mul3A_32 = arith.muli %arg1, %mul3A_31 : i32
    %add3A_33 = arith.constant 384 : i32
    %add3A_34 = arith.addi %mul3A_32, %add3A_33 : i32
    "tpu.region"() ({
      %run_scoped3A = tpu.sem_alloc : memref<!tpu.dma_semaphore, #tpu.memory_space<semaphore_mem>>
      %dma_start3A = arith.constant 0 : i32
      %dma_start3A_64 = tpu.memref_slice %arg22[%add3A_34, %dma_start3A] : memref<10240x128xf32, #tpu.memory_space<vmem_shared>> -> memref<64x128xf32, #tpu.memory_space<vmem_shared>>
      %dma_start3A_65 = arith.constant 0 : i32
      %dma_start3A_66 = tpu.memref_slice %arg22[%add3A_34, %dma_start3A_65] : memref<10240x128xf32, #tpu.memory_space<vmem_shared>> -> memref<64x128xf32, #tpu.memory_space<vmem_shared>>
      tpu.enqueue_dma source(%arg7 : memref<64x128xf32, #tpu.memory_space<vmem>>) target(%dma_start3A_66 : memref<64x128xf32, #tpu.memory_space<vmem_shared>>) target_semaphore(%run_scoped3A : memref<!tpu.dma_semaphore, #tpu.memory_space<semaphore_mem>>)
      %dma_wait3A = arith.constant 0 : i32
      %dma_wait3A_67 = tpu.memref_slice %arg22[%add3A_34, %dma_wait3A] : memref<10240x128xf32, #tpu.memory_space<vmem_shared>> -> memref<64x128xf32, #tpu.memory_space<vmem_shared>>
      %dma_wait3A_68 = arith.constant 0 : i32
      %dma_wait3A_69 = tpu.memref_slice %arg22[%add3A_34, %dma_wait3A_68] : memref<10240x128xf32, #tpu.memory_space<vmem_shared>> -> memref<64x128xf32, #tpu.memory_space<vmem_shared>>
      tpu.wait_dma2 semaphore(%run_scoped3A : memref<!tpu.dma_semaphore, #tpu.memory_space<semaphore_mem>>) src(%arg7 : memref<64x128xf32, #tpu.memory_space<vmem>>) dst(%dma_wait3A_69 : memref<64x128xf32, #tpu.memory_space<vmem_shared>>)
      tpu.yield
    }) : () -> ()
    %mul3A_35 = arith.constant 640 : i32
    %mul3A_36 = arith.muli %arg1, %mul3A_35 : i32
    %add3A_37 = arith.constant 448 : i32
    %add3A_38 = arith.addi %mul3A_36, %add3A_37 : i32
    "tpu.region"() ({
      %run_scoped3A = tpu.sem_alloc : memref<!tpu.dma_semaphore, #tpu.memory_space<semaphore_mem>>
      %dma_start3A = arith.constant 0 : i32
      %dma_start3A_64 = tpu.memref_slice %arg22[%add3A_38, %dma_start3A] : memref<10240x128xf32, #tpu.memory_space<vmem_shared>> -> memref<64x128xf32, #tpu.memory_space<vmem_shared>>
      %dma_start3A_65 = arith.constant 0 : i32
      %dma_start3A_66 = tpu.memref_slice %arg22[%add3A_38, %dma_start3A_65] : memref<10240x128xf32, #tpu.memory_space<vmem_shared>> -> memref<64x128xf32, #tpu.memory_space<vmem_shared>>
      tpu.enqueue_dma source(%arg7 : memref<64x128xf32, #tpu.memory_space<vmem>>) target(%dma_start3A_66 : memref<64x128xf32, #tpu.memory_space<vmem_shared>>) target_semaphore(%run_scoped3A : memref<!tpu.dma_semaphore, #tpu.memory_space<semaphore_mem>>)
      %dma_wait3A = arith.constant 0 : i32
      %dma_wait3A_67 = tpu.memref_slice %arg22[%add3A_38, %dma_wait3A] : memref<10240x128xf32, #tpu.memory_space<vmem_shared>> -> memref<64x128xf32, #tpu.memory_space<vmem_shared>>
      %dma_wait3A_68 = arith.constant 0 : i32
      %dma_wait3A_69 = tpu.memref_slice %arg22[%add3A_38, %dma_wait3A_68] : memref<10240x128xf32, #tpu.memory_space<vmem_shared>> -> memref<64x128xf32, #tpu.memory_space<vmem_shared>>
      tpu.wait_dma2 semaphore(%run_scoped3A : memref<!tpu.dma_semaphore, #tpu.memory_space<semaphore_mem>>) src(%arg7 : memref<64x128xf32, #tpu.memory_space<vmem>>) dst(%dma_wait3A_69 : memref<64x128xf32, #tpu.memory_space<vmem_shared>>)
      tpu.yield
    }) : () -> ()
    %mul3A_39 = arith.constant 640 : i32
    %mul3A_40 = arith.muli %arg1, %mul3A_39 : i32
    %add3A_41 = arith.constant 512 : i32
    %add3A_42 = arith.addi %mul3A_40, %add3A_41 : i32
    "tpu.region"() ({
      %run_scoped3A = tpu.sem_alloc : memref<!tpu.dma_semaphore, #tpu.memory_space<semaphore_mem>>
      %dma_start3A = arith.constant 0 : i32
      %dma_start3A_64 = tpu.memref_slice %arg22[%add3A_42, %dma_start3A] : memref<10240x128xf32, #tpu.memory_space<vmem_shared>> -> memref<64x128xf32, #tpu.memory_space<vmem_shared>>
      %dma_start3A_65 = arith.constant 0 : i32
      %dma_start3A_66 = tpu.memref_slice %arg22[%add3A_42, %dma_start3A_65] : memref<10240x128xf32, #tpu.memory_space<vmem_shared>> -> memref<64x128xf32, #tpu.memory_space<vmem_shared>>
      tpu.enqueue_dma source(%arg7 : memref<64x128xf32, #tpu.memory_space<vmem>>) target(%dma_start3A_66 : memref<64x128xf32, #tpu.memory_space<vmem_shared>>) target_semaphore(%run_scoped3A : memref<!tpu.dma_semaphore, #tpu.memory_space<semaphore_mem>>)
      %dma_wait3A = arith.constant 0 : i32
      %dma_wait3A_67 = tpu.memref_slice %arg22[%add3A_42, %dma_wait3A] : memref<10240x128xf32, #tpu.memory_space<vmem_shared>> -> memref<64x128xf32, #tpu.memory_space<vmem_shared>>
      %dma_wait3A_68 = arith.constant 0 : i32
      %dma_wait3A_69 = tpu.memref_slice %arg22[%add3A_42, %dma_wait3A_68] : memref<10240x128xf32, #tpu.memory_space<vmem_shared>> -> memref<64x128xf32, #tpu.memory_space<vmem_shared>>
      tpu.wait_dma2 semaphore(%run_scoped3A : memref<!tpu.dma_semaphore, #tpu.memory_space<semaphore_mem>>) src(%arg7 : memref<64x128xf32, #tpu.memory_space<vmem>>) dst(%dma_wait3A_69 : memref<64x128xf32, #tpu.memory_space<vmem_shared>>)
      tpu.yield
    }) : () -> ()
    %mul3A_43 = arith.constant 640 : i32
    %mul3A_44 = arith.muli %arg1, %mul3A_43 : i32
    %add3A_45 = arith.constant 576 : i32
    %add3A_46 = arith.addi %mul3A_44, %add3A_45 : i32
    "tpu.region"() ({
      %run_scoped3A = tpu.sem_alloc : memref<!tpu.dma_semaphore, #tpu.memory_space<semaphore_mem>>
      %dma_start3A = arith.constant 0 : i32
      %dma_start3A_64 = tpu.memref_slice %arg22[%add3A_46, %dma_start3A] : memref<10240x128xf32, #tpu.memory_space<vmem_shared>> -> memref<64x128xf32, #tpu.memory_space<vmem_shared>>
      %dma_start3A_65 = arith.constant 0 : i32
      %dma_start3A_66 = tpu.memref_slice %arg22[%add3A_46, %dma_start3A_65] : memref<10240x128xf32, #tpu.memory_space<vmem_shared>> -> memref<64x128xf32, #tpu.memory_space<vmem_shared>>
      tpu.enqueue_dma source(%arg7 : memref<64x128xf32, #tpu.memory_space<vmem>>) target(%dma_start3A_66 : memref<64x128xf32, #tpu.memory_space<vmem_shared>>) target_semaphore(%run_scoped3A : memref<!tpu.dma_semaphore, #tpu.memory_space<semaphore_mem>>)
      %dma_wait3A = arith.constant 0 : i32
      %dma_wait3A_67 = tpu.memref_slice %arg22[%add3A_46, %dma_wait3A] : memref<10240x128xf32, #tpu.memory_space<vmem_shared>> -> memref<64x128xf32, #tpu.memory_space<vmem_shared>>
      %dma_wait3A_68 = arith.constant 0 : i32
      %dma_wait3A_69 = tpu.memref_slice %arg22[%add3A_46, %dma_wait3A_68] : memref<10240x128xf32, #tpu.memory_space<vmem_shared>> -> memref<64x128xf32, #tpu.memory_space<vmem_shared>>
      tpu.wait_dma2 semaphore(%run_scoped3A : memref<!tpu.dma_semaphore, #tpu.memory_space<semaphore_mem>>) src(%arg7 : memref<64x128xf32, #tpu.memory_space<vmem>>) dst(%dma_wait3A_69 : memref<64x128xf32, #tpu.memory_space<vmem_shared>>)
      tpu.yield
    }) : () -> ()
    %barrier3A = arith.constant 0 : index
    tpu.barrier barrier_id(%barrier3A)
    %mul3A_47 = arith.constant 320 : i32
    %mul3A_48 = arith.muli %arg1, %mul3A_47 : i32
    %scan3A_49 = arith.constant 0 : i32
    %scan3A_50 = arith.constant 0 : i32
    %scan3A_51 = arith.constant 8 : i32
    %scan3A_52 = arith.addi %scan3A_50, %scan3A_51 : i32
    %scan3A_53 = arith.constant 1 : i32
    %scan3A_54 = scf.for %scan3A_64 = %scan3A_50 to %scan3A_52 step %scan3A_53 iter_args(%scan3A_65 = %scan3A_49) -> (i32)  : i32 {
      %mul3A_66 = arith.constant 40 : i32
      %mul3A_67 = arith.muli %scan3A_64, %mul3A_66 : i32
      %mul3A_68 = arith.constant 40 : i32
      %mul3A_69 = arith.muli %scan3A_64, %mul3A_68 : i32
      %add3A_70 = arith.addi %mul3A_48, %mul3A_69 : i32
      "tpu.region"() ({
        %run_scoped3A = tpu.sem_alloc : memref<!tpu.dma_semaphore, #tpu.memory_space<semaphore_mem>>
        %dma_start3A_151 = arith.constant 0 : i32
        %dma_start3A_152 = tpu.memref_slice %arg3[%add3A_70, %dma_start3A_151] : memref<5120x64xi32, #tpu.memory_space<hbm>> -> memref<40x64xi32, #tpu.memory_space<hbm>>
        %dma_start3A_153 = arith.constant 0 : i32
        %dma_start3A_154 = tpu.memref_slice %arg3[%add3A_70, %dma_start3A_153] : memref<5120x64xi32, #tpu.memory_space<hbm>> -> memref<40x64xi32, #tpu.memory_space<hbm>>
        tpu.enqueue_dma source(%dma_start3A_154 : memref<40x64xi32, #tpu.memory_space<hbm>>) target(%arg11 : memref<40x64xi32, #tpu.memory_space<vmem>>) target_semaphore(%run_scoped3A : memref<!tpu.dma_semaphore, #tpu.memory_space<semaphore_mem>>)
        %dma_wait3A_155 = arith.constant 0 : i32
        %dma_wait3A_156 = tpu.memref_slice %arg3[%add3A_70, %dma_wait3A_155] : memref<5120x64xi32, #tpu.memory_space<hbm>> -> memref<40x64xi32, #tpu.memory_space<hbm>>
        %dma_wait3A_157 = arith.constant 0 : i32
        %dma_wait3A_158 = tpu.memref_slice %arg3[%add3A_70, %dma_wait3A_157] : memref<5120x64xi32, #tpu.memory_space<hbm>> -> memref<40x64xi32, #tpu.memory_space<hbm>>
        tpu.wait_dma2 semaphore(%run_scoped3A : memref<!tpu.dma_semaphore, #tpu.memory_space<semaphore_mem>>) src(%dma_wait3A_158 : memref<40x64xi32, #tpu.memory_space<hbm>>) dst(%arg11 : memref<40x64xi32, #tpu.memory_space<vmem>>)
        tpu.yield
      }) : () -> ()
      "tpu.region"() ({
        %run_scoped3A = tpu.sem_alloc : memref<!tpu.dma_semaphore, #tpu.memory_space<semaphore_mem>>
        %dma_start3A_151 = arith.constant 0 : i32
        %dma_start3A_152 = tpu.memref_slice %arg4[%add3A_70, %dma_start3A_151] : memref<5120x64xi32, #tpu.memory_space<hbm>> -> memref<40x64xi32, #tpu.memory_space<hbm>>
        %dma_start3A_153 = arith.constant 0 : i32
        %dma_start3A_154 = tpu.memref_slice %arg4[%add3A_70, %dma_start3A_153] : memref<5120x64xi32, #tpu.memory_space<hbm>> -> memref<40x64xi32, #tpu.memory_space<hbm>>
        tpu.enqueue_dma source(%dma_start3A_154 : memref<40x64xi32, #tpu.memory_space<hbm>>) target(%arg12 : memref<40x64xi32, #tpu.memory_space<vmem>>) target_semaphore(%run_scoped3A : memref<!tpu.dma_semaphore, #tpu.memory_space<semaphore_mem>>)
        %dma_wait3A_155 = arith.constant 0 : i32
        %dma_wait3A_156 = tpu.memref_slice %arg4[%add3A_70, %dma_wait3A_155] : memref<5120x64xi32, #tpu.memory_space<hbm>> -> memref<40x64xi32, #tpu.memory_space<hbm>>
        %dma_wait3A_157 = arith.constant 0 : i32
        %dma_wait3A_158 = tpu.memref_slice %arg4[%add3A_70, %dma_wait3A_157] : memref<5120x64xi32, #tpu.memory_space<hbm>> -> memref<40x64xi32, #tpu.memory_space<hbm>>
        tpu.wait_dma2 semaphore(%run_scoped3A : memref<!tpu.dma_semaphore, #tpu.memory_space<semaphore_mem>>) src(%dma_wait3A_158 : memref<40x64xi32, #tpu.memory_space<hbm>>) dst(%arg12 : memref<40x64xi32, #tpu.memory_space<vmem>>)
        tpu.yield
      }) : () -> ()
      "tpu.region"() ({
        %run_scoped3A = tpu.sem_alloc : memref<!tpu.dma_semaphore, #tpu.memory_space<semaphore_mem>>
        %dma_start3A_151 = arith.constant 0 : i32
        %dma_start3A_152 = tpu.memref_slice %arg5[%add3A_70, %dma_start3A_151] : memref<5120x64xf32, #tpu.memory_space<hbm>> -> memref<40x64xf32, #tpu.memory_space<hbm>>
        %dma_start3A_153 = arith.constant 0 : i32
        %dma_start3A_154 = tpu.memref_slice %arg5[%add3A_70, %dma_start3A_153] : memref<5120x64xf32, #tpu.memory_space<hbm>> -> memref<40x64xf32, #tpu.memory_space<hbm>>
        tpu.enqueue_dma source(%dma_start3A_154 : memref<40x64xf32, #tpu.memory_space<hbm>>) target(%arg13 : memref<40x64xf32, #tpu.memory_space<vmem>>) target_semaphore(%run_scoped3A : memref<!tpu.dma_semaphore, #tpu.memory_space<semaphore_mem>>)
        %dma_wait3A_155 = arith.constant 0 : i32
        %dma_wait3A_156 = tpu.memref_slice %arg5[%add3A_70, %dma_wait3A_155] : memref<5120x64xf32, #tpu.memory_space<hbm>> -> memref<40x64xf32, #tpu.memory_space<hbm>>
        %dma_wait3A_157 = arith.constant 0 : i32
        %dma_wait3A_158 = tpu.memref_slice %arg5[%add3A_70, %dma_wait3A_157] : memref<5120x64xf32, #tpu.memory_space<hbm>> -> memref<40x64xf32, #tpu.memory_space<hbm>>
        tpu.wait_dma2 semaphore(%run_scoped3A : memref<!tpu.dma_semaphore, #tpu.memory_space<semaphore_mem>>) src(%dma_wait3A_158 : memref<40x64xf32, #tpu.memory_space<hbm>>) dst(%arg13 : memref<40x64xf32, #tpu.memory_space<vmem>>)
        tpu.yield
      }) : () -> ()
      %scan3A_71 = arith.constant 0 : i32
      %scan3A_72 = arith.constant 0 : i32
      %scan3A_73 = arith.constant 40 : i32
      %scan3A_74 = arith.addi %scan3A_72, %scan3A_73 : i32
      %scan3A_75 = arith.constant 1 : i32
      %scan3A_76 = scf.for %scan3A_151 = %scan3A_72 to %scan3A_74 step %scan3A_75 iter_args(%scan3A_152 = %scan3A_71) -> (i32)  : i32 {
        %get3A = arith.index_cast %scan3A_151 : i32 to index
        %get3A_153 = arith.constant 0 : index
        %get3A_154 = tpu.vector_load %arg11[%get3A, %get3A_153] {strides = array<i32>} : memref<40x64xi32, #tpu.memory_space<vmem>>, vector<16xi32>,
        %add3A_155 = vector.broadcast %mul3A_0 : i32 to vector<16xi32>
        %add3A_156 = arith.addi %get3A_154, %add3A_155 : vector<16xi32>
        %swap3A = arith.index_cast %scan3A_151 : i32 to index
        %swap3A_157 = arith.constant 0 : index
        %swap3A_158 = tpu.vector_load %arg11[%swap3A, %swap3A_157] {strides = array<i32>} : memref<40x64xi32, #tpu.memory_space<vmem>>, vector<16xi32>,
        tpu.vector_store %arg11[%swap3A, %swap3A_157], %add3A_156 {strides = array<i32>} : memref<40x64xi32, #tpu.memory_space<vmem>>, vector<16xi32>,
        %get3A_159 = arith.index_cast %scan3A_151 : i32 to index
        %get3A_160 = arith.constant 16 : index
        %get3A_161 = tpu.vector_load %arg11[%get3A_159, %get3A_160] {strides = array<i32>} : memref<40x64xi32, #tpu.memory_space<vmem>>, vector<16xi32>,
        %add3A_162 = vector.broadcast %mul3A_0 : i32 to vector<16xi32>
        %add3A_163 = arith.addi %get3A_161, %add3A_162 : vector<16xi32>
        %swap3A_164 = arith.index_cast %scan3A_151 : i32 to index
        %swap3A_165 = arith.constant 16 : index
        %swap3A_166 = tpu.vector_load %arg11[%swap3A_164, %swap3A_165] {strides = array<i32>} : memref<40x64xi32, #tpu.memory_space<vmem>>, vector<16xi32>,
        tpu.vector_store %arg11[%swap3A_164, %swap3A_165], %add3A_163 {strides = array<i32>} : memref<40x64xi32, #tpu.memory_space<vmem>>, vector<16xi32>,
        %get3A_167 = arith.index_cast %scan3A_151 : i32 to index
        %get3A_168 = arith.constant 32 : index
        %get3A_169 = tpu.vector_load %arg11[%get3A_167, %get3A_168] {strides = array<i32>} : memref<40x64xi32, #tpu.memory_space<vmem>>, vector<16xi32>,
        %add3A_170 = vector.broadcast %mul3A_0 : i32 to vector<16xi32>
        %add3A_171 = arith.addi %get3A_169, %add3A_170 : vector<16xi32>
        %swap3A_172 = arith.index_cast %scan3A_151 : i32 to index
        %swap3A_173 = arith.constant 32 : index
        %swap3A_174 = tpu.vector_load %arg11[%swap3A_172, %swap3A_173] {strides = array<i32>} : memref<40x64xi32, #tpu.memory_space<vmem>>, vector<16xi32>,
        tpu.vector_store %arg11[%swap3A_172, %swap3A_173], %add3A_171 {strides = array<i32>} : memref<40x64xi32, #tpu.memory_space<vmem>>, vector<16xi32>,
        %get3A_175 = arith.index_cast %scan3A_151 : i32 to index
        %get3A_176 = arith.constant 48 : index
        %get3A_177 = tpu.vector_load %arg11[%get3A_175, %get3A_176] {strides = array<i32>} : memref<40x64xi32, #tpu.memory_space<vmem>>, vector<16xi32>,
        %add3A_178 = vector.broadcast %mul3A_0 : i32 to vector<16xi32>
        %add3A_179 = arith.addi %get3A_177, %add3A_178 : vector<16xi32>
        %swap3A_180 = arith.index_cast %scan3A_151 : i32 to index
        %swap3A_181 = arith.constant 48 : index
        %swap3A_182 = tpu.vector_load %arg11[%swap3A_180, %swap3A_181] {strides = array<i32>} : memref<40x64xi32, #tpu.memory_space<vmem>>, vector<16xi32>,
        tpu.vector_store %arg11[%swap3A_180, %swap3A_181], %add3A_179 {strides = array<i32>} : memref<40x64xi32, #tpu.memory_space<vmem>>, vector<16xi32>,
        %scan3A_183 = arith.constant 0 : i32
        scf.yield %scan3A_183 : i32
      }
      %scan3A_77 = arith.constant 40 : i32
      %sub3A = arith.subi %mul3A_67, %mul3A_67 : i32
      %dma_start3A = arith.constant 0 : i32
      %dma_start3A_78 = tpu.memref_slice %arg11[%sub3A, %dma_start3A] : memref<40x64xi32, #tpu.memory_space<vmem>> -> memref<1x64xi32, #tpu.memory_space<vmem>>
      %dma_start3A_79 = tpu.memref_squeeze %dma_start3A_78 : memref<1x64xi32, #tpu.memory_space<vmem>> -> memref<64xi32, #tpu.memory_space<vmem>>
      %dma_start3A_80 = arith.constant 0 : i32
      %dma_start3A_81 = arith.constant 0 : i32
      %dma_start3A_82 = tpu.memref_slice %arg2[%dma_start3A_80, %dma_start3A_81] : memref<20000x128xf32, #tpu.memory_space<hbm>> -> memref<20000x128xf32, #tpu.memory_space<hbm>>
      tpu.enqueue_indirect_dma source(%dma_start3A_82 : memref<20000x128xf32, #tpu.memory_space<hbm>>) target(%arg7 : memref<64x128xf32, #tpu.memory_space<vmem>>) offsets(%dma_start3A_79 : memref<64xi32, #tpu.memory_space<vmem>>) semaphore(%arg14 : memref<!tpu.dma_semaphore, #tpu.memory_space<semaphore_mem>>)
      %add3A_83 = arith.constant 1 : i32
      %add3A_84 = arith.addi %mul3A_67, %add3A_83 : i32
      %sub3A_85 = arith.subi %add3A_84, %mul3A_67 : i32
      %dma_start3A_86 = arith.constant 0 : i32
      %dma_start3A_87 = tpu.memref_slice %arg11[%sub3A_85, %dma_start3A_86] : memref<40x64xi32, #tpu.memory_space<vmem>> -> memref<1x64xi32, #tpu.memory_space<vmem>>
      %dma_start3A_88 = tpu.memref_squeeze %dma_start3A_87 : memref<1x64xi32, #tpu.memory_space<vmem>> -> memref<64xi32, #tpu.memory_space<vmem>>
      %dma_start3A_89 = arith.constant 0 : i32
      %dma_start3A_90 = arith.constant 0 : i32
      %dma_start3A_91 = tpu.memref_slice %arg2[%dma_start3A_89, %dma_start3A_90] : memref<20000x128xf32, #tpu.memory_space<hbm>> -> memref<20000x128xf32, #tpu.memory_space<hbm>>
      tpu.enqueue_indirect_dma source(%dma_start3A_91 : memref<20000x128xf32, #tpu.memory_space<hbm>>) target(%arg8 : memref<64x128xf32, #tpu.memory_space<vmem>>) offsets(%dma_start3A_88 : memref<64xi32, #tpu.memory_space<vmem>>) semaphore(%arg15 : memref<!tpu.dma_semaphore, #tpu.memory_space<semaphore_mem>>)
      %scan3A_92 = arith.constant 0 : i32
      %scan3A_93 = arith.constant 0 : i32
      %scan3A_94 = arith.constant 10 : i32
      %scan3A_95 = arith.addi %scan3A_93, %scan3A_94 : i32
      %scan3A_96 = arith.constant 1 : i32
      %scan3A_97 = scf.for %scan3A_151 = %scan3A_93 to %scan3A_95 step %scan3A_96 iter_args(%scan3A_152 = %scan3A_92) -> (i32)  : i32 {
        %mul3A_153 = arith.constant 4 : i32
        %mul3A_154 = arith.muli %mul3A_153, %scan3A_151 : i32
        %add3A_155 = arith.addi %mul3A_67, %mul3A_154 : i32
        %add3A_156 = arith.constant 0 : i32
        %add3A_157 = arith.addi %add3A_155, %add3A_156 : i32
        %gt3A = arith.constant 0 : i32
        %gt3A_158 = arith.cmpi sgt, %scan3A_151, %gt3A : i32
        %convert_element_type3A = arith.extui %gt3A_158 : i1 to i32
        %cond3A = arith.constant 0 : i32
        %cond3A_159 = arith.cmpi ne, %convert_element_type3A, %cond3A : i32
        scf.if %cond3A_159 {
          %sub3A_264 = arith.constant 2 : i32
          %sub3A_265 = arith.subi %add3A_157, %sub3A_264 : i32
          %sub3A_266 = arith.subi %sub3A_265, %mul3A_67 : i32
          %dma_wait3A_267 = arith.constant 0 : i32
          %dma_wait3A_268 = tpu.memref_slice %arg12[%sub3A_266, %dma_wait3A_267] : memref<40x64xi32, #tpu.memory_space<vmem>> -> memref<1x64xi32, #tpu.memory_space<vmem>>
          %dma_wait3A_269 = tpu.memref_squeeze %dma_wait3A_268 : memref<1x64xi32, #tpu.memory_space<vmem>> -> memref<64xi32, #tpu.memory_space<vmem>>
          %dma_wait3A_270 = arith.constant 0 : i32
          %dma_wait3A_271 = arith.constant 0 : i32
          %dma_wait3A_272 = tpu.memref_slice %arg22[%dma_wait3A_270, %dma_wait3A_271] : memref<10240x128xf32, #tpu.memory_space<vmem_shared>> -> memref<10240x128xf32, #tpu.memory_space<vmem_shared>>
          tpu.wait_indirect_dma semaphore(%arg20 : memref<!tpu.dma_semaphore, #tpu.memory_space<semaphore_mem>>) src(%arg9 : memref<64x128xf32, #tpu.memory_space<vmem>>) dst(%dma_wait3A_272 : memref<10240x128xf32, #tpu.memory_space<vmem_shared>>)
        } else {
        }
        %add3A_160 = arith.constant 2 : i32
        %add3A_161 = arith.addi %add3A_157, %add3A_160 : i32
        %sub3A_162 = arith.subi %add3A_161, %mul3A_67 : i32
        %dma_start3A_163 = arith.constant 0 : i32
        %dma_start3A_164 = tpu.memref_slice %arg11[%sub3A_162, %dma_start3A_163] : memref<40x64xi32, #tpu.memory_space<vmem>> -> memref<1x64xi32, #tpu.memory_space<vmem>>
        %dma_start3A_165 = tpu.memref_squeeze %dma_start3A_164 : memref<1x64xi32, #tpu.memory_space<vmem>> -> memref<64xi32, #tpu.memory_space<vmem>>
        %dma_start3A_166 = arith.constant 0 : i32
        %dma_start3A_167 = arith.constant 0 : i32
        %dma_start3A_168 = tpu.memref_slice %arg2[%dma_start3A_166, %dma_start3A_167] : memref<20000x128xf32, #tpu.memory_space<hbm>> -> memref<20000x128xf32, #tpu.memory_space<hbm>>
        tpu.enqueue_indirect_dma source(%dma_start3A_168 : memref<20000x128xf32, #tpu.memory_space<hbm>>) target(%arg9 : memref<64x128xf32, #tpu.memory_space<vmem>>) offsets(%dma_start3A_165 : memref<64xi32, #tpu.memory_space<vmem>>) semaphore(%arg16 : memref<!tpu.dma_semaphore, #tpu.memory_space<semaphore_mem>>)
        %sub3A_169 = arith.subi %add3A_157, %mul3A_67 : i32
        %dma_wait3A_170 = arith.constant 0 : i32
        %dma_wait3A_171 = tpu.memref_slice %arg11[%sub3A_169, %dma_wait3A_170] : memref<40x64xi32, #tpu.memory_space<vmem>> -> memref<1x64xi32, #tpu.memory_space<vmem>>
        %dma_wait3A_172 = tpu.memref_squeeze %dma_wait3A_171 : memref<1x64xi32, #tpu.memory_space<vmem>> -> memref<64xi32, #tpu.memory_space<vmem>>
        %dma_wait3A_173 = arith.constant 0 : i32
        %dma_wait3A_174 = arith.constant 0 : i32
        %dma_wait3A_175 = tpu.memref_slice %arg2[%dma_wait3A_173, %dma_wait3A_174] : memref<20000x128xf32, #tpu.memory_space<hbm>> -> memref<20000x128xf32, #tpu.memory_space<hbm>>
        tpu.wait_indirect_dma semaphore(%arg14 : memref<!tpu.dma_semaphore, #tpu.memory_space<semaphore_mem>>) src(%dma_wait3A_175 : memref<20000x128xf32, #tpu.memory_space<hbm>>) dst(%arg7 : memref<64x128xf32, #tpu.memory_space<vmem>>)
        %sub3A_176 = arith.subi %add3A_157, %mul3A_67 : i32
        %dma_start3A_177 = arith.constant 0 : i32
        %dma_start3A_178 = tpu.memref_slice %arg12[%sub3A_176, %dma_start3A_177] : memref<40x64xi32, #tpu.memory_space<vmem>> -> memref<1x64xi32, #tpu.memory_space<vmem>>
        %dma_start3A_179 = tpu.memref_squeeze %dma_start3A_178 : memref<1x64xi32, #tpu.memory_space<vmem>> -> memref<64xi32, #tpu.memory_space<vmem>>
        %dma_start3A_180 = arith.constant 0 : i32
        %dma_start3A_181 = arith.constant 0 : i32
        %dma_start3A_182 = tpu.memref_slice %arg22[%dma_start3A_180, %dma_start3A_181] : memref<10240x128xf32, #tpu.memory_space<vmem_shared>> -> memref<10240x128xf32, #tpu.memory_space<vmem_shared>>
        tpu.enqueue_indirect_dma source(%arg7 : memref<64x128xf32, #tpu.memory_space<vmem>>) target(%dma_start3A_182 : memref<10240x128xf32, #tpu.memory_space<vmem_shared>>) offsets(%dma_start3A_179 : memref<64xi32, #tpu.memory_space<vmem>>) semaphore(%arg18 : memref<!tpu.dma_semaphore, #tpu.memory_space<semaphore_mem>>) {add = true}
        %mul3A_183 = arith.constant 4 : i32
        %mul3A_184 = arith.muli %mul3A_183, %scan3A_151 : i32
        %add3A_185 = arith.addi %mul3A_67, %mul3A_184 : i32
        %add3A_186 = arith.constant 1 : i32
        %add3A_187 = arith.addi %add3A_185, %add3A_186 : i32
        %gt3A_188 = arith.constant 0 : i32
        %gt3A_189 = arith.cmpi sgt, %scan3A_151, %gt3A_188 : i32
        %convert_element_type3A_190 = arith.extui %gt3A_189 : i1 to i32
        %cond3A_191 = arith.constant 0 : i32
        %cond3A_192 = arith.cmpi ne, %convert_element_type3A_190, %cond3A_191 : i32
        scf.if %cond3A_192 {
          %sub3A_264 = arith.constant 2 : i32
          %sub3A_265 = arith.subi %add3A_187, %sub3A_264 : i32
          %sub3A_266 = arith.subi %sub3A_265, %mul3A_67 : i32
          %dma_wait3A_267 = arith.constant 0 : i32
          %dma_wait3A_268 = tpu.memref_slice %arg12[%sub3A_266, %dma_wait3A_267] : memref<40x64xi32, #tpu.memory_space<vmem>> -> memref<1x64xi32, #tpu.memory_space<vmem>>
          %dma_wait3A_269 = tpu.memref_squeeze %dma_wait3A_268 : memref<1x64xi32, #tpu.memory_space<vmem>> -> memref<64xi32, #tpu.memory_space<vmem>>
          %dma_wait3A_270 = arith.constant 0 : i32
          %dma_wait3A_271 = arith.constant 0 : i32
          %dma_wait3A_272 = tpu.memref_slice %arg22[%dma_wait3A_270, %dma_wait3A_271] : memref<10240x128xf32, #tpu.memory_space<vmem_shared>> -> memref<10240x128xf32, #tpu.memory_space<vmem_shared>>
          tpu.wait_indirect_dma semaphore(%arg21 : memref<!tpu.dma_semaphore, #tpu.memory_space<semaphore_mem>>) src(%arg10 : memref<64x128xf32, #tpu.memory_space<vmem>>) dst(%dma_wait3A_272 : memref<10240x128xf32, #tpu.memory_space<vmem_shared>>)
        } else {
        }
        %add3A_193 = arith.constant 2 : i32
        %add3A_194 = arith.addi %add3A_187, %add3A_193 : i32
        %sub3A_195 = arith.subi %add3A_194, %mul3A_67 : i32
        %dma_start3A_196 = arith.constant 0 : i32
        %dma_start3A_197 = tpu.memref_slice %arg11[%sub3A_195, %dma_start3A_196] : memref<40x64xi32, #tpu.memory_space<vmem>> -> memref<1x64xi32, #tpu.memory_space<vmem>>
        %dma_start3A_198 = tpu.memref_squeeze %dma_start3A_197 : memref<1x64xi32, #tpu.memory_space<vmem>> -> memref<64xi32, #tpu.memory_space<vmem>>
        %dma_start3A_199 = arith.constant 0 : i32
        %dma_start3A_200 = arith.constant 0 : i32
        %dma_start3A_201 = tpu.memref_slice %arg2[%dma_start3A_199, %dma_start3A_200] : memref<20000x128xf32, #tpu.memory_space<hbm>> -> memref<20000x128xf32, #tpu.memory_space<hbm>>
        tpu.enqueue_indirect_dma source(%dma_start3A_201 : memref<20000x128xf32, #tpu.memory_space<hbm>>) target(%arg10 : memref<64x128xf32, #tpu.memory_space<vmem>>) offsets(%dma_start3A_198 : memref<64xi32, #tpu.memory_space<vmem>>) semaphore(%arg17 : memref<!tpu.dma_semaphore, #tpu.memory_space<semaphore_mem>>)
        %sub3A_202 = arith.subi %add3A_187, %mul3A_67 : i32
        %dma_wait3A_203 = arith.constant 0 : i32
        %dma_wait3A_204 = tpu.memref_slice %arg11[%sub3A_202, %dma_wait3A_203] : memref<40x64xi32, #tpu.memory_space<vmem>> -> memref<1x64xi32, #tpu.memory_space<vmem>>
        %dma_wait3A_205 = tpu.memref_squeeze %dma_wait3A_204 : memref<1x64xi32, #tpu.memory_space<vmem>> -> memref<64xi32, #tpu.memory_space<vmem>>
        %dma_wait3A_206 = arith.constant 0 : i32
        %dma_wait3A_207 = arith.constant 0 : i32
        %dma_wait3A_208 = tpu.memref_slice %arg2[%dma_wait3A_206, %dma_wait3A_207] : memref<20000x128xf32, #tpu.memory_space<hbm>> -> memref<20000x128xf32, #tpu.memory_space<hbm>>
        tpu.wait_indirect_dma semaphore(%arg15 : memref<!tpu.dma_semaphore, #tpu.memory_space<semaphore_mem>>) src(%dma_wait3A_208 : memref<20000x128xf32, #tpu.memory_space<hbm>>) dst(%arg8 : memref<64x128xf32, #tpu.memory_space<vmem>>)
        %sub3A_209 = arith.subi %add3A_187, %mul3A_67 : i32
        %dma_start3A_210 = arith.constant 0 : i32
        %dma_start3A_211 = tpu.memref_slice %arg12[%sub3A_209, %dma_start3A_210] : memref<40x64xi32, #tpu.memory_space<vmem>> -> memref<1x64xi32, #tpu.memory_space<vmem>>
        %dma_start3A_212 = tpu.memref_squeeze %dma_start3A_211 : memref<1x64xi32, #tpu.memory_space<vmem>> -> memref<64xi32, #tpu.memory_space<vmem>>
        %dma_start3A_213 = arith.constant 0 : i32
        %dma_start3A_214 = arith.constant 0 : i32
        %dma_start3A_215 = tpu.memref_slice %arg22[%dma_start3A_213, %dma_start3A_214] : memref<10240x128xf32, #tpu.memory_space<vmem_shared>> -> memref<10240x128xf32, #tpu.memory_space<vmem_shared>>
        tpu.enqueue_indirect_dma source(%arg8 : memref<64x128xf32, #tpu.memory_space<vmem>>) target(%dma_start3A_215 : memref<10240x128xf32, #tpu.memory_space<vmem_shared>>) offsets(%dma_start3A_212 : memref<64xi32, #tpu.memory_space<vmem>>) semaphore(%arg19 : memref<!tpu.dma_semaphore, #tpu.memory_space<semaphore_mem>>) {add = true}
        %mul3A_216 = arith.constant 4 : i32
        %mul3A_217 = arith.muli %mul3A_216, %scan3A_151 : i32
        %add3A_218 = arith.addi %mul3A_67, %mul3A_217 : i32
        %add3A_219 = arith.constant 2 : i32
        %add3A_220 = arith.addi %add3A_218, %add3A_219 : i32
        %lt3A = arith.constant 9 : i32
        %lt3A_221 = arith.cmpi slt, %scan3A_151, %lt3A : i32
        %convert_element_type3A_222 = arith.extui %lt3A_221 : i1 to i32
        %cond3A_223 = arith.constant 0 : i32
        %cond3A_224 = arith.cmpi ne, %convert_element_type3A_222, %cond3A_223 : i32
        scf.if %cond3A_224 {
          %sub3A_264 = arith.constant 2 : i32
          %sub3A_265 = arith.subi %add3A_220, %sub3A_264 : i32
          %sub3A_266 = arith.subi %sub3A_265, %mul3A_67 : i32
          %dma_wait3A_267 = arith.constant 0 : i32
          %dma_wait3A_268 = tpu.memref_slice %arg12[%sub3A_266, %dma_wait3A_267] : memref<40x64xi32, #tpu.memory_space<vmem>> -> memref<1x64xi32, #tpu.memory_space<vmem>>
          %dma_wait3A_269 = tpu.memref_squeeze %dma_wait3A_268 : memref<1x64xi32, #tpu.memory_space<vmem>> -> memref<64xi32, #tpu.memory_space<vmem>>
          %dma_wait3A_270 = arith.constant 0 : i32
          %dma_wait3A_271 = arith.constant 0 : i32
          %dma_wait3A_272 = tpu.memref_slice %arg22[%dma_wait3A_270, %dma_wait3A_271] : memref<10240x128xf32, #tpu.memory_space<vmem_shared>> -> memref<10240x128xf32, #tpu.memory_space<vmem_shared>>
          tpu.wait_indirect_dma semaphore(%arg18 : memref<!tpu.dma_semaphore, #tpu.memory_space<semaphore_mem>>) src(%arg7 : memref<64x128xf32, #tpu.memory_space<vmem>>) dst(%dma_wait3A_272 : memref<10240x128xf32, #tpu.memory_space<vmem_shared>>)
          %add3A_273 = arith.constant 2 : i32
          %add3A_274 = arith.addi %add3A_220, %add3A_273 : i32
          %sub3A_275 = arith.subi %add3A_274, %mul3A_67 : i32
          %dma_start3A_276 = arith.constant 0 : i32
          %dma_start3A_277 = tpu.memref_slice %arg11[%sub3A_275, %dma_start3A_276] : memref<40x64xi32, #tpu.memory_space<vmem>> -> memref<1x64xi32, #tpu.memory_space<vmem>>
          %dma_start3A_278 = tpu.memref_squeeze %dma_start3A_277 : memref<1x64xi32, #tpu.memory_space<vmem>> -> memref<64xi32, #tpu.memory_space<vmem>>
          %dma_start3A_279 = arith.constant 0 : i32
          %dma_start3A_280 = arith.constant 0 : i32
          %dma_start3A_281 = tpu.memref_slice %arg2[%dma_start3A_279, %dma_start3A_280] : memref<20000x128xf32, #tpu.memory_space<hbm>> -> memref<20000x128xf32, #tpu.memory_space<hbm>>
          tpu.enqueue_indirect_dma source(%dma_start3A_281 : memref<20000x128xf32, #tpu.memory_space<hbm>>) target(%arg7 : memref<64x128xf32, #tpu.memory_space<vmem>>) offsets(%dma_start3A_278 : memref<64xi32, #tpu.memory_space<vmem>>) semaphore(%arg14 : memref<!tpu.dma_semaphore, #tpu.memory_space<semaphore_mem>>)
        } else {
        }
        %sub3A_225 = arith.subi %add3A_220, %mul3A_67 : i32
        %dma_wait3A_226 = arith.constant 0 : i32
        %dma_wait3A_227 = tpu.memref_slice %arg11[%sub3A_225, %dma_wait3A_226] : memref<40x64xi32, #tpu.memory_space<vmem>> -> memref<1x64xi32, #tpu.memory_space<vmem>>
        %dma_wait3A_228 = tpu.memref_squeeze %dma_wait3A_227 : memref<1x64xi32, #tpu.memory_space<vmem>> -> memref<64xi32, #tpu.memory_space<vmem>>
        %dma_wait3A_229 = arith.constant 0 : i32
        %dma_wait3A_230 = arith.constant 0 : i32
        %dma_wait3A_231 = tpu.memref_slice %arg2[%dma_wait3A_229, %dma_wait3A_230] : memref<20000x128xf32, #tpu.memory_space<hbm>> -> memref<20000x128xf32, #tpu.memory_space<hbm>>
        tpu.wait_indirect_dma semaphore(%arg16 : memref<!tpu.dma_semaphore, #tpu.memory_space<semaphore_mem>>) src(%dma_wait3A_231 : memref<20000x128xf32, #tpu.memory_space<hbm>>) dst(%arg9 : memref<64x128xf32, #tpu.memory_space<vmem>>)
        %sub3A_232 = arith.subi %add3A_220, %mul3A_67 : i32
        %dma_start3A_233 = arith.constant 0 : i32
        %dma_start3A_234 = tpu.memref_slice %arg12[%sub3A_232, %dma_start3A_233] : memref<40x64xi32, #tpu.memory_space<vmem>> -> memref<1x64xi32, #tpu.memory_space<vmem>>
        %dma_start3A_235 = tpu.memref_squeeze %dma_start3A_234 : memref<1x64xi32, #tpu.memory_space<vmem>> -> memref<64xi32, #tpu.memory_space<vmem>>
        %dma_start3A_236 = arith.constant 0 : i32
        %dma_start3A_237 = arith.constant 0 : i32
        %dma_start3A_238 = tpu.memref_slice %arg22[%dma_start3A_236, %dma_start3A_237] : memref<10240x128xf32, #tpu.memory_space<vmem_shared>> -> memref<10240x128xf32, #tpu.memory_space<vmem_shared>>
        tpu.enqueue_indirect_dma source(%arg9 : memref<64x128xf32, #tpu.memory_space<vmem>>) target(%dma_start3A_238 : memref<10240x128xf32, #tpu.memory_space<vmem_shared>>) offsets(%dma_start3A_235 : memref<64xi32, #tpu.memory_space<vmem>>) semaphore(%arg20 : memref<!tpu.dma_semaphore, #tpu.memory_space<semaphore_mem>>) {add = true}
        %mul3A_239 = arith.constant 4 : i32
        %mul3A_240 = arith.muli %mul3A_239, %scan3A_151 : i32
        %add3A_241 = arith.addi %mul3A_67, %mul3A_240 : i32
        %add3A_242 = arith.constant 3 : i32
        %add3A_243 = arith.addi %add3A_241, %add3A_242 : i32
        %lt3A_244 = arith.constant 9 : i32
        %lt3A_245 = arith.cmpi slt, %scan3A_151, %lt3A_244 : i32
        %convert_element_type3A_246 = arith.extui %lt3A_245 : i1 to i32
        %cond3A_247 = arith.constant 0 : i32
        %cond3A_248 = arith.cmpi ne, %convert_element_type3A_246, %cond3A_247 : i32
        scf.if %cond3A_248 {
          %sub3A_264 = arith.constant 2 : i32
          %sub3A_265 = arith.subi %add3A_243, %sub3A_264 : i32
          %sub3A_266 = arith.subi %sub3A_265, %mul3A_67 : i32
          %dma_wait3A_267 = arith.constant 0 : i32
          %dma_wait3A_268 = tpu.memref_slice %arg12[%sub3A_266, %dma_wait3A_267] : memref<40x64xi32, #tpu.memory_space<vmem>> -> memref<1x64xi32, #tpu.memory_space<vmem>>
          %dma_wait3A_269 = tpu.memref_squeeze %dma_wait3A_268 : memref<1x64xi32, #tpu.memory_space<vmem>> -> memref<64xi32, #tpu.memory_space<vmem>>
          %dma_wait3A_270 = arith.constant 0 : i32
          %dma_wait3A_271 = arith.constant 0 : i32
          %dma_wait3A_272 = tpu.memref_slice %arg22[%dma_wait3A_270, %dma_wait3A_271] : memref<10240x128xf32, #tpu.memory_space<vmem_shared>> -> memref<10240x128xf32, #tpu.memory_space<vmem_shared>>
          tpu.wait_indirect_dma semaphore(%arg19 : memref<!tpu.dma_semaphore, #tpu.memory_space<semaphore_mem>>) src(%arg8 : memref<64x128xf32, #tpu.memory_space<vmem>>) dst(%dma_wait3A_272 : memref<10240x128xf32, #tpu.memory_space<vmem_shared>>)
          %add3A_273 = arith.constant 2 : i32
          %add3A_274 = arith.addi %add3A_243, %add3A_273 : i32
          %sub3A_275 = arith.subi %add3A_274, %mul3A_67 : i32
          %dma_start3A_276 = arith.constant 0 : i32
          %dma_start3A_277 = tpu.memref_slice %arg11[%sub3A_275, %dma_start3A_276] : memref<40x64xi32, #tpu.memory_space<vmem>> -> memref<1x64xi32, #tpu.memory_space<vmem>>
          %dma_start3A_278 = tpu.memref_squeeze %dma_start3A_277 : memref<1x64xi32, #tpu.memory_space<vmem>> -> memref<64xi32, #tpu.memory_space<vmem>>
          %dma_start3A_279 = arith.constant 0 : i32
          %dma_start3A_280 = arith.constant 0 : i32
          %dma_start3A_281 = tpu.memref_slice %arg2[%dma_start3A_279, %dma_start3A_280] : memref<20000x128xf32, #tpu.memory_space<hbm>> -> memref<20000x128xf32, #tpu.memory_space<hbm>>
          tpu.enqueue_indirect_dma source(%dma_start3A_281 : memref<20000x128xf32, #tpu.memory_space<hbm>>) target(%arg8 : memref<64x128xf32, #tpu.memory_space<vmem>>) offsets(%dma_start3A_278 : memref<64xi32, #tpu.memory_space<vmem>>) semaphore(%arg15 : memref<!tpu.dma_semaphore, #tpu.memory_space<semaphore_mem>>)
        } else {
        }
        %sub3A_249 = arith.subi %add3A_243, %mul3A_67 : i32
        %dma_wait3A_250 = arith.constant 0 : i32
        %dma_wait3A_251 = tpu.memref_slice %arg11[%sub3A_249, %dma_wait3A_250] : memref<40x64xi32, #tpu.memory_space<vmem>> -> memref<1x64xi32, #tpu.memory_space<vmem>>
        %dma_wait3A_252 = tpu.memref_squeeze %dma_wait3A_251 : memref<1x64xi32, #tpu.memory_space<vmem>> -> memref<64xi32, #tpu.memory_space<vmem>>
        %dma_wait3A_253 = arith.constant 0 : i32
        %dma_wait3A_254 = arith.constant 0 : i32
        %dma_wait3A_255 = tpu.memref_slice %arg2[%dma_wait3A_253, %dma_wait3A_254] : memref<20000x128xf32, #tpu.memory_space<hbm>> -> memref<20000x128xf32, #tpu.memory_space<hbm>>
        tpu.wait_indirect_dma semaphore(%arg17 : memref<!tpu.dma_semaphore, #tpu.memory_space<semaphore_mem>>) src(%dma_wait3A_255 : memref<20000x128xf32, #tpu.memory_space<hbm>>) dst(%arg10 : memref<64x128xf32, #tpu.memory_space<vmem>>)
        %sub3A_256 = arith.subi %add3A_243, %mul3A_67 : i32
        %dma_start3A_257 = arith.constant 0 : i32
        %dma_start3A_258 = tpu.memref_slice %arg12[%sub3A_256, %dma_start3A_257] : memref<40x64xi32, #tpu.memory_space<vmem>> -> memref<1x64xi32, #tpu.memory_space<vmem>>
        %dma_start3A_259 = tpu.memref_squeeze %dma_start3A_258 : memref<1x64xi32, #tpu.memory_space<vmem>> -> memref<64xi32, #tpu.memory_space<vmem>>
        %dma_start3A_260 = arith.constant 0 : i32
        %dma_start3A_261 = arith.constant 0 : i32
        %dma_start3A_262 = tpu.memref_slice %arg22[%dma_start3A_260, %dma_start3A_261] : memref<10240x128xf32, #tpu.memory_space<vmem_shared>> -> memref<10240x128xf32, #tpu.memory_space<vmem_shared>>
        tpu.enqueue_indirect_dma source(%arg10 : memref<64x128xf32, #tpu.memory_space<vmem>>) target(%dma_start3A_262 : memref<10240x128xf32, #tpu.memory_space<vmem_shared>>) offsets(%dma_start3A_259 : memref<64xi32, #tpu.memory_space<vmem>>) semaphore(%arg21 : memref<!tpu.dma_semaphore, #tpu.memory_space<semaphore_mem>>) {add = true}
        %scan3A_263 = arith.constant 0 : i32
        scf.yield %scan3A_263 : i32
      }
      %scan3A_98 = arith.constant 10 : i32
      %add3A_99 = arith.constant 40 : i32
      %add3A_100 = arith.addi %mul3A_67, %add3A_99 : i32
      %sub3A_101 = arith.constant 4 : i32
      %sub3A_102 = arith.subi %add3A_100, %sub3A_101 : i32
      %add3A_103 = arith.constant 0 : i32
      %add3A_104 = arith.addi %sub3A_102, %add3A_103 : i32
      %sub3A_105 = arith.subi %add3A_104, %mul3A_67 : i32
      %dma_wait3A = arith.constant 0 : i32
      %dma_wait3A_106 = tpu.memref_slice %arg12[%sub3A_105, %dma_wait3A] : memref<40x64xi32, #tpu.memory_space<vmem>> -> memref<1x64xi32, #tpu.memory_space<vmem>>
      %dma_wait3A_107 = tpu.memref_squeeze %dma_wait3A_106 : memref<1x64xi32, #tpu.memory_space<vmem>> -> memref<64xi32, #tpu.memory_space<vmem>>
      %dma_wait3A_108 = arith.constant 0 : i32
      %dma_wait3A_109 = arith.constant 0 : i32
      %dma_wait3A_110 = tpu.memref_slice %arg22[%dma_wait3A_108, %dma_wait3A_109] : memref<10240x128xf32, #tpu.memory_space<vmem_shared>> -> memref<10240x128xf32, #tpu.memory_space<vmem_shared>>
      tpu.wait_indirect_dma semaphore(%arg18 : memref<!tpu.dma_semaphore, #tpu.memory_space<semaphore_mem>>) src(%arg7 : memref<64x128xf32, #tpu.memory_space<vmem>>) dst(%dma_wait3A_110 : memref<10240x128xf32, #tpu.memory_space<vmem_shared>>)
      %add3A_111 = arith.constant 40 : i32
      %add3A_112 = arith.addi %mul3A_67, %add3A_111 : i32
      %sub3A_113 = arith.constant 4 : i32
      %sub3A_114 = arith.subi %add3A_112, %sub3A_113 : i32
      %add3A_115 = arith.constant 1 : i32
      %add3A_116 = arith.addi %sub3A_114, %add3A_115 : i32
      %sub3A_117 = arith.subi %add3A_116, %mul3A_67 : i32
      %dma_wait3A_118 = arith.constant 0 : i32
      %dma_wait3A_119 = tpu.memref_slice %arg12[%sub3A_117, %dma_wait3A_118] : memref<40x64xi32, #tpu.memory_space<vmem>> -> memref<1x64xi32, #tpu.memory_space<vmem>>
      %dma_wait3A_120 = tpu.memref_squeeze %dma_wait3A_119 : memref<1x64xi32, #tpu.memory_space<vmem>> -> memref<64xi32, #tpu.memory_space<vmem>>
      %dma_wait3A_121 = arith.constant 0 : i32
      %dma_wait3A_122 = arith.constant 0 : i32
      %dma_wait3A_123 = tpu.memref_slice %arg22[%dma_wait3A_121, %dma_wait3A_122] : memref<10240x128xf32, #tpu.memory_space<vmem_shared>> -> memref<10240x128xf32, #tpu.memory_space<vmem_shared>>
      tpu.wait_indirect_dma semaphore(%arg19 : memref<!tpu.dma_semaphore, #tpu.memory_space<semaphore_mem>>) src(%arg8 : memref<64x128xf32, #tpu.memory_space<vmem>>) dst(%dma_wait3A_123 : memref<10240x128xf32, #tpu.memory_space<vmem_shared>>)
      %add3A_124 = arith.constant 40 : i32
      %add3A_125 = arith.addi %mul3A_67, %add3A_124 : i32
      %sub3A_126 = arith.constant 4 : i32
      %sub3A_127 = arith.subi %add3A_125, %sub3A_126 : i32
      %add3A_128 = arith.constant 2 : i32
      %add3A_129 = arith.addi %sub3A_127, %add3A_128 : i32
      %sub3A_130 = arith.subi %add3A_129, %mul3A_67 : i32
      %dma_wait3A_131 = arith.constant 0 : i32
      %dma_wait3A_132 = tpu.memref_slice %arg12[%sub3A_130, %dma_wait3A_131] : memref<40x64xi32, #tpu.memory_space<vmem>> -> memref<1x64xi32, #tpu.memory_space<vmem>>
      %dma_wait3A_133 = tpu.memref_squeeze %dma_wait3A_132 : memref<1x64xi32, #tpu.memory_space<vmem>> -> memref<64xi32, #tpu.memory_space<vmem>>
      %dma_wait3A_134 = arith.constant 0 : i32
      %dma_wait3A_135 = arith.constant 0 : i32
      %dma_wait3A_136 = tpu.memref_slice %arg22[%dma_wait3A_134, %dma_wait3A_135] : memref<10240x128xf32, #tpu.memory_space<vmem_shared>> -> memref<10240x128xf32, #tpu.memory_space<vmem_shared>>
      tpu.wait_indirect_dma semaphore(%arg20 : memref<!tpu.dma_semaphore, #tpu.memory_space<semaphore_mem>>) src(%arg9 : memref<64x128xf32, #tpu.memory_space<vmem>>) dst(%dma_wait3A_136 : memref<10240x128xf32, #tpu.memory_space<vmem_shared>>)
      %add3A_137 = arith.constant 40 : i32
      %add3A_138 = arith.addi %mul3A_67, %add3A_137 : i32
      %sub3A_139 = arith.constant 4 : i32
      %sub3A_140 = arith.subi %add3A_138, %sub3A_139 : i32
      %add3A_141 = arith.constant 3 : i32
      %add3A_142 = arith.addi %sub3A_140, %add3A_141 : i32
      %sub3A_143 = arith.subi %add3A_142, %mul3A_67 : i32
      %dma_wait3A_144 = arith.constant 0 : i32
      %dma_wait3A_145 = tpu.memref_slice %arg12[%sub3A_143, %dma_wait3A_144] : memref<40x64xi32, #tpu.memory_space<vmem>> -> memref<1x64xi32, #tpu.memory_space<vmem>>
      %dma_wait3A_146 = tpu.memref_squeeze %dma_wait3A_145 : memref<1x64xi32, #tpu.memory_space<vmem>> -> memref<64xi32, #tpu.memory_space<vmem>>
      %dma_wait3A_147 = arith.constant 0 : i32
      %dma_wait3A_148 = arith.constant 0 : i32
      %dma_wait3A_149 = tpu.memref_slice %arg22[%dma_wait3A_147, %dma_wait3A_148] : memref<10240x128xf32, #tpu.memory_space<vmem_shared>> -> memref<10240x128xf32, #tpu.memory_space<vmem_shared>>
      tpu.wait_indirect_dma semaphore(%arg21 : memref<!tpu.dma_semaphore, #tpu.memory_space<semaphore_mem>>) src(%arg10 : memref<64x128xf32, #tpu.memory_space<vmem>>) dst(%dma_wait3A_149 : memref<10240x128xf32, #tpu.memory_space<vmem_shared>>)
      %scan3A_150 = arith.constant 0 : i32
      scf.yield %scan3A_150 : i32
    }
    %scan3A_55 = arith.constant 8 : i32
    %barrier3A_56 = arith.constant 0 : index
    tpu.barrier barrier_id(%barrier3A_56)
    %mul3A_57 = arith.constant 640 : i32
    %mul3A_58 = arith.muli %arg1, %mul3A_57 : i32
    %mul3A_59 = arith.constant 10240 : i32
    %mul3A_60 = arith.muli %arg0, %mul3A_59 : i32
    %mul3A_61 = arith.constant 640 : i32
    %mul3A_62 = arith.muli %arg1, %mul3A_61 : i32
    %add3A_63 = arith.addi %mul3A_60, %mul3A_62 : i32
    "tpu.region"() ({
      %run_scoped3A = tpu.sem_alloc : memref<!tpu.dma_semaphore, #tpu.memory_space<semaphore_mem>>
      %dma_start3A = arith.constant 0 : i32
      %dma_start3A_64 = tpu.memref_slice %arg6[%add3A_63, %dma_start3A] : memref<20480x128xf32, #tpu.memory_space<hbm>> -> memref<640x128xf32, #tpu.memory_space<hbm>>
      %dma_start3A_65 = arith.constant 0 : i32
      %dma_start3A_66 = tpu.memref_slice %arg22[%mul3A_58, %dma_start3A_65] : memref<10240x128xf32, #tpu.memory_space<vmem_shared>> -> memref<640x128xf32, #tpu.memory_space<vmem_shared>>
      tpu.enqueue_dma source(%dma_start3A_66 : memref<640x128xf32, #tpu.memory_space<vmem_shared>>) target(%dma_start3A_64 : memref<640x128xf32, #tpu.memory_space<hbm>>) target_semaphore(%run_scoped3A : memref<!tpu.dma_semaphore, #tpu.memory_space<semaphore_mem>>)
      %dma_wait3A = arith.constant 0 : i32
      %dma_wait3A_67 = tpu.memref_slice %arg6[%add3A_63, %dma_wait3A] : memref<20480x128xf32, #tpu.memory_space<hbm>> -> memref<640x128xf32, #tpu.memory_space<hbm>>
      %dma_wait3A_68 = arith.constant 0 : i32
      %dma_wait3A_69 = tpu.memref_slice %arg22[%mul3A_58, %dma_wait3A_68] : memref<10240x128xf32, #tpu.memory_space<vmem_shared>> -> memref<640x128xf32, #tpu.memory_space<vmem_shared>>
      tpu.wait_dma2 semaphore(%run_scoped3A : memref<!tpu.dma_semaphore, #tpu.memory_space<semaphore_mem>>) src(%dma_wait3A_69 : memref<640x128xf32, #tpu.memory_space<vmem_shared>>) dst(%dma_wait3A_67 : memref<640x128xf32, #tpu.memory_space<hbm>>)
      tpu.yield
    }) : () -> ()
    return
  }
}

#map = affine_map<(d0, d1) -> (0, 0)>
module attributes {stable_mosaic.version = 14 : i64} {
  func.func @_agg_body(%arg0: i32, %arg1: i32, %arg2: memref<20000x128xf32, #tpu.memory_space<hbm>>, %arg3: memref<5120x64xi32, #tpu.memory_space<hbm>>, %arg4: memref<5120x64xi32, #tpu.memory_space<hbm>>, %arg5: memref<5120x64xf32, #tpu.memory_space<hbm>>, %arg6: memref<20480x128xf32, #tpu.memory_space<hbm>>, %arg7: memref<64x128xf32, #tpu.memory_space<vmem>>, %arg8: memref<64x128xf32, #tpu.memory_space<vmem>>, %arg9: memref<64x128xf32, #tpu.memory_space<vmem>>, %arg10: memref<64x128xf32, #tpu.memory_space<vmem>>, %arg11: memref<40x64xi32, #tpu.memory_space<vmem>>, %arg12: memref<40x64xi32, #tpu.memory_space<vmem>>, %arg13: memref<40x64xf32, #tpu.memory_space<vmem>>, %arg14: memref<!tpu.dma_semaphore, #tpu.memory_space<semaphore_mem>>, %arg15: memref<!tpu.dma_semaphore, #tpu.memory_space<semaphore_mem>>, %arg16: memref<!tpu.dma_semaphore, #tpu.memory_space<semaphore_mem>>, %arg17: memref<!tpu.dma_semaphore, #tpu.memory_space<semaphore_mem>>, %arg18: memref<!tpu.dma_semaphore, #tpu.memory_space<semaphore_mem>>, %arg19: memref<!tpu.dma_semaphore, #tpu.memory_space<semaphore_mem>>, %arg20: memref<!tpu.dma_semaphore, #tpu.memory_space<semaphore_mem>>, %arg21: memref<!tpu.dma_semaphore, #tpu.memory_space<semaphore_mem>>, %arg22: memref<10240x128xf32, #tpu.memory_space<vmem_shared>>) attributes {dimension_semantics = [#tpu.dimension_semantics<core_parallel>, #tpu.dimension_semantics<subcore_parallel>], iteration_bounds = array<i64: 2, 16>, scalar_prefetch = 0 : i64, scratch_operands = 16 : i64, tpu.core_type = #tpu.core_type<sc_vector_subcore>, window_params = [{transform_indices = #map}, {transform_indices = #map}, {transform_indices = #map}, {transform_indices = #map}, {transform_indices = #map}]} {
    %mul3A = arith.constant 10000 : i32
    %mul3A_0 = arith.muli %arg0, %mul3A : i32
    %broadcast_in_dim3A = arith.constant 0.000000e+00 : f32
    %broadcast_in_dim3A_1 = vector.broadcast %broadcast_in_dim3A : f32 to vector<16xf32>
    %scan3A = arith.constant 0 : i32
    %scan3A_2 = arith.constant 0 : i32
    %scan3A_3 = arith.constant 64 : i32
    %scan3A_4 = arith.addi %scan3A_2, %scan3A_3 : i32
    %scan3A_5 = arith.constant 1 : i32
    %scan3A_6 = scf.for %scan3A_64 = %scan3A_2 to %scan3A_4 step %scan3A_5 iter_args(%scan3A_65 = %scan3A) -> (i32)  : i32 {
      %swap3A = arith.index_cast %scan3A_64 : i32 to index
      %swap3A_66 = arith.constant 0 : index
      %swap3A_67 = tpu.vector_load %arg7[%swap3A, %swap3A_66] {strides = array<i32>} : memref<64x128xf32, #tpu.memory_space<vmem>>, vector<16xf32>,
      tpu.vector_store %arg7[%swap3A, %swap3A_66], %broadcast_in_dim3A_1 {strides = array<i32>} : memref<64x128xf32, #tpu.memory_space<vmem>>, vector<16xf32>,
      %swap3A_68 = arith.index_cast %scan3A_64 : i32 to index
      %swap3A_69 = arith.constant 16 : index
      %swap3A_70 = tpu.vector_load %arg7[%swap3A_68, %swap3A_69] {strides = array<i32>} : memref<64x128xf32, #tpu.memory_space<vmem>>, vector<16xf32>,
      tpu.vector_store %arg7[%swap3A_68, %swap3A_69], %broadcast_in_dim3A_1 {strides = array<i32>} : memref<64x128xf32, #tpu.memory_space<vmem>>, vector<16xf32>,
      %swap3A_71 = arith.index_cast %scan3A_64 : i32 to index
      %swap3A_72 = arith.constant 32 : index
      %swap3A_73 = tpu.vector_load %arg7[%swap3A_71, %swap3A_72] {strides = array<i32>} : memref<64x128xf32, #tpu.memory_space<vmem>>, vector<16xf32>,
      tpu.vector_store %arg7[%swap3A_71, %swap3A_72], %broadcast_in_dim3A_1 {strides = array<i32>} : memref<64x128xf32, #tpu.memory_space<vmem>>, vector<16xf32>,
      %swap3A_74 = arith.index_cast %scan3A_64 : i32 to index
      %swap3A_75 = arith.constant 48 : index
      %swap3A_76 = tpu.vector_load %arg7[%swap3A_74, %swap3A_75] {strides = array<i32>} : memref<64x128xf32, #tpu.memory_space<vmem>>, vector<16xf32>,
      tpu.vector_store %arg7[%swap3A_74, %swap3A_75], %broadcast_in_dim3A_1 {strides = array<i32>} : memref<64x128xf32, #tpu.memory_space<vmem>>, vector<16xf32>,
      %swap3A_77 = arith.index_cast %scan3A_64 : i32 to index
      %swap3A_78 = arith.constant 64 : index
      %swap3A_79 = tpu.vector_load %arg7[%swap3A_77, %swap3A_78] {strides = array<i32>} : memref<64x128xf32, #tpu.memory_space<vmem>>, vector<16xf32>,
      tpu.vector_store %arg7[%swap3A_77, %swap3A_78], %broadcast_in_dim3A_1 {strides = array<i32>} : memref<64x128xf32, #tpu.memory_space<vmem>>, vector<16xf32>,
      %swap3A_80 = arith.index_cast %scan3A_64 : i32 to index
      %swap3A_81 = arith.constant 80 : index
      %swap3A_82 = tpu.vector_load %arg7[%swap3A_80, %swap3A_81] {strides = array<i32>} : memref<64x128xf32, #tpu.memory_space<vmem>>, vector<16xf32>,
      tpu.vector_store %arg7[%swap3A_80, %swap3A_81], %broadcast_in_dim3A_1 {strides = array<i32>} : memref<64x128xf32, #tpu.memory_space<vmem>>, vector<16xf32>,
      %swap3A_83 = arith.index_cast %scan3A_64 : i32 to index
      %swap3A_84 = arith.constant 96 : index
      %swap3A_85 = tpu.vector_load %arg7[%swap3A_83, %swap3A_84] {strides = array<i32>} : memref<64x128xf32, #tpu.memory_space<vmem>>, vector<16xf32>,
      tpu.vector_store %arg7[%swap3A_83, %swap3A_84], %broadcast_in_dim3A_1 {strides = array<i32>} : memref<64x128xf32, #tpu.memory_space<vmem>>, vector<16xf32>,
      %swap3A_86 = arith.index_cast %scan3A_64 : i32 to index
      %swap3A_87 = arith.constant 112 : index
      %swap3A_88 = tpu.vector_load %arg7[%swap3A_86, %swap3A_87] {strides = array<i32>} : memref<64x128xf32, #tpu.memory_space<vmem>>, vector<16xf32>,
      tpu.vector_store %arg7[%swap3A_86, %swap3A_87], %broadcast_in_dim3A_1 {strides = array<i32>} : memref<64x128xf32, #tpu.memory_space<vmem>>, vector<16xf32>,
      %scan3A_89 = arith.constant 0 : i32
      scf.yield %scan3A_89 : i32
    }
    %scan3A_7 = arith.constant 64 : i32
    %mul3A_8 = arith.constant 640 : i32
    %mul3A_9 = arith.muli %arg1, %mul3A_8 : i32
    %add3A = arith.constant 0 : i32
    %add3A_10 = arith.addi %mul3A_9, %add3A : i32
    "tpu.region"() ({
      %run_scoped3A = tpu.sem_alloc : memref<!tpu.dma_semaphore, #tpu.memory_space<semaphore_mem>>
      %dma_start3A = arith.constant 0 : i32
      %dma_start3A_64 = tpu.memref_slice %arg22[%add3A_10, %dma_start3A] : memref<10240x128xf32, #tpu.memory_space<vmem_shared>> -> memref<64x128xf32, #tpu.memory_space<vmem_shared>>
      %dma_start3A_65 = arith.constant 0 : i32
      %dma_start3A_66 = tpu.memref_slice %arg22[%add3A_10, %dma_start3A_65] : memref<10240x128xf32, #tpu.memory_space<vmem_shared>> -> memref<64x128xf32, #tpu.memory_space<vmem_shared>>
      tpu.enqueue_dma source(%arg7 : memref<64x128xf32, #tpu.memory_space<vmem>>) target(%dma_start3A_66 : memref<64x128xf32, #tpu.memory_space<vmem_shared>>) target_semaphore(%run_scoped3A : memref<!tpu.dma_semaphore, #tpu.memory_space<semaphore_mem>>)
      %dma_wait3A = arith.constant 0 : i32
      %dma_wait3A_67 = tpu.memref_slice %arg22[%add3A_10, %dma_wait3A] : memref<10240x128xf32, #tpu.memory_space<vmem_shared>> -> memref<64x128xf32, #tpu.memory_space<vmem_shared>>
      %dma_wait3A_68 = arith.constant 0 : i32
      %dma_wait3A_69 = tpu.memref_slice %arg22[%add3A_10, %dma_wait3A_68] : memref<10240x128xf32, #tpu.memory_space<vmem_shared>> -> memref<64x128xf32, #tpu.memory_space<vmem_shared>>
      tpu.wait_dma2 semaphore(%run_scoped3A : memref<!tpu.dma_semaphore, #tpu.memory_space<semaphore_mem>>) src(%arg7 : memref<64x128xf32, #tpu.memory_space<vmem>>) dst(%dma_wait3A_69 : memref<64x128xf32, #tpu.memory_space<vmem_shared>>)
      tpu.yield
    }) : () -> ()
    %mul3A_11 = arith.constant 640 : i32
    %mul3A_12 = arith.muli %arg1, %mul3A_11 : i32
    %add3A_13 = arith.constant 64 : i32
    %add3A_14 = arith.addi %mul3A_12, %add3A_13 : i32
    "tpu.region"() ({
      %run_scoped3A = tpu.sem_alloc : memref<!tpu.dma_semaphore, #tpu.memory_space<semaphore_mem>>
      %dma_start3A = arith.constant 0 : i32
      %dma_start3A_64 = tpu.memref_slice %arg22[%add3A_14, %dma_start3A] : memref<10240x128xf32, #tpu.memory_space<vmem_shared>> -> memref<64x128xf32, #tpu.memory_space<vmem_shared>>
      %dma_start3A_65 = arith.constant 0 : i32
      %dma_start3A_66 = tpu.memref_slice %arg22[%add3A_14, %dma_start3A_65] : memref<10240x128xf32, #tpu.memory_space<vmem_shared>> -> memref<64x128xf32, #tpu.memory_space<vmem_shared>>
      tpu.enqueue_dma source(%arg7 : memref<64x128xf32, #tpu.memory_space<vmem>>) target(%dma_start3A_66 : memref<64x128xf32, #tpu.memory_space<vmem_shared>>) target_semaphore(%run_scoped3A : memref<!tpu.dma_semaphore, #tpu.memory_space<semaphore_mem>>)
      %dma_wait3A = arith.constant 0 : i32
      %dma_wait3A_67 = tpu.memref_slice %arg22[%add3A_14, %dma_wait3A] : memref<10240x128xf32, #tpu.memory_space<vmem_shared>> -> memref<64x128xf32, #tpu.memory_space<vmem_shared>>
      %dma_wait3A_68 = arith.constant 0 : i32
      %dma_wait3A_69 = tpu.memref_slice %arg22[%add3A_14, %dma_wait3A_68] : memref<10240x128xf32, #tpu.memory_space<vmem_shared>> -> memref<64x128xf32, #tpu.memory_space<vmem_shared>>
      tpu.wait_dma2 semaphore(%run_scoped3A : memref<!tpu.dma_semaphore, #tpu.memory_space<semaphore_mem>>) src(%arg7 : memref<64x128xf32, #tpu.memory_space<vmem>>) dst(%dma_wait3A_69 : memref<64x128xf32, #tpu.memory_space<vmem_shared>>)
      tpu.yield
    }) : () -> ()
    %mul3A_15 = arith.constant 640 : i32
    %mul3A_16 = arith.muli %arg1, %mul3A_15 : i32
    %add3A_17 = arith.constant 128 : i32
    %add3A_18 = arith.addi %mul3A_16, %add3A_17 : i32
    "tpu.region"() ({
      %run_scoped3A = tpu.sem_alloc : memref<!tpu.dma_semaphore, #tpu.memory_space<semaphore_mem>>
      %dma_start3A = arith.constant 0 : i32
      %dma_start3A_64 = tpu.memref_slice %arg22[%add3A_18, %dma_start3A] : memref<10240x128xf32, #tpu.memory_space<vmem_shared>> -> memref<64x128xf32, #tpu.memory_space<vmem_shared>>
      %dma_start3A_65 = arith.constant 0 : i32
      %dma_start3A_66 = tpu.memref_slice %arg22[%add3A_18, %dma_start3A_65] : memref<10240x128xf32, #tpu.memory_space<vmem_shared>> -> memref<64x128xf32, #tpu.memory_space<vmem_shared>>
      tpu.enqueue_dma source(%arg7 : memref<64x128xf32, #tpu.memory_space<vmem>>) target(%dma_start3A_66 : memref<64x128xf32, #tpu.memory_space<vmem_shared>>) target_semaphore(%run_scoped3A : memref<!tpu.dma_semaphore, #tpu.memory_space<semaphore_mem>>)
      %dma_wait3A = arith.constant 0 : i32
      %dma_wait3A_67 = tpu.memref_slice %arg22[%add3A_18, %dma_wait3A] : memref<10240x128xf32, #tpu.memory_space<vmem_shared>> -> memref<64x128xf32, #tpu.memory_space<vmem_shared>>
      %dma_wait3A_68 = arith.constant 0 : i32
      %dma_wait3A_69 = tpu.memref_slice %arg22[%add3A_18, %dma_wait3A_68] : memref<10240x128xf32, #tpu.memory_space<vmem_shared>> -> memref<64x128xf32, #tpu.memory_space<vmem_shared>>
      tpu.wait_dma2 semaphore(%run_scoped3A : memref<!tpu.dma_semaphore, #tpu.memory_space<semaphore_mem>>) src(%arg7 : memref<64x128xf32, #tpu.memory_space<vmem>>) dst(%dma_wait3A_69 : memref<64x128xf32, #tpu.memory_space<vmem_shared>>)
      tpu.yield
    }) : () -> ()
    %mul3A_19 = arith.constant 640 : i32
    %mul3A_20 = arith.muli %arg1, %mul3A_19 : i32
    %add3A_21 = arith.constant 192 : i32
    %add3A_22 = arith.addi %mul3A_20, %add3A_21 : i32
    "tpu.region"() ({
      %run_scoped3A = tpu.sem_alloc : memref<!tpu.dma_semaphore, #tpu.memory_space<semaphore_mem>>
      %dma_start3A = arith.constant 0 : i32
      %dma_start3A_64 = tpu.memref_slice %arg22[%add3A_22, %dma_start3A] : memref<10240x128xf32, #tpu.memory_space<vmem_shared>> -> memref<64x128xf32, #tpu.memory_space<vmem_shared>>
      %dma_start3A_65 = arith.constant 0 : i32
      %dma_start3A_66 = tpu.memref_slice %arg22[%add3A_22, %dma_start3A_65] : memref<10240x128xf32, #tpu.memory_space<vmem_shared>> -> memref<64x128xf32, #tpu.memory_space<vmem_shared>>
      tpu.enqueue_dma source(%arg7 : memref<64x128xf32, #tpu.memory_space<vmem>>) target(%dma_start3A_66 : memref<64x128xf32, #tpu.memory_space<vmem_shared>>) target_semaphore(%run_scoped3A : memref<!tpu.dma_semaphore, #tpu.memory_space<semaphore_mem>>)
      %dma_wait3A = arith.constant 0 : i32
      %dma_wait3A_67 = tpu.memref_slice %arg22[%add3A_22, %dma_wait3A] : memref<10240x128xf32, #tpu.memory_space<vmem_shared>> -> memref<64x128xf32, #tpu.memory_space<vmem_shared>>
      %dma_wait3A_68 = arith.constant 0 : i32
      %dma_wait3A_69 = tpu.memref_slice %arg22[%add3A_22, %dma_wait3A_68] : memref<10240x128xf32, #tpu.memory_space<vmem_shared>> -> memref<64x128xf32, #tpu.memory_space<vmem_shared>>
      tpu.wait_dma2 semaphore(%run_scoped3A : memref<!tpu.dma_semaphore, #tpu.memory_space<semaphore_mem>>) src(%arg7 : memref<64x128xf32, #tpu.memory_space<vmem>>) dst(%dma_wait3A_69 : memref<64x128xf32, #tpu.memory_space<vmem_shared>>)
      tpu.yield
    }) : () -> ()
    %mul3A_23 = arith.constant 640 : i32
    %mul3A_24 = arith.muli %arg1, %mul3A_23 : i32
    %add3A_25 = arith.constant 256 : i32
    %add3A_26 = arith.addi %mul3A_24, %add3A_25 : i32
    "tpu.region"() ({
      %run_scoped3A = tpu.sem_alloc : memref<!tpu.dma_semaphore, #tpu.memory_space<semaphore_mem>>
      %dma_start3A = arith.constant 0 : i32
      %dma_start3A_64 = tpu.memref_slice %arg22[%add3A_26, %dma_start3A] : memref<10240x128xf32, #tpu.memory_space<vmem_shared>> -> memref<64x128xf32, #tpu.memory_space<vmem_shared>>
      %dma_start3A_65 = arith.constant 0 : i32
      %dma_start3A_66 = tpu.memref_slice %arg22[%add3A_26, %dma_start3A_65] : memref<10240x128xf32, #tpu.memory_space<vmem_shared>> -> memref<64x128xf32, #tpu.memory_space<vmem_shared>>
      tpu.enqueue_dma source(%arg7 : memref<64x128xf32, #tpu.memory_space<vmem>>) target(%dma_start3A_66 : memref<64x128xf32, #tpu.memory_space<vmem_shared>>) target_semaphore(%run_scoped3A : memref<!tpu.dma_semaphore, #tpu.memory_space<semaphore_mem>>)
      %dma_wait3A = arith.constant 0 : i32
      %dma_wait3A_67 = tpu.memref_slice %arg22[%add3A_26, %dma_wait3A] : memref<10240x128xf32, #tpu.memory_space<vmem_shared>> -> memref<64x128xf32, #tpu.memory_space<vmem_shared>>
      %dma_wait3A_68 = arith.constant 0 : i32
      %dma_wait3A_69 = tpu.memref_slice %arg22[%add3A_26, %dma_wait3A_68] : memref<10240x128xf32, #tpu.memory_space<vmem_shared>> -> memref<64x128xf32, #tpu.memory_space<vmem_shared>>
      tpu.wait_dma2 semaphore(%run_scoped3A : memref<!tpu.dma_semaphore, #tpu.memory_space<semaphore_mem>>) src(%arg7 : memref<64x128xf32, #tpu.memory_space<vmem>>) dst(%dma_wait3A_69 : memref<64x128xf32, #tpu.memory_space<vmem_shared>>)
      tpu.yield
    }) : () -> ()
    %mul3A_27 = arith.constant 640 : i32
    %mul3A_28 = arith.muli %arg1, %mul3A_27 : i32
    %add3A_29 = arith.constant 320 : i32
    %add3A_30 = arith.addi %mul3A_28, %add3A_29 : i32
    "tpu.region"() ({
      %run_scoped3A = tpu.sem_alloc : memref<!tpu.dma_semaphore, #tpu.memory_space<semaphore_mem>>
      %dma_start3A = arith.constant 0 : i32
      %dma_start3A_64 = tpu.memref_slice %arg22[%add3A_30, %dma_start3A] : memref<10240x128xf32, #tpu.memory_space<vmem_shared>> -> memref<64x128xf32, #tpu.memory_space<vmem_shared>>
      %dma_start3A_65 = arith.constant 0 : i32
      %dma_start3A_66 = tpu.memref_slice %arg22[%add3A_30, %dma_start3A_65] : memref<10240x128xf32, #tpu.memory_space<vmem_shared>> -> memref<64x128xf32, #tpu.memory_space<vmem_shared>>
      tpu.enqueue_dma source(%arg7 : memref<64x128xf32, #tpu.memory_space<vmem>>) target(%dma_start3A_66 : memref<64x128xf32, #tpu.memory_space<vmem_shared>>) target_semaphore(%run_scoped3A : memref<!tpu.dma_semaphore, #tpu.memory_space<semaphore_mem>>)
      %dma_wait3A = arith.constant 0 : i32
      %dma_wait3A_67 = tpu.memref_slice %arg22[%add3A_30, %dma_wait3A] : memref<10240x128xf32, #tpu.memory_space<vmem_shared>> -> memref<64x128xf32, #tpu.memory_space<vmem_shared>>
      %dma_wait3A_68 = arith.constant 0 : i32
      %dma_wait3A_69 = tpu.memref_slice %arg22[%add3A_30, %dma_wait3A_68] : memref<10240x128xf32, #tpu.memory_space<vmem_shared>> -> memref<64x128xf32, #tpu.memory_space<vmem_shared>>
      tpu.wait_dma2 semaphore(%run_scoped3A : memref<!tpu.dma_semaphore, #tpu.memory_space<semaphore_mem>>) src(%arg7 : memref<64x128xf32, #tpu.memory_space<vmem>>) dst(%dma_wait3A_69 : memref<64x128xf32, #tpu.memory_space<vmem_shared>>)
      tpu.yield
    }) : () -> ()
    %mul3A_31 = arith.constant 640 : i32
    %mul3A_32 = arith.muli %arg1, %mul3A_31 : i32
    %add3A_33 = arith.constant 384 : i32
    %add3A_34 = arith.addi %mul3A_32, %add3A_33 : i32
    "tpu.region"() ({
      %run_scoped3A = tpu.sem_alloc : memref<!tpu.dma_semaphore, #tpu.memory_space<semaphore_mem>>
      %dma_start3A = arith.constant 0 : i32
      %dma_start3A_64 = tpu.memref_slice %arg22[%add3A_34, %dma_start3A] : memref<10240x128xf32, #tpu.memory_space<vmem_shared>> -> memref<64x128xf32, #tpu.memory_space<vmem_shared>>
      %dma_start3A_65 = arith.constant 0 : i32
      %dma_start3A_66 = tpu.memref_slice %arg22[%add3A_34, %dma_start3A_65] : memref<10240x128xf32, #tpu.memory_space<vmem_shared>> -> memref<64x128xf32, #tpu.memory_space<vmem_shared>>
      tpu.enqueue_dma source(%arg7 : memref<64x128xf32, #tpu.memory_space<vmem>>) target(%dma_start3A_66 : memref<64x128xf32, #tpu.memory_space<vmem_shared>>) target_semaphore(%run_scoped3A : memref<!tpu.dma_semaphore, #tpu.memory_space<semaphore_mem>>)
      %dma_wait3A = arith.constant 0 : i32
      %dma_wait3A_67 = tpu.memref_slice %arg22[%add3A_34, %dma_wait3A] : memref<10240x128xf32, #tpu.memory_space<vmem_shared>> -> memref<64x128xf32, #tpu.memory_space<vmem_shared>>
      %dma_wait3A_68 = arith.constant 0 : i32
      %dma_wait3A_69 = tpu.memref_slice %arg22[%add3A_34, %dma_wait3A_68] : memref<10240x128xf32, #tpu.memory_space<vmem_shared>> -> memref<64x128xf32, #tpu.memory_space<vmem_shared>>
      tpu.wait_dma2 semaphore(%run_scoped3A : memref<!tpu.dma_semaphore, #tpu.memory_space<semaphore_mem>>) src(%arg7 : memref<64x128xf32, #tpu.memory_space<vmem>>) dst(%dma_wait3A_69 : memref<64x128xf32, #tpu.memory_space<vmem_shared>>)
      tpu.yield
    }) : () -> ()
    %mul3A_35 = arith.constant 640 : i32
    %mul3A_36 = arith.muli %arg1, %mul3A_35 : i32
    %add3A_37 = arith.constant 448 : i32
    %add3A_38 = arith.addi %mul3A_36, %add3A_37 : i32
    "tpu.region"() ({
      %run_scoped3A = tpu.sem_alloc : memref<!tpu.dma_semaphore, #tpu.memory_space<semaphore_mem>>
      %dma_start3A = arith.constant 0 : i32
      %dma_start3A_64 = tpu.memref_slice %arg22[%add3A_38, %dma_start3A] : memref<10240x128xf32, #tpu.memory_space<vmem_shared>> -> memref<64x128xf32, #tpu.memory_space<vmem_shared>>
      %dma_start3A_65 = arith.constant 0 : i32
      %dma_start3A_66 = tpu.memref_slice %arg22[%add3A_38, %dma_start3A_65] : memref<10240x128xf32, #tpu.memory_space<vmem_shared>> -> memref<64x128xf32, #tpu.memory_space<vmem_shared>>
      tpu.enqueue_dma source(%arg7 : memref<64x128xf32, #tpu.memory_space<vmem>>) target(%dma_start3A_66 : memref<64x128xf32, #tpu.memory_space<vmem_shared>>) target_semaphore(%run_scoped3A : memref<!tpu.dma_semaphore, #tpu.memory_space<semaphore_mem>>)
      %dma_wait3A = arith.constant 0 : i32
      %dma_wait3A_67 = tpu.memref_slice %arg22[%add3A_38, %dma_wait3A] : memref<10240x128xf32, #tpu.memory_space<vmem_shared>> -> memref<64x128xf32, #tpu.memory_space<vmem_shared>>
      %dma_wait3A_68 = arith.constant 0 : i32
      %dma_wait3A_69 = tpu.memref_slice %arg22[%add3A_38, %dma_wait3A_68] : memref<10240x128xf32, #tpu.memory_space<vmem_shared>> -> memref<64x128xf32, #tpu.memory_space<vmem_shared>>
      tpu.wait_dma2 semaphore(%run_scoped3A : memref<!tpu.dma_semaphore, #tpu.memory_space<semaphore_mem>>) src(%arg7 : memref<64x128xf32, #tpu.memory_space<vmem>>) dst(%dma_wait3A_69 : memref<64x128xf32, #tpu.memory_space<vmem_shared>>)
      tpu.yield
    }) : () -> ()
    %mul3A_39 = arith.constant 640 : i32
    %mul3A_40 = arith.muli %arg1, %mul3A_39 : i32
    %add3A_41 = arith.constant 512 : i32
    %add3A_42 = arith.addi %mul3A_40, %add3A_41 : i32
    "tpu.region"() ({
      %run_scoped3A = tpu.sem_alloc : memref<!tpu.dma_semaphore, #tpu.memory_space<semaphore_mem>>
      %dma_start3A = arith.constant 0 : i32
      %dma_start3A_64 = tpu.memref_slice %arg22[%add3A_42, %dma_start3A] : memref<10240x128xf32, #tpu.memory_space<vmem_shared>> -> memref<64x128xf32, #tpu.memory_space<vmem_shared>>
      %dma_start3A_65 = arith.constant 0 : i32
      %dma_start3A_66 = tpu.memref_slice %arg22[%add3A_42, %dma_start3A_65] : memref<10240x128xf32, #tpu.memory_space<vmem_shared>> -> memref<64x128xf32, #tpu.memory_space<vmem_shared>>
      tpu.enqueue_dma source(%arg7 : memref<64x128xf32, #tpu.memory_space<vmem>>) target(%dma_start3A_66 : memref<64x128xf32, #tpu.memory_space<vmem_shared>>) target_semaphore(%run_scoped3A : memref<!tpu.dma_semaphore, #tpu.memory_space<semaphore_mem>>)
      %dma_wait3A = arith.constant 0 : i32
      %dma_wait3A_67 = tpu.memref_slice %arg22[%add3A_42, %dma_wait3A] : memref<10240x128xf32, #tpu.memory_space<vmem_shared>> -> memref<64x128xf32, #tpu.memory_space<vmem_shared>>
      %dma_wait3A_68 = arith.constant 0 : i32
      %dma_wait3A_69 = tpu.memref_slice %arg22[%add3A_42, %dma_wait3A_68] : memref<10240x128xf32, #tpu.memory_space<vmem_shared>> -> memref<64x128xf32, #tpu.memory_space<vmem_shared>>
      tpu.wait_dma2 semaphore(%run_scoped3A : memref<!tpu.dma_semaphore, #tpu.memory_space<semaphore_mem>>) src(%arg7 : memref<64x128xf32, #tpu.memory_space<vmem>>) dst(%dma_wait3A_69 : memref<64x128xf32, #tpu.memory_space<vmem_shared>>)
      tpu.yield
    }) : () -> ()
    %mul3A_43 = arith.constant 640 : i32
    %mul3A_44 = arith.muli %arg1, %mul3A_43 : i32
    %add3A_45 = arith.constant 576 : i32
    %add3A_46 = arith.addi %mul3A_44, %add3A_45 : i32
    "tpu.region"() ({
      %run_scoped3A = tpu.sem_alloc : memref<!tpu.dma_semaphore, #tpu.memory_space<semaphore_mem>>
      %dma_start3A = arith.constant 0 : i32
      %dma_start3A_64 = tpu.memref_slice %arg22[%add3A_46, %dma_start3A] : memref<10240x128xf32, #tpu.memory_space<vmem_shared>> -> memref<64x128xf32, #tpu.memory_space<vmem_shared>>
      %dma_start3A_65 = arith.constant 0 : i32
      %dma_start3A_66 = tpu.memref_slice %arg22[%add3A_46, %dma_start3A_65] : memref<10240x128xf32, #tpu.memory_space<vmem_shared>> -> memref<64x128xf32, #tpu.memory_space<vmem_shared>>
      tpu.enqueue_dma source(%arg7 : memref<64x128xf32, #tpu.memory_space<vmem>>) target(%dma_start3A_66 : memref<64x128xf32, #tpu.memory_space<vmem_shared>>) target_semaphore(%run_scoped3A : memref<!tpu.dma_semaphore, #tpu.memory_space<semaphore_mem>>)
      %dma_wait3A = arith.constant 0 : i32
      %dma_wait3A_67 = tpu.memref_slice %arg22[%add3A_46, %dma_wait3A] : memref<10240x128xf32, #tpu.memory_space<vmem_shared>> -> memref<64x128xf32, #tpu.memory_space<vmem_shared>>
      %dma_wait3A_68 = arith.constant 0 : i32
      %dma_wait3A_69 = tpu.memref_slice %arg22[%add3A_46, %dma_wait3A_68] : memref<10240x128xf32, #tpu.memory_space<vmem_shared>> -> memref<64x128xf32, #tpu.memory_space<vmem_shared>>
      tpu.wait_dma2 semaphore(%run_scoped3A : memref<!tpu.dma_semaphore, #tpu.memory_space<semaphore_mem>>) src(%arg7 : memref<64x128xf32, #tpu.memory_space<vmem>>) dst(%dma_wait3A_69 : memref<64x128xf32, #tpu.memory_space<vmem_shared>>)
      tpu.yield
    }) : () -> ()
    %barrier3A = arith.constant 0 : index
    tpu.barrier barrier_id(%barrier3A)
    %mul3A_47 = arith.constant 320 : i32
    %mul3A_48 = arith.muli %arg1, %mul3A_47 : i32
    %scan3A_49 = arith.constant 0 : i32
    %scan3A_50 = arith.constant 0 : i32
    %scan3A_51 = arith.constant 8 : i32
    %scan3A_52 = arith.addi %scan3A_50, %scan3A_51 : i32
    %scan3A_53 = arith.constant 1 : i32
    %scan3A_54 = scf.for %scan3A_64 = %scan3A_50 to %scan3A_52 step %scan3A_53 iter_args(%scan3A_65 = %scan3A_49) -> (i32)  : i32 {
      %mul3A_66 = arith.constant 40 : i32
      %mul3A_67 = arith.muli %scan3A_64, %mul3A_66 : i32
      %mul3A_68 = arith.constant 40 : i32
      %mul3A_69 = arith.muli %scan3A_64, %mul3A_68 : i32
      %add3A_70 = arith.addi %mul3A_48, %mul3A_69 : i32
      "tpu.region"() ({
        %run_scoped3A = tpu.sem_alloc : memref<!tpu.dma_semaphore, #tpu.memory_space<semaphore_mem>>
        %dma_start3A_151 = arith.constant 0 : i32
        %dma_start3A_152 = tpu.memref_slice %arg3[%add3A_70, %dma_start3A_151] : memref<5120x64xi32, #tpu.memory_space<hbm>> -> memref<40x64xi32, #tpu.memory_space<hbm>>
        %dma_start3A_153 = arith.constant 0 : i32
        %dma_start3A_154 = tpu.memref_slice %arg3[%add3A_70, %dma_start3A_153] : memref<5120x64xi32, #tpu.memory_space<hbm>> -> memref<40x64xi32, #tpu.memory_space<hbm>>
        tpu.enqueue_dma source(%dma_start3A_154 : memref<40x64xi32, #tpu.memory_space<hbm>>) target(%arg11 : memref<40x64xi32, #tpu.memory_space<vmem>>) target_semaphore(%run_scoped3A : memref<!tpu.dma_semaphore, #tpu.memory_space<semaphore_mem>>)
        %dma_wait3A_155 = arith.constant 0 : i32
        %dma_wait3A_156 = tpu.memref_slice %arg3[%add3A_70, %dma_wait3A_155] : memref<5120x64xi32, #tpu.memory_space<hbm>> -> memref<40x64xi32, #tpu.memory_space<hbm>>
        %dma_wait3A_157 = arith.constant 0 : i32
        %dma_wait3A_158 = tpu.memref_slice %arg3[%add3A_70, %dma_wait3A_157] : memref<5120x64xi32, #tpu.memory_space<hbm>> -> memref<40x64xi32, #tpu.memory_space<hbm>>
        tpu.wait_dma2 semaphore(%run_scoped3A : memref<!tpu.dma_semaphore, #tpu.memory_space<semaphore_mem>>) src(%dma_wait3A_158 : memref<40x64xi32, #tpu.memory_space<hbm>>) dst(%arg11 : memref<40x64xi32, #tpu.memory_space<vmem>>)
        tpu.yield
      }) : () -> ()
      "tpu.region"() ({
        %run_scoped3A = tpu.sem_alloc : memref<!tpu.dma_semaphore, #tpu.memory_space<semaphore_mem>>
        %dma_start3A_151 = arith.constant 0 : i32
        %dma_start3A_152 = tpu.memref_slice %arg4[%add3A_70, %dma_start3A_151] : memref<5120x64xi32, #tpu.memory_space<hbm>> -> memref<40x64xi32, #tpu.memory_space<hbm>>
        %dma_start3A_153 = arith.constant 0 : i32
        %dma_start3A_154 = tpu.memref_slice %arg4[%add3A_70, %dma_start3A_153] : memref<5120x64xi32, #tpu.memory_space<hbm>> -> memref<40x64xi32, #tpu.memory_space<hbm>>
        tpu.enqueue_dma source(%dma_start3A_154 : memref<40x64xi32, #tpu.memory_space<hbm>>) target(%arg12 : memref<40x64xi32, #tpu.memory_space<vmem>>) target_semaphore(%run_scoped3A : memref<!tpu.dma_semaphore, #tpu.memory_space<semaphore_mem>>)
        %dma_wait3A_155 = arith.constant 0 : i32
        %dma_wait3A_156 = tpu.memref_slice %arg4[%add3A_70, %dma_wait3A_155] : memref<5120x64xi32, #tpu.memory_space<hbm>> -> memref<40x64xi32, #tpu.memory_space<hbm>>
        %dma_wait3A_157 = arith.constant 0 : i32
        %dma_wait3A_158 = tpu.memref_slice %arg4[%add3A_70, %dma_wait3A_157] : memref<5120x64xi32, #tpu.memory_space<hbm>> -> memref<40x64xi32, #tpu.memory_space<hbm>>
        tpu.wait_dma2 semaphore(%run_scoped3A : memref<!tpu.dma_semaphore, #tpu.memory_space<semaphore_mem>>) src(%dma_wait3A_158 : memref<40x64xi32, #tpu.memory_space<hbm>>) dst(%arg12 : memref<40x64xi32, #tpu.memory_space<vmem>>)
        tpu.yield
      }) : () -> ()
      "tpu.region"() ({
        %run_scoped3A = tpu.sem_alloc : memref<!tpu.dma_semaphore, #tpu.memory_space<semaphore_mem>>
        %dma_start3A_151 = arith.constant 0 : i32
        %dma_start3A_152 = tpu.memref_slice %arg5[%add3A_70, %dma_start3A_151] : memref<5120x64xf32, #tpu.memory_space<hbm>> -> memref<40x64xf32, #tpu.memory_space<hbm>>
        %dma_start3A_153 = arith.constant 0 : i32
        %dma_start3A_154 = tpu.memref_slice %arg5[%add3A_70, %dma_start3A_153] : memref<5120x64xf32, #tpu.memory_space<hbm>> -> memref<40x64xf32, #tpu.memory_space<hbm>>
        tpu.enqueue_dma source(%dma_start3A_154 : memref<40x64xf32, #tpu.memory_space<hbm>>) target(%arg13 : memref<40x64xf32, #tpu.memory_space<vmem>>) target_semaphore(%run_scoped3A : memref<!tpu.dma_semaphore, #tpu.memory_space<semaphore_mem>>)
        %dma_wait3A_155 = arith.constant 0 : i32
        %dma_wait3A_156 = tpu.memref_slice %arg5[%add3A_70, %dma_wait3A_155] : memref<5120x64xf32, #tpu.memory_space<hbm>> -> memref<40x64xf32, #tpu.memory_space<hbm>>
        %dma_wait3A_157 = arith.constant 0 : i32
        %dma_wait3A_158 = tpu.memref_slice %arg5[%add3A_70, %dma_wait3A_157] : memref<5120x64xf32, #tpu.memory_space<hbm>> -> memref<40x64xf32, #tpu.memory_space<hbm>>
        tpu.wait_dma2 semaphore(%run_scoped3A : memref<!tpu.dma_semaphore, #tpu.memory_space<semaphore_mem>>) src(%dma_wait3A_158 : memref<40x64xf32, #tpu.memory_space<hbm>>) dst(%arg13 : memref<40x64xf32, #tpu.memory_space<vmem>>)
        tpu.yield
      }) : () -> ()
      %scan3A_71 = arith.constant 0 : i32
      %scan3A_72 = arith.constant 0 : i32
      %scan3A_73 = arith.constant 40 : i32
      %scan3A_74 = arith.addi %scan3A_72, %scan3A_73 : i32
      %scan3A_75 = arith.constant 1 : i32
      %scan3A_76 = scf.for %scan3A_151 = %scan3A_72 to %scan3A_74 step %scan3A_75 iter_args(%scan3A_152 = %scan3A_71) -> (i32)  : i32 {
        %get3A = arith.index_cast %scan3A_151 : i32 to index
        %get3A_153 = arith.constant 0 : index
        %get3A_154 = tpu.vector_load %arg11[%get3A, %get3A_153] {strides = array<i32>} : memref<40x64xi32, #tpu.memory_space<vmem>>, vector<16xi32>,
        %add3A_155 = vector.broadcast %mul3A_0 : i32 to vector<16xi32>
        %add3A_156 = arith.addi %get3A_154, %add3A_155 : vector<16xi32>
        %swap3A = arith.index_cast %scan3A_151 : i32 to index
        %swap3A_157 = arith.constant 0 : index
        %swap3A_158 = tpu.vector_load %arg11[%swap3A, %swap3A_157] {strides = array<i32>} : memref<40x64xi32, #tpu.memory_space<vmem>>, vector<16xi32>,
        tpu.vector_store %arg11[%swap3A, %swap3A_157], %add3A_156 {strides = array<i32>} : memref<40x64xi32, #tpu.memory_space<vmem>>, vector<16xi32>,
        %get3A_159 = arith.index_cast %scan3A_151 : i32 to index
        %get3A_160 = arith.constant 16 : index
        %get3A_161 = tpu.vector_load %arg11[%get3A_159, %get3A_160] {strides = array<i32>} : memref<40x64xi32, #tpu.memory_space<vmem>>, vector<16xi32>,
        %add3A_162 = vector.broadcast %mul3A_0 : i32 to vector<16xi32>
        %add3A_163 = arith.addi %get3A_161, %add3A_162 : vector<16xi32>
        %swap3A_164 = arith.index_cast %scan3A_151 : i32 to index
        %swap3A_165 = arith.constant 16 : index
        %swap3A_166 = tpu.vector_load %arg11[%swap3A_164, %swap3A_165] {strides = array<i32>} : memref<40x64xi32, #tpu.memory_space<vmem>>, vector<16xi32>,
        tpu.vector_store %arg11[%swap3A_164, %swap3A_165], %add3A_163 {strides = array<i32>} : memref<40x64xi32, #tpu.memory_space<vmem>>, vector<16xi32>,
        %get3A_167 = arith.index_cast %scan3A_151 : i32 to index
        %get3A_168 = arith.constant 32 : index
        %get3A_169 = tpu.vector_load %arg11[%get3A_167, %get3A_168] {strides = array<i32>} : memref<40x64xi32, #tpu.memory_space<vmem>>, vector<16xi32>,
        %add3A_170 = vector.broadcast %mul3A_0 : i32 to vector<16xi32>
        %add3A_171 = arith.addi %get3A_169, %add3A_170 : vector<16xi32>
        %swap3A_172 = arith.index_cast %scan3A_151 : i32 to index
        %swap3A_173 = arith.constant 32 : index
        %swap3A_174 = tpu.vector_load %arg11[%swap3A_172, %swap3A_173] {strides = array<i32>} : memref<40x64xi32, #tpu.memory_space<vmem>>, vector<16xi32>,
        tpu.vector_store %arg11[%swap3A_172, %swap3A_173], %add3A_171 {strides = array<i32>} : memref<40x64xi32, #tpu.memory_space<vmem>>, vector<16xi32>,
        %get3A_175 = arith.index_cast %scan3A_151 : i32 to index
        %get3A_176 = arith.constant 48 : index
        %get3A_177 = tpu.vector_load %arg11[%get3A_175, %get3A_176] {strides = array<i32>} : memref<40x64xi32, #tpu.memory_space<vmem>>, vector<16xi32>,
        %add3A_178 = vector.broadcast %mul3A_0 : i32 to vector<16xi32>
        %add3A_179 = arith.addi %get3A_177, %add3A_178 : vector<16xi32>
        %swap3A_180 = arith.index_cast %scan3A_151 : i32 to index
        %swap3A_181 = arith.constant 48 : index
        %swap3A_182 = tpu.vector_load %arg11[%swap3A_180, %swap3A_181] {strides = array<i32>} : memref<40x64xi32, #tpu.memory_space<vmem>>, vector<16xi32>,
        tpu.vector_store %arg11[%swap3A_180, %swap3A_181], %add3A_179 {strides = array<i32>} : memref<40x64xi32, #tpu.memory_space<vmem>>, vector<16xi32>,
        %scan3A_183 = arith.constant 0 : i32
        scf.yield %scan3A_183 : i32
      }
      %scan3A_77 = arith.constant 40 : i32
      %sub3A = arith.subi %mul3A_67, %mul3A_67 : i32
      %dma_start3A = arith.constant 0 : i32
      %dma_start3A_78 = tpu.memref_slice %arg11[%sub3A, %dma_start3A] : memref<40x64xi32, #tpu.memory_space<vmem>> -> memref<1x64xi32, #tpu.memory_space<vmem>>
      %dma_start3A_79 = tpu.memref_squeeze %dma_start3A_78 : memref<1x64xi32, #tpu.memory_space<vmem>> -> memref<64xi32, #tpu.memory_space<vmem>>
      %dma_start3A_80 = arith.constant 0 : i32
      %dma_start3A_81 = arith.constant 0 : i32
      %dma_start3A_82 = tpu.memref_slice %arg2[%dma_start3A_80, %dma_start3A_81] : memref<20000x128xf32, #tpu.memory_space<hbm>> -> memref<20000x128xf32, #tpu.memory_space<hbm>>
      tpu.enqueue_indirect_dma source(%dma_start3A_82 : memref<20000x128xf32, #tpu.memory_space<hbm>>) target(%arg7 : memref<64x128xf32, #tpu.memory_space<vmem>>) offsets(%dma_start3A_79 : memref<64xi32, #tpu.memory_space<vmem>>) semaphore(%arg14 : memref<!tpu.dma_semaphore, #tpu.memory_space<semaphore_mem>>)
      %add3A_83 = arith.constant 1 : i32
      %add3A_84 = arith.addi %mul3A_67, %add3A_83 : i32
      %sub3A_85 = arith.subi %add3A_84, %mul3A_67 : i32
      %dma_start3A_86 = arith.constant 0 : i32
      %dma_start3A_87 = tpu.memref_slice %arg11[%sub3A_85, %dma_start3A_86] : memref<40x64xi32, #tpu.memory_space<vmem>> -> memref<1x64xi32, #tpu.memory_space<vmem>>
      %dma_start3A_88 = tpu.memref_squeeze %dma_start3A_87 : memref<1x64xi32, #tpu.memory_space<vmem>> -> memref<64xi32, #tpu.memory_space<vmem>>
      %dma_start3A_89 = arith.constant 0 : i32
      %dma_start3A_90 = arith.constant 0 : i32
      %dma_start3A_91 = tpu.memref_slice %arg2[%dma_start3A_89, %dma_start3A_90] : memref<20000x128xf32, #tpu.memory_space<hbm>> -> memref<20000x128xf32, #tpu.memory_space<hbm>>
      tpu.enqueue_indirect_dma source(%dma_start3A_91 : memref<20000x128xf32, #tpu.memory_space<hbm>>) target(%arg8 : memref<64x128xf32, #tpu.memory_space<vmem>>) offsets(%dma_start3A_88 : memref<64xi32, #tpu.memory_space<vmem>>) semaphore(%arg15 : memref<!tpu.dma_semaphore, #tpu.memory_space<semaphore_mem>>)
      %scan3A_92 = arith.constant 0 : i32
      %scan3A_93 = arith.constant 0 : i32
      %scan3A_94 = arith.constant 10 : i32
      %scan3A_95 = arith.addi %scan3A_93, %scan3A_94 : i32
      %scan3A_96 = arith.constant 1 : i32
      %scan3A_97 = scf.for %scan3A_151 = %scan3A_93 to %scan3A_95 step %scan3A_96 iter_args(%scan3A_152 = %scan3A_92) -> (i32)  : i32 {
        %mul3A_153 = arith.constant 4 : i32
        %mul3A_154 = arith.muli %mul3A_153, %scan3A_151 : i32
        %add3A_155 = arith.addi %mul3A_67, %mul3A_154 : i32
        %add3A_156 = arith.constant 0 : i32
        %add3A_157 = arith.addi %add3A_155, %add3A_156 : i32
        %gt3A = arith.constant 0 : i32
        %gt3A_158 = arith.cmpi sgt, %scan3A_151, %gt3A : i32
        %convert_element_type3A = arith.extui %gt3A_158 : i1 to i32
        %cond3A = arith.constant 0 : i32
        %cond3A_159 = arith.cmpi ne, %convert_element_type3A, %cond3A : i32
        scf.if %cond3A_159 {
          %sub3A_264 = arith.constant 2 : i32
          %sub3A_265 = arith.subi %add3A_157, %sub3A_264 : i32
          %sub3A_266 = arith.subi %sub3A_265, %mul3A_67 : i32
          %dma_wait3A_267 = arith.constant 0 : i32
          %dma_wait3A_268 = tpu.memref_slice %arg12[%sub3A_266, %dma_wait3A_267] : memref<40x64xi32, #tpu.memory_space<vmem>> -> memref<1x64xi32, #tpu.memory_space<vmem>>
          %dma_wait3A_269 = tpu.memref_squeeze %dma_wait3A_268 : memref<1x64xi32, #tpu.memory_space<vmem>> -> memref<64xi32, #tpu.memory_space<vmem>>
          %dma_wait3A_270 = arith.constant 0 : i32
          %dma_wait3A_271 = arith.constant 0 : i32
          %dma_wait3A_272 = tpu.memref_slice %arg22[%dma_wait3A_270, %dma_wait3A_271] : memref<10240x128xf32, #tpu.memory_space<vmem_shared>> -> memref<10240x128xf32, #tpu.memory_space<vmem_shared>>
          tpu.wait_indirect_dma semaphore(%arg20 : memref<!tpu.dma_semaphore, #tpu.memory_space<semaphore_mem>>) src(%arg9 : memref<64x128xf32, #tpu.memory_space<vmem>>) dst(%dma_wait3A_272 : memref<10240x128xf32, #tpu.memory_space<vmem_shared>>)
        } else {
        }
        %add3A_160 = arith.constant 2 : i32
        %add3A_161 = arith.addi %add3A_157, %add3A_160 : i32
        %sub3A_162 = arith.subi %add3A_161, %mul3A_67 : i32
        %dma_start3A_163 = arith.constant 0 : i32
        %dma_start3A_164 = tpu.memref_slice %arg11[%sub3A_162, %dma_start3A_163] : memref<40x64xi32, #tpu.memory_space<vmem>> -> memref<1x64xi32, #tpu.memory_space<vmem>>
        %dma_start3A_165 = tpu.memref_squeeze %dma_start3A_164 : memref<1x64xi32, #tpu.memory_space<vmem>> -> memref<64xi32, #tpu.memory_space<vmem>>
        %dma_start3A_166 = arith.constant 0 : i32
        %dma_start3A_167 = arith.constant 0 : i32
        %dma_start3A_168 = tpu.memref_slice %arg2[%dma_start3A_166, %dma_start3A_167] : memref<20000x128xf32, #tpu.memory_space<hbm>> -> memref<20000x128xf32, #tpu.memory_space<hbm>>
        tpu.enqueue_indirect_dma source(%dma_start3A_168 : memref<20000x128xf32, #tpu.memory_space<hbm>>) target(%arg9 : memref<64x128xf32, #tpu.memory_space<vmem>>) offsets(%dma_start3A_165 : memref<64xi32, #tpu.memory_space<vmem>>) semaphore(%arg16 : memref<!tpu.dma_semaphore, #tpu.memory_space<semaphore_mem>>)
        %sub3A_169 = arith.subi %add3A_157, %mul3A_67 : i32
        %dma_wait3A_170 = arith.constant 0 : i32
        %dma_wait3A_171 = tpu.memref_slice %arg11[%sub3A_169, %dma_wait3A_170] : memref<40x64xi32, #tpu.memory_space<vmem>> -> memref<1x64xi32, #tpu.memory_space<vmem>>
        %dma_wait3A_172 = tpu.memref_squeeze %dma_wait3A_171 : memref<1x64xi32, #tpu.memory_space<vmem>> -> memref<64xi32, #tpu.memory_space<vmem>>
        %dma_wait3A_173 = arith.constant 0 : i32
        %dma_wait3A_174 = arith.constant 0 : i32
        %dma_wait3A_175 = tpu.memref_slice %arg2[%dma_wait3A_173, %dma_wait3A_174] : memref<20000x128xf32, #tpu.memory_space<hbm>> -> memref<20000x128xf32, #tpu.memory_space<hbm>>
        tpu.wait_indirect_dma semaphore(%arg14 : memref<!tpu.dma_semaphore, #tpu.memory_space<semaphore_mem>>) src(%dma_wait3A_175 : memref<20000x128xf32, #tpu.memory_space<hbm>>) dst(%arg7 : memref<64x128xf32, #tpu.memory_space<vmem>>)
        %sub3A_176 = arith.subi %add3A_157, %mul3A_67 : i32
        %dma_start3A_177 = arith.constant 0 : i32
        %dma_start3A_178 = tpu.memref_slice %arg12[%sub3A_176, %dma_start3A_177] : memref<40x64xi32, #tpu.memory_space<vmem>> -> memref<1x64xi32, #tpu.memory_space<vmem>>
        %dma_start3A_179 = tpu.memref_squeeze %dma_start3A_178 : memref<1x64xi32, #tpu.memory_space<vmem>> -> memref<64xi32, #tpu.memory_space<vmem>>
        %dma_start3A_180 = arith.constant 0 : i32
        %dma_start3A_181 = arith.constant 0 : i32
        %dma_start3A_182 = tpu.memref_slice %arg22[%dma_start3A_180, %dma_start3A_181] : memref<10240x128xf32, #tpu.memory_space<vmem_shared>> -> memref<10240x128xf32, #tpu.memory_space<vmem_shared>>
        tpu.enqueue_indirect_dma source(%arg7 : memref<64x128xf32, #tpu.memory_space<vmem>>) target(%dma_start3A_182 : memref<10240x128xf32, #tpu.memory_space<vmem_shared>>) offsets(%dma_start3A_179 : memref<64xi32, #tpu.memory_space<vmem>>) semaphore(%arg18 : memref<!tpu.dma_semaphore, #tpu.memory_space<semaphore_mem>>) {add = true}
        %mul3A_183 = arith.constant 4 : i32
        %mul3A_184 = arith.muli %mul3A_183, %scan3A_151 : i32
        %add3A_185 = arith.addi %mul3A_67, %mul3A_184 : i32
        %add3A_186 = arith.constant 1 : i32
        %add3A_187 = arith.addi %add3A_185, %add3A_186 : i32
        %gt3A_188 = arith.constant 0 : i32
        %gt3A_189 = arith.cmpi sgt, %scan3A_151, %gt3A_188 : i32
        %convert_element_type3A_190 = arith.extui %gt3A_189 : i1 to i32
        %cond3A_191 = arith.constant 0 : i32
        %cond3A_192 = arith.cmpi ne, %convert_element_type3A_190, %cond3A_191 : i32
        scf.if %cond3A_192 {
          %sub3A_264 = arith.constant 2 : i32
          %sub3A_265 = arith.subi %add3A_187, %sub3A_264 : i32
          %sub3A_266 = arith.subi %sub3A_265, %mul3A_67 : i32
          %dma_wait3A_267 = arith.constant 0 : i32
          %dma_wait3A_268 = tpu.memref_slice %arg12[%sub3A_266, %dma_wait3A_267] : memref<40x64xi32, #tpu.memory_space<vmem>> -> memref<1x64xi32, #tpu.memory_space<vmem>>
          %dma_wait3A_269 = tpu.memref_squeeze %dma_wait3A_268 : memref<1x64xi32, #tpu.memory_space<vmem>> -> memref<64xi32, #tpu.memory_space<vmem>>
          %dma_wait3A_270 = arith.constant 0 : i32
          %dma_wait3A_271 = arith.constant 0 : i32
          %dma_wait3A_272 = tpu.memref_slice %arg22[%dma_wait3A_270, %dma_wait3A_271] : memref<10240x128xf32, #tpu.memory_space<vmem_shared>> -> memref<10240x128xf32, #tpu.memory_space<vmem_shared>>
          tpu.wait_indirect_dma semaphore(%arg21 : memref<!tpu.dma_semaphore, #tpu.memory_space<semaphore_mem>>) src(%arg10 : memref<64x128xf32, #tpu.memory_space<vmem>>) dst(%dma_wait3A_272 : memref<10240x128xf32, #tpu.memory_space<vmem_shared>>)
        } else {
        }
        %add3A_193 = arith.constant 2 : i32
        %add3A_194 = arith.addi %add3A_187, %add3A_193 : i32
        %sub3A_195 = arith.subi %add3A_194, %mul3A_67 : i32
        %dma_start3A_196 = arith.constant 0 : i32
        %dma_start3A_197 = tpu.memref_slice %arg11[%sub3A_195, %dma_start3A_196] : memref<40x64xi32, #tpu.memory_space<vmem>> -> memref<1x64xi32, #tpu.memory_space<vmem>>
        %dma_start3A_198 = tpu.memref_squeeze %dma_start3A_197 : memref<1x64xi32, #tpu.memory_space<vmem>> -> memref<64xi32, #tpu.memory_space<vmem>>
        %dma_start3A_199 = arith.constant 0 : i32
        %dma_start3A_200 = arith.constant 0 : i32
        %dma_start3A_201 = tpu.memref_slice %arg2[%dma_start3A_199, %dma_start3A_200] : memref<20000x128xf32, #tpu.memory_space<hbm>> -> memref<20000x128xf32, #tpu.memory_space<hbm>>
        tpu.enqueue_indirect_dma source(%dma_start3A_201 : memref<20000x128xf32, #tpu.memory_space<hbm>>) target(%arg10 : memref<64x128xf32, #tpu.memory_space<vmem>>) offsets(%dma_start3A_198 : memref<64xi32, #tpu.memory_space<vmem>>) semaphore(%arg17 : memref<!tpu.dma_semaphore, #tpu.memory_space<semaphore_mem>>)
        %sub3A_202 = arith.subi %add3A_187, %mul3A_67 : i32
        %dma_wait3A_203 = arith.constant 0 : i32
        %dma_wait3A_204 = tpu.memref_slice %arg11[%sub3A_202, %dma_wait3A_203] : memref<40x64xi32, #tpu.memory_space<vmem>> -> memref<1x64xi32, #tpu.memory_space<vmem>>
        %dma_wait3A_205 = tpu.memref_squeeze %dma_wait3A_204 : memref<1x64xi32, #tpu.memory_space<vmem>> -> memref<64xi32, #tpu.memory_space<vmem>>
        %dma_wait3A_206 = arith.constant 0 : i32
        %dma_wait3A_207 = arith.constant 0 : i32
        %dma_wait3A_208 = tpu.memref_slice %arg2[%dma_wait3A_206, %dma_wait3A_207] : memref<20000x128xf32, #tpu.memory_space<hbm>> -> memref<20000x128xf32, #tpu.memory_space<hbm>>
        tpu.wait_indirect_dma semaphore(%arg15 : memref<!tpu.dma_semaphore, #tpu.memory_space<semaphore_mem>>) src(%dma_wait3A_208 : memref<20000x128xf32, #tpu.memory_space<hbm>>) dst(%arg8 : memref<64x128xf32, #tpu.memory_space<vmem>>)
        %sub3A_209 = arith.subi %add3A_187, %mul3A_67 : i32
        %dma_start3A_210 = arith.constant 0 : i32
        %dma_start3A_211 = tpu.memref_slice %arg12[%sub3A_209, %dma_start3A_210] : memref<40x64xi32, #tpu.memory_space<vmem>> -> memref<1x64xi32, #tpu.memory_space<vmem>>
        %dma_start3A_212 = tpu.memref_squeeze %dma_start3A_211 : memref<1x64xi32, #tpu.memory_space<vmem>> -> memref<64xi32, #tpu.memory_space<vmem>>
        %dma_start3A_213 = arith.constant 0 : i32
        %dma_start3A_214 = arith.constant 0 : i32
        %dma_start3A_215 = tpu.memref_slice %arg22[%dma_start3A_213, %dma_start3A_214] : memref<10240x128xf32, #tpu.memory_space<vmem_shared>> -> memref<10240x128xf32, #tpu.memory_space<vmem_shared>>
        tpu.enqueue_indirect_dma source(%arg8 : memref<64x128xf32, #tpu.memory_space<vmem>>) target(%dma_start3A_215 : memref<10240x128xf32, #tpu.memory_space<vmem_shared>>) offsets(%dma_start3A_212 : memref<64xi32, #tpu.memory_space<vmem>>) semaphore(%arg19 : memref<!tpu.dma_semaphore, #tpu.memory_space<semaphore_mem>>) {add = true}
        %mul3A_216 = arith.constant 4 : i32
        %mul3A_217 = arith.muli %mul3A_216, %scan3A_151 : i32
        %add3A_218 = arith.addi %mul3A_67, %mul3A_217 : i32
        %add3A_219 = arith.constant 2 : i32
        %add3A_220 = arith.addi %add3A_218, %add3A_219 : i32
        %lt3A = arith.constant 9 : i32
        %lt3A_221 = arith.cmpi slt, %scan3A_151, %lt3A : i32
        %convert_element_type3A_222 = arith.extui %lt3A_221 : i1 to i32
        %cond3A_223 = arith.constant 0 : i32
        %cond3A_224 = arith.cmpi ne, %convert_element_type3A_222, %cond3A_223 : i32
        scf.if %cond3A_224 {
          %sub3A_264 = arith.constant 2 : i32
          %sub3A_265 = arith.subi %add3A_220, %sub3A_264 : i32
          %sub3A_266 = arith.subi %sub3A_265, %mul3A_67 : i32
          %dma_wait3A_267 = arith.constant 0 : i32
          %dma_wait3A_268 = tpu.memref_slice %arg12[%sub3A_266, %dma_wait3A_267] : memref<40x64xi32, #tpu.memory_space<vmem>> -> memref<1x64xi32, #tpu.memory_space<vmem>>
          %dma_wait3A_269 = tpu.memref_squeeze %dma_wait3A_268 : memref<1x64xi32, #tpu.memory_space<vmem>> -> memref<64xi32, #tpu.memory_space<vmem>>
          %dma_wait3A_270 = arith.constant 0 : i32
          %dma_wait3A_271 = arith.constant 0 : i32
          %dma_wait3A_272 = tpu.memref_slice %arg22[%dma_wait3A_270, %dma_wait3A_271] : memref<10240x128xf32, #tpu.memory_space<vmem_shared>> -> memref<10240x128xf32, #tpu.memory_space<vmem_shared>>
          tpu.wait_indirect_dma semaphore(%arg18 : memref<!tpu.dma_semaphore, #tpu.memory_space<semaphore_mem>>) src(%arg7 : memref<64x128xf32, #tpu.memory_space<vmem>>) dst(%dma_wait3A_272 : memref<10240x128xf32, #tpu.memory_space<vmem_shared>>)
          %add3A_273 = arith.constant 2 : i32
          %add3A_274 = arith.addi %add3A_220, %add3A_273 : i32
          %sub3A_275 = arith.subi %add3A_274, %mul3A_67 : i32
          %dma_start3A_276 = arith.constant 0 : i32
          %dma_start3A_277 = tpu.memref_slice %arg11[%sub3A_275, %dma_start3A_276] : memref<40x64xi32, #tpu.memory_space<vmem>> -> memref<1x64xi32, #tpu.memory_space<vmem>>
          %dma_start3A_278 = tpu.memref_squeeze %dma_start3A_277 : memref<1x64xi32, #tpu.memory_space<vmem>> -> memref<64xi32, #tpu.memory_space<vmem>>
          %dma_start3A_279 = arith.constant 0 : i32
          %dma_start3A_280 = arith.constant 0 : i32
          %dma_start3A_281 = tpu.memref_slice %arg2[%dma_start3A_279, %dma_start3A_280] : memref<20000x128xf32, #tpu.memory_space<hbm>> -> memref<20000x128xf32, #tpu.memory_space<hbm>>
          tpu.enqueue_indirect_dma source(%dma_start3A_281 : memref<20000x128xf32, #tpu.memory_space<hbm>>) target(%arg7 : memref<64x128xf32, #tpu.memory_space<vmem>>) offsets(%dma_start3A_278 : memref<64xi32, #tpu.memory_space<vmem>>) semaphore(%arg14 : memref<!tpu.dma_semaphore, #tpu.memory_space<semaphore_mem>>)
        } else {
        }
        %sub3A_225 = arith.subi %add3A_220, %mul3A_67 : i32
        %dma_wait3A_226 = arith.constant 0 : i32
        %dma_wait3A_227 = tpu.memref_slice %arg11[%sub3A_225, %dma_wait3A_226] : memref<40x64xi32, #tpu.memory_space<vmem>> -> memref<1x64xi32, #tpu.memory_space<vmem>>
        %dma_wait3A_228 = tpu.memref_squeeze %dma_wait3A_227 : memref<1x64xi32, #tpu.memory_space<vmem>> -> memref<64xi32, #tpu.memory_space<vmem>>
        %dma_wait3A_229 = arith.constant 0 : i32
        %dma_wait3A_230 = arith.constant 0 : i32
        %dma_wait3A_231 = tpu.memref_slice %arg2[%dma_wait3A_229, %dma_wait3A_230] : memref<20000x128xf32, #tpu.memory_space<hbm>> -> memref<20000x128xf32, #tpu.memory_space<hbm>>
        tpu.wait_indirect_dma semaphore(%arg16 : memref<!tpu.dma_semaphore, #tpu.memory_space<semaphore_mem>>) src(%dma_wait3A_231 : memref<20000x128xf32, #tpu.memory_space<hbm>>) dst(%arg9 : memref<64x128xf32, #tpu.memory_space<vmem>>)
        %sub3A_232 = arith.subi %add3A_220, %mul3A_67 : i32
        %dma_start3A_233 = arith.constant 0 : i32
        %dma_start3A_234 = tpu.memref_slice %arg12[%sub3A_232, %dma_start3A_233] : memref<40x64xi32, #tpu.memory_space<vmem>> -> memref<1x64xi32, #tpu.memory_space<vmem>>
        %dma_start3A_235 = tpu.memref_squeeze %dma_start3A_234 : memref<1x64xi32, #tpu.memory_space<vmem>> -> memref<64xi32, #tpu.memory_space<vmem>>
        %dma_start3A_236 = arith.constant 0 : i32
        %dma_start3A_237 = arith.constant 0 : i32
        %dma_start3A_238 = tpu.memref_slice %arg22[%dma_start3A_236, %dma_start3A_237] : memref<10240x128xf32, #tpu.memory_space<vmem_shared>> -> memref<10240x128xf32, #tpu.memory_space<vmem_shared>>
        tpu.enqueue_indirect_dma source(%arg9 : memref<64x128xf32, #tpu.memory_space<vmem>>) target(%dma_start3A_238 : memref<10240x128xf32, #tpu.memory_space<vmem_shared>>) offsets(%dma_start3A_235 : memref<64xi32, #tpu.memory_space<vmem>>) semaphore(%arg20 : memref<!tpu.dma_semaphore, #tpu.memory_space<semaphore_mem>>) {add = true}
        %mul3A_239 = arith.constant 4 : i32
        %mul3A_240 = arith.muli %mul3A_239, %scan3A_151 : i32
        %add3A_241 = arith.addi %mul3A_67, %mul3A_240 : i32
        %add3A_242 = arith.constant 3 : i32
        %add3A_243 = arith.addi %add3A_241, %add3A_242 : i32
        %lt3A_244 = arith.constant 9 : i32
        %lt3A_245 = arith.cmpi slt, %scan3A_151, %lt3A_244 : i32
        %convert_element_type3A_246 = arith.extui %lt3A_245 : i1 to i32
        %cond3A_247 = arith.constant 0 : i32
        %cond3A_248 = arith.cmpi ne, %convert_element_type3A_246, %cond3A_247 : i32
        scf.if %cond3A_248 {
          %sub3A_264 = arith.constant 2 : i32
          %sub3A_265 = arith.subi %add3A_243, %sub3A_264 : i32
          %sub3A_266 = arith.subi %sub3A_265, %mul3A_67 : i32
          %dma_wait3A_267 = arith.constant 0 : i32
          %dma_wait3A_268 = tpu.memref_slice %arg12[%sub3A_266, %dma_wait3A_267] : memref<40x64xi32, #tpu.memory_space<vmem>> -> memref<1x64xi32, #tpu.memory_space<vmem>>
          %dma_wait3A_269 = tpu.memref_squeeze %dma_wait3A_268 : memref<1x64xi32, #tpu.memory_space<vmem>> -> memref<64xi32, #tpu.memory_space<vmem>>
          %dma_wait3A_270 = arith.constant 0 : i32
          %dma_wait3A_271 = arith.constant 0 : i32
          %dma_wait3A_272 = tpu.memref_slice %arg22[%dma_wait3A_270, %dma_wait3A_271] : memref<10240x128xf32, #tpu.memory_space<vmem_shared>> -> memref<10240x128xf32, #tpu.memory_space<vmem_shared>>
          tpu.wait_indirect_dma semaphore(%arg19 : memref<!tpu.dma_semaphore, #tpu.memory_space<semaphore_mem>>) src(%arg8 : memref<64x128xf32, #tpu.memory_space<vmem>>) dst(%dma_wait3A_272 : memref<10240x128xf32, #tpu.memory_space<vmem_shared>>)
          %add3A_273 = arith.constant 2 : i32
          %add3A_274 = arith.addi %add3A_243, %add3A_273 : i32
          %sub3A_275 = arith.subi %add3A_274, %mul3A_67 : i32
          %dma_start3A_276 = arith.constant 0 : i32
          %dma_start3A_277 = tpu.memref_slice %arg11[%sub3A_275, %dma_start3A_276] : memref<40x64xi32, #tpu.memory_space<vmem>> -> memref<1x64xi32, #tpu.memory_space<vmem>>
          %dma_start3A_278 = tpu.memref_squeeze %dma_start3A_277 : memref<1x64xi32, #tpu.memory_space<vmem>> -> memref<64xi32, #tpu.memory_space<vmem>>
          %dma_start3A_279 = arith.constant 0 : i32
          %dma_start3A_280 = arith.constant 0 : i32
          %dma_start3A_281 = tpu.memref_slice %arg2[%dma_start3A_279, %dma_start3A_280] : memref<20000x128xf32, #tpu.memory_space<hbm>> -> memref<20000x128xf32, #tpu.memory_space<hbm>>
          tpu.enqueue_indirect_dma source(%dma_start3A_281 : memref<20000x128xf32, #tpu.memory_space<hbm>>) target(%arg8 : memref<64x128xf32, #tpu.memory_space<vmem>>) offsets(%dma_start3A_278 : memref<64xi32, #tpu.memory_space<vmem>>) semaphore(%arg15 : memref<!tpu.dma_semaphore, #tpu.memory_space<semaphore_mem>>)
        } else {
        }
        %sub3A_249 = arith.subi %add3A_243, %mul3A_67 : i32
        %dma_wait3A_250 = arith.constant 0 : i32
        %dma_wait3A_251 = tpu.memref_slice %arg11[%sub3A_249, %dma_wait3A_250] : memref<40x64xi32, #tpu.memory_space<vmem>> -> memref<1x64xi32, #tpu.memory_space<vmem>>
        %dma_wait3A_252 = tpu.memref_squeeze %dma_wait3A_251 : memref<1x64xi32, #tpu.memory_space<vmem>> -> memref<64xi32, #tpu.memory_space<vmem>>
        %dma_wait3A_253 = arith.constant 0 : i32
        %dma_wait3A_254 = arith.constant 0 : i32
        %dma_wait3A_255 = tpu.memref_slice %arg2[%dma_wait3A_253, %dma_wait3A_254] : memref<20000x128xf32, #tpu.memory_space<hbm>> -> memref<20000x128xf32, #tpu.memory_space<hbm>>
        tpu.wait_indirect_dma semaphore(%arg17 : memref<!tpu.dma_semaphore, #tpu.memory_space<semaphore_mem>>) src(%dma_wait3A_255 : memref<20000x128xf32, #tpu.memory_space<hbm>>) dst(%arg10 : memref<64x128xf32, #tpu.memory_space<vmem>>)
        %sub3A_256 = arith.subi %add3A_243, %mul3A_67 : i32
        %dma_start3A_257 = arith.constant 0 : i32
        %dma_start3A_258 = tpu.memref_slice %arg12[%sub3A_256, %dma_start3A_257] : memref<40x64xi32, #tpu.memory_space<vmem>> -> memref<1x64xi32, #tpu.memory_space<vmem>>
        %dma_start3A_259 = tpu.memref_squeeze %dma_start3A_258 : memref<1x64xi32, #tpu.memory_space<vmem>> -> memref<64xi32, #tpu.memory_space<vmem>>
        %dma_start3A_260 = arith.constant 0 : i32
        %dma_start3A_261 = arith.constant 0 : i32
        %dma_start3A_262 = tpu.memref_slice %arg22[%dma_start3A_260, %dma_start3A_261] : memref<10240x128xf32, #tpu.memory_space<vmem_shared>> -> memref<10240x128xf32, #tpu.memory_space<vmem_shared>>
        tpu.enqueue_indirect_dma source(%arg10 : memref<64x128xf32, #tpu.memory_space<vmem>>) target(%dma_start3A_262 : memref<10240x128xf32, #tpu.memory_space<vmem_shared>>) offsets(%dma_start3A_259 : memref<64xi32, #tpu.memory_space<vmem>>) semaphore(%arg21 : memref<!tpu.dma_semaphore, #tpu.memory_space<semaphore_mem>>) {add = true}
        %scan3A_263 = arith.constant 0 : i32
        scf.yield %scan3A_263 : i32
      }
      %scan3A_98 = arith.constant 10 : i32
      %add3A_99 = arith.constant 40 : i32
      %add3A_100 = arith.addi %mul3A_67, %add3A_99 : i32
      %sub3A_101 = arith.constant 4 : i32
      %sub3A_102 = arith.subi %add3A_100, %sub3A_101 : i32
      %add3A_103 = arith.constant 0 : i32
      %add3A_104 = arith.addi %sub3A_102, %add3A_103 : i32
      %sub3A_105 = arith.subi %add3A_104, %mul3A_67 : i32
      %dma_wait3A = arith.constant 0 : i32
      %dma_wait3A_106 = tpu.memref_slice %arg12[%sub3A_105, %dma_wait3A] : memref<40x64xi32, #tpu.memory_space<vmem>> -> memref<1x64xi32, #tpu.memory_space<vmem>>
      %dma_wait3A_107 = tpu.memref_squeeze %dma_wait3A_106 : memref<1x64xi32, #tpu.memory_space<vmem>> -> memref<64xi32, #tpu.memory_space<vmem>>
      %dma_wait3A_108 = arith.constant 0 : i32
      %dma_wait3A_109 = arith.constant 0 : i32
      %dma_wait3A_110 = tpu.memref_slice %arg22[%dma_wait3A_108, %dma_wait3A_109] : memref<10240x128xf32, #tpu.memory_space<vmem_shared>> -> memref<10240x128xf32, #tpu.memory_space<vmem_shared>>
      tpu.wait_indirect_dma semaphore(%arg18 : memref<!tpu.dma_semaphore, #tpu.memory_space<semaphore_mem>>) src(%arg7 : memref<64x128xf32, #tpu.memory_space<vmem>>) dst(%dma_wait3A_110 : memref<10240x128xf32, #tpu.memory_space<vmem_shared>>)
      %add3A_111 = arith.constant 40 : i32
      %add3A_112 = arith.addi %mul3A_67, %add3A_111 : i32
      %sub3A_113 = arith.constant 4 : i32
      %sub3A_114 = arith.subi %add3A_112, %sub3A_113 : i32
      %add3A_115 = arith.constant 1 : i32
      %add3A_116 = arith.addi %sub3A_114, %add3A_115 : i32
      %sub3A_117 = arith.subi %add3A_116, %mul3A_67 : i32
      %dma_wait3A_118 = arith.constant 0 : i32
      %dma_wait3A_119 = tpu.memref_slice %arg12[%sub3A_117, %dma_wait3A_118] : memref<40x64xi32, #tpu.memory_space<vmem>> -> memref<1x64xi32, #tpu.memory_space<vmem>>
      %dma_wait3A_120 = tpu.memref_squeeze %dma_wait3A_119 : memref<1x64xi32, #tpu.memory_space<vmem>> -> memref<64xi32, #tpu.memory_space<vmem>>
      %dma_wait3A_121 = arith.constant 0 : i32
      %dma_wait3A_122 = arith.constant 0 : i32
      %dma_wait3A_123 = tpu.memref_slice %arg22[%dma_wait3A_121, %dma_wait3A_122] : memref<10240x128xf32, #tpu.memory_space<vmem_shared>> -> memref<10240x128xf32, #tpu.memory_space<vmem_shared>>
      tpu.wait_indirect_dma semaphore(%arg19 : memref<!tpu.dma_semaphore, #tpu.memory_space<semaphore_mem>>) src(%arg8 : memref<64x128xf32, #tpu.memory_space<vmem>>) dst(%dma_wait3A_123 : memref<10240x128xf32, #tpu.memory_space<vmem_shared>>)
      %add3A_124 = arith.constant 40 : i32
      %add3A_125 = arith.addi %mul3A_67, %add3A_124 : i32
      %sub3A_126 = arith.constant 4 : i32
      %sub3A_127 = arith.subi %add3A_125, %sub3A_126 : i32
      %add3A_128 = arith.constant 2 : i32
      %add3A_129 = arith.addi %sub3A_127, %add3A_128 : i32
      %sub3A_130 = arith.subi %add3A_129, %mul3A_67 : i32
      %dma_wait3A_131 = arith.constant 0 : i32
      %dma_wait3A_132 = tpu.memref_slice %arg12[%sub3A_130, %dma_wait3A_131] : memref<40x64xi32, #tpu.memory_space<vmem>> -> memref<1x64xi32, #tpu.memory_space<vmem>>
      %dma_wait3A_133 = tpu.memref_squeeze %dma_wait3A_132 : memref<1x64xi32, #tpu.memory_space<vmem>> -> memref<64xi32, #tpu.memory_space<vmem>>
      %dma_wait3A_134 = arith.constant 0 : i32
      %dma_wait3A_135 = arith.constant 0 : i32
      %dma_wait3A_136 = tpu.memref_slice %arg22[%dma_wait3A_134, %dma_wait3A_135] : memref<10240x128xf32, #tpu.memory_space<vmem_shared>> -> memref<10240x128xf32, #tpu.memory_space<vmem_shared>>
      tpu.wait_indirect_dma semaphore(%arg20 : memref<!tpu.dma_semaphore, #tpu.memory_space<semaphore_mem>>) src(%arg9 : memref<64x128xf32, #tpu.memory_space<vmem>>) dst(%dma_wait3A_136 : memref<10240x128xf32, #tpu.memory_space<vmem_shared>>)
      %add3A_137 = arith.constant 40 : i32
      %add3A_138 = arith.addi %mul3A_67, %add3A_137 : i32
      %sub3A_139 = arith.constant 4 : i32
      %sub3A_140 = arith.subi %add3A_138, %sub3A_139 : i32
      %add3A_141 = arith.constant 3 : i32
      %add3A_142 = arith.addi %sub3A_140, %add3A_141 : i32
      %sub3A_143 = arith.subi %add3A_142, %mul3A_67 : i32
      %dma_wait3A_144 = arith.constant 0 : i32
      %dma_wait3A_145 = tpu.memref_slice %arg12[%sub3A_143, %dma_wait3A_144] : memref<40x64xi32, #tpu.memory_space<vmem>> -> memref<1x64xi32, #tpu.memory_space<vmem>>
      %dma_wait3A_146 = tpu.memref_squeeze %dma_wait3A_145 : memref<1x64xi32, #tpu.memory_space<vmem>> -> memref<64xi32, #tpu.memory_space<vmem>>
      %dma_wait3A_147 = arith.constant 0 : i32
      %dma_wait3A_148 = arith.constant 0 : i32
      %dma_wait3A_149 = tpu.memref_slice %arg22[%dma_wait3A_147, %dma_wait3A_148] : memref<10240x128xf32, #tpu.memory_space<vmem_shared>> -> memref<10240x128xf32, #tpu.memory_space<vmem_shared>>
      tpu.wait_indirect_dma semaphore(%arg21 : memref<!tpu.dma_semaphore, #tpu.memory_space<semaphore_mem>>) src(%arg10 : memref<64x128xf32, #tpu.memory_space<vmem>>) dst(%dma_wait3A_149 : memref<10240x128xf32, #tpu.memory_space<vmem_shared>>)
      %scan3A_150 = arith.constant 0 : i32
      scf.yield %scan3A_150 : i32
    }
    %scan3A_55 = arith.constant 8 : i32
    %barrier3A_56 = arith.constant 0 : index
    tpu.barrier barrier_id(%barrier3A_56)
    %mul3A_57 = arith.constant 640 : i32
    %mul3A_58 = arith.muli %arg1, %mul3A_57 : i32
    %mul3A_59 = arith.constant 10240 : i32
    %mul3A_60 = arith.muli %arg0, %mul3A_59 : i32
    %mul3A_61 = arith.constant 640 : i32
    %mul3A_62 = arith.muli %arg1, %mul3A_61 : i32
    %add3A_63 = arith.addi %mul3A_60, %mul3A_62 : i32
    "tpu.region"() ({
      %run_scoped3A = tpu.sem_alloc : memref<!tpu.dma_semaphore, #tpu.memory_space<semaphore_mem>>
      %dma_start3A = arith.constant 0 : i32
      %dma_start3A_64 = tpu.memref_slice %arg6[%add3A_63, %dma_start3A] : memref<20480x128xf32, #tpu.memory_space<hbm>> -> memref<640x128xf32, #tpu.memory_space<hbm>>
      %dma_start3A_65 = arith.constant 0 : i32
      %dma_start3A_66 = tpu.memref_slice %arg22[%mul3A_58, %dma_start3A_65] : memref<10240x128xf32, #tpu.memory_space<vmem_shared>> -> memref<640x128xf32, #tpu.memory_space<vmem_shared>>
      tpu.enqueue_dma source(%dma_start3A_66 : memref<640x128xf32, #tpu.memory_space<vmem_shared>>) target(%dma_start3A_64 : memref<640x128xf32, #tpu.memory_space<hbm>>) target_semaphore(%run_scoped3A : memref<!tpu.dma_semaphore, #tpu.memory_space<semaphore_mem>>)
      %dma_wait3A = arith.constant 0 : i32
      %dma_wait3A_67 = tpu.memref_slice %arg6[%add3A_63, %dma_wait3A] : memref<20480x128xf32, #tpu.memory_space<hbm>> -> memref<640x128xf32, #tpu.memory_space<hbm>>
      %dma_wait3A_68 = arith.constant 0 : i32
      %dma_wait3A_69 = tpu.memref_slice %arg22[%mul3A_58, %dma_wait3A_68] : memref<10240x128xf32, #tpu.memory_space<vmem_shared>> -> memref<640x128xf32, #tpu.memory_space<vmem_shared>>
      tpu.wait_dma2 semaphore(%run_scoped3A : memref<!tpu.dma_semaphore, #tpu.memory_space<semaphore_mem>>) src(%dma_wait3A_69 : memref<640x128xf32, #tpu.memory_space<vmem_shared>>) dst(%dma_wait3A_67 : memref<640x128xf32, #tpu.memory_space<hbm>>)
      tpu.yield
    }) : () -> ()
    return
  }
}

#map = affine_map<(d0, d1) -> (0)>
module attributes {stable_mosaic.version = 14 : i64} {
  func.func @_edge_body(%arg0: i32, %arg1: i32, %arg2: memref<10240xf32, #tpu.memory_space<hbm>>, %arg3: memref<10240xf32, #tpu.memory_space<hbm>>, %arg4: memref<320000xi32, #tpu.memory_space<hbm>>, %arg5: memref<320000xi32, #tpu.memory_space<hbm>>, %arg6: memref<320000xf32, #tpu.memory_space<hbm>>, %arg7: memref<20480xf32, #tpu.memory_space<hbm>>, %arg8: memref<10240xf32, #tpu.memory_space<vmem>>, %arg9: memref<10240xf32, #tpu.memory_space<vmem>>, %arg10: memref<2000xi32, #tpu.memory_space<vmem>>, %arg11: memref<2000xi32, #tpu.memory_space<vmem>>, %arg12: memref<2000xf32, #tpu.memory_space<vmem>>, %arg13: memref<10240xf32, #tpu.memory_space<vmem>>, %arg14: memref<16x640xf32, #tpu.memory_space<vmem>>, %arg15: memref<640xf32, #tpu.memory_space<vmem>>, %arg16: memref<16x10240xf32, #tpu.memory_space<vmem_shared>>) attributes {dimension_semantics = [#tpu.dimension_semantics<core_parallel>, #tpu.dimension_semantics<subcore_parallel>], iteration_bounds = array<i64: 2, 16>, scalar_prefetch = 0 : i64, scratch_operands = 9 : i64, tpu.core_type = #tpu.core_type<sc_vector_subcore>, window_params = [{transform_indices = #map}, {transform_indices = #map}, {transform_indices = #map}, {transform_indices = #map}, {transform_indices = #map}, {transform_indices = #map}]} {
    "tpu.region"() ({
      %run_scoped3A = tpu.sem_alloc : memref<!tpu.dma_semaphore, #tpu.memory_space<semaphore_mem>>
      tpu.enqueue_dma source(%arg2 : memref<10240xf32, #tpu.memory_space<hbm>>) target(%arg8 : memref<10240xf32, #tpu.memory_space<vmem>>) target_semaphore(%run_scoped3A : memref<!tpu.dma_semaphore, #tpu.memory_space<semaphore_mem>>)
      tpu.wait_dma2 semaphore(%run_scoped3A : memref<!tpu.dma_semaphore, #tpu.memory_space<semaphore_mem>>) src(%arg2 : memref<10240xf32, #tpu.memory_space<hbm>>) dst(%arg8 : memref<10240xf32, #tpu.memory_space<vmem>>)
      tpu.yield
    }) : () -> ()
    "tpu.region"() ({
      %run_scoped3A = tpu.sem_alloc : memref<!tpu.dma_semaphore, #tpu.memory_space<semaphore_mem>>
      tpu.enqueue_dma source(%arg3 : memref<10240xf32, #tpu.memory_space<hbm>>) target(%arg9 : memref<10240xf32, #tpu.memory_space<vmem>>) target_semaphore(%run_scoped3A : memref<!tpu.dma_semaphore, #tpu.memory_space<semaphore_mem>>)
      tpu.wait_dma2 semaphore(%run_scoped3A : memref<!tpu.dma_semaphore, #tpu.memory_space<semaphore_mem>>) src(%arg3 : memref<10240xf32, #tpu.memory_space<hbm>>) dst(%arg9 : memref<10240xf32, #tpu.memory_space<vmem>>)
      tpu.yield
    }) : () -> ()
    %scan3A = arith.constant 0 : i32
    %scan3A_0 = arith.constant 0 : i32
    %scan3A_1 = arith.constant 640 : i32
    %scan3A_2 = arith.addi %scan3A_0, %scan3A_1 : i32
    %scan3A_3 = arith.constant 1 : i32
    %scan3A_4 = scf.for %scan3A_130 = %scan3A_0 to %scan3A_2 step %scan3A_3 iter_args(%scan3A_131 = %scan3A) -> (i32)  : i32 {
      %broadcast_in_dim3A_132 = arith.constant 0.000000e+00 : f32
      %broadcast_in_dim3A_133 = vector.broadcast %broadcast_in_dim3A_132 : f32 to vector<16xf32>
      %mul3A_134 = arith.constant 16 : i32
      %mul3A_135 = arith.muli %scan3A_130, %mul3A_134 : i32
      %swap3A = arith.index_cast %mul3A_135 : i32 to index
      %swap3A_136 = tpu.vector_load %arg13[%swap3A] {strides = array<i32>} : memref<10240xf32, #tpu.memory_space<vmem>>, vector<16xf32>,
      tpu.vector_store %arg13[%swap3A], %broadcast_in_dim3A_133 {strides = array<i32>} : memref<10240xf32, #tpu.memory_space<vmem>>, vector<16xf32>,
      %scan3A_137 = arith.constant 0 : i32
      scf.yield %scan3A_137 : i32
    }
    %scan3A_5 = arith.constant 640 : i32
    %broadcast_in_dim3A = arith.constant -1.000000e+30 : f32
    %broadcast_in_dim3A_6 = vector.broadcast %broadcast_in_dim3A : f32 to vector<16xf32>
    %scan3A_7 = arith.constant 0 : i32
    %scan3A_8 = arith.constant 640 : i32
    %scan3A_9 = arith.addi %scan3A_7, %scan3A_8 : i32
    %scan3A_10 = arith.constant 1 : i32
    %scan3A_11:2 = scf.for %scan3A_130 = %scan3A_7 to %scan3A_9 step %scan3A_10 iter_args(%scan3A_131 = %broadcast_in_dim3A_6, %scan3A_132 = %broadcast_in_dim3A_6) -> (vector<16xf32>, vector<16xf32>)  : i32 {
      %mul3A_133 = arith.constant 16 : i32
      %mul3A_134 = arith.muli %scan3A_130, %mul3A_133 : i32
      %get3A = arith.index_cast %mul3A_134 : i32 to index
      %get3A_135 = tpu.vector_load %arg8[%get3A] {strides = array<i32>} : memref<10240xf32, #tpu.memory_space<vmem>>, vector<16xf32>,
      %max3A_136 = arith.maximumf %scan3A_131, %get3A_135 : vector<16xf32>
      %mul3A_137 = arith.constant 16 : i32
      %mul3A_138 = arith.muli %scan3A_130, %mul3A_137 : i32
      %get3A_139 = arith.index_cast %mul3A_138 : i32 to index
      %get3A_140 = tpu.vector_load %arg9[%get3A_139] {strides = array<i32>} : memref<10240xf32, #tpu.memory_space<vmem>>, vector<16xf32>,
      %max3A_141 = arith.maximumf %scan3A_132, %get3A_140 : vector<16xf32>
      scf.yield %max3A_136, %max3A_141 : vector<16xf32>, vector<16xf32>
    }
    %scan3A_12 = arith.constant 640 : i32
    %slice3A = vector.extract_strided_slice %scan3A_11#0 {offsets = [0], sizes = [1], strides = [1]} : vector<16xf32> to vector<1xf32>
    %squeeze3A = vector.extract %slice3A[0] : f32 from vector<1xf32>
    %slice3A_13 = vector.extract_strided_slice %scan3A_11#1 {offsets = [0], sizes = [1], strides = [1]} : vector<16xf32> to vector<1xf32>
    %squeeze3A_14 = vector.extract %slice3A_13[0] : f32 from vector<1xf32>
    %slice3A_15 = vector.extract_strided_slice %scan3A_11#0 {offsets = [1], sizes = [1], strides = [1]} : vector<16xf32> to vector<1xf32>
    %squeeze3A_16 = vector.extract %slice3A_15[0] : f32 from vector<1xf32>
    %max3A = arith.maximumf %squeeze3A, %squeeze3A_16 : f32
    %slice3A_17 = vector.extract_strided_slice %scan3A_11#1 {offsets = [1], sizes = [1], strides = [1]} : vector<16xf32> to vector<1xf32>
    %squeeze3A_18 = vector.extract %slice3A_17[0] : f32 from vector<1xf32>
    %max3A_19 = arith.maximumf %squeeze3A_14, %squeeze3A_18 : f32
    %slice3A_20 = vector.extract_strided_slice %scan3A_11#0 {offsets = [2], sizes = [1], strides = [1]} : vector<16xf32> to vector<1xf32>
    %squeeze3A_21 = vector.extract %slice3A_20[0] : f32 from vector<1xf32>
    %max3A_22 = arith.maximumf %max3A, %squeeze3A_21 : f32
    %slice3A_23 = vector.extract_strided_slice %scan3A_11#1 {offsets = [2], sizes = [1], strides = [1]} : vector<16xf32> to vector<1xf32>
    %squeeze3A_24 = vector.extract %slice3A_23[0] : f32 from vector<1xf32>
    %max3A_25 = arith.maximumf %max3A_19, %squeeze3A_24 : f32
    %slice3A_26 = vector.extract_strided_slice %scan3A_11#0 {offsets = [3], sizes = [1], strides = [1]} : vector<16xf32> to vector<1xf32>
    %squeeze3A_27 = vector.extract %slice3A_26[0] : f32 from vector<1xf32>
    %max3A_28 = arith.maximumf %max3A_22, %squeeze3A_27 : f32
    %slice3A_29 = vector.extract_strided_slice %scan3A_11#1 {offsets = [3], sizes = [1], strides = [1]} : vector<16xf32> to vector<1xf32>
    %squeeze3A_30 = vector.extract %slice3A_29[0] : f32 from vector<1xf32>
    %max3A_31 = arith.maximumf %max3A_25, %squeeze3A_30 : f32
    %slice3A_32 = vector.extract_strided_slice %scan3A_11#0 {offsets = [4], sizes = [1], strides = [1]} : vector<16xf32> to vector<1xf32>
    %squeeze3A_33 = vector.extract %slice3A_32[0] : f32 from vector<1xf32>
    %max3A_34 = arith.maximumf %max3A_28, %squeeze3A_33 : f32
    %slice3A_35 = vector.extract_strided_slice %scan3A_11#1 {offsets = [4], sizes = [1], strides = [1]} : vector<16xf32> to vector<1xf32>
    %squeeze3A_36 = vector.extract %slice3A_35[0] : f32 from vector<1xf32>
    %max3A_37 = arith.maximumf %max3A_31, %squeeze3A_36 : f32
    %slice3A_38 = vector.extract_strided_slice %scan3A_11#0 {offsets = [5], sizes = [1], strides = [1]} : vector<16xf32> to vector<1xf32>
    %squeeze3A_39 = vector.extract %slice3A_38[0] : f32 from vector<1xf32>
    %max3A_40 = arith.maximumf %max3A_34, %squeeze3A_39 : f32
    %slice3A_41 = vector.extract_strided_slice %scan3A_11#1 {offsets = [5], sizes = [1], strides = [1]} : vector<16xf32> to vector<1xf32>
    %squeeze3A_42 = vector.extract %slice3A_41[0] : f32 from vector<1xf32>
    %max3A_43 = arith.maximumf %max3A_37, %squeeze3A_42 : f32
    %slice3A_44 = vector.extract_strided_slice %scan3A_11#0 {offsets = [6], sizes = [1], strides = [1]} : vector<16xf32> to vector<1xf32>
    %squeeze3A_45 = vector.extract %slice3A_44[0] : f32 from vector<1xf32>
    %max3A_46 = arith.maximumf %max3A_40, %squeeze3A_45 : f32
    %slice3A_47 = vector.extract_strided_slice %scan3A_11#1 {offsets = [6], sizes = [1], strides = [1]} : vector<16xf32> to vector<1xf32>
    %squeeze3A_48 = vector.extract %slice3A_47[0] : f32 from vector<1xf32>
    %max3A_49 = arith.maximumf %max3A_43, %squeeze3A_48 : f32
    %slice3A_50 = vector.extract_strided_slice %scan3A_11#0 {offsets = [7], sizes = [1], strides = [1]} : vector<16xf32> to vector<1xf32>
    %squeeze3A_51 = vector.extract %slice3A_50[0] : f32 from vector<1xf32>
    %max3A_52 = arith.maximumf %max3A_46, %squeeze3A_51 : f32
    %slice3A_53 = vector.extract_strided_slice %scan3A_11#1 {offsets = [7], sizes = [1], strides = [1]} : vector<16xf32> to vector<1xf32>
    %squeeze3A_54 = vector.extract %slice3A_53[0] : f32 from vector<1xf32>
    %max3A_55 = arith.maximumf %max3A_49, %squeeze3A_54 : f32
    %slice3A_56 = vector.extract_strided_slice %scan3A_11#0 {offsets = [8], sizes = [1], strides = [1]} : vector<16xf32> to vector<1xf32>
    %squeeze3A_57 = vector.extract %slice3A_56[0] : f32 from vector<1xf32>
    %max3A_58 = arith.maximumf %max3A_52, %squeeze3A_57 : f32
    %slice3A_59 = vector.extract_strided_slice %scan3A_11#1 {offsets = [8], sizes = [1], strides = [1]} : vector<16xf32> to vector<1xf32>
    %squeeze3A_60 = vector.extract %slice3A_59[0] : f32 from vector<1xf32>
    %max3A_61 = arith.maximumf %max3A_55, %squeeze3A_60 : f32
    %slice3A_62 = vector.extract_strided_slice %scan3A_11#0 {offsets = [9], sizes = [1], strides = [1]} : vector<16xf32> to vector<1xf32>
    %squeeze3A_63 = vector.extract %slice3A_62[0] : f32 from vector<1xf32>
    %max3A_64 = arith.maximumf %max3A_58, %squeeze3A_63 : f32
    %slice3A_65 = vector.extract_strided_slice %scan3A_11#1 {offsets = [9], sizes = [1], strides = [1]} : vector<16xf32> to vector<1xf32>
    %squeeze3A_66 = vector.extract %slice3A_65[0] : f32 from vector<1xf32>
    %max3A_67 = arith.maximumf %max3A_61, %squeeze3A_66 : f32
    %slice3A_68 = vector.extract_strided_slice %scan3A_11#0 {offsets = [10], sizes = [1], strides = [1]} : vector<16xf32> to vector<1xf32>
    %squeeze3A_69 = vector.extract %slice3A_68[0] : f32 from vector<1xf32>
    %max3A_70 = arith.maximumf %max3A_64, %squeeze3A_69 : f32
    %slice3A_71 = vector.extract_strided_slice %scan3A_11#1 {offsets = [10], sizes = [1], strides = [1]} : vector<16xf32> to vector<1xf32>
    %squeeze3A_72 = vector.extract %slice3A_71[0] : f32 from vector<1xf32>
    %max3A_73 = arith.maximumf %max3A_67, %squeeze3A_72 : f32
    %slice3A_74 = vector.extract_strided_slice %scan3A_11#0 {offsets = [11], sizes = [1], strides = [1]} : vector<16xf32> to vector<1xf32>
    %squeeze3A_75 = vector.extract %slice3A_74[0] : f32 from vector<1xf32>
    %max3A_76 = arith.maximumf %max3A_70, %squeeze3A_75 : f32
    %slice3A_77 = vector.extract_strided_slice %scan3A_11#1 {offsets = [11], sizes = [1], strides = [1]} : vector<16xf32> to vector<1xf32>
    %squeeze3A_78 = vector.extract %slice3A_77[0] : f32 from vector<1xf32>
    %max3A_79 = arith.maximumf %max3A_73, %squeeze3A_78 : f32
    %slice3A_80 = vector.extract_strided_slice %scan3A_11#0 {offsets = [12], sizes = [1], strides = [1]} : vector<16xf32> to vector<1xf32>
    %squeeze3A_81 = vector.extract %slice3A_80[0] : f32 from vector<1xf32>
    %max3A_82 = arith.maximumf %max3A_76, %squeeze3A_81 : f32
    %slice3A_83 = vector.extract_strided_slice %scan3A_11#1 {offsets = [12], sizes = [1], strides = [1]} : vector<16xf32> to vector<1xf32>
    %squeeze3A_84 = vector.extract %slice3A_83[0] : f32 from vector<1xf32>
    %max3A_85 = arith.maximumf %max3A_79, %squeeze3A_84 : f32
    %slice3A_86 = vector.extract_strided_slice %scan3A_11#0 {offsets = [13], sizes = [1], strides = [1]} : vector<16xf32> to vector<1xf32>
    %squeeze3A_87 = vector.extract %slice3A_86[0] : f32 from vector<1xf32>
    %max3A_88 = arith.maximumf %max3A_82, %squeeze3A_87 : f32
    %slice3A_89 = vector.extract_strided_slice %scan3A_11#1 {offsets = [13], sizes = [1], strides = [1]} : vector<16xf32> to vector<1xf32>
    %squeeze3A_90 = vector.extract %slice3A_89[0] : f32 from vector<1xf32>
    %max3A_91 = arith.maximumf %max3A_85, %squeeze3A_90 : f32
    %slice3A_92 = vector.extract_strided_slice %scan3A_11#0 {offsets = [14], sizes = [1], strides = [1]} : vector<16xf32> to vector<1xf32>
    %squeeze3A_93 = vector.extract %slice3A_92[0] : f32 from vector<1xf32>
    %max3A_94 = arith.maximumf %max3A_88, %squeeze3A_93 : f32
    %slice3A_95 = vector.extract_strided_slice %scan3A_11#1 {offsets = [14], sizes = [1], strides = [1]} : vector<16xf32> to vector<1xf32>
    %squeeze3A_96 = vector.extract %slice3A_95[0] : f32 from vector<1xf32>
    %max3A_97 = arith.maximumf %max3A_91, %squeeze3A_96 : f32
    %slice3A_98 = vector.extract_strided_slice %scan3A_11#0 {offsets = [15], sizes = [1], strides = [1]} : vector<16xf32> to vector<1xf32>
    %squeeze3A_99 = vector.extract %slice3A_98[0] : f32 from vector<1xf32>
    %max3A_100 = arith.maximumf %max3A_94, %squeeze3A_99 : f32
    %slice3A_101 = vector.extract_strided_slice %scan3A_11#1 {offsets = [15], sizes = [1], strides = [1]} : vector<16xf32> to vector<1xf32>
    %squeeze3A_102 = vector.extract %slice3A_101[0] : f32 from vector<1xf32>
    %max3A_103 = arith.maximumf %max3A_97, %squeeze3A_102 : f32
    %add3A = arith.addf %max3A_100, %max3A_103 : f32
    %gt3A = arith.constant 0.000000e+00 : f32
    %gt3A_104 = arith.cmpf ogt, %add3A, %gt3A : f32
    %mul3A = arith.constant 2.000000e-01 : f32
    %mul3A_105 = arith.mulf %mul3A, %add3A : f32
    %select_n3A = arith.select %gt3A_104, %add3A, %mul3A_105 : f32
    %mul3A_106 = arith.constant 16 : i32
    %mul3A_107 = arith.muli %arg0, %mul3A_106 : i32
    %add3A_108 = arith.addi %mul3A_107, %arg1 : i32
    %mul3A_109 = arith.constant 10000 : i32
    %mul3A_110 = arith.muli %add3A_108, %mul3A_109 : i32
    %scan3A_111 = arith.constant 0 : i32
    %scan3A_112 = arith.constant 0 : i32
    %scan3A_113 = arith.constant 5 : i32
    %scan3A_114 = arith.addi %scan3A_112, %scan3A_113 : i32
    %scan3A_115 = arith.constant 1 : i32
    %scan3A_116 = scf.for %scan3A_130 = %scan3A_112 to %scan3A_114 step %scan3A_115 iter_args(%scan3A_131 = %scan3A_111) -> (i32)  : i32 {
      %mul3A_132 = arith.constant 2000 : i32
      %mul3A_133 = arith.muli %scan3A_130, %mul3A_132 : i32
      %add3A_134 = arith.addi %mul3A_110, %mul3A_133 : i32
      "tpu.region"() ({
        %run_scoped3A = tpu.sem_alloc : memref<!tpu.dma_semaphore, #tpu.memory_space<semaphore_mem>>
        %dma_start3A = tpu.memref_slice %arg4[%add3A_134] : memref<320000xi32, #tpu.memory_space<hbm>> -> memref<2000xi32, #tpu.memory_space<hbm>>
        %dma_start3A_143 = tpu.memref_slice %arg4[%add3A_134] : memref<320000xi32, #tpu.memory_space<hbm>> -> memref<2000xi32, #tpu.memory_space<hbm>>
        tpu.enqueue_dma source(%dma_start3A_143 : memref<2000xi32, #tpu.memory_space<hbm>>) target(%arg10 : memref<2000xi32, #tpu.memory_space<vmem>>) target_semaphore(%run_scoped3A : memref<!tpu.dma_semaphore, #tpu.memory_space<semaphore_mem>>)
        %dma_wait3A = tpu.memref_slice %arg4[%add3A_134] : memref<320000xi32, #tpu.memory_space<hbm>> -> memref<2000xi32, #tpu.memory_space<hbm>>
        %dma_wait3A_144 = tpu.memref_slice %arg4[%add3A_134] : memref<320000xi32, #tpu.memory_space<hbm>> -> memref<2000xi32, #tpu.memory_space<hbm>>
        tpu.wait_dma2 semaphore(%run_scoped3A : memref<!tpu.dma_semaphore, #tpu.memory_space<semaphore_mem>>) src(%dma_wait3A_144 : memref<2000xi32, #tpu.memory_space<hbm>>) dst(%arg10 : memref<2000xi32, #tpu.memory_space<vmem>>)
        tpu.yield
      }) : () -> ()
      "tpu.region"() ({
        %run_scoped3A = tpu.sem_alloc : memref<!tpu.dma_semaphore, #tpu.memory_space<semaphore_mem>>
        %dma_start3A = tpu.memref_slice %arg5[%add3A_134] : memref<320000xi32, #tpu.memory_space<hbm>> -> memref<2000xi32, #tpu.memory_space<hbm>>
        %dma_start3A_143 = tpu.memref_slice %arg5[%add3A_134] : memref<320000xi32, #tpu.memory_space<hbm>> -> memref<2000xi32, #tpu.memory_space<hbm>>
        tpu.enqueue_dma source(%dma_start3A_143 : memref<2000xi32, #tpu.memory_space<hbm>>) target(%arg11 : memref<2000xi32, #tpu.memory_space<vmem>>) target_semaphore(%run_scoped3A : memref<!tpu.dma_semaphore, #tpu.memory_space<semaphore_mem>>)
        %dma_wait3A = tpu.memref_slice %arg5[%add3A_134] : memref<320000xi32, #tpu.memory_space<hbm>> -> memref<2000xi32, #tpu.memory_space<hbm>>
        %dma_wait3A_144 = tpu.memref_slice %arg5[%add3A_134] : memref<320000xi32, #tpu.memory_space<hbm>> -> memref<2000xi32, #tpu.memory_space<hbm>>
        tpu.wait_dma2 semaphore(%run_scoped3A : memref<!tpu.dma_semaphore, #tpu.memory_space<semaphore_mem>>) src(%dma_wait3A_144 : memref<2000xi32, #tpu.memory_space<hbm>>) dst(%arg11 : memref<2000xi32, #tpu.memory_space<vmem>>)
        tpu.yield
      }) : () -> ()
      %scan3A_135 = arith.constant 0 : i32
      %scan3A_136 = arith.constant 0 : i32
      %scan3A_137 = arith.constant 125 : i32
      %scan3A_138 = arith.addi %scan3A_136, %scan3A_137 : i32
      %scan3A_139 = arith.constant 1 : i32
      %scan3A_140 = scf.for %scan3A_143 = %scan3A_136 to %scan3A_138 step %scan3A_139 iter_args(%scan3A_144 = %scan3A_135) -> (i32)  : i32 {
        %mul3A_145 = arith.constant 16 : i32
        %mul3A_146 = arith.muli %scan3A_143, %mul3A_145 : i32
        %get3A = arith.index_cast %mul3A_146 : i32 to index
        %get3A_147 = tpu.vector_load %arg10[%get3A] {strides = array<i32>} : memref<2000xi32, #tpu.memory_space<vmem>>, vector<16xi32>,
        %mul3A_148 = arith.constant 16 : i32
        %mul3A_149 = arith.muli %scan3A_143, %mul3A_148 : i32
        %get3A_150 = arith.index_cast %mul3A_149 : i32 to index
        %get3A_151 = tpu.vector_load %arg11[%get3A_150] {strides = array<i32>} : memref<2000xi32, #tpu.memory_space<vmem>>, vector<16xi32>,
        %gather3A = tpu.vector_load_idx %arg8[%get3A_147] : memref<10240xf32, #tpu.memory_space<vmem>>[vector<16xi32>], vector<16xf32>,
        %gather3A_152 = tpu.vector_load_idx %arg9[%get3A_151] : memref<10240xf32, #tpu.memory_space<vmem>>[vector<16xi32>], vector<16xf32>,
        %add3A_153 = arith.addf %gather3A, %gather3A_152 : vector<16xf32>
        %gt3A_154 = arith.constant 0.000000e+00 : f32
        %gt3A_155 = vector.broadcast %gt3A_154 : f32 to vector<16xf32>
        %gt3A_156 = arith.cmpf ogt, %add3A_153, %gt3A_155 : vector<16xf32>
        %mul3A_157 = arith.constant 2.000000e-01 : f32
        %mul3A_158 = vector.broadcast %mul3A_157 : f32 to vector<16xf32>
        %mul3A_159 = arith.mulf %mul3A_158, %add3A_153 : vector<16xf32>
        %select_n3A_160 = arith.select %gt3A_156, %add3A_153, %mul3A_159 : vector<16xi1>, vector<16xf32>
        %sub3A = vector.broadcast %select_n3A : f32 to vector<16xf32>
        %sub3A_161 = arith.subf %select_n3A_160, %sub3A : vector<16xf32>
        %exp3A = math.exp %sub3A_161 : vector<16xf32>
        %mul3A_162 = arith.constant 16 : i32
        %mul3A_163 = arith.muli %scan3A_143, %mul3A_162 : i32
        %swap3A = arith.index_cast %mul3A_163 : i32 to index
        %swap3A_164 = tpu.vector_load %arg12[%swap3A] {strides = array<i32>} : memref<2000xf32, #tpu.memory_space<vmem>>, vector<16xf32>,
        tpu.vector_store %arg12[%swap3A], %exp3A {strides = array<i32>} : memref<2000xf32, #tpu.memory_space<vmem>>, vector<16xf32>,
        tpu.vector_store_idx %arg13[%get3A_151], %exp3A {add = true} : memref<10240xf32, #tpu.memory_space<vmem>>[vector<16xi32>], vector<16xf32>,
        %scan3A_165 = arith.constant 0 : i32
        scf.yield %scan3A_165 : i32
      }
      %scan3A_141 = arith.constant 125 : i32
      "tpu.region"() ({
        %run_scoped3A = tpu.sem_alloc : memref<!tpu.dma_semaphore, #tpu.memory_space<semaphore_mem>>
        %dma_start3A = tpu.memref_slice %arg6[%add3A_134] : memref<320000xf32, #tpu.memory_space<hbm>> -> memref<2000xf32, #tpu.memory_space<hbm>>
        %dma_start3A_143 = tpu.memref_slice %arg6[%add3A_134] : memref<320000xf32, #tpu.memory_space<hbm>> -> memref<2000xf32, #tpu.memory_space<hbm>>
        tpu.enqueue_dma source(%arg12 : memref<2000xf32, #tpu.memory_space<vmem>>) target(%dma_start3A_143 : memref<2000xf32, #tpu.memory_space<hbm>>) target_semaphore(%run_scoped3A : memref<!tpu.dma_semaphore, #tpu.memory_space<semaphore_mem>>)
        %dma_wait3A = tpu.memref_slice %arg6[%add3A_134] : memref<320000xf32, #tpu.memory_space<hbm>> -> memref<2000xf32, #tpu.memory_space<hbm>>
        %dma_wait3A_144 = tpu.memref_slice %arg6[%add3A_134] : memref<320000xf32, #tpu.memory_space<hbm>> -> memref<2000xf32, #tpu.memory_space<hbm>>
        tpu.wait_dma2 semaphore(%run_scoped3A : memref<!tpu.dma_semaphore, #tpu.memory_space<semaphore_mem>>) src(%arg12 : memref<2000xf32, #tpu.memory_space<vmem>>) dst(%dma_wait3A_144 : memref<2000xf32, #tpu.memory_space<hbm>>)
        tpu.yield
      }) : () -> ()
      %scan3A_142 = arith.constant 0 : i32
      scf.yield %scan3A_142 : i32
    }
    %scan3A_117 = arith.constant 5 : i32
    "tpu.region"() ({
      %run_scoped3A = tpu.sem_alloc : memref<!tpu.dma_semaphore, #tpu.memory_space<semaphore_mem>>
      %dma_start3A = arith.constant 0 : i32
      %dma_start3A_130 = tpu.memref_slice %arg16[%arg1, %dma_start3A] : memref<16x10240xf32, #tpu.memory_space<vmem_shared>> -> memref<1x10240xf32, #tpu.memory_space<vmem_shared>>
      %dma_start3A_131 = tpu.memref_squeeze %dma_start3A_130 : memref<1x10240xf32, #tpu.memory_space<vmem_shared>> -> memref<10240xf32, #tpu.memory_space<vmem_shared>>
      %dma_start3A_132 = arith.constant 0 : i32
      %dma_start3A_133 = tpu.memref_slice %arg16[%arg1, %dma_start3A_132] : memref<16x10240xf32, #tpu.memory_space<vmem_shared>> -> memref<1x10240xf32, #tpu.memory_space<vmem_shared>>
      %dma_start3A_134 = tpu.memref_squeeze %dma_start3A_133 : memref<1x10240xf32, #tpu.memory_space<vmem_shared>> -> memref<10240xf32, #tpu.memory_space<vmem_shared>>
      tpu.enqueue_dma source(%arg13 : memref<10240xf32, #tpu.memory_space<vmem>>) target(%dma_start3A_134 : memref<10240xf32, #tpu.memory_space<vmem_shared>>) target_semaphore(%run_scoped3A : memref<!tpu.dma_semaphore, #tpu.memory_space<semaphore_mem>>)
      %dma_wait3A = arith.constant 0 : i32
      %dma_wait3A_135 = tpu.memref_slice %arg16[%arg1, %dma_wait3A] : memref<16x10240xf32, #tpu.memory_space<vmem_shared>> -> memref<1x10240xf32, #tpu.memory_space<vmem_shared>>
      %dma_wait3A_136 = tpu.memref_squeeze %dma_wait3A_135 : memref<1x10240xf32, #tpu.memory_space<vmem_shared>> -> memref<10240xf32, #tpu.memory_space<vmem_shared>>
      %dma_wait3A_137 = arith.constant 0 : i32
      %dma_wait3A_138 = tpu.memref_slice %arg16[%arg1, %dma_wait3A_137] : memref<16x10240xf32, #tpu.memory_space<vmem_shared>> -> memref<1x10240xf32, #tpu.memory_space<vmem_shared>>
      %dma_wait3A_139 = tpu.memref_squeeze %dma_wait3A_138 : memref<1x10240xf32, #tpu.memory_space<vmem_shared>> -> memref<10240xf32, #tpu.memory_space<vmem_shared>>
      tpu.wait_dma2 semaphore(%run_scoped3A : memref<!tpu.dma_semaphore, #tpu.memory_space<semaphore_mem>>) src(%arg13 : memref<10240xf32, #tpu.memory_space<vmem>>) dst(%dma_wait3A_139 : memref<10240xf32, #tpu.memory_space<vmem_shared>>)
      tpu.yield
    }) : () -> ()
    %barrier3A = arith.constant 0 : index
    tpu.barrier barrier_id(%barrier3A)
    %mul3A_118 = arith.constant 640 : i32
    %mul3A_119 = arith.muli %arg1, %mul3A_118 : i32
    "tpu.region"() ({
      %run_scoped3A = tpu.sem_alloc : memref<!tpu.dma_semaphore, #tpu.memory_space<semaphore_mem>>
      %dma_start3A = arith.constant 0 : i32
      %dma_start3A_130 = tpu.memref_slice %arg16[%dma_start3A, %mul3A_119] : memref<16x10240xf32, #tpu.memory_space<vmem_shared>> -> memref<16x640xf32, #tpu.memory_space<vmem_shared>>
      %dma_start3A_131 = arith.constant 0 : i32
      %dma_start3A_132 = tpu.memref_slice %arg16[%dma_start3A_131, %mul3A_119] : memref<16x10240xf32, #tpu.memory_space<vmem_shared>> -> memref<16x640xf32, #tpu.memory_space<vmem_shared>>
      tpu.enqueue_dma source(%dma_start3A_132 : memref<16x640xf32, #tpu.memory_space<vmem_shared>>) target(%arg14 : memref<16x640xf32, #tpu.memory_space<vmem>>) target_semaphore(%run_scoped3A : memref<!tpu.dma_semaphore, #tpu.memory_space<semaphore_mem>>)
      %dma_wait3A = arith.constant 0 : i32
      %dma_wait3A_133 = tpu.memref_slice %arg16[%dma_wait3A, %mul3A_119] : memref<16x10240xf32, #tpu.memory_space<vmem_shared>> -> memref<16x640xf32, #tpu.memory_space<vmem_shared>>
      %dma_wait3A_134 = arith.constant 0 : i32
      %dma_wait3A_135 = tpu.memref_slice %arg16[%dma_wait3A_134, %mul3A_119] : memref<16x10240xf32, #tpu.memory_space<vmem_shared>> -> memref<16x640xf32, #tpu.memory_space<vmem_shared>>
      tpu.wait_dma2 semaphore(%run_scoped3A : memref<!tpu.dma_semaphore, #tpu.memory_space<semaphore_mem>>) src(%dma_wait3A_135 : memref<16x640xf32, #tpu.memory_space<vmem_shared>>) dst(%arg14 : memref<16x640xf32, #tpu.memory_space<vmem>>)
      tpu.yield
    }) : () -> ()
    %scan3A_120 = arith.constant 0 : i32
    %scan3A_121 = arith.constant 0 : i32
    %scan3A_122 = arith.constant 40 : i32
    %scan3A_123 = arith.addi %scan3A_121, %scan3A_122 : i32
    %scan3A_124 = arith.constant 1 : i32
    %scan3A_125 = scf.for %scan3A_130 = %scan3A_121 to %scan3A_123 step %scan3A_124 iter_args(%scan3A_131 = %scan3A_120) -> (i32)  : i32 {
      %broadcast_in_dim3A_132 = arith.constant 0.000000e+00 : f32
      %broadcast_in_dim3A_133 = vector.broadcast %broadcast_in_dim3A_132 : f32 to vector<16xf32>
      %mul3A_134 = arith.constant 16 : i32
      %mul3A_135 = arith.muli %scan3A_130, %mul3A_134 : i32
      %get3A = arith.constant 0 : i32
      %get3A_136 = arith.index_cast %get3A : i32 to index
      %get3A_137 = arith.index_cast %mul3A_135 : i32 to index
      %get3A_138 = tpu.vector_load %arg14[%get3A_136, %get3A_137] {strides = array<i32>} : memref<16x640xf32, #tpu.memory_space<vmem>>, vector<16xf32>,
      %add3A_139 = arith.addf %broadcast_in_dim3A_133, %get3A_138 : vector<16xf32>
      %mul3A_140 = arith.constant 16 : i32
      %mul3A_141 = arith.muli %scan3A_130, %mul3A_140 : i32
      %get3A_142 = arith.constant 1 : i32
      %get3A_143 = arith.index_cast %get3A_142 : i32 to index
      %get3A_144 = arith.index_cast %mul3A_141 : i32 to index
      %get3A_145 = tpu.vector_load %arg14[%get3A_143, %get3A_144] {strides = array<i32>} : memref<16x640xf32, #tpu.memory_space<vmem>>, vector<16xf32>,
      %add3A_146 = arith.addf %add3A_139, %get3A_145 : vector<16xf32>
      %mul3A_147 = arith.constant 16 : i32
      %mul3A_148 = arith.muli %scan3A_130, %mul3A_147 : i32
      %get3A_149 = arith.constant 2 : i32
      %get3A_150 = arith.index_cast %get3A_149 : i32 to index
      %get3A_151 = arith.index_cast %mul3A_148 : i32 to index
      %get3A_152 = tpu.vector_load %arg14[%get3A_150, %get3A_151] {strides = array<i32>} : memref<16x640xf32, #tpu.memory_space<vmem>>, vector<16xf32>,
      %add3A_153 = arith.addf %add3A_146, %get3A_152 : vector<16xf32>
      %mul3A_154 = arith.constant 16 : i32
      %mul3A_155 = arith.muli %scan3A_130, %mul3A_154 : i32
      %get3A_156 = arith.constant 3 : i32
      %get3A_157 = arith.index_cast %get3A_156 : i32 to index
      %get3A_158 = arith.index_cast %mul3A_155 : i32 to index
      %get3A_159 = tpu.vector_load %arg14[%get3A_157, %get3A_158] {strides = array<i32>} : memref<16x640xf32, #tpu.memory_space<vmem>>, vector<16xf32>,
      %add3A_160 = arith.addf %add3A_153, %get3A_159 : vector<16xf32>
      %mul3A_161 = arith.constant 16 : i32
      %mul3A_162 = arith.muli %scan3A_130, %mul3A_161 : i32
      %get3A_163 = arith.constant 4 : i32
      %get3A_164 = arith.index_cast %get3A_163 : i32 to index
      %get3A_165 = arith.index_cast %mul3A_162 : i32 to index
      %get3A_166 = tpu.vector_load %arg14[%get3A_164, %get3A_165] {strides = array<i32>} : memref<16x640xf32, #tpu.memory_space<vmem>>, vector<16xf32>,
      %add3A_167 = arith.addf %add3A_160, %get3A_166 : vector<16xf32>
      %mul3A_168 = arith.constant 16 : i32
      %mul3A_169 = arith.muli %scan3A_130, %mul3A_168 : i32
      %get3A_170 = arith.constant 5 : i32
      %get3A_171 = arith.index_cast %get3A_170 : i32 to index
      %get3A_172 = arith.index_cast %mul3A_169 : i32 to index
      %get3A_173 = tpu.vector_load %arg14[%get3A_171, %get3A_172] {strides = array<i32>} : memref<16x640xf32, #tpu.memory_space<vmem>>, vector<16xf32>,
      %add3A_174 = arith.addf %add3A_167, %get3A_173 : vector<16xf32>
      %mul3A_175 = arith.constant 16 : i32
      %mul3A_176 = arith.muli %scan3A_130, %mul3A_175 : i32
      %get3A_177 = arith.constant 6 : i32
      %get3A_178 = arith.index_cast %get3A_177 : i32 to index
      %get3A_179 = arith.index_cast %mul3A_176 : i32 to index
      %get3A_180 = tpu.vector_load %arg14[%get3A_178, %get3A_179] {strides = array<i32>} : memref<16x640xf32, #tpu.memory_space<vmem>>, vector<16xf32>,
      %add3A_181 = arith.addf %add3A_174, %get3A_180 : vector<16xf32>
      %mul3A_182 = arith.constant 16 : i32
      %mul3A_183 = arith.muli %scan3A_130, %mul3A_182 : i32
      %get3A_184 = arith.constant 7 : i32
      %get3A_185 = arith.index_cast %get3A_184 : i32 to index
      %get3A_186 = arith.index_cast %mul3A_183 : i32 to index
      %get3A_187 = tpu.vector_load %arg14[%get3A_185, %get3A_186] {strides = array<i32>} : memref<16x640xf32, #tpu.memory_space<vmem>>, vector<16xf32>,
      %add3A_188 = arith.addf %add3A_181, %get3A_187 : vector<16xf32>
      %mul3A_189 = arith.constant 16 : i32
      %mul3A_190 = arith.muli %scan3A_130, %mul3A_189 : i32
      %get3A_191 = arith.constant 8 : i32
      %get3A_192 = arith.index_cast %get3A_191 : i32 to index
      %get3A_193 = arith.index_cast %mul3A_190 : i32 to index
      %get3A_194 = tpu.vector_load %arg14[%get3A_192, %get3A_193] {strides = array<i32>} : memref<16x640xf32, #tpu.memory_space<vmem>>, vector<16xf32>,
      %add3A_195 = arith.addf %add3A_188, %get3A_194 : vector<16xf32>
      %mul3A_196 = arith.constant 16 : i32
      %mul3A_197 = arith.muli %scan3A_130, %mul3A_196 : i32
      %get3A_198 = arith.constant 9 : i32
      %get3A_199 = arith.index_cast %get3A_198 : i32 to index
      %get3A_200 = arith.index_cast %mul3A_197 : i32 to index
      %get3A_201 = tpu.vector_load %arg14[%get3A_199, %get3A_200] {strides = array<i32>} : memref<16x640xf32, #tpu.memory_space<vmem>>, vector<16xf32>,
      %add3A_202 = arith.addf %add3A_195, %get3A_201 : vector<16xf32>
      %mul3A_203 = arith.constant 16 : i32
      %mul3A_204 = arith.muli %scan3A_130, %mul3A_203 : i32
      %get3A_205 = arith.constant 10 : i32
      %get3A_206 = arith.index_cast %get3A_205 : i32 to index
      %get3A_207 = arith.index_cast %mul3A_204 : i32 to index
      %get3A_208 = tpu.vector_load %arg14[%get3A_206, %get3A_207] {strides = array<i32>} : memref<16x640xf32, #tpu.memory_space<vmem>>, vector<16xf32>,
      %add3A_209 = arith.addf %add3A_202, %get3A_208 : vector<16xf32>
      %mul3A_210 = arith.constant 16 : i32
      %mul3A_211 = arith.muli %scan3A_130, %mul3A_210 : i32
      %get3A_212 = arith.constant 11 : i32
      %get3A_213 = arith.index_cast %get3A_212 : i32 to index
      %get3A_214 = arith.index_cast %mul3A_211 : i32 to index
      %get3A_215 = tpu.vector_load %arg14[%get3A_213, %get3A_214] {strides = array<i32>} : memref<16x640xf32, #tpu.memory_space<vmem>>, vector<16xf32>,
      %add3A_216 = arith.addf %add3A_209, %get3A_215 : vector<16xf32>
      %mul3A_217 = arith.constant 16 : i32
      %mul3A_218 = arith.muli %scan3A_130, %mul3A_217 : i32
      %get3A_219 = arith.constant 12 : i32
      %get3A_220 = arith.index_cast %get3A_219 : i32 to index
      %get3A_221 = arith.index_cast %mul3A_218 : i32 to index
      %get3A_222 = tpu.vector_load %arg14[%get3A_220, %get3A_221] {strides = array<i32>} : memref<16x640xf32, #tpu.memory_space<vmem>>, vector<16xf32>,
      %add3A_223 = arith.addf %add3A_216, %get3A_222 : vector<16xf32>
      %mul3A_224 = arith.constant 16 : i32
      %mul3A_225 = arith.muli %scan3A_130, %mul3A_224 : i32
      %get3A_226 = arith.constant 13 : i32
      %get3A_227 = arith.index_cast %get3A_226 : i32 to index
      %get3A_228 = arith.index_cast %mul3A_225 : i32 to index
      %get3A_229 = tpu.vector_load %arg14[%get3A_227, %get3A_228] {strides = array<i32>} : memref<16x640xf32, #tpu.memory_space<vmem>>, vector<16xf32>,
      %add3A_230 = arith.addf %add3A_223, %get3A_229 : vector<16xf32>
      %mul3A_231 = arith.constant 16 : i32
      %mul3A_232 = arith.muli %scan3A_130, %mul3A_231 : i32
      %get3A_233 = arith.constant 14 : i32
      %get3A_234 = arith.index_cast %get3A_233 : i32 to index
      %get3A_235 = arith.index_cast %mul3A_232 : i32 to index
      %get3A_236 = tpu.vector_load %arg14[%get3A_234, %get3A_235] {strides = array<i32>} : memref<16x640xf32, #tpu.memory_space<vmem>>, vector<16xf32>,
      %add3A_237 = arith.addf %add3A_230, %get3A_236 : vector<16xf32>
      %mul3A_238 = arith.constant 16 : i32
      %mul3A_239 = arith.muli %scan3A_130, %mul3A_238 : i32
      %get3A_240 = arith.constant 15 : i32
      %get3A_241 = arith.index_cast %get3A_240 : i32 to index
      %get3A_242 = arith.index_cast %mul3A_239 : i32 to index
      %get3A_243 = tpu.vector_load %arg14[%get3A_241, %get3A_242] {strides = array<i32>} : memref<16x640xf32, #tpu.memory_space<vmem>>, vector<16xf32>,
      %add3A_244 = arith.addf %add3A_237, %get3A_243 : vector<16xf32>
      %mul3A_245 = arith.constant 16 : i32
      %mul3A_246 = arith.muli %scan3A_130, %mul3A_245 : i32
      %swap3A = arith.index_cast %mul3A_246 : i32 to index
      %swap3A_247 = tpu.vector_load %arg15[%swap3A] {strides = array<i32>} : memref<640xf32, #tpu.memory_space<vmem>>, vector<16xf32>,
      tpu.vector_store %arg15[%swap3A], %add3A_244 {strides = array<i32>} : memref<640xf32, #tpu.memory_space<vmem>>, vector<16xf32>,
      %scan3A_248 = arith.constant 0 : i32
      scf.yield %scan3A_248 : i32
    }
    %scan3A_126 = arith.constant 40 : i32
    %mul3A_127 = arith.constant 10240 : i32
    %mul3A_128 = arith.muli %arg0, %mul3A_127 : i32
    %add3A_129 = arith.addi %mul3A_128, %mul3A_119 : i32
    "tpu.region"() ({
      %run_scoped3A = tpu.sem_alloc : memref<!tpu.dma_semaphore, #tpu.memory_space<semaphore_mem>>
      %dma_start3A = tpu.memref_slice %arg7[%add3A_129] : memref<20480xf32, #tpu.memory_space<hbm>> -> memref<640xf32, #tpu.memory_space<hbm>>
      %dma_start3A_130 = tpu.memref_slice %arg7[%add3A_129] : memref<20480xf32, #tpu.memory_space<hbm>> -> memref<640xf32, #tpu.memory_space<hbm>>
      tpu.enqueue_dma source(%arg15 : memref<640xf32, #tpu.memory_space<vmem>>) target(%dma_start3A_130 : memref<640xf32, #tpu.memory_space<hbm>>) target_semaphore(%run_scoped3A : memref<!tpu.dma_semaphore, #tpu.memory_space<semaphore_mem>>)
      %dma_wait3A = tpu.memref_slice %arg7[%add3A_129] : memref<20480xf32, #tpu.memory_space<hbm>> -> memref<640xf32, #tpu.memory_space<hbm>>
      %dma_wait3A_131 = tpu.memref_slice %arg7[%add3A_129] : memref<20480xf32, #tpu.memory_space<hbm>> -> memref<640xf32, #tpu.memory_space<hbm>>
      tpu.wait_dma2 semaphore(%run_scoped3A : memref<!tpu.dma_semaphore, #tpu.memory_space<semaphore_mem>>) src(%arg15 : memref<640xf32, #tpu.memory_space<vmem>>) dst(%dma_wait3A_131 : memref<640xf32, #tpu.memory_space<hbm>>)
      tpu.yield
    }) : () -> ()
    return
  }
}

#map = affine_map<(d0, d1) -> (0)>
module attributes {stable_mosaic.version = 14 : i64} {
  func.func @_edge_body(%arg0: i32, %arg1: i32, %arg2: memref<10240xf32, #tpu.memory_space<hbm>>, %arg3: memref<10240xf32, #tpu.memory_space<hbm>>, %arg4: memref<320000xi32, #tpu.memory_space<hbm>>, %arg5: memref<320000xi32, #tpu.memory_space<hbm>>, %arg6: memref<320000xf32, #tpu.memory_space<hbm>>, %arg7: memref<20480xf32, #tpu.memory_space<hbm>>, %arg8: memref<10240xf32, #tpu.memory_space<vmem>>, %arg9: memref<10240xf32, #tpu.memory_space<vmem>>, %arg10: memref<2000xi32, #tpu.memory_space<vmem>>, %arg11: memref<2000xi32, #tpu.memory_space<vmem>>, %arg12: memref<2000xf32, #tpu.memory_space<vmem>>, %arg13: memref<10240xf32, #tpu.memory_space<vmem>>, %arg14: memref<16x640xf32, #tpu.memory_space<vmem>>, %arg15: memref<640xf32, #tpu.memory_space<vmem>>, %arg16: memref<16x10240xf32, #tpu.memory_space<vmem_shared>>) attributes {dimension_semantics = [#tpu.dimension_semantics<core_parallel>, #tpu.dimension_semantics<subcore_parallel>], iteration_bounds = array<i64: 2, 16>, scalar_prefetch = 0 : i64, scratch_operands = 9 : i64, tpu.core_type = #tpu.core_type<sc_vector_subcore>, window_params = [{transform_indices = #map}, {transform_indices = #map}, {transform_indices = #map}, {transform_indices = #map}, {transform_indices = #map}, {transform_indices = #map}]} {
    "tpu.region"() ({
      %run_scoped3A = tpu.sem_alloc : memref<!tpu.dma_semaphore, #tpu.memory_space<semaphore_mem>>
      tpu.enqueue_dma source(%arg2 : memref<10240xf32, #tpu.memory_space<hbm>>) target(%arg8 : memref<10240xf32, #tpu.memory_space<vmem>>) target_semaphore(%run_scoped3A : memref<!tpu.dma_semaphore, #tpu.memory_space<semaphore_mem>>)
      tpu.wait_dma2 semaphore(%run_scoped3A : memref<!tpu.dma_semaphore, #tpu.memory_space<semaphore_mem>>) src(%arg2 : memref<10240xf32, #tpu.memory_space<hbm>>) dst(%arg8 : memref<10240xf32, #tpu.memory_space<vmem>>)
      tpu.yield
    }) : () -> ()
    "tpu.region"() ({
      %run_scoped3A = tpu.sem_alloc : memref<!tpu.dma_semaphore, #tpu.memory_space<semaphore_mem>>
      tpu.enqueue_dma source(%arg3 : memref<10240xf32, #tpu.memory_space<hbm>>) target(%arg9 : memref<10240xf32, #tpu.memory_space<vmem>>) target_semaphore(%run_scoped3A : memref<!tpu.dma_semaphore, #tpu.memory_space<semaphore_mem>>)
      tpu.wait_dma2 semaphore(%run_scoped3A : memref<!tpu.dma_semaphore, #tpu.memory_space<semaphore_mem>>) src(%arg3 : memref<10240xf32, #tpu.memory_space<hbm>>) dst(%arg9 : memref<10240xf32, #tpu.memory_space<vmem>>)
      tpu.yield
    }) : () -> ()
    %scan3A = arith.constant 0 : i32
    %scan3A_0 = arith.constant 0 : i32
    %scan3A_1 = arith.constant 640 : i32
    %scan3A_2 = arith.addi %scan3A_0, %scan3A_1 : i32
    %scan3A_3 = arith.constant 1 : i32
    %scan3A_4 = scf.for %scan3A_130 = %scan3A_0 to %scan3A_2 step %scan3A_3 iter_args(%scan3A_131 = %scan3A) -> (i32)  : i32 {
      %broadcast_in_dim3A_132 = arith.constant 0.000000e+00 : f32
      %broadcast_in_dim3A_133 = vector.broadcast %broadcast_in_dim3A_132 : f32 to vector<16xf32>
      %mul3A_134 = arith.constant 16 : i32
      %mul3A_135 = arith.muli %scan3A_130, %mul3A_134 : i32
      %swap3A = arith.index_cast %mul3A_135 : i32 to index
      %swap3A_136 = tpu.vector_load %arg13[%swap3A] {strides = array<i32>} : memref<10240xf32, #tpu.memory_space<vmem>>, vector<16xf32>,
      tpu.vector_store %arg13[%swap3A], %broadcast_in_dim3A_133 {strides = array<i32>} : memref<10240xf32, #tpu.memory_space<vmem>>, vector<16xf32>,
      %scan3A_137 = arith.constant 0 : i32
      scf.yield %scan3A_137 : i32
    }
    %scan3A_5 = arith.constant 640 : i32
    %broadcast_in_dim3A = arith.constant -1.000000e+30 : f32
    %broadcast_in_dim3A_6 = vector.broadcast %broadcast_in_dim3A : f32 to vector<16xf32>
    %scan3A_7 = arith.constant 0 : i32
    %scan3A_8 = arith.constant 640 : i32
    %scan3A_9 = arith.addi %scan3A_7, %scan3A_8 : i32
    %scan3A_10 = arith.constant 1 : i32
    %scan3A_11:2 = scf.for %scan3A_130 = %scan3A_7 to %scan3A_9 step %scan3A_10 iter_args(%scan3A_131 = %broadcast_in_dim3A_6, %scan3A_132 = %broadcast_in_dim3A_6) -> (vector<16xf32>, vector<16xf32>)  : i32 {
      %mul3A_133 = arith.constant 16 : i32
      %mul3A_134 = arith.muli %scan3A_130, %mul3A_133 : i32
      %get3A = arith.index_cast %mul3A_134 : i32 to index
      %get3A_135 = tpu.vector_load %arg8[%get3A] {strides = array<i32>} : memref<10240xf32, #tpu.memory_space<vmem>>, vector<16xf32>,
      %max3A_136 = arith.maximumf %scan3A_131, %get3A_135 : vector<16xf32>
      %mul3A_137 = arith.constant 16 : i32
      %mul3A_138 = arith.muli %scan3A_130, %mul3A_137 : i32
      %get3A_139 = arith.index_cast %mul3A_138 : i32 to index
      %get3A_140 = tpu.vector_load %arg9[%get3A_139] {strides = array<i32>} : memref<10240xf32, #tpu.memory_space<vmem>>, vector<16xf32>,
      %max3A_141 = arith.maximumf %scan3A_132, %get3A_140 : vector<16xf32>
      scf.yield %max3A_136, %max3A_141 : vector<16xf32>, vector<16xf32>
    }
    %scan3A_12 = arith.constant 640 : i32
    %slice3A = vector.extract_strided_slice %scan3A_11#0 {offsets = [0], sizes = [1], strides = [1]} : vector<16xf32> to vector<1xf32>
    %squeeze3A = vector.extract %slice3A[0] : f32 from vector<1xf32>
    %slice3A_13 = vector.extract_strided_slice %scan3A_11#1 {offsets = [0], sizes = [1], strides = [1]} : vector<16xf32> to vector<1xf32>
    %squeeze3A_14 = vector.extract %slice3A_13[0] : f32 from vector<1xf32>
    %slice3A_15 = vector.extract_strided_slice %scan3A_11#0 {offsets = [1], sizes = [1], strides = [1]} : vector<16xf32> to vector<1xf32>
    %squeeze3A_16 = vector.extract %slice3A_15[0] : f32 from vector<1xf32>
    %max3A = arith.maximumf %squeeze3A, %squeeze3A_16 : f32
    %slice3A_17 = vector.extract_strided_slice %scan3A_11#1 {offsets = [1], sizes = [1], strides = [1]} : vector<16xf32> to vector<1xf32>
    %squeeze3A_18 = vector.extract %slice3A_17[0] : f32 from vector<1xf32>
    %max3A_19 = arith.maximumf %squeeze3A_14, %squeeze3A_18 : f32
    %slice3A_20 = vector.extract_strided_slice %scan3A_11#0 {offsets = [2], sizes = [1], strides = [1]} : vector<16xf32> to vector<1xf32>
    %squeeze3A_21 = vector.extract %slice3A_20[0] : f32 from vector<1xf32>
    %max3A_22 = arith.maximumf %max3A, %squeeze3A_21 : f32
    %slice3A_23 = vector.extract_strided_slice %scan3A_11#1 {offsets = [2], sizes = [1], strides = [1]} : vector<16xf32> to vector<1xf32>
    %squeeze3A_24 = vector.extract %slice3A_23[0] : f32 from vector<1xf32>
    %max3A_25 = arith.maximumf %max3A_19, %squeeze3A_24 : f32
    %slice3A_26 = vector.extract_strided_slice %scan3A_11#0 {offsets = [3], sizes = [1], strides = [1]} : vector<16xf32> to vector<1xf32>
    %squeeze3A_27 = vector.extract %slice3A_26[0] : f32 from vector<1xf32>
    %max3A_28 = arith.maximumf %max3A_22, %squeeze3A_27 : f32
    %slice3A_29 = vector.extract_strided_slice %scan3A_11#1 {offsets = [3], sizes = [1], strides = [1]} : vector<16xf32> to vector<1xf32>
    %squeeze3A_30 = vector.extract %slice3A_29[0] : f32 from vector<1xf32>
    %max3A_31 = arith.maximumf %max3A_25, %squeeze3A_30 : f32
    %slice3A_32 = vector.extract_strided_slice %scan3A_11#0 {offsets = [4], sizes = [1], strides = [1]} : vector<16xf32> to vector<1xf32>
    %squeeze3A_33 = vector.extract %slice3A_32[0] : f32 from vector<1xf32>
    %max3A_34 = arith.maximumf %max3A_28, %squeeze3A_33 : f32
    %slice3A_35 = vector.extract_strided_slice %scan3A_11#1 {offsets = [4], sizes = [1], strides = [1]} : vector<16xf32> to vector<1xf32>
    %squeeze3A_36 = vector.extract %slice3A_35[0] : f32 from vector<1xf32>
    %max3A_37 = arith.maximumf %max3A_31, %squeeze3A_36 : f32
    %slice3A_38 = vector.extract_strided_slice %scan3A_11#0 {offsets = [5], sizes = [1], strides = [1]} : vector<16xf32> to vector<1xf32>
    %squeeze3A_39 = vector.extract %slice3A_38[0] : f32 from vector<1xf32>
    %max3A_40 = arith.maximumf %max3A_34, %squeeze3A_39 : f32
    %slice3A_41 = vector.extract_strided_slice %scan3A_11#1 {offsets = [5], sizes = [1], strides = [1]} : vector<16xf32> to vector<1xf32>
    %squeeze3A_42 = vector.extract %slice3A_41[0] : f32 from vector<1xf32>
    %max3A_43 = arith.maximumf %max3A_37, %squeeze3A_42 : f32
    %slice3A_44 = vector.extract_strided_slice %scan3A_11#0 {offsets = [6], sizes = [1], strides = [1]} : vector<16xf32> to vector<1xf32>
    %squeeze3A_45 = vector.extract %slice3A_44[0] : f32 from vector<1xf32>
    %max3A_46 = arith.maximumf %max3A_40, %squeeze3A_45 : f32
    %slice3A_47 = vector.extract_strided_slice %scan3A_11#1 {offsets = [6], sizes = [1], strides = [1]} : vector<16xf32> to vector<1xf32>
    %squeeze3A_48 = vector.extract %slice3A_47[0] : f32 from vector<1xf32>
    %max3A_49 = arith.maximumf %max3A_43, %squeeze3A_48 : f32
    %slice3A_50 = vector.extract_strided_slice %scan3A_11#0 {offsets = [7], sizes = [1], strides = [1]} : vector<16xf32> to vector<1xf32>
    %squeeze3A_51 = vector.extract %slice3A_50[0] : f32 from vector<1xf32>
    %max3A_52 = arith.maximumf %max3A_46, %squeeze3A_51 : f32
    %slice3A_53 = vector.extract_strided_slice %scan3A_11#1 {offsets = [7], sizes = [1], strides = [1]} : vector<16xf32> to vector<1xf32>
    %squeeze3A_54 = vector.extract %slice3A_53[0] : f32 from vector<1xf32>
    %max3A_55 = arith.maximumf %max3A_49, %squeeze3A_54 : f32
    %slice3A_56 = vector.extract_strided_slice %scan3A_11#0 {offsets = [8], sizes = [1], strides = [1]} : vector<16xf32> to vector<1xf32>
    %squeeze3A_57 = vector.extract %slice3A_56[0] : f32 from vector<1xf32>
    %max3A_58 = arith.maximumf %max3A_52, %squeeze3A_57 : f32
    %slice3A_59 = vector.extract_strided_slice %scan3A_11#1 {offsets = [8], sizes = [1], strides = [1]} : vector<16xf32> to vector<1xf32>
    %squeeze3A_60 = vector.extract %slice3A_59[0] : f32 from vector<1xf32>
    %max3A_61 = arith.maximumf %max3A_55, %squeeze3A_60 : f32
    %slice3A_62 = vector.extract_strided_slice %scan3A_11#0 {offsets = [9], sizes = [1], strides = [1]} : vector<16xf32> to vector<1xf32>
    %squeeze3A_63 = vector.extract %slice3A_62[0] : f32 from vector<1xf32>
    %max3A_64 = arith.maximumf %max3A_58, %squeeze3A_63 : f32
    %slice3A_65 = vector.extract_strided_slice %scan3A_11#1 {offsets = [9], sizes = [1], strides = [1]} : vector<16xf32> to vector<1xf32>
    %squeeze3A_66 = vector.extract %slice3A_65[0] : f32 from vector<1xf32>
    %max3A_67 = arith.maximumf %max3A_61, %squeeze3A_66 : f32
    %slice3A_68 = vector.extract_strided_slice %scan3A_11#0 {offsets = [10], sizes = [1], strides = [1]} : vector<16xf32> to vector<1xf32>
    %squeeze3A_69 = vector.extract %slice3A_68[0] : f32 from vector<1xf32>
    %max3A_70 = arith.maximumf %max3A_64, %squeeze3A_69 : f32
    %slice3A_71 = vector.extract_strided_slice %scan3A_11#1 {offsets = [10], sizes = [1], strides = [1]} : vector<16xf32> to vector<1xf32>
    %squeeze3A_72 = vector.extract %slice3A_71[0] : f32 from vector<1xf32>
    %max3A_73 = arith.maximumf %max3A_67, %squeeze3A_72 : f32
    %slice3A_74 = vector.extract_strided_slice %scan3A_11#0 {offsets = [11], sizes = [1], strides = [1]} : vector<16xf32> to vector<1xf32>
    %squeeze3A_75 = vector.extract %slice3A_74[0] : f32 from vector<1xf32>
    %max3A_76 = arith.maximumf %max3A_70, %squeeze3A_75 : f32
    %slice3A_77 = vector.extract_strided_slice %scan3A_11#1 {offsets = [11], sizes = [1], strides = [1]} : vector<16xf32> to vector<1xf32>
    %squeeze3A_78 = vector.extract %slice3A_77[0] : f32 from vector<1xf32>
    %max3A_79 = arith.maximumf %max3A_73, %squeeze3A_78 : f32
    %slice3A_80 = vector.extract_strided_slice %scan3A_11#0 {offsets = [12], sizes = [1], strides = [1]} : vector<16xf32> to vector<1xf32>
    %squeeze3A_81 = vector.extract %slice3A_80[0] : f32 from vector<1xf32>
    %max3A_82 = arith.maximumf %max3A_76, %squeeze3A_81 : f32
    %slice3A_83 = vector.extract_strided_slice %scan3A_11#1 {offsets = [12], sizes = [1], strides = [1]} : vector<16xf32> to vector<1xf32>
    %squeeze3A_84 = vector.extract %slice3A_83[0] : f32 from vector<1xf32>
    %max3A_85 = arith.maximumf %max3A_79, %squeeze3A_84 : f32
    %slice3A_86 = vector.extract_strided_slice %scan3A_11#0 {offsets = [13], sizes = [1], strides = [1]} : vector<16xf32> to vector<1xf32>
    %squeeze3A_87 = vector.extract %slice3A_86[0] : f32 from vector<1xf32>
    %max3A_88 = arith.maximumf %max3A_82, %squeeze3A_87 : f32
    %slice3A_89 = vector.extract_strided_slice %scan3A_11#1 {offsets = [13], sizes = [1], strides = [1]} : vector<16xf32> to vector<1xf32>
    %squeeze3A_90 = vector.extract %slice3A_89[0] : f32 from vector<1xf32>
    %max3A_91 = arith.maximumf %max3A_85, %squeeze3A_90 : f32
    %slice3A_92 = vector.extract_strided_slice %scan3A_11#0 {offsets = [14], sizes = [1], strides = [1]} : vector<16xf32> to vector<1xf32>
    %squeeze3A_93 = vector.extract %slice3A_92[0] : f32 from vector<1xf32>
    %max3A_94 = arith.maximumf %max3A_88, %squeeze3A_93 : f32
    %slice3A_95 = vector.extract_strided_slice %scan3A_11#1 {offsets = [14], sizes = [1], strides = [1]} : vector<16xf32> to vector<1xf32>
    %squeeze3A_96 = vector.extract %slice3A_95[0] : f32 from vector<1xf32>
    %max3A_97 = arith.maximumf %max3A_91, %squeeze3A_96 : f32
    %slice3A_98 = vector.extract_strided_slice %scan3A_11#0 {offsets = [15], sizes = [1], strides = [1]} : vector<16xf32> to vector<1xf32>
    %squeeze3A_99 = vector.extract %slice3A_98[0] : f32 from vector<1xf32>
    %max3A_100 = arith.maximumf %max3A_94, %squeeze3A_99 : f32
    %slice3A_101 = vector.extract_strided_slice %scan3A_11#1 {offsets = [15], sizes = [1], strides = [1]} : vector<16xf32> to vector<1xf32>
    %squeeze3A_102 = vector.extract %slice3A_101[0] : f32 from vector<1xf32>
    %max3A_103 = arith.maximumf %max3A_97, %squeeze3A_102 : f32
    %add3A = arith.addf %max3A_100, %max3A_103 : f32
    %gt3A = arith.constant 0.000000e+00 : f32
    %gt3A_104 = arith.cmpf ogt, %add3A, %gt3A : f32
    %mul3A = arith.constant 2.000000e-01 : f32
    %mul3A_105 = arith.mulf %mul3A, %add3A : f32
    %select_n3A = arith.select %gt3A_104, %add3A, %mul3A_105 : f32
    %mul3A_106 = arith.constant 16 : i32
    %mul3A_107 = arith.muli %arg0, %mul3A_106 : i32
    %add3A_108 = arith.addi %mul3A_107, %arg1 : i32
    %mul3A_109 = arith.constant 10000 : i32
    %mul3A_110 = arith.muli %add3A_108, %mul3A_109 : i32
    %scan3A_111 = arith.constant 0 : i32
    %scan3A_112 = arith.constant 0 : i32
    %scan3A_113 = arith.constant 5 : i32
    %scan3A_114 = arith.addi %scan3A_112, %scan3A_113 : i32
    %scan3A_115 = arith.constant 1 : i32
    %scan3A_116 = scf.for %scan3A_130 = %scan3A_112 to %scan3A_114 step %scan3A_115 iter_args(%scan3A_131 = %scan3A_111) -> (i32)  : i32 {
      %mul3A_132 = arith.constant 2000 : i32
      %mul3A_133 = arith.muli %scan3A_130, %mul3A_132 : i32
      %add3A_134 = arith.addi %mul3A_110, %mul3A_133 : i32
      "tpu.region"() ({
        %run_scoped3A = tpu.sem_alloc : memref<!tpu.dma_semaphore, #tpu.memory_space<semaphore_mem>>
        %dma_start3A = tpu.memref_slice %arg4[%add3A_134] : memref<320000xi32, #tpu.memory_space<hbm>> -> memref<2000xi32, #tpu.memory_space<hbm>>
        %dma_start3A_143 = tpu.memref_slice %arg4[%add3A_134] : memref<320000xi32, #tpu.memory_space<hbm>> -> memref<2000xi32, #tpu.memory_space<hbm>>
        tpu.enqueue_dma source(%dma_start3A_143 : memref<2000xi32, #tpu.memory_space<hbm>>) target(%arg10 : memref<2000xi32, #tpu.memory_space<vmem>>) target_semaphore(%run_scoped3A : memref<!tpu.dma_semaphore, #tpu.memory_space<semaphore_mem>>)
        %dma_wait3A = tpu.memref_slice %arg4[%add3A_134] : memref<320000xi32, #tpu.memory_space<hbm>> -> memref<2000xi32, #tpu.memory_space<hbm>>
        %dma_wait3A_144 = tpu.memref_slice %arg4[%add3A_134] : memref<320000xi32, #tpu.memory_space<hbm>> -> memref<2000xi32, #tpu.memory_space<hbm>>
        tpu.wait_dma2 semaphore(%run_scoped3A : memref<!tpu.dma_semaphore, #tpu.memory_space<semaphore_mem>>) src(%dma_wait3A_144 : memref<2000xi32, #tpu.memory_space<hbm>>) dst(%arg10 : memref<2000xi32, #tpu.memory_space<vmem>>)
        tpu.yield
      }) : () -> ()
      "tpu.region"() ({
        %run_scoped3A = tpu.sem_alloc : memref<!tpu.dma_semaphore, #tpu.memory_space<semaphore_mem>>
        %dma_start3A = tpu.memref_slice %arg5[%add3A_134] : memref<320000xi32, #tpu.memory_space<hbm>> -> memref<2000xi32, #tpu.memory_space<hbm>>
        %dma_start3A_143 = tpu.memref_slice %arg5[%add3A_134] : memref<320000xi32, #tpu.memory_space<hbm>> -> memref<2000xi32, #tpu.memory_space<hbm>>
        tpu.enqueue_dma source(%dma_start3A_143 : memref<2000xi32, #tpu.memory_space<hbm>>) target(%arg11 : memref<2000xi32, #tpu.memory_space<vmem>>) target_semaphore(%run_scoped3A : memref<!tpu.dma_semaphore, #tpu.memory_space<semaphore_mem>>)
        %dma_wait3A = tpu.memref_slice %arg5[%add3A_134] : memref<320000xi32, #tpu.memory_space<hbm>> -> memref<2000xi32, #tpu.memory_space<hbm>>
        %dma_wait3A_144 = tpu.memref_slice %arg5[%add3A_134] : memref<320000xi32, #tpu.memory_space<hbm>> -> memref<2000xi32, #tpu.memory_space<hbm>>
        tpu.wait_dma2 semaphore(%run_scoped3A : memref<!tpu.dma_semaphore, #tpu.memory_space<semaphore_mem>>) src(%dma_wait3A_144 : memref<2000xi32, #tpu.memory_space<hbm>>) dst(%arg11 : memref<2000xi32, #tpu.memory_space<vmem>>)
        tpu.yield
      }) : () -> ()
      %scan3A_135 = arith.constant 0 : i32
      %scan3A_136 = arith.constant 0 : i32
      %scan3A_137 = arith.constant 125 : i32
      %scan3A_138 = arith.addi %scan3A_136, %scan3A_137 : i32
      %scan3A_139 = arith.constant 1 : i32
      %scan3A_140 = scf.for %scan3A_143 = %scan3A_136 to %scan3A_138 step %scan3A_139 iter_args(%scan3A_144 = %scan3A_135) -> (i32)  : i32 {
        %mul3A_145 = arith.constant 16 : i32
        %mul3A_146 = arith.muli %scan3A_143, %mul3A_145 : i32
        %get3A = arith.index_cast %mul3A_146 : i32 to index
        %get3A_147 = tpu.vector_load %arg10[%get3A] {strides = array<i32>} : memref<2000xi32, #tpu.memory_space<vmem>>, vector<16xi32>,
        %mul3A_148 = arith.constant 16 : i32
        %mul3A_149 = arith.muli %scan3A_143, %mul3A_148 : i32
        %get3A_150 = arith.index_cast %mul3A_149 : i32 to index
        %get3A_151 = tpu.vector_load %arg11[%get3A_150] {strides = array<i32>} : memref<2000xi32, #tpu.memory_space<vmem>>, vector<16xi32>,
        %gather3A = tpu.vector_load_idx %arg8[%get3A_147] : memref<10240xf32, #tpu.memory_space<vmem>>[vector<16xi32>], vector<16xf32>,
        %gather3A_152 = tpu.vector_load_idx %arg9[%get3A_151] : memref<10240xf32, #tpu.memory_space<vmem>>[vector<16xi32>], vector<16xf32>,
        %add3A_153 = arith.addf %gather3A, %gather3A_152 : vector<16xf32>
        %gt3A_154 = arith.constant 0.000000e+00 : f32
        %gt3A_155 = vector.broadcast %gt3A_154 : f32 to vector<16xf32>
        %gt3A_156 = arith.cmpf ogt, %add3A_153, %gt3A_155 : vector<16xf32>
        %mul3A_157 = arith.constant 2.000000e-01 : f32
        %mul3A_158 = vector.broadcast %mul3A_157 : f32 to vector<16xf32>
        %mul3A_159 = arith.mulf %mul3A_158, %add3A_153 : vector<16xf32>
        %select_n3A_160 = arith.select %gt3A_156, %add3A_153, %mul3A_159 : vector<16xi1>, vector<16xf32>
        %sub3A = vector.broadcast %select_n3A : f32 to vector<16xf32>
        %sub3A_161 = arith.subf %select_n3A_160, %sub3A : vector<16xf32>
        %exp3A = math.exp %sub3A_161 : vector<16xf32>
        %mul3A_162 = arith.constant 16 : i32
        %mul3A_163 = arith.muli %scan3A_143, %mul3A_162 : i32
        %swap3A = arith.index_cast %mul3A_163 : i32 to index
        %swap3A_164 = tpu.vector_load %arg12[%swap3A] {strides = array<i32>} : memref<2000xf32, #tpu.memory_space<vmem>>, vector<16xf32>,
        tpu.vector_store %arg12[%swap3A], %exp3A {strides = array<i32>} : memref<2000xf32, #tpu.memory_space<vmem>>, vector<16xf32>,
        tpu.vector_store_idx %arg13[%get3A_151], %exp3A {add = true} : memref<10240xf32, #tpu.memory_space<vmem>>[vector<16xi32>], vector<16xf32>,
        %scan3A_165 = arith.constant 0 : i32
        scf.yield %scan3A_165 : i32
      }
      %scan3A_141 = arith.constant 125 : i32
      "tpu.region"() ({
        %run_scoped3A = tpu.sem_alloc : memref<!tpu.dma_semaphore, #tpu.memory_space<semaphore_mem>>
        %dma_start3A = tpu.memref_slice %arg6[%add3A_134] : memref<320000xf32, #tpu.memory_space<hbm>> -> memref<2000xf32, #tpu.memory_space<hbm>>
        %dma_start3A_143 = tpu.memref_slice %arg6[%add3A_134] : memref<320000xf32, #tpu.memory_space<hbm>> -> memref<2000xf32, #tpu.memory_space<hbm>>
        tpu.enqueue_dma source(%arg12 : memref<2000xf32, #tpu.memory_space<vmem>>) target(%dma_start3A_143 : memref<2000xf32, #tpu.memory_space<hbm>>) target_semaphore(%run_scoped3A : memref<!tpu.dma_semaphore, #tpu.memory_space<semaphore_mem>>)
        %dma_wait3A = tpu.memref_slice %arg6[%add3A_134] : memref<320000xf32, #tpu.memory_space<hbm>> -> memref<2000xf32, #tpu.memory_space<hbm>>
        %dma_wait3A_144 = tpu.memref_slice %arg6[%add3A_134] : memref<320000xf32, #tpu.memory_space<hbm>> -> memref<2000xf32, #tpu.memory_space<hbm>>
        tpu.wait_dma2 semaphore(%run_scoped3A : memref<!tpu.dma_semaphore, #tpu.memory_space<semaphore_mem>>) src(%arg12 : memref<2000xf32, #tpu.memory_space<vmem>>) dst(%dma_wait3A_144 : memref<2000xf32, #tpu.memory_space<hbm>>)
        tpu.yield
      }) : () -> ()
      %scan3A_142 = arith.constant 0 : i32
      scf.yield %scan3A_142 : i32
    }
    %scan3A_117 = arith.constant 5 : i32
    "tpu.region"() ({
      %run_scoped3A = tpu.sem_alloc : memref<!tpu.dma_semaphore, #tpu.memory_space<semaphore_mem>>
      %dma_start3A = arith.constant 0 : i32
      %dma_start3A_130 = tpu.memref_slice %arg16[%arg1, %dma_start3A] : memref<16x10240xf32, #tpu.memory_space<vmem_shared>> -> memref<1x10240xf32, #tpu.memory_space<vmem_shared>>
      %dma_start3A_131 = tpu.memref_squeeze %dma_start3A_130 : memref<1x10240xf32, #tpu.memory_space<vmem_shared>> -> memref<10240xf32, #tpu.memory_space<vmem_shared>>
      %dma_start3A_132 = arith.constant 0 : i32
      %dma_start3A_133 = tpu.memref_slice %arg16[%arg1, %dma_start3A_132] : memref<16x10240xf32, #tpu.memory_space<vmem_shared>> -> memref<1x10240xf32, #tpu.memory_space<vmem_shared>>
      %dma_start3A_134 = tpu.memref_squeeze %dma_start3A_133 : memref<1x10240xf32, #tpu.memory_space<vmem_shared>> -> memref<10240xf32, #tpu.memory_space<vmem_shared>>
      tpu.enqueue_dma source(%arg13 : memref<10240xf32, #tpu.memory_space<vmem>>) target(%dma_start3A_134 : memref<10240xf32, #tpu.memory_space<vmem_shared>>) target_semaphore(%run_scoped3A : memref<!tpu.dma_semaphore, #tpu.memory_space<semaphore_mem>>)
      %dma_wait3A = arith.constant 0 : i32
      %dma_wait3A_135 = tpu.memref_slice %arg16[%arg1, %dma_wait3A] : memref<16x10240xf32, #tpu.memory_space<vmem_shared>> -> memref<1x10240xf32, #tpu.memory_space<vmem_shared>>
      %dma_wait3A_136 = tpu.memref_squeeze %dma_wait3A_135 : memref<1x10240xf32, #tpu.memory_space<vmem_shared>> -> memref<10240xf32, #tpu.memory_space<vmem_shared>>
      %dma_wait3A_137 = arith.constant 0 : i32
      %dma_wait3A_138 = tpu.memref_slice %arg16[%arg1, %dma_wait3A_137] : memref<16x10240xf32, #tpu.memory_space<vmem_shared>> -> memref<1x10240xf32, #tpu.memory_space<vmem_shared>>
      %dma_wait3A_139 = tpu.memref_squeeze %dma_wait3A_138 : memref<1x10240xf32, #tpu.memory_space<vmem_shared>> -> memref<10240xf32, #tpu.memory_space<vmem_shared>>
      tpu.wait_dma2 semaphore(%run_scoped3A : memref<!tpu.dma_semaphore, #tpu.memory_space<semaphore_mem>>) src(%arg13 : memref<10240xf32, #tpu.memory_space<vmem>>) dst(%dma_wait3A_139 : memref<10240xf32, #tpu.memory_space<vmem_shared>>)
      tpu.yield
    }) : () -> ()
    %barrier3A = arith.constant 0 : index
    tpu.barrier barrier_id(%barrier3A)
    %mul3A_118 = arith.constant 640 : i32
    %mul3A_119 = arith.muli %arg1, %mul3A_118 : i32
    "tpu.region"() ({
      %run_scoped3A = tpu.sem_alloc : memref<!tpu.dma_semaphore, #tpu.memory_space<semaphore_mem>>
      %dma_start3A = arith.constant 0 : i32
      %dma_start3A_130 = tpu.memref_slice %arg16[%dma_start3A, %mul3A_119] : memref<16x10240xf32, #tpu.memory_space<vmem_shared>> -> memref<16x640xf32, #tpu.memory_space<vmem_shared>>
      %dma_start3A_131 = arith.constant 0 : i32
      %dma_start3A_132 = tpu.memref_slice %arg16[%dma_start3A_131, %mul3A_119] : memref<16x10240xf32, #tpu.memory_space<vmem_shared>> -> memref<16x640xf32, #tpu.memory_space<vmem_shared>>
      tpu.enqueue_dma source(%dma_start3A_132 : memref<16x640xf32, #tpu.memory_space<vmem_shared>>) target(%arg14 : memref<16x640xf32, #tpu.memory_space<vmem>>) target_semaphore(%run_scoped3A : memref<!tpu.dma_semaphore, #tpu.memory_space<semaphore_mem>>)
      %dma_wait3A = arith.constant 0 : i32
      %dma_wait3A_133 = tpu.memref_slice %arg16[%dma_wait3A, %mul3A_119] : memref<16x10240xf32, #tpu.memory_space<vmem_shared>> -> memref<16x640xf32, #tpu.memory_space<vmem_shared>>
      %dma_wait3A_134 = arith.constant 0 : i32
      %dma_wait3A_135 = tpu.memref_slice %arg16[%dma_wait3A_134, %mul3A_119] : memref<16x10240xf32, #tpu.memory_space<vmem_shared>> -> memref<16x640xf32, #tpu.memory_space<vmem_shared>>
      tpu.wait_dma2 semaphore(%run_scoped3A : memref<!tpu.dma_semaphore, #tpu.memory_space<semaphore_mem>>) src(%dma_wait3A_135 : memref<16x640xf32, #tpu.memory_space<vmem_shared>>) dst(%arg14 : memref<16x640xf32, #tpu.memory_space<vmem>>)
      tpu.yield
    }) : () -> ()
    %scan3A_120 = arith.constant 0 : i32
    %scan3A_121 = arith.constant 0 : i32
    %scan3A_122 = arith.constant 40 : i32
    %scan3A_123 = arith.addi %scan3A_121, %scan3A_122 : i32
    %scan3A_124 = arith.constant 1 : i32
    %scan3A_125 = scf.for %scan3A_130 = %scan3A_121 to %scan3A_123 step %scan3A_124 iter_args(%scan3A_131 = %scan3A_120) -> (i32)  : i32 {
      %broadcast_in_dim3A_132 = arith.constant 0.000000e+00 : f32
      %broadcast_in_dim3A_133 = vector.broadcast %broadcast_in_dim3A_132 : f32 to vector<16xf32>
      %mul3A_134 = arith.constant 16 : i32
      %mul3A_135 = arith.muli %scan3A_130, %mul3A_134 : i32
      %get3A = arith.constant 0 : i32
      %get3A_136 = arith.index_cast %get3A : i32 to index
      %get3A_137 = arith.index_cast %mul3A_135 : i32 to index
      %get3A_138 = tpu.vector_load %arg14[%get3A_136, %get3A_137] {strides = array<i32>} : memref<16x640xf32, #tpu.memory_space<vmem>>, vector<16xf32>,
      %add3A_139 = arith.addf %broadcast_in_dim3A_133, %get3A_138 : vector<16xf32>
      %mul3A_140 = arith.constant 16 : i32
      %mul3A_141 = arith.muli %scan3A_130, %mul3A_140 : i32
      %get3A_142 = arith.constant 1 : i32
      %get3A_143 = arith.index_cast %get3A_142 : i32 to index
      %get3A_144 = arith.index_cast %mul3A_141 : i32 to index
      %get3A_145 = tpu.vector_load %arg14[%get3A_143, %get3A_144] {strides = array<i32>} : memref<16x640xf32, #tpu.memory_space<vmem>>, vector<16xf32>,
      %add3A_146 = arith.addf %add3A_139, %get3A_145 : vector<16xf32>
      %mul3A_147 = arith.constant 16 : i32
      %mul3A_148 = arith.muli %scan3A_130, %mul3A_147 : i32
      %get3A_149 = arith.constant 2 : i32
      %get3A_150 = arith.index_cast %get3A_149 : i32 to index
      %get3A_151 = arith.index_cast %mul3A_148 : i32 to index
      %get3A_152 = tpu.vector_load %arg14[%get3A_150, %get3A_151] {strides = array<i32>} : memref<16x640xf32, #tpu.memory_space<vmem>>, vector<16xf32>,
      %add3A_153 = arith.addf %add3A_146, %get3A_152 : vector<16xf32>
      %mul3A_154 = arith.constant 16 : i32
      %mul3A_155 = arith.muli %scan3A_130, %mul3A_154 : i32
      %get3A_156 = arith.constant 3 : i32
      %get3A_157 = arith.index_cast %get3A_156 : i32 to index
      %get3A_158 = arith.index_cast %mul3A_155 : i32 to index
      %get3A_159 = tpu.vector_load %arg14[%get3A_157, %get3A_158] {strides = array<i32>} : memref<16x640xf32, #tpu.memory_space<vmem>>, vector<16xf32>,
      %add3A_160 = arith.addf %add3A_153, %get3A_159 : vector<16xf32>
      %mul3A_161 = arith.constant 16 : i32
      %mul3A_162 = arith.muli %scan3A_130, %mul3A_161 : i32
      %get3A_163 = arith.constant 4 : i32
      %get3A_164 = arith.index_cast %get3A_163 : i32 to index
      %get3A_165 = arith.index_cast %mul3A_162 : i32 to index
      %get3A_166 = tpu.vector_load %arg14[%get3A_164, %get3A_165] {strides = array<i32>} : memref<16x640xf32, #tpu.memory_space<vmem>>, vector<16xf32>,
      %add3A_167 = arith.addf %add3A_160, %get3A_166 : vector<16xf32>
      %mul3A_168 = arith.constant 16 : i32
      %mul3A_169 = arith.muli %scan3A_130, %mul3A_168 : i32
      %get3A_170 = arith.constant 5 : i32
      %get3A_171 = arith.index_cast %get3A_170 : i32 to index
      %get3A_172 = arith.index_cast %mul3A_169 : i32 to index
      %get3A_173 = tpu.vector_load %arg14[%get3A_171, %get3A_172] {strides = array<i32>} : memref<16x640xf32, #tpu.memory_space<vmem>>, vector<16xf32>,
      %add3A_174 = arith.addf %add3A_167, %get3A_173 : vector<16xf32>
      %mul3A_175 = arith.constant 16 : i32
      %mul3A_176 = arith.muli %scan3A_130, %mul3A_175 : i32
      %get3A_177 = arith.constant 6 : i32
      %get3A_178 = arith.index_cast %get3A_177 : i32 to index
      %get3A_179 = arith.index_cast %mul3A_176 : i32 to index
      %get3A_180 = tpu.vector_load %arg14[%get3A_178, %get3A_179] {strides = array<i32>} : memref<16x640xf32, #tpu.memory_space<vmem>>, vector<16xf32>,
      %add3A_181 = arith.addf %add3A_174, %get3A_180 : vector<16xf32>
      %mul3A_182 = arith.constant 16 : i32
      %mul3A_183 = arith.muli %scan3A_130, %mul3A_182 : i32
      %get3A_184 = arith.constant 7 : i32
      %get3A_185 = arith.index_cast %get3A_184 : i32 to index
      %get3A_186 = arith.index_cast %mul3A_183 : i32 to index
      %get3A_187 = tpu.vector_load %arg14[%get3A_185, %get3A_186] {strides = array<i32>} : memref<16x640xf32, #tpu.memory_space<vmem>>, vector<16xf32>,
      %add3A_188 = arith.addf %add3A_181, %get3A_187 : vector<16xf32>
      %mul3A_189 = arith.constant 16 : i32
      %mul3A_190 = arith.muli %scan3A_130, %mul3A_189 : i32
      %get3A_191 = arith.constant 8 : i32
      %get3A_192 = arith.index_cast %get3A_191 : i32 to index
      %get3A_193 = arith.index_cast %mul3A_190 : i32 to index
      %get3A_194 = tpu.vector_load %arg14[%get3A_192, %get3A_193] {strides = array<i32>} : memref<16x640xf32, #tpu.memory_space<vmem>>, vector<16xf32>,
      %add3A_195 = arith.addf %add3A_188, %get3A_194 : vector<16xf32>
      %mul3A_196 = arith.constant 16 : i32
      %mul3A_197 = arith.muli %scan3A_130, %mul3A_196 : i32
      %get3A_198 = arith.constant 9 : i32
      %get3A_199 = arith.index_cast %get3A_198 : i32 to index
      %get3A_200 = arith.index_cast %mul3A_197 : i32 to index
      %get3A_201 = tpu.vector_load %arg14[%get3A_199, %get3A_200] {strides = array<i32>} : memref<16x640xf32, #tpu.memory_space<vmem>>, vector<16xf32>,
      %add3A_202 = arith.addf %add3A_195, %get3A_201 : vector<16xf32>
      %mul3A_203 = arith.constant 16 : i32
      %mul3A_204 = arith.muli %scan3A_130, %mul3A_203 : i32
      %get3A_205 = arith.constant 10 : i32
      %get3A_206 = arith.index_cast %get3A_205 : i32 to index
      %get3A_207 = arith.index_cast %mul3A_204 : i32 to index
      %get3A_208 = tpu.vector_load %arg14[%get3A_206, %get3A_207] {strides = array<i32>} : memref<16x640xf32, #tpu.memory_space<vmem>>, vector<16xf32>,
      %add3A_209 = arith.addf %add3A_202, %get3A_208 : vector<16xf32>
      %mul3A_210 = arith.constant 16 : i32
      %mul3A_211 = arith.muli %scan3A_130, %mul3A_210 : i32
      %get3A_212 = arith.constant 11 : i32
      %get3A_213 = arith.index_cast %get3A_212 : i32 to index
      %get3A_214 = arith.index_cast %mul3A_211 : i32 to index
      %get3A_215 = tpu.vector_load %arg14[%get3A_213, %get3A_214] {strides = array<i32>} : memref<16x640xf32, #tpu.memory_space<vmem>>, vector<16xf32>,
      %add3A_216 = arith.addf %add3A_209, %get3A_215 : vector<16xf32>
      %mul3A_217 = arith.constant 16 : i32
      %mul3A_218 = arith.muli %scan3A_130, %mul3A_217 : i32
      %get3A_219 = arith.constant 12 : i32
      %get3A_220 = arith.index_cast %get3A_219 : i32 to index
      %get3A_221 = arith.index_cast %mul3A_218 : i32 to index
      %get3A_222 = tpu.vector_load %arg14[%get3A_220, %get3A_221] {strides = array<i32>} : memref<16x640xf32, #tpu.memory_space<vmem>>, vector<16xf32>,
      %add3A_223 = arith.addf %add3A_216, %get3A_222 : vector<16xf32>
      %mul3A_224 = arith.constant 16 : i32
      %mul3A_225 = arith.muli %scan3A_130, %mul3A_224 : i32
      %get3A_226 = arith.constant 13 : i32
      %get3A_227 = arith.index_cast %get3A_226 : i32 to index
      %get3A_228 = arith.index_cast %mul3A_225 : i32 to index
      %get3A_229 = tpu.vector_load %arg14[%get3A_227, %get3A_228] {strides = array<i32>} : memref<16x640xf32, #tpu.memory_space<vmem>>, vector<16xf32>,
      %add3A_230 = arith.addf %add3A_223, %get3A_229 : vector<16xf32>
      %mul3A_231 = arith.constant 16 : i32
      %mul3A_232 = arith.muli %scan3A_130, %mul3A_231 : i32
      %get3A_233 = arith.constant 14 : i32
      %get3A_234 = arith.index_cast %get3A_233 : i32 to index
      %get3A_235 = arith.index_cast %mul3A_232 : i32 to index
      %get3A_236 = tpu.vector_load %arg14[%get3A_234, %get3A_235] {strides = array<i32>} : memref<16x640xf32, #tpu.memory_space<vmem>>, vector<16xf32>,
      %add3A_237 = arith.addf %add3A_230, %get3A_236 : vector<16xf32>
      %mul3A_238 = arith.constant 16 : i32
      %mul3A_239 = arith.muli %scan3A_130, %mul3A_238 : i32
      %get3A_240 = arith.constant 15 : i32
      %get3A_241 = arith.index_cast %get3A_240 : i32 to index
      %get3A_242 = arith.index_cast %mul3A_239 : i32 to index
      %get3A_243 = tpu.vector_load %arg14[%get3A_241, %get3A_242] {strides = array<i32>} : memref<16x640xf32, #tpu.memory_space<vmem>>, vector<16xf32>,
      %add3A_244 = arith.addf %add3A_237, %get3A_243 : vector<16xf32>
      %mul3A_245 = arith.constant 16 : i32
      %mul3A_246 = arith.muli %scan3A_130, %mul3A_245 : i32
      %swap3A = arith.index_cast %mul3A_246 : i32 to index
      %swap3A_247 = tpu.vector_load %arg15[%swap3A] {strides = array<i32>} : memref<640xf32, #tpu.memory_space<vmem>>, vector<16xf32>,
      tpu.vector_store %arg15[%swap3A], %add3A_244 {strides = array<i32>} : memref<640xf32, #tpu.memory_space<vmem>>, vector<16xf32>,
      %scan3A_248 = arith.constant 0 : i32
      scf.yield %scan3A_248 : i32
    }
    %scan3A_126 = arith.constant 40 : i32
    %mul3A_127 = arith.constant 10240 : i32
    %mul3A_128 = arith.muli %arg0, %mul3A_127 : i32
    %add3A_129 = arith.addi %mul3A_128, %mul3A_119 : i32
    "tpu.region"() ({
      %run_scoped3A = tpu.sem_alloc : memref<!tpu.dma_semaphore, #tpu.memory_space<semaphore_mem>>
      %dma_start3A = tpu.memref_slice %arg7[%add3A_129] : memref<20480xf32, #tpu.memory_space<hbm>> -> memref<640xf32, #tpu.memory_space<hbm>>
      %dma_start3A_130 = tpu.memref_slice %arg7[%add3A_129] : memref<20480xf32, #tpu.memory_space<hbm>> -> memref<640xf32, #tpu.memory_space<hbm>>
      tpu.enqueue_dma source(%arg15 : memref<640xf32, #tpu.memory_space<vmem>>) target(%dma_start3A_130 : memref<640xf32, #tpu.memory_space<hbm>>) target_semaphore(%run_scoped3A : memref<!tpu.dma_semaphore, #tpu.memory_space<semaphore_mem>>)
      %dma_wait3A = tpu.memref_slice %arg7[%add3A_129] : memref<20480xf32, #tpu.memory_space<hbm>> -> memref<640xf32, #tpu.memory_space<hbm>>
      %dma_wait3A_131 = tpu.memref_slice %arg7[%add3A_129] : memref<20480xf32, #tpu.memory_space<hbm>> -> memref<640xf32, #tpu.memory_space<hbm>>
      tpu.wait_dma2 semaphore(%run_scoped3A : memref<!tpu.dma_semaphore, #tpu.memory_space<semaphore_mem>>) src(%arg15 : memref<640xf32, #tpu.memory_space<vmem>>) dst(%dma_wait3A_131 : memref<640xf32, #tpu.memory_space<hbm>>)
      tpu.yield
    }) : () -> ()
    return
  }
}

#map = affine_map<(d0, d1) -> (0)>
module attributes {stable_mosaic.version = 14 : i64} {
  func.func @_edge_body(%arg0: i32, %arg1: i32, %arg2: memref<10240xf32, #tpu.memory_space<hbm>>, %arg3: memref<10240xf32, #tpu.memory_space<hbm>>, %arg4: memref<320000xi32, #tpu.memory_space<hbm>>, %arg5: memref<320000xi32, #tpu.memory_space<hbm>>, %arg6: memref<320000xf32, #tpu.memory_space<hbm>>, %arg7: memref<20480xf32, #tpu.memory_space<hbm>>, %arg8: memref<10240xf32, #tpu.memory_space<vmem>>, %arg9: memref<10240xf32, #tpu.memory_space<vmem>>, %arg10: memref<2000xi32, #tpu.memory_space<vmem>>, %arg11: memref<2000xi32, #tpu.memory_space<vmem>>, %arg12: memref<2000xf32, #tpu.memory_space<vmem>>, %arg13: memref<10240xf32, #tpu.memory_space<vmem>>, %arg14: memref<16x640xf32, #tpu.memory_space<vmem>>, %arg15: memref<640xf32, #tpu.memory_space<vmem>>, %arg16: memref<16x10240xf32, #tpu.memory_space<vmem_shared>>) attributes {dimension_semantics = [#tpu.dimension_semantics<core_parallel>, #tpu.dimension_semantics<subcore_parallel>], iteration_bounds = array<i64: 2, 16>, scalar_prefetch = 0 : i64, scratch_operands = 9 : i64, tpu.core_type = #tpu.core_type<sc_vector_subcore>, window_params = [{transform_indices = #map}, {transform_indices = #map}, {transform_indices = #map}, {transform_indices = #map}, {transform_indices = #map}, {transform_indices = #map}]} {
    "tpu.region"() ({
      %run_scoped3A = tpu.sem_alloc : memref<!tpu.dma_semaphore, #tpu.memory_space<semaphore_mem>>
      tpu.enqueue_dma source(%arg2 : memref<10240xf32, #tpu.memory_space<hbm>>) target(%arg8 : memref<10240xf32, #tpu.memory_space<vmem>>) target_semaphore(%run_scoped3A : memref<!tpu.dma_semaphore, #tpu.memory_space<semaphore_mem>>)
      tpu.wait_dma2 semaphore(%run_scoped3A : memref<!tpu.dma_semaphore, #tpu.memory_space<semaphore_mem>>) src(%arg2 : memref<10240xf32, #tpu.memory_space<hbm>>) dst(%arg8 : memref<10240xf32, #tpu.memory_space<vmem>>)
      tpu.yield
    }) : () -> ()
    "tpu.region"() ({
      %run_scoped3A = tpu.sem_alloc : memref<!tpu.dma_semaphore, #tpu.memory_space<semaphore_mem>>
      tpu.enqueue_dma source(%arg3 : memref<10240xf32, #tpu.memory_space<hbm>>) target(%arg9 : memref<10240xf32, #tpu.memory_space<vmem>>) target_semaphore(%run_scoped3A : memref<!tpu.dma_semaphore, #tpu.memory_space<semaphore_mem>>)
      tpu.wait_dma2 semaphore(%run_scoped3A : memref<!tpu.dma_semaphore, #tpu.memory_space<semaphore_mem>>) src(%arg3 : memref<10240xf32, #tpu.memory_space<hbm>>) dst(%arg9 : memref<10240xf32, #tpu.memory_space<vmem>>)
      tpu.yield
    }) : () -> ()
    %scan3A = arith.constant 0 : i32
    %scan3A_0 = arith.constant 0 : i32
    %scan3A_1 = arith.constant 640 : i32
    %scan3A_2 = arith.addi %scan3A_0, %scan3A_1 : i32
    %scan3A_3 = arith.constant 1 : i32
    %scan3A_4 = scf.for %scan3A_130 = %scan3A_0 to %scan3A_2 step %scan3A_3 iter_args(%scan3A_131 = %scan3A) -> (i32)  : i32 {
      %broadcast_in_dim3A_132 = arith.constant 0.000000e+00 : f32
      %broadcast_in_dim3A_133 = vector.broadcast %broadcast_in_dim3A_132 : f32 to vector<16xf32>
      %mul3A_134 = arith.constant 16 : i32
      %mul3A_135 = arith.muli %scan3A_130, %mul3A_134 : i32
      %swap3A = arith.index_cast %mul3A_135 : i32 to index
      %swap3A_136 = tpu.vector_load %arg13[%swap3A] {strides = array<i32>} : memref<10240xf32, #tpu.memory_space<vmem>>, vector<16xf32>,
      tpu.vector_store %arg13[%swap3A], %broadcast_in_dim3A_133 {strides = array<i32>} : memref<10240xf32, #tpu.memory_space<vmem>>, vector<16xf32>,
      %scan3A_137 = arith.constant 0 : i32
      scf.yield %scan3A_137 : i32
    }
    %scan3A_5 = arith.constant 640 : i32
    %broadcast_in_dim3A = arith.constant -1.000000e+30 : f32
    %broadcast_in_dim3A_6 = vector.broadcast %broadcast_in_dim3A : f32 to vector<16xf32>
    %scan3A_7 = arith.constant 0 : i32
    %scan3A_8 = arith.constant 640 : i32
    %scan3A_9 = arith.addi %scan3A_7, %scan3A_8 : i32
    %scan3A_10 = arith.constant 1 : i32
    %scan3A_11:2 = scf.for %scan3A_130 = %scan3A_7 to %scan3A_9 step %scan3A_10 iter_args(%scan3A_131 = %broadcast_in_dim3A_6, %scan3A_132 = %broadcast_in_dim3A_6) -> (vector<16xf32>, vector<16xf32>)  : i32 {
      %mul3A_133 = arith.constant 16 : i32
      %mul3A_134 = arith.muli %scan3A_130, %mul3A_133 : i32
      %get3A = arith.index_cast %mul3A_134 : i32 to index
      %get3A_135 = tpu.vector_load %arg8[%get3A] {strides = array<i32>} : memref<10240xf32, #tpu.memory_space<vmem>>, vector<16xf32>,
      %max3A_136 = arith.maximumf %scan3A_131, %get3A_135 : vector<16xf32>
      %mul3A_137 = arith.constant 16 : i32
      %mul3A_138 = arith.muli %scan3A_130, %mul3A_137 : i32
      %get3A_139 = arith.index_cast %mul3A_138 : i32 to index
      %get3A_140 = tpu.vector_load %arg9[%get3A_139] {strides = array<i32>} : memref<10240xf32, #tpu.memory_space<vmem>>, vector<16xf32>,
      %max3A_141 = arith.maximumf %scan3A_132, %get3A_140 : vector<16xf32>
      scf.yield %max3A_136, %max3A_141 : vector<16xf32>, vector<16xf32>
    }
    %scan3A_12 = arith.constant 640 : i32
    %slice3A = vector.extract_strided_slice %scan3A_11#0 {offsets = [0], sizes = [1], strides = [1]} : vector<16xf32> to vector<1xf32>
    %squeeze3A = vector.extract %slice3A[0] : f32 from vector<1xf32>
    %slice3A_13 = vector.extract_strided_slice %scan3A_11#1 {offsets = [0], sizes = [1], strides = [1]} : vector<16xf32> to vector<1xf32>
    %squeeze3A_14 = vector.extract %slice3A_13[0] : f32 from vector<1xf32>
    %slice3A_15 = vector.extract_strided_slice %scan3A_11#0 {offsets = [1], sizes = [1], strides = [1]} : vector<16xf32> to vector<1xf32>
    %squeeze3A_16 = vector.extract %slice3A_15[0] : f32 from vector<1xf32>
    %max3A = arith.maximumf %squeeze3A, %squeeze3A_16 : f32
    %slice3A_17 = vector.extract_strided_slice %scan3A_11#1 {offsets = [1], sizes = [1], strides = [1]} : vector<16xf32> to vector<1xf32>
    %squeeze3A_18 = vector.extract %slice3A_17[0] : f32 from vector<1xf32>
    %max3A_19 = arith.maximumf %squeeze3A_14, %squeeze3A_18 : f32
    %slice3A_20 = vector.extract_strided_slice %scan3A_11#0 {offsets = [2], sizes = [1], strides = [1]} : vector<16xf32> to vector<1xf32>
    %squeeze3A_21 = vector.extract %slice3A_20[0] : f32 from vector<1xf32>
    %max3A_22 = arith.maximumf %max3A, %squeeze3A_21 : f32
    %slice3A_23 = vector.extract_strided_slice %scan3A_11#1 {offsets = [2], sizes = [1], strides = [1]} : vector<16xf32> to vector<1xf32>
    %squeeze3A_24 = vector.extract %slice3A_23[0] : f32 from vector<1xf32>
    %max3A_25 = arith.maximumf %max3A_19, %squeeze3A_24 : f32
    %slice3A_26 = vector.extract_strided_slice %scan3A_11#0 {offsets = [3], sizes = [1], strides = [1]} : vector<16xf32> to vector<1xf32>
    %squeeze3A_27 = vector.extract %slice3A_26[0] : f32 from vector<1xf32>
    %max3A_28 = arith.maximumf %max3A_22, %squeeze3A_27 : f32
    %slice3A_29 = vector.extract_strided_slice %scan3A_11#1 {offsets = [3], sizes = [1], strides = [1]} : vector<16xf32> to vector<1xf32>
    %squeeze3A_30 = vector.extract %slice3A_29[0] : f32 from vector<1xf32>
    %max3A_31 = arith.maximumf %max3A_25, %squeeze3A_30 : f32
    %slice3A_32 = vector.extract_strided_slice %scan3A_11#0 {offsets = [4], sizes = [1], strides = [1]} : vector<16xf32> to vector<1xf32>
    %squeeze3A_33 = vector.extract %slice3A_32[0] : f32 from vector<1xf32>
    %max3A_34 = arith.maximumf %max3A_28, %squeeze3A_33 : f32
    %slice3A_35 = vector.extract_strided_slice %scan3A_11#1 {offsets = [4], sizes = [1], strides = [1]} : vector<16xf32> to vector<1xf32>
    %squeeze3A_36 = vector.extract %slice3A_35[0] : f32 from vector<1xf32>
    %max3A_37 = arith.maximumf %max3A_31, %squeeze3A_36 : f32
    %slice3A_38 = vector.extract_strided_slice %scan3A_11#0 {offsets = [5], sizes = [1], strides = [1]} : vector<16xf32> to vector<1xf32>
    %squeeze3A_39 = vector.extract %slice3A_38[0] : f32 from vector<1xf32>
    %max3A_40 = arith.maximumf %max3A_34, %squeeze3A_39 : f32
    %slice3A_41 = vector.extract_strided_slice %scan3A_11#1 {offsets = [5], sizes = [1], strides = [1]} : vector<16xf32> to vector<1xf32>
    %squeeze3A_42 = vector.extract %slice3A_41[0] : f32 from vector<1xf32>
    %max3A_43 = arith.maximumf %max3A_37, %squeeze3A_42 : f32
    %slice3A_44 = vector.extract_strided_slice %scan3A_11#0 {offsets = [6], sizes = [1], strides = [1]} : vector<16xf32> to vector<1xf32>
    %squeeze3A_45 = vector.extract %slice3A_44[0] : f32 from vector<1xf32>
    %max3A_46 = arith.maximumf %max3A_40, %squeeze3A_45 : f32
    %slice3A_47 = vector.extract_strided_slice %scan3A_11#1 {offsets = [6], sizes = [1], strides = [1]} : vector<16xf32> to vector<1xf32>
    %squeeze3A_48 = vector.extract %slice3A_47[0] : f32 from vector<1xf32>
    %max3A_49 = arith.maximumf %max3A_43, %squeeze3A_48 : f32
    %slice3A_50 = vector.extract_strided_slice %scan3A_11#0 {offsets = [7], sizes = [1], strides = [1]} : vector<16xf32> to vector<1xf32>
    %squeeze3A_51 = vector.extract %slice3A_50[0] : f32 from vector<1xf32>
    %max3A_52 = arith.maximumf %max3A_46, %squeeze3A_51 : f32
    %slice3A_53 = vector.extract_strided_slice %scan3A_11#1 {offsets = [7], sizes = [1], strides = [1]} : vector<16xf32> to vector<1xf32>
    %squeeze3A_54 = vector.extract %slice3A_53[0] : f32 from vector<1xf32>
    %max3A_55 = arith.maximumf %max3A_49, %squeeze3A_54 : f32
    %slice3A_56 = vector.extract_strided_slice %scan3A_11#0 {offsets = [8], sizes = [1], strides = [1]} : vector<16xf32> to vector<1xf32>
    %squeeze3A_57 = vector.extract %slice3A_56[0] : f32 from vector<1xf32>
    %max3A_58 = arith.maximumf %max3A_52, %squeeze3A_57 : f32
    %slice3A_59 = vector.extract_strided_slice %scan3A_11#1 {offsets = [8], sizes = [1], strides = [1]} : vector<16xf32> to vector<1xf32>
    %squeeze3A_60 = vector.extract %slice3A_59[0] : f32 from vector<1xf32>
    %max3A_61 = arith.maximumf %max3A_55, %squeeze3A_60 : f32
    %slice3A_62 = vector.extract_strided_slice %scan3A_11#0 {offsets = [9], sizes = [1], strides = [1]} : vector<16xf32> to vector<1xf32>
    %squeeze3A_63 = vector.extract %slice3A_62[0] : f32 from vector<1xf32>
    %max3A_64 = arith.maximumf %max3A_58, %squeeze3A_63 : f32
    %slice3A_65 = vector.extract_strided_slice %scan3A_11#1 {offsets = [9], sizes = [1], strides = [1]} : vector<16xf32> to vector<1xf32>
    %squeeze3A_66 = vector.extract %slice3A_65[0] : f32 from vector<1xf32>
    %max3A_67 = arith.maximumf %max3A_61, %squeeze3A_66 : f32
    %slice3A_68 = vector.extract_strided_slice %scan3A_11#0 {offsets = [10], sizes = [1], strides = [1]} : vector<16xf32> to vector<1xf32>
    %squeeze3A_69 = vector.extract %slice3A_68[0] : f32 from vector<1xf32>
    %max3A_70 = arith.maximumf %max3A_64, %squeeze3A_69 : f32
    %slice3A_71 = vector.extract_strided_slice %scan3A_11#1 {offsets = [10], sizes = [1], strides = [1]} : vector<16xf32> to vector<1xf32>
    %squeeze3A_72 = vector.extract %slice3A_71[0] : f32 from vector<1xf32>
    %max3A_73 = arith.maximumf %max3A_67, %squeeze3A_72 : f32
    %slice3A_74 = vector.extract_strided_slice %scan3A_11#0 {offsets = [11], sizes = [1], strides = [1]} : vector<16xf32> to vector<1xf32>
    %squeeze3A_75 = vector.extract %slice3A_74[0] : f32 from vector<1xf32>
    %max3A_76 = arith.maximumf %max3A_70, %squeeze3A_75 : f32
    %slice3A_77 = vector.extract_strided_slice %scan3A_11#1 {offsets = [11], sizes = [1], strides = [1]} : vector<16xf32> to vector<1xf32>
    %squeeze3A_78 = vector.extract %slice3A_77[0] : f32 from vector<1xf32>
    %max3A_79 = arith.maximumf %max3A_73, %squeeze3A_78 : f32
    %slice3A_80 = vector.extract_strided_slice %scan3A_11#0 {offsets = [12], sizes = [1], strides = [1]} : vector<16xf32> to vector<1xf32>
    %squeeze3A_81 = vector.extract %slice3A_80[0] : f32 from vector<1xf32>
    %max3A_82 = arith.maximumf %max3A_76, %squeeze3A_81 : f32
    %slice3A_83 = vector.extract_strided_slice %scan3A_11#1 {offsets = [12], sizes = [1], strides = [1]} : vector<16xf32> to vector<1xf32>
    %squeeze3A_84 = vector.extract %slice3A_83[0] : f32 from vector<1xf32>
    %max3A_85 = arith.maximumf %max3A_79, %squeeze3A_84 : f32
    %slice3A_86 = vector.extract_strided_slice %scan3A_11#0 {offsets = [13], sizes = [1], strides = [1]} : vector<16xf32> to vector<1xf32>
    %squeeze3A_87 = vector.extract %slice3A_86[0] : f32 from vector<1xf32>
    %max3A_88 = arith.maximumf %max3A_82, %squeeze3A_87 : f32
    %slice3A_89 = vector.extract_strided_slice %scan3A_11#1 {offsets = [13], sizes = [1], strides = [1]} : vector<16xf32> to vector<1xf32>
    %squeeze3A_90 = vector.extract %slice3A_89[0] : f32 from vector<1xf32>
    %max3A_91 = arith.maximumf %max3A_85, %squeeze3A_90 : f32
    %slice3A_92 = vector.extract_strided_slice %scan3A_11#0 {offsets = [14], sizes = [1], strides = [1]} : vector<16xf32> to vector<1xf32>
    %squeeze3A_93 = vector.extract %slice3A_92[0] : f32 from vector<1xf32>
    %max3A_94 = arith.maximumf %max3A_88, %squeeze3A_93 : f32
    %slice3A_95 = vector.extract_strided_slice %scan3A_11#1 {offsets = [14], sizes = [1], strides = [1]} : vector<16xf32> to vector<1xf32>
    %squeeze3A_96 = vector.extract %slice3A_95[0] : f32 from vector<1xf32>
    %max3A_97 = arith.maximumf %max3A_91, %squeeze3A_96 : f32
    %slice3A_98 = vector.extract_strided_slice %scan3A_11#0 {offsets = [15], sizes = [1], strides = [1]} : vector<16xf32> to vector<1xf32>
    %squeeze3A_99 = vector.extract %slice3A_98[0] : f32 from vector<1xf32>
    %max3A_100 = arith.maximumf %max3A_94, %squeeze3A_99 : f32
    %slice3A_101 = vector.extract_strided_slice %scan3A_11#1 {offsets = [15], sizes = [1], strides = [1]} : vector<16xf32> to vector<1xf32>
    %squeeze3A_102 = vector.extract %slice3A_101[0] : f32 from vector<1xf32>
    %max3A_103 = arith.maximumf %max3A_97, %squeeze3A_102 : f32
    %add3A = arith.addf %max3A_100, %max3A_103 : f32
    %gt3A = arith.constant 0.000000e+00 : f32
    %gt3A_104 = arith.cmpf ogt, %add3A, %gt3A : f32
    %mul3A = arith.constant 2.000000e-01 : f32
    %mul3A_105 = arith.mulf %mul3A, %add3A : f32
    %select_n3A = arith.select %gt3A_104, %add3A, %mul3A_105 : f32
    %mul3A_106 = arith.constant 16 : i32
    %mul3A_107 = arith.muli %arg0, %mul3A_106 : i32
    %add3A_108 = arith.addi %mul3A_107, %arg1 : i32
    %mul3A_109 = arith.constant 10000 : i32
    %mul3A_110 = arith.muli %add3A_108, %mul3A_109 : i32
    %scan3A_111 = arith.constant 0 : i32
    %scan3A_112 = arith.constant 0 : i32
    %scan3A_113 = arith.constant 5 : i32
    %scan3A_114 = arith.addi %scan3A_112, %scan3A_113 : i32
    %scan3A_115 = arith.constant 1 : i32
    %scan3A_116 = scf.for %scan3A_130 = %scan3A_112 to %scan3A_114 step %scan3A_115 iter_args(%scan3A_131 = %scan3A_111) -> (i32)  : i32 {
      %mul3A_132 = arith.constant 2000 : i32
      %mul3A_133 = arith.muli %scan3A_130, %mul3A_132 : i32
      %add3A_134 = arith.addi %mul3A_110, %mul3A_133 : i32
      "tpu.region"() ({
        %run_scoped3A = tpu.sem_alloc : memref<!tpu.dma_semaphore, #tpu.memory_space<semaphore_mem>>
        %dma_start3A = tpu.memref_slice %arg4[%add3A_134] : memref<320000xi32, #tpu.memory_space<hbm>> -> memref<2000xi32, #tpu.memory_space<hbm>>
        %dma_start3A_143 = tpu.memref_slice %arg4[%add3A_134] : memref<320000xi32, #tpu.memory_space<hbm>> -> memref<2000xi32, #tpu.memory_space<hbm>>
        tpu.enqueue_dma source(%dma_start3A_143 : memref<2000xi32, #tpu.memory_space<hbm>>) target(%arg10 : memref<2000xi32, #tpu.memory_space<vmem>>) target_semaphore(%run_scoped3A : memref<!tpu.dma_semaphore, #tpu.memory_space<semaphore_mem>>)
        %dma_wait3A = tpu.memref_slice %arg4[%add3A_134] : memref<320000xi32, #tpu.memory_space<hbm>> -> memref<2000xi32, #tpu.memory_space<hbm>>
        %dma_wait3A_144 = tpu.memref_slice %arg4[%add3A_134] : memref<320000xi32, #tpu.memory_space<hbm>> -> memref<2000xi32, #tpu.memory_space<hbm>>
        tpu.wait_dma2 semaphore(%run_scoped3A : memref<!tpu.dma_semaphore, #tpu.memory_space<semaphore_mem>>) src(%dma_wait3A_144 : memref<2000xi32, #tpu.memory_space<hbm>>) dst(%arg10 : memref<2000xi32, #tpu.memory_space<vmem>>)
        tpu.yield
      }) : () -> ()
      "tpu.region"() ({
        %run_scoped3A = tpu.sem_alloc : memref<!tpu.dma_semaphore, #tpu.memory_space<semaphore_mem>>
        %dma_start3A = tpu.memref_slice %arg5[%add3A_134] : memref<320000xi32, #tpu.memory_space<hbm>> -> memref<2000xi32, #tpu.memory_space<hbm>>
        %dma_start3A_143 = tpu.memref_slice %arg5[%add3A_134] : memref<320000xi32, #tpu.memory_space<hbm>> -> memref<2000xi32, #tpu.memory_space<hbm>>
        tpu.enqueue_dma source(%dma_start3A_143 : memref<2000xi32, #tpu.memory_space<hbm>>) target(%arg11 : memref<2000xi32, #tpu.memory_space<vmem>>) target_semaphore(%run_scoped3A : memref<!tpu.dma_semaphore, #tpu.memory_space<semaphore_mem>>)
        %dma_wait3A = tpu.memref_slice %arg5[%add3A_134] : memref<320000xi32, #tpu.memory_space<hbm>> -> memref<2000xi32, #tpu.memory_space<hbm>>
        %dma_wait3A_144 = tpu.memref_slice %arg5[%add3A_134] : memref<320000xi32, #tpu.memory_space<hbm>> -> memref<2000xi32, #tpu.memory_space<hbm>>
        tpu.wait_dma2 semaphore(%run_scoped3A : memref<!tpu.dma_semaphore, #tpu.memory_space<semaphore_mem>>) src(%dma_wait3A_144 : memref<2000xi32, #tpu.memory_space<hbm>>) dst(%arg11 : memref<2000xi32, #tpu.memory_space<vmem>>)
        tpu.yield
      }) : () -> ()
      %scan3A_135 = arith.constant 0 : i32
      %scan3A_136 = arith.constant 0 : i32
      %scan3A_137 = arith.constant 125 : i32
      %scan3A_138 = arith.addi %scan3A_136, %scan3A_137 : i32
      %scan3A_139 = arith.constant 1 : i32
      %scan3A_140 = scf.for %scan3A_143 = %scan3A_136 to %scan3A_138 step %scan3A_139 iter_args(%scan3A_144 = %scan3A_135) -> (i32)  : i32 {
        %mul3A_145 = arith.constant 16 : i32
        %mul3A_146 = arith.muli %scan3A_143, %mul3A_145 : i32
        %get3A = arith.index_cast %mul3A_146 : i32 to index
        %get3A_147 = tpu.vector_load %arg10[%get3A] {strides = array<i32>} : memref<2000xi32, #tpu.memory_space<vmem>>, vector<16xi32>,
        %mul3A_148 = arith.constant 16 : i32
        %mul3A_149 = arith.muli %scan3A_143, %mul3A_148 : i32
        %get3A_150 = arith.index_cast %mul3A_149 : i32 to index
        %get3A_151 = tpu.vector_load %arg11[%get3A_150] {strides = array<i32>} : memref<2000xi32, #tpu.memory_space<vmem>>, vector<16xi32>,
        %gather3A = tpu.vector_load_idx %arg8[%get3A_147] : memref<10240xf32, #tpu.memory_space<vmem>>[vector<16xi32>], vector<16xf32>,
        %gather3A_152 = tpu.vector_load_idx %arg9[%get3A_151] : memref<10240xf32, #tpu.memory_space<vmem>>[vector<16xi32>], vector<16xf32>,
        %add3A_153 = arith.addf %gather3A, %gather3A_152 : vector<16xf32>
        %gt3A_154 = arith.constant 0.000000e+00 : f32
        %gt3A_155 = vector.broadcast %gt3A_154 : f32 to vector<16xf32>
        %gt3A_156 = arith.cmpf ogt, %add3A_153, %gt3A_155 : vector<16xf32>
        %mul3A_157 = arith.constant 2.000000e-01 : f32
        %mul3A_158 = vector.broadcast %mul3A_157 : f32 to vector<16xf32>
        %mul3A_159 = arith.mulf %mul3A_158, %add3A_153 : vector<16xf32>
        %select_n3A_160 = arith.select %gt3A_156, %add3A_153, %mul3A_159 : vector<16xi1>, vector<16xf32>
        %sub3A = vector.broadcast %select_n3A : f32 to vector<16xf32>
        %sub3A_161 = arith.subf %select_n3A_160, %sub3A : vector<16xf32>
        %exp3A = math.exp %sub3A_161 : vector<16xf32>
        %mul3A_162 = arith.constant 16 : i32
        %mul3A_163 = arith.muli %scan3A_143, %mul3A_162 : i32
        %swap3A = arith.index_cast %mul3A_163 : i32 to index
        %swap3A_164 = tpu.vector_load %arg12[%swap3A] {strides = array<i32>} : memref<2000xf32, #tpu.memory_space<vmem>>, vector<16xf32>,
        tpu.vector_store %arg12[%swap3A], %exp3A {strides = array<i32>} : memref<2000xf32, #tpu.memory_space<vmem>>, vector<16xf32>,
        tpu.vector_store_idx %arg13[%get3A_151], %exp3A {add = true} : memref<10240xf32, #tpu.memory_space<vmem>>[vector<16xi32>], vector<16xf32>,
        %scan3A_165 = arith.constant 0 : i32
        scf.yield %scan3A_165 : i32
      }
      %scan3A_141 = arith.constant 125 : i32
      "tpu.region"() ({
        %run_scoped3A = tpu.sem_alloc : memref<!tpu.dma_semaphore, #tpu.memory_space<semaphore_mem>>
        %dma_start3A = tpu.memref_slice %arg6[%add3A_134] : memref<320000xf32, #tpu.memory_space<hbm>> -> memref<2000xf32, #tpu.memory_space<hbm>>
        %dma_start3A_143 = tpu.memref_slice %arg6[%add3A_134] : memref<320000xf32, #tpu.memory_space<hbm>> -> memref<2000xf32, #tpu.memory_space<hbm>>
        tpu.enqueue_dma source(%arg12 : memref<2000xf32, #tpu.memory_space<vmem>>) target(%dma_start3A_143 : memref<2000xf32, #tpu.memory_space<hbm>>) target_semaphore(%run_scoped3A : memref<!tpu.dma_semaphore, #tpu.memory_space<semaphore_mem>>)
        %dma_wait3A = tpu.memref_slice %arg6[%add3A_134] : memref<320000xf32, #tpu.memory_space<hbm>> -> memref<2000xf32, #tpu.memory_space<hbm>>
        %dma_wait3A_144 = tpu.memref_slice %arg6[%add3A_134] : memref<320000xf32, #tpu.memory_space<hbm>> -> memref<2000xf32, #tpu.memory_space<hbm>>
        tpu.wait_dma2 semaphore(%run_scoped3A : memref<!tpu.dma_semaphore, #tpu.memory_space<semaphore_mem>>) src(%arg12 : memref<2000xf32, #tpu.memory_space<vmem>>) dst(%dma_wait3A_144 : memref<2000xf32, #tpu.memory_space<hbm>>)
        tpu.yield
      }) : () -> ()
      %scan3A_142 = arith.constant 0 : i32
      scf.yield %scan3A_142 : i32
    }
    %scan3A_117 = arith.constant 5 : i32
    "tpu.region"() ({
      %run_scoped3A = tpu.sem_alloc : memref<!tpu.dma_semaphore, #tpu.memory_space<semaphore_mem>>
      %dma_start3A = arith.constant 0 : i32
      %dma_start3A_130 = tpu.memref_slice %arg16[%arg1, %dma_start3A] : memref<16x10240xf32, #tpu.memory_space<vmem_shared>> -> memref<1x10240xf32, #tpu.memory_space<vmem_shared>>
      %dma_start3A_131 = tpu.memref_squeeze %dma_start3A_130 : memref<1x10240xf32, #tpu.memory_space<vmem_shared>> -> memref<10240xf32, #tpu.memory_space<vmem_shared>>
      %dma_start3A_132 = arith.constant 0 : i32
      %dma_start3A_133 = tpu.memref_slice %arg16[%arg1, %dma_start3A_132] : memref<16x10240xf32, #tpu.memory_space<vmem_shared>> -> memref<1x10240xf32, #tpu.memory_space<vmem_shared>>
      %dma_start3A_134 = tpu.memref_squeeze %dma_start3A_133 : memref<1x10240xf32, #tpu.memory_space<vmem_shared>> -> memref<10240xf32, #tpu.memory_space<vmem_shared>>
      tpu.enqueue_dma source(%arg13 : memref<10240xf32, #tpu.memory_space<vmem>>) target(%dma_start3A_134 : memref<10240xf32, #tpu.memory_space<vmem_shared>>) target_semaphore(%run_scoped3A : memref<!tpu.dma_semaphore, #tpu.memory_space<semaphore_mem>>)
      %dma_wait3A = arith.constant 0 : i32
      %dma_wait3A_135 = tpu.memref_slice %arg16[%arg1, %dma_wait3A] : memref<16x10240xf32, #tpu.memory_space<vmem_shared>> -> memref<1x10240xf32, #tpu.memory_space<vmem_shared>>
      %dma_wait3A_136 = tpu.memref_squeeze %dma_wait3A_135 : memref<1x10240xf32, #tpu.memory_space<vmem_shared>> -> memref<10240xf32, #tpu.memory_space<vmem_shared>>
      %dma_wait3A_137 = arith.constant 0 : i32
      %dma_wait3A_138 = tpu.memref_slice %arg16[%arg1, %dma_wait3A_137] : memref<16x10240xf32, #tpu.memory_space<vmem_shared>> -> memref<1x10240xf32, #tpu.memory_space<vmem_shared>>
      %dma_wait3A_139 = tpu.memref_squeeze %dma_wait3A_138 : memref<1x10240xf32, #tpu.memory_space<vmem_shared>> -> memref<10240xf32, #tpu.memory_space<vmem_shared>>
      tpu.wait_dma2 semaphore(%run_scoped3A : memref<!tpu.dma_semaphore, #tpu.memory_space<semaphore_mem>>) src(%arg13 : memref<10240xf32, #tpu.memory_space<vmem>>) dst(%dma_wait3A_139 : memref<10240xf32, #tpu.memory_space<vmem_shared>>)
      tpu.yield
    }) : () -> ()
    %barrier3A = arith.constant 0 : index
    tpu.barrier barrier_id(%barrier3A)
    %mul3A_118 = arith.constant 640 : i32
    %mul3A_119 = arith.muli %arg1, %mul3A_118 : i32
    "tpu.region"() ({
      %run_scoped3A = tpu.sem_alloc : memref<!tpu.dma_semaphore, #tpu.memory_space<semaphore_mem>>
      %dma_start3A = arith.constant 0 : i32
      %dma_start3A_130 = tpu.memref_slice %arg16[%dma_start3A, %mul3A_119] : memref<16x10240xf32, #tpu.memory_space<vmem_shared>> -> memref<16x640xf32, #tpu.memory_space<vmem_shared>>
      %dma_start3A_131 = arith.constant 0 : i32
      %dma_start3A_132 = tpu.memref_slice %arg16[%dma_start3A_131, %mul3A_119] : memref<16x10240xf32, #tpu.memory_space<vmem_shared>> -> memref<16x640xf32, #tpu.memory_space<vmem_shared>>
      tpu.enqueue_dma source(%dma_start3A_132 : memref<16x640xf32, #tpu.memory_space<vmem_shared>>) target(%arg14 : memref<16x640xf32, #tpu.memory_space<vmem>>) target_semaphore(%run_scoped3A : memref<!tpu.dma_semaphore, #tpu.memory_space<semaphore_mem>>)
      %dma_wait3A = arith.constant 0 : i32
      %dma_wait3A_133 = tpu.memref_slice %arg16[%dma_wait3A, %mul3A_119] : memref<16x10240xf32, #tpu.memory_space<vmem_shared>> -> memref<16x640xf32, #tpu.memory_space<vmem_shared>>
      %dma_wait3A_134 = arith.constant 0 : i32
      %dma_wait3A_135 = tpu.memref_slice %arg16[%dma_wait3A_134, %mul3A_119] : memref<16x10240xf32, #tpu.memory_space<vmem_shared>> -> memref<16x640xf32, #tpu.memory_space<vmem_shared>>
      tpu.wait_dma2 semaphore(%run_scoped3A : memref<!tpu.dma_semaphore, #tpu.memory_space<semaphore_mem>>) src(%dma_wait3A_135 : memref<16x640xf32, #tpu.memory_space<vmem_shared>>) dst(%arg14 : memref<16x640xf32, #tpu.memory_space<vmem>>)
      tpu.yield
    }) : () -> ()
    %scan3A_120 = arith.constant 0 : i32
    %scan3A_121 = arith.constant 0 : i32
    %scan3A_122 = arith.constant 40 : i32
    %scan3A_123 = arith.addi %scan3A_121, %scan3A_122 : i32
    %scan3A_124 = arith.constant 1 : i32
    %scan3A_125 = scf.for %scan3A_130 = %scan3A_121 to %scan3A_123 step %scan3A_124 iter_args(%scan3A_131 = %scan3A_120) -> (i32)  : i32 {
      %broadcast_in_dim3A_132 = arith.constant 0.000000e+00 : f32
      %broadcast_in_dim3A_133 = vector.broadcast %broadcast_in_dim3A_132 : f32 to vector<16xf32>
      %mul3A_134 = arith.constant 16 : i32
      %mul3A_135 = arith.muli %scan3A_130, %mul3A_134 : i32
      %get3A = arith.constant 0 : i32
      %get3A_136 = arith.index_cast %get3A : i32 to index
      %get3A_137 = arith.index_cast %mul3A_135 : i32 to index
      %get3A_138 = tpu.vector_load %arg14[%get3A_136, %get3A_137] {strides = array<i32>} : memref<16x640xf32, #tpu.memory_space<vmem>>, vector<16xf32>,
      %add3A_139 = arith.addf %broadcast_in_dim3A_133, %get3A_138 : vector<16xf32>
      %mul3A_140 = arith.constant 16 : i32
      %mul3A_141 = arith.muli %scan3A_130, %mul3A_140 : i32
      %get3A_142 = arith.constant 1 : i32
      %get3A_143 = arith.index_cast %get3A_142 : i32 to index
      %get3A_144 = arith.index_cast %mul3A_141 : i32 to index
      %get3A_145 = tpu.vector_load %arg14[%get3A_143, %get3A_144] {strides = array<i32>} : memref<16x640xf32, #tpu.memory_space<vmem>>, vector<16xf32>,
      %add3A_146 = arith.addf %add3A_139, %get3A_145 : vector<16xf32>
      %mul3A_147 = arith.constant 16 : i32
      %mul3A_148 = arith.muli %scan3A_130, %mul3A_147 : i32
      %get3A_149 = arith.constant 2 : i32
      %get3A_150 = arith.index_cast %get3A_149 : i32 to index
      %get3A_151 = arith.index_cast %mul3A_148 : i32 to index
      %get3A_152 = tpu.vector_load %arg14[%get3A_150, %get3A_151] {strides = array<i32>} : memref<16x640xf32, #tpu.memory_space<vmem>>, vector<16xf32>,
      %add3A_153 = arith.addf %add3A_146, %get3A_152 : vector<16xf32>
      %mul3A_154 = arith.constant 16 : i32
      %mul3A_155 = arith.muli %scan3A_130, %mul3A_154 : i32
      %get3A_156 = arith.constant 3 : i32
      %get3A_157 = arith.index_cast %get3A_156 : i32 to index
      %get3A_158 = arith.index_cast %mul3A_155 : i32 to index
      %get3A_159 = tpu.vector_load %arg14[%get3A_157, %get3A_158] {strides = array<i32>} : memref<16x640xf32, #tpu.memory_space<vmem>>, vector<16xf32>,
      %add3A_160 = arith.addf %add3A_153, %get3A_159 : vector<16xf32>
      %mul3A_161 = arith.constant 16 : i32
      %mul3A_162 = arith.muli %scan3A_130, %mul3A_161 : i32
      %get3A_163 = arith.constant 4 : i32
      %get3A_164 = arith.index_cast %get3A_163 : i32 to index
      %get3A_165 = arith.index_cast %mul3A_162 : i32 to index
      %get3A_166 = tpu.vector_load %arg14[%get3A_164, %get3A_165] {strides = array<i32>} : memref<16x640xf32, #tpu.memory_space<vmem>>, vector<16xf32>,
      %add3A_167 = arith.addf %add3A_160, %get3A_166 : vector<16xf32>
      %mul3A_168 = arith.constant 16 : i32
      %mul3A_169 = arith.muli %scan3A_130, %mul3A_168 : i32
      %get3A_170 = arith.constant 5 : i32
      %get3A_171 = arith.index_cast %get3A_170 : i32 to index
      %get3A_172 = arith.index_cast %mul3A_169 : i32 to index
      %get3A_173 = tpu.vector_load %arg14[%get3A_171, %get3A_172] {strides = array<i32>} : memref<16x640xf32, #tpu.memory_space<vmem>>, vector<16xf32>,
      %add3A_174 = arith.addf %add3A_167, %get3A_173 : vector<16xf32>
      %mul3A_175 = arith.constant 16 : i32
      %mul3A_176 = arith.muli %scan3A_130, %mul3A_175 : i32
      %get3A_177 = arith.constant 6 : i32
      %get3A_178 = arith.index_cast %get3A_177 : i32 to index
      %get3A_179 = arith.index_cast %mul3A_176 : i32 to index
      %get3A_180 = tpu.vector_load %arg14[%get3A_178, %get3A_179] {strides = array<i32>} : memref<16x640xf32, #tpu.memory_space<vmem>>, vector<16xf32>,
      %add3A_181 = arith.addf %add3A_174, %get3A_180 : vector<16xf32>
      %mul3A_182 = arith.constant 16 : i32
      %mul3A_183 = arith.muli %scan3A_130, %mul3A_182 : i32
      %get3A_184 = arith.constant 7 : i32
      %get3A_185 = arith.index_cast %get3A_184 : i32 to index
      %get3A_186 = arith.index_cast %mul3A_183 : i32 to index
      %get3A_187 = tpu.vector_load %arg14[%get3A_185, %get3A_186] {strides = array<i32>} : memref<16x640xf32, #tpu.memory_space<vmem>>, vector<16xf32>,
      %add3A_188 = arith.addf %add3A_181, %get3A_187 : vector<16xf32>
      %mul3A_189 = arith.constant 16 : i32
      %mul3A_190 = arith.muli %scan3A_130, %mul3A_189 : i32
      %get3A_191 = arith.constant 8 : i32
      %get3A_192 = arith.index_cast %get3A_191 : i32 to index
      %get3A_193 = arith.index_cast %mul3A_190 : i32 to index
      %get3A_194 = tpu.vector_load %arg14[%get3A_192, %get3A_193] {strides = array<i32>} : memref<16x640xf32, #tpu.memory_space<vmem>>, vector<16xf32>,
      %add3A_195 = arith.addf %add3A_188, %get3A_194 : vector<16xf32>
      %mul3A_196 = arith.constant 16 : i32
      %mul3A_197 = arith.muli %scan3A_130, %mul3A_196 : i32
      %get3A_198 = arith.constant 9 : i32
      %get3A_199 = arith.index_cast %get3A_198 : i32 to index
      %get3A_200 = arith.index_cast %mul3A_197 : i32 to index
      %get3A_201 = tpu.vector_load %arg14[%get3A_199, %get3A_200] {strides = array<i32>} : memref<16x640xf32, #tpu.memory_space<vmem>>, vector<16xf32>,
      %add3A_202 = arith.addf %add3A_195, %get3A_201 : vector<16xf32>
      %mul3A_203 = arith.constant 16 : i32
      %mul3A_204 = arith.muli %scan3A_130, %mul3A_203 : i32
      %get3A_205 = arith.constant 10 : i32
      %get3A_206 = arith.index_cast %get3A_205 : i32 to index
      %get3A_207 = arith.index_cast %mul3A_204 : i32 to index
      %get3A_208 = tpu.vector_load %arg14[%get3A_206, %get3A_207] {strides = array<i32>} : memref<16x640xf32, #tpu.memory_space<vmem>>, vector<16xf32>,
      %add3A_209 = arith.addf %add3A_202, %get3A_208 : vector<16xf32>
      %mul3A_210 = arith.constant 16 : i32
      %mul3A_211 = arith.muli %scan3A_130, %mul3A_210 : i32
      %get3A_212 = arith.constant 11 : i32
      %get3A_213 = arith.index_cast %get3A_212 : i32 to index
      %get3A_214 = arith.index_cast %mul3A_211 : i32 to index
      %get3A_215 = tpu.vector_load %arg14[%get3A_213, %get3A_214] {strides = array<i32>} : memref<16x640xf32, #tpu.memory_space<vmem>>, vector<16xf32>,
      %add3A_216 = arith.addf %add3A_209, %get3A_215 : vector<16xf32>
      %mul3A_217 = arith.constant 16 : i32
      %mul3A_218 = arith.muli %scan3A_130, %mul3A_217 : i32
      %get3A_219 = arith.constant 12 : i32
      %get3A_220 = arith.index_cast %get3A_219 : i32 to index
      %get3A_221 = arith.index_cast %mul3A_218 : i32 to index
      %get3A_222 = tpu.vector_load %arg14[%get3A_220, %get3A_221] {strides = array<i32>} : memref<16x640xf32, #tpu.memory_space<vmem>>, vector<16xf32>,
      %add3A_223 = arith.addf %add3A_216, %get3A_222 : vector<16xf32>
      %mul3A_224 = arith.constant 16 : i32
      %mul3A_225 = arith.muli %scan3A_130, %mul3A_224 : i32
      %get3A_226 = arith.constant 13 : i32
      %get3A_227 = arith.index_cast %get3A_226 : i32 to index
      %get3A_228 = arith.index_cast %mul3A_225 : i32 to index
      %get3A_229 = tpu.vector_load %arg14[%get3A_227, %get3A_228] {strides = array<i32>} : memref<16x640xf32, #tpu.memory_space<vmem>>, vector<16xf32>,
      %add3A_230 = arith.addf %add3A_223, %get3A_229 : vector<16xf32>
      %mul3A_231 = arith.constant 16 : i32
      %mul3A_232 = arith.muli %scan3A_130, %mul3A_231 : i32
      %get3A_233 = arith.constant 14 : i32
      %get3A_234 = arith.index_cast %get3A_233 : i32 to index
      %get3A_235 = arith.index_cast %mul3A_232 : i32 to index
      %get3A_236 = tpu.vector_load %arg14[%get3A_234, %get3A_235] {strides = array<i32>} : memref<16x640xf32, #tpu.memory_space<vmem>>, vector<16xf32>,
      %add3A_237 = arith.addf %add3A_230, %get3A_236 : vector<16xf32>
      %mul3A_238 = arith.constant 16 : i32
      %mul3A_239 = arith.muli %scan3A_130, %mul3A_238 : i32
      %get3A_240 = arith.constant 15 : i32
      %get3A_241 = arith.index_cast %get3A_240 : i32 to index
      %get3A_242 = arith.index_cast %mul3A_239 : i32 to index
      %get3A_243 = tpu.vector_load %arg14[%get3A_241, %get3A_242] {strides = array<i32>} : memref<16x640xf32, #tpu.memory_space<vmem>>, vector<16xf32>,
      %add3A_244 = arith.addf %add3A_237, %get3A_243 : vector<16xf32>
      %mul3A_245 = arith.constant 16 : i32
      %mul3A_246 = arith.muli %scan3A_130, %mul3A_245 : i32
      %swap3A = arith.index_cast %mul3A_246 : i32 to index
      %swap3A_247 = tpu.vector_load %arg15[%swap3A] {strides = array<i32>} : memref<640xf32, #tpu.memory_space<vmem>>, vector<16xf32>,
      tpu.vector_store %arg15[%swap3A], %add3A_244 {strides = array<i32>} : memref<640xf32, #tpu.memory_space<vmem>>, vector<16xf32>,
      %scan3A_248 = arith.constant 0 : i32
      scf.yield %scan3A_248 : i32
    }
    %scan3A_126 = arith.constant 40 : i32
    %mul3A_127 = arith.constant 10240 : i32
    %mul3A_128 = arith.muli %arg0, %mul3A_127 : i32
    %add3A_129 = arith.addi %mul3A_128, %mul3A_119 : i32
    "tpu.region"() ({
      %run_scoped3A = tpu.sem_alloc : memref<!tpu.dma_semaphore, #tpu.memory_space<semaphore_mem>>
      %dma_start3A = tpu.memref_slice %arg7[%add3A_129] : memref<20480xf32, #tpu.memory_space<hbm>> -> memref<640xf32, #tpu.memory_space<hbm>>
      %dma_start3A_130 = tpu.memref_slice %arg7[%add3A_129] : memref<20480xf32, #tpu.memory_space<hbm>> -> memref<640xf32, #tpu.memory_space<hbm>>
      tpu.enqueue_dma source(%arg15 : memref<640xf32, #tpu.memory_space<vmem>>) target(%dma_start3A_130 : memref<640xf32, #tpu.memory_space<hbm>>) target_semaphore(%run_scoped3A : memref<!tpu.dma_semaphore, #tpu.memory_space<semaphore_mem>>)
      %dma_wait3A = tpu.memref_slice %arg7[%add3A_129] : memref<20480xf32, #tpu.memory_space<hbm>> -> memref<640xf32, #tpu.memory_space<hbm>>
      %dma_wait3A_131 = tpu.memref_slice %arg7[%add3A_129] : memref<20480xf32, #tpu.memory_space<hbm>> -> memref<640xf32, #tpu.memory_space<hbm>>
      tpu.wait_dma2 semaphore(%run_scoped3A : memref<!tpu.dma_semaphore, #tpu.memory_space<semaphore_mem>>) src(%arg15 : memref<640xf32, #tpu.memory_space<vmem>>) dst(%dma_wait3A_131 : memref<640xf32, #tpu.memory_space<hbm>>)
      tpu.yield
    }) : () -> ()
    return
  }
}

#map = affine_map<(d0, d1) -> (0, 0)>
module attributes {stable_mosaic.version = 14 : i64} {
  func.func @_agg_body(%arg0: i32, %arg1: i32, %arg2: memref<20000x128xf32, #tpu.memory_space<hbm>>, %arg3: memref<5120x64xi32, #tpu.memory_space<hbm>>, %arg4: memref<5120x64xi32, #tpu.memory_space<hbm>>, %arg5: memref<5120x64xf32, #tpu.memory_space<hbm>>, %arg6: memref<20480x128xf32, #tpu.memory_space<hbm>>, %arg7: memref<64x128xf32, #tpu.memory_space<vmem>>, %arg8: memref<64x128xf32, #tpu.memory_space<vmem>>, %arg9: memref<64x128xf32, #tpu.memory_space<vmem>>, %arg10: memref<64x128xf32, #tpu.memory_space<vmem>>, %arg11: memref<40x64xi32, #tpu.memory_space<vmem>>, %arg12: memref<40x64xi32, #tpu.memory_space<vmem>>, %arg13: memref<40x64xf32, #tpu.memory_space<vmem>>, %arg14: memref<!tpu.dma_semaphore, #tpu.memory_space<semaphore_mem>>, %arg15: memref<!tpu.dma_semaphore, #tpu.memory_space<semaphore_mem>>, %arg16: memref<!tpu.dma_semaphore, #tpu.memory_space<semaphore_mem>>, %arg17: memref<!tpu.dma_semaphore, #tpu.memory_space<semaphore_mem>>, %arg18: memref<!tpu.dma_semaphore, #tpu.memory_space<semaphore_mem>>, %arg19: memref<!tpu.dma_semaphore, #tpu.memory_space<semaphore_mem>>, %arg20: memref<!tpu.dma_semaphore, #tpu.memory_space<semaphore_mem>>, %arg21: memref<!tpu.dma_semaphore, #tpu.memory_space<semaphore_mem>>, %arg22: memref<10240x128xf32, #tpu.memory_space<vmem_shared>>) attributes {dimension_semantics = [#tpu.dimension_semantics<core_parallel>, #tpu.dimension_semantics<subcore_parallel>], iteration_bounds = array<i64: 2, 16>, scalar_prefetch = 0 : i64, scratch_operands = 16 : i64, tpu.core_type = #tpu.core_type<sc_vector_subcore>, window_params = [{transform_indices = #map}, {transform_indices = #map}, {transform_indices = #map}, {transform_indices = #map}, {transform_indices = #map}]} {
    %mul3A = arith.constant 10000 : i32
    %mul3A_0 = arith.muli %arg0, %mul3A : i32
    %broadcast_in_dim3A = arith.constant 0.000000e+00 : f32
    %broadcast_in_dim3A_1 = vector.broadcast %broadcast_in_dim3A : f32 to vector<16xf32>
    %scan3A = arith.constant 0 : i32
    %scan3A_2 = arith.constant 0 : i32
    %scan3A_3 = arith.constant 64 : i32
    %scan3A_4 = arith.addi %scan3A_2, %scan3A_3 : i32
    %scan3A_5 = arith.constant 1 : i32
    %scan3A_6 = scf.for %scan3A_64 = %scan3A_2 to %scan3A_4 step %scan3A_5 iter_args(%scan3A_65 = %scan3A) -> (i32)  : i32 {
      %swap3A = arith.index_cast %scan3A_64 : i32 to index
      %swap3A_66 = arith.constant 0 : index
      %swap3A_67 = tpu.vector_load %arg7[%swap3A, %swap3A_66] {strides = array<i32>} : memref<64x128xf32, #tpu.memory_space<vmem>>, vector<16xf32>,
      tpu.vector_store %arg7[%swap3A, %swap3A_66], %broadcast_in_dim3A_1 {strides = array<i32>} : memref<64x128xf32, #tpu.memory_space<vmem>>, vector<16xf32>,
      %swap3A_68 = arith.index_cast %scan3A_64 : i32 to index
      %swap3A_69 = arith.constant 16 : index
      %swap3A_70 = tpu.vector_load %arg7[%swap3A_68, %swap3A_69] {strides = array<i32>} : memref<64x128xf32, #tpu.memory_space<vmem>>, vector<16xf32>,
      tpu.vector_store %arg7[%swap3A_68, %swap3A_69], %broadcast_in_dim3A_1 {strides = array<i32>} : memref<64x128xf32, #tpu.memory_space<vmem>>, vector<16xf32>,
      %swap3A_71 = arith.index_cast %scan3A_64 : i32 to index
      %swap3A_72 = arith.constant 32 : index
      %swap3A_73 = tpu.vector_load %arg7[%swap3A_71, %swap3A_72] {strides = array<i32>} : memref<64x128xf32, #tpu.memory_space<vmem>>, vector<16xf32>,
      tpu.vector_store %arg7[%swap3A_71, %swap3A_72], %broadcast_in_dim3A_1 {strides = array<i32>} : memref<64x128xf32, #tpu.memory_space<vmem>>, vector<16xf32>,
      %swap3A_74 = arith.index_cast %scan3A_64 : i32 to index
      %swap3A_75 = arith.constant 48 : index
      %swap3A_76 = tpu.vector_load %arg7[%swap3A_74, %swap3A_75] {strides = array<i32>} : memref<64x128xf32, #tpu.memory_space<vmem>>, vector<16xf32>,
      tpu.vector_store %arg7[%swap3A_74, %swap3A_75], %broadcast_in_dim3A_1 {strides = array<i32>} : memref<64x128xf32, #tpu.memory_space<vmem>>, vector<16xf32>,
      %swap3A_77 = arith.index_cast %scan3A_64 : i32 to index
      %swap3A_78 = arith.constant 64 : index
      %swap3A_79 = tpu.vector_load %arg7[%swap3A_77, %swap3A_78] {strides = array<i32>} : memref<64x128xf32, #tpu.memory_space<vmem>>, vector<16xf32>,
      tpu.vector_store %arg7[%swap3A_77, %swap3A_78], %broadcast_in_dim3A_1 {strides = array<i32>} : memref<64x128xf32, #tpu.memory_space<vmem>>, vector<16xf32>,
      %swap3A_80 = arith.index_cast %scan3A_64 : i32 to index
      %swap3A_81 = arith.constant 80 : index
      %swap3A_82 = tpu.vector_load %arg7[%swap3A_80, %swap3A_81] {strides = array<i32>} : memref<64x128xf32, #tpu.memory_space<vmem>>, vector<16xf32>,
      tpu.vector_store %arg7[%swap3A_80, %swap3A_81], %broadcast_in_dim3A_1 {strides = array<i32>} : memref<64x128xf32, #tpu.memory_space<vmem>>, vector<16xf32>,
      %swap3A_83 = arith.index_cast %scan3A_64 : i32 to index
      %swap3A_84 = arith.constant 96 : index
      %swap3A_85 = tpu.vector_load %arg7[%swap3A_83, %swap3A_84] {strides = array<i32>} : memref<64x128xf32, #tpu.memory_space<vmem>>, vector<16xf32>,
      tpu.vector_store %arg7[%swap3A_83, %swap3A_84], %broadcast_in_dim3A_1 {strides = array<i32>} : memref<64x128xf32, #tpu.memory_space<vmem>>, vector<16xf32>,
      %swap3A_86 = arith.index_cast %scan3A_64 : i32 to index
      %swap3A_87 = arith.constant 112 : index
      %swap3A_88 = tpu.vector_load %arg7[%swap3A_86, %swap3A_87] {strides = array<i32>} : memref<64x128xf32, #tpu.memory_space<vmem>>, vector<16xf32>,
      tpu.vector_store %arg7[%swap3A_86, %swap3A_87], %broadcast_in_dim3A_1 {strides = array<i32>} : memref<64x128xf32, #tpu.memory_space<vmem>>, vector<16xf32>,
      %scan3A_89 = arith.constant 0 : i32
      scf.yield %scan3A_89 : i32
    }
    %scan3A_7 = arith.constant 64 : i32
    %mul3A_8 = arith.constant 640 : i32
    %mul3A_9 = arith.muli %arg1, %mul3A_8 : i32
    %add3A = arith.constant 0 : i32
    %add3A_10 = arith.addi %mul3A_9, %add3A : i32
    "tpu.region"() ({
      %run_scoped3A = tpu.sem_alloc : memref<!tpu.dma_semaphore, #tpu.memory_space<semaphore_mem>>
      %dma_start3A = arith.constant 0 : i32
      %dma_start3A_64 = tpu.memref_slice %arg22[%add3A_10, %dma_start3A] : memref<10240x128xf32, #tpu.memory_space<vmem_shared>> -> memref<64x128xf32, #tpu.memory_space<vmem_shared>>
      %dma_start3A_65 = arith.constant 0 : i32
      %dma_start3A_66 = tpu.memref_slice %arg22[%add3A_10, %dma_start3A_65] : memref<10240x128xf32, #tpu.memory_space<vmem_shared>> -> memref<64x128xf32, #tpu.memory_space<vmem_shared>>
      tpu.enqueue_dma source(%arg7 : memref<64x128xf32, #tpu.memory_space<vmem>>) target(%dma_start3A_66 : memref<64x128xf32, #tpu.memory_space<vmem_shared>>) target_semaphore(%run_scoped3A : memref<!tpu.dma_semaphore, #tpu.memory_space<semaphore_mem>>)
      %dma_wait3A = arith.constant 0 : i32
      %dma_wait3A_67 = tpu.memref_slice %arg22[%add3A_10, %dma_wait3A] : memref<10240x128xf32, #tpu.memory_space<vmem_shared>> -> memref<64x128xf32, #tpu.memory_space<vmem_shared>>
      %dma_wait3A_68 = arith.constant 0 : i32
      %dma_wait3A_69 = tpu.memref_slice %arg22[%add3A_10, %dma_wait3A_68] : memref<10240x128xf32, #tpu.memory_space<vmem_shared>> -> memref<64x128xf32, #tpu.memory_space<vmem_shared>>
      tpu.wait_dma2 semaphore(%run_scoped3A : memref<!tpu.dma_semaphore, #tpu.memory_space<semaphore_mem>>) src(%arg7 : memref<64x128xf32, #tpu.memory_space<vmem>>) dst(%dma_wait3A_69 : memref<64x128xf32, #tpu.memory_space<vmem_shared>>)
      tpu.yield
    }) : () -> ()
    %mul3A_11 = arith.constant 640 : i32
    %mul3A_12 = arith.muli %arg1, %mul3A_11 : i32
    %add3A_13 = arith.constant 64 : i32
    %add3A_14 = arith.addi %mul3A_12, %add3A_13 : i32
    "tpu.region"() ({
      %run_scoped3A = tpu.sem_alloc : memref<!tpu.dma_semaphore, #tpu.memory_space<semaphore_mem>>
      %dma_start3A = arith.constant 0 : i32
      %dma_start3A_64 = tpu.memref_slice %arg22[%add3A_14, %dma_start3A] : memref<10240x128xf32, #tpu.memory_space<vmem_shared>> -> memref<64x128xf32, #tpu.memory_space<vmem_shared>>
      %dma_start3A_65 = arith.constant 0 : i32
      %dma_start3A_66 = tpu.memref_slice %arg22[%add3A_14, %dma_start3A_65] : memref<10240x128xf32, #tpu.memory_space<vmem_shared>> -> memref<64x128xf32, #tpu.memory_space<vmem_shared>>
      tpu.enqueue_dma source(%arg7 : memref<64x128xf32, #tpu.memory_space<vmem>>) target(%dma_start3A_66 : memref<64x128xf32, #tpu.memory_space<vmem_shared>>) target_semaphore(%run_scoped3A : memref<!tpu.dma_semaphore, #tpu.memory_space<semaphore_mem>>)
      %dma_wait3A = arith.constant 0 : i32
      %dma_wait3A_67 = tpu.memref_slice %arg22[%add3A_14, %dma_wait3A] : memref<10240x128xf32, #tpu.memory_space<vmem_shared>> -> memref<64x128xf32, #tpu.memory_space<vmem_shared>>
      %dma_wait3A_68 = arith.constant 0 : i32
      %dma_wait3A_69 = tpu.memref_slice %arg22[%add3A_14, %dma_wait3A_68] : memref<10240x128xf32, #tpu.memory_space<vmem_shared>> -> memref<64x128xf32, #tpu.memory_space<vmem_shared>>
      tpu.wait_dma2 semaphore(%run_scoped3A : memref<!tpu.dma_semaphore, #tpu.memory_space<semaphore_mem>>) src(%arg7 : memref<64x128xf32, #tpu.memory_space<vmem>>) dst(%dma_wait3A_69 : memref<64x128xf32, #tpu.memory_space<vmem_shared>>)
      tpu.yield
    }) : () -> ()
    %mul3A_15 = arith.constant 640 : i32
    %mul3A_16 = arith.muli %arg1, %mul3A_15 : i32
    %add3A_17 = arith.constant 128 : i32
    %add3A_18 = arith.addi %mul3A_16, %add3A_17 : i32
    "tpu.region"() ({
      %run_scoped3A = tpu.sem_alloc : memref<!tpu.dma_semaphore, #tpu.memory_space<semaphore_mem>>
      %dma_start3A = arith.constant 0 : i32
      %dma_start3A_64 = tpu.memref_slice %arg22[%add3A_18, %dma_start3A] : memref<10240x128xf32, #tpu.memory_space<vmem_shared>> -> memref<64x128xf32, #tpu.memory_space<vmem_shared>>
      %dma_start3A_65 = arith.constant 0 : i32
      %dma_start3A_66 = tpu.memref_slice %arg22[%add3A_18, %dma_start3A_65] : memref<10240x128xf32, #tpu.memory_space<vmem_shared>> -> memref<64x128xf32, #tpu.memory_space<vmem_shared>>
      tpu.enqueue_dma source(%arg7 : memref<64x128xf32, #tpu.memory_space<vmem>>) target(%dma_start3A_66 : memref<64x128xf32, #tpu.memory_space<vmem_shared>>) target_semaphore(%run_scoped3A : memref<!tpu.dma_semaphore, #tpu.memory_space<semaphore_mem>>)
      %dma_wait3A = arith.constant 0 : i32
      %dma_wait3A_67 = tpu.memref_slice %arg22[%add3A_18, %dma_wait3A] : memref<10240x128xf32, #tpu.memory_space<vmem_shared>> -> memref<64x128xf32, #tpu.memory_space<vmem_shared>>
      %dma_wait3A_68 = arith.constant 0 : i32
      %dma_wait3A_69 = tpu.memref_slice %arg22[%add3A_18, %dma_wait3A_68] : memref<10240x128xf32, #tpu.memory_space<vmem_shared>> -> memref<64x128xf32, #tpu.memory_space<vmem_shared>>
      tpu.wait_dma2 semaphore(%run_scoped3A : memref<!tpu.dma_semaphore, #tpu.memory_space<semaphore_mem>>) src(%arg7 : memref<64x128xf32, #tpu.memory_space<vmem>>) dst(%dma_wait3A_69 : memref<64x128xf32, #tpu.memory_space<vmem_shared>>)
      tpu.yield
    }) : () -> ()
    %mul3A_19 = arith.constant 640 : i32
    %mul3A_20 = arith.muli %arg1, %mul3A_19 : i32
    %add3A_21 = arith.constant 192 : i32
    %add3A_22 = arith.addi %mul3A_20, %add3A_21 : i32
    "tpu.region"() ({
      %run_scoped3A = tpu.sem_alloc : memref<!tpu.dma_semaphore, #tpu.memory_space<semaphore_mem>>
      %dma_start3A = arith.constant 0 : i32
      %dma_start3A_64 = tpu.memref_slice %arg22[%add3A_22, %dma_start3A] : memref<10240x128xf32, #tpu.memory_space<vmem_shared>> -> memref<64x128xf32, #tpu.memory_space<vmem_shared>>
      %dma_start3A_65 = arith.constant 0 : i32
      %dma_start3A_66 = tpu.memref_slice %arg22[%add3A_22, %dma_start3A_65] : memref<10240x128xf32, #tpu.memory_space<vmem_shared>> -> memref<64x128xf32, #tpu.memory_space<vmem_shared>>
      tpu.enqueue_dma source(%arg7 : memref<64x128xf32, #tpu.memory_space<vmem>>) target(%dma_start3A_66 : memref<64x128xf32, #tpu.memory_space<vmem_shared>>) target_semaphore(%run_scoped3A : memref<!tpu.dma_semaphore, #tpu.memory_space<semaphore_mem>>)
      %dma_wait3A = arith.constant 0 : i32
      %dma_wait3A_67 = tpu.memref_slice %arg22[%add3A_22, %dma_wait3A] : memref<10240x128xf32, #tpu.memory_space<vmem_shared>> -> memref<64x128xf32, #tpu.memory_space<vmem_shared>>
      %dma_wait3A_68 = arith.constant 0 : i32
      %dma_wait3A_69 = tpu.memref_slice %arg22[%add3A_22, %dma_wait3A_68] : memref<10240x128xf32, #tpu.memory_space<vmem_shared>> -> memref<64x128xf32, #tpu.memory_space<vmem_shared>>
      tpu.wait_dma2 semaphore(%run_scoped3A : memref<!tpu.dma_semaphore, #tpu.memory_space<semaphore_mem>>) src(%arg7 : memref<64x128xf32, #tpu.memory_space<vmem>>) dst(%dma_wait3A_69 : memref<64x128xf32, #tpu.memory_space<vmem_shared>>)
      tpu.yield
    }) : () -> ()
    %mul3A_23 = arith.constant 640 : i32
    %mul3A_24 = arith.muli %arg1, %mul3A_23 : i32
    %add3A_25 = arith.constant 256 : i32
    %add3A_26 = arith.addi %mul3A_24, %add3A_25 : i32
    "tpu.region"() ({
      %run_scoped3A = tpu.sem_alloc : memref<!tpu.dma_semaphore, #tpu.memory_space<semaphore_mem>>
      %dma_start3A = arith.constant 0 : i32
      %dma_start3A_64 = tpu.memref_slice %arg22[%add3A_26, %dma_start3A] : memref<10240x128xf32, #tpu.memory_space<vmem_shared>> -> memref<64x128xf32, #tpu.memory_space<vmem_shared>>
      %dma_start3A_65 = arith.constant 0 : i32
      %dma_start3A_66 = tpu.memref_slice %arg22[%add3A_26, %dma_start3A_65] : memref<10240x128xf32, #tpu.memory_space<vmem_shared>> -> memref<64x128xf32, #tpu.memory_space<vmem_shared>>
      tpu.enqueue_dma source(%arg7 : memref<64x128xf32, #tpu.memory_space<vmem>>) target(%dma_start3A_66 : memref<64x128xf32, #tpu.memory_space<vmem_shared>>) target_semaphore(%run_scoped3A : memref<!tpu.dma_semaphore, #tpu.memory_space<semaphore_mem>>)
      %dma_wait3A = arith.constant 0 : i32
      %dma_wait3A_67 = tpu.memref_slice %arg22[%add3A_26, %dma_wait3A] : memref<10240x128xf32, #tpu.memory_space<vmem_shared>> -> memref<64x128xf32, #tpu.memory_space<vmem_shared>>
      %dma_wait3A_68 = arith.constant 0 : i32
      %dma_wait3A_69 = tpu.memref_slice %arg22[%add3A_26, %dma_wait3A_68] : memref<10240x128xf32, #tpu.memory_space<vmem_shared>> -> memref<64x128xf32, #tpu.memory_space<vmem_shared>>
      tpu.wait_dma2 semaphore(%run_scoped3A : memref<!tpu.dma_semaphore, #tpu.memory_space<semaphore_mem>>) src(%arg7 : memref<64x128xf32, #tpu.memory_space<vmem>>) dst(%dma_wait3A_69 : memref<64x128xf32, #tpu.memory_space<vmem_shared>>)
      tpu.yield
    }) : () -> ()
    %mul3A_27 = arith.constant 640 : i32
    %mul3A_28 = arith.muli %arg1, %mul3A_27 : i32
    %add3A_29 = arith.constant 320 : i32
    %add3A_30 = arith.addi %mul3A_28, %add3A_29 : i32
    "tpu.region"() ({
      %run_scoped3A = tpu.sem_alloc : memref<!tpu.dma_semaphore, #tpu.memory_space<semaphore_mem>>
      %dma_start3A = arith.constant 0 : i32
      %dma_start3A_64 = tpu.memref_slice %arg22[%add3A_30, %dma_start3A] : memref<10240x128xf32, #tpu.memory_space<vmem_shared>> -> memref<64x128xf32, #tpu.memory_space<vmem_shared>>
      %dma_start3A_65 = arith.constant 0 : i32
      %dma_start3A_66 = tpu.memref_slice %arg22[%add3A_30, %dma_start3A_65] : memref<10240x128xf32, #tpu.memory_space<vmem_shared>> -> memref<64x128xf32, #tpu.memory_space<vmem_shared>>
      tpu.enqueue_dma source(%arg7 : memref<64x128xf32, #tpu.memory_space<vmem>>) target(%dma_start3A_66 : memref<64x128xf32, #tpu.memory_space<vmem_shared>>) target_semaphore(%run_scoped3A : memref<!tpu.dma_semaphore, #tpu.memory_space<semaphore_mem>>)
      %dma_wait3A = arith.constant 0 : i32
      %dma_wait3A_67 = tpu.memref_slice %arg22[%add3A_30, %dma_wait3A] : memref<10240x128xf32, #tpu.memory_space<vmem_shared>> -> memref<64x128xf32, #tpu.memory_space<vmem_shared>>
      %dma_wait3A_68 = arith.constant 0 : i32
      %dma_wait3A_69 = tpu.memref_slice %arg22[%add3A_30, %dma_wait3A_68] : memref<10240x128xf32, #tpu.memory_space<vmem_shared>> -> memref<64x128xf32, #tpu.memory_space<vmem_shared>>
      tpu.wait_dma2 semaphore(%run_scoped3A : memref<!tpu.dma_semaphore, #tpu.memory_space<semaphore_mem>>) src(%arg7 : memref<64x128xf32, #tpu.memory_space<vmem>>) dst(%dma_wait3A_69 : memref<64x128xf32, #tpu.memory_space<vmem_shared>>)
      tpu.yield
    }) : () -> ()
    %mul3A_31 = arith.constant 640 : i32
    %mul3A_32 = arith.muli %arg1, %mul3A_31 : i32
    %add3A_33 = arith.constant 384 : i32
    %add3A_34 = arith.addi %mul3A_32, %add3A_33 : i32
    "tpu.region"() ({
      %run_scoped3A = tpu.sem_alloc : memref<!tpu.dma_semaphore, #tpu.memory_space<semaphore_mem>>
      %dma_start3A = arith.constant 0 : i32
      %dma_start3A_64 = tpu.memref_slice %arg22[%add3A_34, %dma_start3A] : memref<10240x128xf32, #tpu.memory_space<vmem_shared>> -> memref<64x128xf32, #tpu.memory_space<vmem_shared>>
      %dma_start3A_65 = arith.constant 0 : i32
      %dma_start3A_66 = tpu.memref_slice %arg22[%add3A_34, %dma_start3A_65] : memref<10240x128xf32, #tpu.memory_space<vmem_shared>> -> memref<64x128xf32, #tpu.memory_space<vmem_shared>>
      tpu.enqueue_dma source(%arg7 : memref<64x128xf32, #tpu.memory_space<vmem>>) target(%dma_start3A_66 : memref<64x128xf32, #tpu.memory_space<vmem_shared>>) target_semaphore(%run_scoped3A : memref<!tpu.dma_semaphore, #tpu.memory_space<semaphore_mem>>)
      %dma_wait3A = arith.constant 0 : i32
      %dma_wait3A_67 = tpu.memref_slice %arg22[%add3A_34, %dma_wait3A] : memref<10240x128xf32, #tpu.memory_space<vmem_shared>> -> memref<64x128xf32, #tpu.memory_space<vmem_shared>>
      %dma_wait3A_68 = arith.constant 0 : i32
      %dma_wait3A_69 = tpu.memref_slice %arg22[%add3A_34, %dma_wait3A_68] : memref<10240x128xf32, #tpu.memory_space<vmem_shared>> -> memref<64x128xf32, #tpu.memory_space<vmem_shared>>
      tpu.wait_dma2 semaphore(%run_scoped3A : memref<!tpu.dma_semaphore, #tpu.memory_space<semaphore_mem>>) src(%arg7 : memref<64x128xf32, #tpu.memory_space<vmem>>) dst(%dma_wait3A_69 : memref<64x128xf32, #tpu.memory_space<vmem_shared>>)
      tpu.yield
    }) : () -> ()
    %mul3A_35 = arith.constant 640 : i32
    %mul3A_36 = arith.muli %arg1, %mul3A_35 : i32
    %add3A_37 = arith.constant 448 : i32
    %add3A_38 = arith.addi %mul3A_36, %add3A_37 : i32
    "tpu.region"() ({
      %run_scoped3A = tpu.sem_alloc : memref<!tpu.dma_semaphore, #tpu.memory_space<semaphore_mem>>
      %dma_start3A = arith.constant 0 : i32
      %dma_start3A_64 = tpu.memref_slice %arg22[%add3A_38, %dma_start3A] : memref<10240x128xf32, #tpu.memory_space<vmem_shared>> -> memref<64x128xf32, #tpu.memory_space<vmem_shared>>
      %dma_start3A_65 = arith.constant 0 : i32
      %dma_start3A_66 = tpu.memref_slice %arg22[%add3A_38, %dma_start3A_65] : memref<10240x128xf32, #tpu.memory_space<vmem_shared>> -> memref<64x128xf32, #tpu.memory_space<vmem_shared>>
      tpu.enqueue_dma source(%arg7 : memref<64x128xf32, #tpu.memory_space<vmem>>) target(%dma_start3A_66 : memref<64x128xf32, #tpu.memory_space<vmem_shared>>) target_semaphore(%run_scoped3A : memref<!tpu.dma_semaphore, #tpu.memory_space<semaphore_mem>>)
      %dma_wait3A = arith.constant 0 : i32
      %dma_wait3A_67 = tpu.memref_slice %arg22[%add3A_38, %dma_wait3A] : memref<10240x128xf32, #tpu.memory_space<vmem_shared>> -> memref<64x128xf32, #tpu.memory_space<vmem_shared>>
      %dma_wait3A_68 = arith.constant 0 : i32
      %dma_wait3A_69 = tpu.memref_slice %arg22[%add3A_38, %dma_wait3A_68] : memref<10240x128xf32, #tpu.memory_space<vmem_shared>> -> memref<64x128xf32, #tpu.memory_space<vmem_shared>>
      tpu.wait_dma2 semaphore(%run_scoped3A : memref<!tpu.dma_semaphore, #tpu.memory_space<semaphore_mem>>) src(%arg7 : memref<64x128xf32, #tpu.memory_space<vmem>>) dst(%dma_wait3A_69 : memref<64x128xf32, #tpu.memory_space<vmem_shared>>)
      tpu.yield
    }) : () -> ()
    %mul3A_39 = arith.constant 640 : i32
    %mul3A_40 = arith.muli %arg1, %mul3A_39 : i32
    %add3A_41 = arith.constant 512 : i32
    %add3A_42 = arith.addi %mul3A_40, %add3A_41 : i32
    "tpu.region"() ({
      %run_scoped3A = tpu.sem_alloc : memref<!tpu.dma_semaphore, #tpu.memory_space<semaphore_mem>>
      %dma_start3A = arith.constant 0 : i32
      %dma_start3A_64 = tpu.memref_slice %arg22[%add3A_42, %dma_start3A] : memref<10240x128xf32, #tpu.memory_space<vmem_shared>> -> memref<64x128xf32, #tpu.memory_space<vmem_shared>>
      %dma_start3A_65 = arith.constant 0 : i32
      %dma_start3A_66 = tpu.memref_slice %arg22[%add3A_42, %dma_start3A_65] : memref<10240x128xf32, #tpu.memory_space<vmem_shared>> -> memref<64x128xf32, #tpu.memory_space<vmem_shared>>
      tpu.enqueue_dma source(%arg7 : memref<64x128xf32, #tpu.memory_space<vmem>>) target(%dma_start3A_66 : memref<64x128xf32, #tpu.memory_space<vmem_shared>>) target_semaphore(%run_scoped3A : memref<!tpu.dma_semaphore, #tpu.memory_space<semaphore_mem>>)
      %dma_wait3A = arith.constant 0 : i32
      %dma_wait3A_67 = tpu.memref_slice %arg22[%add3A_42, %dma_wait3A] : memref<10240x128xf32, #tpu.memory_space<vmem_shared>> -> memref<64x128xf32, #tpu.memory_space<vmem_shared>>
      %dma_wait3A_68 = arith.constant 0 : i32
      %dma_wait3A_69 = tpu.memref_slice %arg22[%add3A_42, %dma_wait3A_68] : memref<10240x128xf32, #tpu.memory_space<vmem_shared>> -> memref<64x128xf32, #tpu.memory_space<vmem_shared>>
      tpu.wait_dma2 semaphore(%run_scoped3A : memref<!tpu.dma_semaphore, #tpu.memory_space<semaphore_mem>>) src(%arg7 : memref<64x128xf32, #tpu.memory_space<vmem>>) dst(%dma_wait3A_69 : memref<64x128xf32, #tpu.memory_space<vmem_shared>>)
      tpu.yield
    }) : () -> ()
    %mul3A_43 = arith.constant 640 : i32
    %mul3A_44 = arith.muli %arg1, %mul3A_43 : i32
    %add3A_45 = arith.constant 576 : i32
    %add3A_46 = arith.addi %mul3A_44, %add3A_45 : i32
    "tpu.region"() ({
      %run_scoped3A = tpu.sem_alloc : memref<!tpu.dma_semaphore, #tpu.memory_space<semaphore_mem>>
      %dma_start3A = arith.constant 0 : i32
      %dma_start3A_64 = tpu.memref_slice %arg22[%add3A_46, %dma_start3A] : memref<10240x128xf32, #tpu.memory_space<vmem_shared>> -> memref<64x128xf32, #tpu.memory_space<vmem_shared>>
      %dma_start3A_65 = arith.constant 0 : i32
      %dma_start3A_66 = tpu.memref_slice %arg22[%add3A_46, %dma_start3A_65] : memref<10240x128xf32, #tpu.memory_space<vmem_shared>> -> memref<64x128xf32, #tpu.memory_space<vmem_shared>>
      tpu.enqueue_dma source(%arg7 : memref<64x128xf32, #tpu.memory_space<vmem>>) target(%dma_start3A_66 : memref<64x128xf32, #tpu.memory_space<vmem_shared>>) target_semaphore(%run_scoped3A : memref<!tpu.dma_semaphore, #tpu.memory_space<semaphore_mem>>)
      %dma_wait3A = arith.constant 0 : i32
      %dma_wait3A_67 = tpu.memref_slice %arg22[%add3A_46, %dma_wait3A] : memref<10240x128xf32, #tpu.memory_space<vmem_shared>> -> memref<64x128xf32, #tpu.memory_space<vmem_shared>>
      %dma_wait3A_68 = arith.constant 0 : i32
      %dma_wait3A_69 = tpu.memref_slice %arg22[%add3A_46, %dma_wait3A_68] : memref<10240x128xf32, #tpu.memory_space<vmem_shared>> -> memref<64x128xf32, #tpu.memory_space<vmem_shared>>
      tpu.wait_dma2 semaphore(%run_scoped3A : memref<!tpu.dma_semaphore, #tpu.memory_space<semaphore_mem>>) src(%arg7 : memref<64x128xf32, #tpu.memory_space<vmem>>) dst(%dma_wait3A_69 : memref<64x128xf32, #tpu.memory_space<vmem_shared>>)
      tpu.yield
    }) : () -> ()
    %barrier3A = arith.constant 0 : index
    tpu.barrier barrier_id(%barrier3A)
    %mul3A_47 = arith.constant 320 : i32
    %mul3A_48 = arith.muli %arg1, %mul3A_47 : i32
    %scan3A_49 = arith.constant 0 : i32
    %scan3A_50 = arith.constant 0 : i32
    %scan3A_51 = arith.constant 8 : i32
    %scan3A_52 = arith.addi %scan3A_50, %scan3A_51 : i32
    %scan3A_53 = arith.constant 1 : i32
    %scan3A_54 = scf.for %scan3A_64 = %scan3A_50 to %scan3A_52 step %scan3A_53 iter_args(%scan3A_65 = %scan3A_49) -> (i32)  : i32 {
      %mul3A_66 = arith.constant 40 : i32
      %mul3A_67 = arith.muli %scan3A_64, %mul3A_66 : i32
      %mul3A_68 = arith.constant 40 : i32
      %mul3A_69 = arith.muli %scan3A_64, %mul3A_68 : i32
      %add3A_70 = arith.addi %mul3A_48, %mul3A_69 : i32
      "tpu.region"() ({
        %run_scoped3A = tpu.sem_alloc : memref<!tpu.dma_semaphore, #tpu.memory_space<semaphore_mem>>
        %dma_start3A_151 = arith.constant 0 : i32
        %dma_start3A_152 = tpu.memref_slice %arg3[%add3A_70, %dma_start3A_151] : memref<5120x64xi32, #tpu.memory_space<hbm>> -> memref<40x64xi32, #tpu.memory_space<hbm>>
        %dma_start3A_153 = arith.constant 0 : i32
        %dma_start3A_154 = tpu.memref_slice %arg3[%add3A_70, %dma_start3A_153] : memref<5120x64xi32, #tpu.memory_space<hbm>> -> memref<40x64xi32, #tpu.memory_space<hbm>>
        tpu.enqueue_dma source(%dma_start3A_154 : memref<40x64xi32, #tpu.memory_space<hbm>>) target(%arg11 : memref<40x64xi32, #tpu.memory_space<vmem>>) target_semaphore(%run_scoped3A : memref<!tpu.dma_semaphore, #tpu.memory_space<semaphore_mem>>)
        %dma_wait3A_155 = arith.constant 0 : i32
        %dma_wait3A_156 = tpu.memref_slice %arg3[%add3A_70, %dma_wait3A_155] : memref<5120x64xi32, #tpu.memory_space<hbm>> -> memref<40x64xi32, #tpu.memory_space<hbm>>
        %dma_wait3A_157 = arith.constant 0 : i32
        %dma_wait3A_158 = tpu.memref_slice %arg3[%add3A_70, %dma_wait3A_157] : memref<5120x64xi32, #tpu.memory_space<hbm>> -> memref<40x64xi32, #tpu.memory_space<hbm>>
        tpu.wait_dma2 semaphore(%run_scoped3A : memref<!tpu.dma_semaphore, #tpu.memory_space<semaphore_mem>>) src(%dma_wait3A_158 : memref<40x64xi32, #tpu.memory_space<hbm>>) dst(%arg11 : memref<40x64xi32, #tpu.memory_space<vmem>>)
        tpu.yield
      }) : () -> ()
      "tpu.region"() ({
        %run_scoped3A = tpu.sem_alloc : memref<!tpu.dma_semaphore, #tpu.memory_space<semaphore_mem>>
        %dma_start3A_151 = arith.constant 0 : i32
        %dma_start3A_152 = tpu.memref_slice %arg4[%add3A_70, %dma_start3A_151] : memref<5120x64xi32, #tpu.memory_space<hbm>> -> memref<40x64xi32, #tpu.memory_space<hbm>>
        %dma_start3A_153 = arith.constant 0 : i32
        %dma_start3A_154 = tpu.memref_slice %arg4[%add3A_70, %dma_start3A_153] : memref<5120x64xi32, #tpu.memory_space<hbm>> -> memref<40x64xi32, #tpu.memory_space<hbm>>
        tpu.enqueue_dma source(%dma_start3A_154 : memref<40x64xi32, #tpu.memory_space<hbm>>) target(%arg12 : memref<40x64xi32, #tpu.memory_space<vmem>>) target_semaphore(%run_scoped3A : memref<!tpu.dma_semaphore, #tpu.memory_space<semaphore_mem>>)
        %dma_wait3A_155 = arith.constant 0 : i32
        %dma_wait3A_156 = tpu.memref_slice %arg4[%add3A_70, %dma_wait3A_155] : memref<5120x64xi32, #tpu.memory_space<hbm>> -> memref<40x64xi32, #tpu.memory_space<hbm>>
        %dma_wait3A_157 = arith.constant 0 : i32
        %dma_wait3A_158 = tpu.memref_slice %arg4[%add3A_70, %dma_wait3A_157] : memref<5120x64xi32, #tpu.memory_space<hbm>> -> memref<40x64xi32, #tpu.memory_space<hbm>>
        tpu.wait_dma2 semaphore(%run_scoped3A : memref<!tpu.dma_semaphore, #tpu.memory_space<semaphore_mem>>) src(%dma_wait3A_158 : memref<40x64xi32, #tpu.memory_space<hbm>>) dst(%arg12 : memref<40x64xi32, #tpu.memory_space<vmem>>)
        tpu.yield
      }) : () -> ()
      "tpu.region"() ({
        %run_scoped3A = tpu.sem_alloc : memref<!tpu.dma_semaphore, #tpu.memory_space<semaphore_mem>>
        %dma_start3A_151 = arith.constant 0 : i32
        %dma_start3A_152 = tpu.memref_slice %arg5[%add3A_70, %dma_start3A_151] : memref<5120x64xf32, #tpu.memory_space<hbm>> -> memref<40x64xf32, #tpu.memory_space<hbm>>
        %dma_start3A_153 = arith.constant 0 : i32
        %dma_start3A_154 = tpu.memref_slice %arg5[%add3A_70, %dma_start3A_153] : memref<5120x64xf32, #tpu.memory_space<hbm>> -> memref<40x64xf32, #tpu.memory_space<hbm>>
        tpu.enqueue_dma source(%dma_start3A_154 : memref<40x64xf32, #tpu.memory_space<hbm>>) target(%arg13 : memref<40x64xf32, #tpu.memory_space<vmem>>) target_semaphore(%run_scoped3A : memref<!tpu.dma_semaphore, #tpu.memory_space<semaphore_mem>>)
        %dma_wait3A_155 = arith.constant 0 : i32
        %dma_wait3A_156 = tpu.memref_slice %arg5[%add3A_70, %dma_wait3A_155] : memref<5120x64xf32, #tpu.memory_space<hbm>> -> memref<40x64xf32, #tpu.memory_space<hbm>>
        %dma_wait3A_157 = arith.constant 0 : i32
        %dma_wait3A_158 = tpu.memref_slice %arg5[%add3A_70, %dma_wait3A_157] : memref<5120x64xf32, #tpu.memory_space<hbm>> -> memref<40x64xf32, #tpu.memory_space<hbm>>
        tpu.wait_dma2 semaphore(%run_scoped3A : memref<!tpu.dma_semaphore, #tpu.memory_space<semaphore_mem>>) src(%dma_wait3A_158 : memref<40x64xf32, #tpu.memory_space<hbm>>) dst(%arg13 : memref<40x64xf32, #tpu.memory_space<vmem>>)
        tpu.yield
      }) : () -> ()
      %scan3A_71 = arith.constant 0 : i32
      %scan3A_72 = arith.constant 0 : i32
      %scan3A_73 = arith.constant 40 : i32
      %scan3A_74 = arith.addi %scan3A_72, %scan3A_73 : i32
      %scan3A_75 = arith.constant 1 : i32
      %scan3A_76 = scf.for %scan3A_151 = %scan3A_72 to %scan3A_74 step %scan3A_75 iter_args(%scan3A_152 = %scan3A_71) -> (i32)  : i32 {
        %get3A = arith.index_cast %scan3A_151 : i32 to index
        %get3A_153 = arith.constant 0 : index
        %get3A_154 = tpu.vector_load %arg11[%get3A, %get3A_153] {strides = array<i32>} : memref<40x64xi32, #tpu.memory_space<vmem>>, vector<16xi32>,
        %add3A_155 = vector.broadcast %mul3A_0 : i32 to vector<16xi32>
        %add3A_156 = arith.addi %get3A_154, %add3A_155 : vector<16xi32>
        %swap3A = arith.index_cast %scan3A_151 : i32 to index
        %swap3A_157 = arith.constant 0 : index
        %swap3A_158 = tpu.vector_load %arg11[%swap3A, %swap3A_157] {strides = array<i32>} : memref<40x64xi32, #tpu.memory_space<vmem>>, vector<16xi32>,
        tpu.vector_store %arg11[%swap3A, %swap3A_157], %add3A_156 {strides = array<i32>} : memref<40x64xi32, #tpu.memory_space<vmem>>, vector<16xi32>,
        %get3A_159 = arith.index_cast %scan3A_151 : i32 to index
        %get3A_160 = arith.constant 16 : index
        %get3A_161 = tpu.vector_load %arg11[%get3A_159, %get3A_160] {strides = array<i32>} : memref<40x64xi32, #tpu.memory_space<vmem>>, vector<16xi32>,
        %add3A_162 = vector.broadcast %mul3A_0 : i32 to vector<16xi32>
        %add3A_163 = arith.addi %get3A_161, %add3A_162 : vector<16xi32>
        %swap3A_164 = arith.index_cast %scan3A_151 : i32 to index
        %swap3A_165 = arith.constant 16 : index
        %swap3A_166 = tpu.vector_load %arg11[%swap3A_164, %swap3A_165] {strides = array<i32>} : memref<40x64xi32, #tpu.memory_space<vmem>>, vector<16xi32>,
        tpu.vector_store %arg11[%swap3A_164, %swap3A_165], %add3A_163 {strides = array<i32>} : memref<40x64xi32, #tpu.memory_space<vmem>>, vector<16xi32>,
        %get3A_167 = arith.index_cast %scan3A_151 : i32 to index
        %get3A_168 = arith.constant 32 : index
        %get3A_169 = tpu.vector_load %arg11[%get3A_167, %get3A_168] {strides = array<i32>} : memref<40x64xi32, #tpu.memory_space<vmem>>, vector<16xi32>,
        %add3A_170 = vector.broadcast %mul3A_0 : i32 to vector<16xi32>
        %add3A_171 = arith.addi %get3A_169, %add3A_170 : vector<16xi32>
        %swap3A_172 = arith.index_cast %scan3A_151 : i32 to index
        %swap3A_173 = arith.constant 32 : index
        %swap3A_174 = tpu.vector_load %arg11[%swap3A_172, %swap3A_173] {strides = array<i32>} : memref<40x64xi32, #tpu.memory_space<vmem>>, vector<16xi32>,
        tpu.vector_store %arg11[%swap3A_172, %swap3A_173], %add3A_171 {strides = array<i32>} : memref<40x64xi32, #tpu.memory_space<vmem>>, vector<16xi32>,
        %get3A_175 = arith.index_cast %scan3A_151 : i32 to index
        %get3A_176 = arith.constant 48 : index
        %get3A_177 = tpu.vector_load %arg11[%get3A_175, %get3A_176] {strides = array<i32>} : memref<40x64xi32, #tpu.memory_space<vmem>>, vector<16xi32>,
        %add3A_178 = vector.broadcast %mul3A_0 : i32 to vector<16xi32>
        %add3A_179 = arith.addi %get3A_177, %add3A_178 : vector<16xi32>
        %swap3A_180 = arith.index_cast %scan3A_151 : i32 to index
        %swap3A_181 = arith.constant 48 : index
        %swap3A_182 = tpu.vector_load %arg11[%swap3A_180, %swap3A_181] {strides = array<i32>} : memref<40x64xi32, #tpu.memory_space<vmem>>, vector<16xi32>,
        tpu.vector_store %arg11[%swap3A_180, %swap3A_181], %add3A_179 {strides = array<i32>} : memref<40x64xi32, #tpu.memory_space<vmem>>, vector<16xi32>,
        %scan3A_183 = arith.constant 0 : i32
        scf.yield %scan3A_183 : i32
      }
      %scan3A_77 = arith.constant 40 : i32
      %sub3A = arith.subi %mul3A_67, %mul3A_67 : i32
      %dma_start3A = arith.constant 0 : i32
      %dma_start3A_78 = tpu.memref_slice %arg11[%sub3A, %dma_start3A] : memref<40x64xi32, #tpu.memory_space<vmem>> -> memref<1x64xi32, #tpu.memory_space<vmem>>
      %dma_start3A_79 = tpu.memref_squeeze %dma_start3A_78 : memref<1x64xi32, #tpu.memory_space<vmem>> -> memref<64xi32, #tpu.memory_space<vmem>>
      %dma_start3A_80 = arith.constant 0 : i32
      %dma_start3A_81 = arith.constant 0 : i32
      %dma_start3A_82 = tpu.memref_slice %arg2[%dma_start3A_80, %dma_start3A_81] : memref<20000x128xf32, #tpu.memory_space<hbm>> -> memref<20000x128xf32, #tpu.memory_space<hbm>>
      tpu.enqueue_indirect_dma source(%dma_start3A_82 : memref<20000x128xf32, #tpu.memory_space<hbm>>) target(%arg7 : memref<64x128xf32, #tpu.memory_space<vmem>>) offsets(%dma_start3A_79 : memref<64xi32, #tpu.memory_space<vmem>>) semaphore(%arg14 : memref<!tpu.dma_semaphore, #tpu.memory_space<semaphore_mem>>)
      %add3A_83 = arith.constant 1 : i32
      %add3A_84 = arith.addi %mul3A_67, %add3A_83 : i32
      %sub3A_85 = arith.subi %add3A_84, %mul3A_67 : i32
      %dma_start3A_86 = arith.constant 0 : i32
      %dma_start3A_87 = tpu.memref_slice %arg11[%sub3A_85, %dma_start3A_86] : memref<40x64xi32, #tpu.memory_space<vmem>> -> memref<1x64xi32, #tpu.memory_space<vmem>>
      %dma_start3A_88 = tpu.memref_squeeze %dma_start3A_87 : memref<1x64xi32, #tpu.memory_space<vmem>> -> memref<64xi32, #tpu.memory_space<vmem>>
      %dma_start3A_89 = arith.constant 0 : i32
      %dma_start3A_90 = arith.constant 0 : i32
      %dma_start3A_91 = tpu.memref_slice %arg2[%dma_start3A_89, %dma_start3A_90] : memref<20000x128xf32, #tpu.memory_space<hbm>> -> memref<20000x128xf32, #tpu.memory_space<hbm>>
      tpu.enqueue_indirect_dma source(%dma_start3A_91 : memref<20000x128xf32, #tpu.memory_space<hbm>>) target(%arg8 : memref<64x128xf32, #tpu.memory_space<vmem>>) offsets(%dma_start3A_88 : memref<64xi32, #tpu.memory_space<vmem>>) semaphore(%arg15 : memref<!tpu.dma_semaphore, #tpu.memory_space<semaphore_mem>>)
      %scan3A_92 = arith.constant 0 : i32
      %scan3A_93 = arith.constant 0 : i32
      %scan3A_94 = arith.constant 10 : i32
      %scan3A_95 = arith.addi %scan3A_93, %scan3A_94 : i32
      %scan3A_96 = arith.constant 1 : i32
      %scan3A_97 = scf.for %scan3A_151 = %scan3A_93 to %scan3A_95 step %scan3A_96 iter_args(%scan3A_152 = %scan3A_92) -> (i32)  : i32 {
        %mul3A_153 = arith.constant 4 : i32
        %mul3A_154 = arith.muli %mul3A_153, %scan3A_151 : i32
        %add3A_155 = arith.addi %mul3A_67, %mul3A_154 : i32
        %add3A_156 = arith.constant 0 : i32
        %add3A_157 = arith.addi %add3A_155, %add3A_156 : i32
        %gt3A = arith.constant 0 : i32
        %gt3A_158 = arith.cmpi sgt, %scan3A_151, %gt3A : i32
        %convert_element_type3A = arith.extui %gt3A_158 : i1 to i32
        %cond3A = arith.constant 0 : i32
        %cond3A_159 = arith.cmpi ne, %convert_element_type3A, %cond3A : i32
        scf.if %cond3A_159 {
          %sub3A_264 = arith.constant 2 : i32
          %sub3A_265 = arith.subi %add3A_157, %sub3A_264 : i32
          %sub3A_266 = arith.subi %sub3A_265, %mul3A_67 : i32
          %dma_wait3A_267 = arith.constant 0 : i32
          %dma_wait3A_268 = tpu.memref_slice %arg12[%sub3A_266, %dma_wait3A_267] : memref<40x64xi32, #tpu.memory_space<vmem>> -> memref<1x64xi32, #tpu.memory_space<vmem>>
          %dma_wait3A_269 = tpu.memref_squeeze %dma_wait3A_268 : memref<1x64xi32, #tpu.memory_space<vmem>> -> memref<64xi32, #tpu.memory_space<vmem>>
          %dma_wait3A_270 = arith.constant 0 : i32
          %dma_wait3A_271 = arith.constant 0 : i32
          %dma_wait3A_272 = tpu.memref_slice %arg22[%dma_wait3A_270, %dma_wait3A_271] : memref<10240x128xf32, #tpu.memory_space<vmem_shared>> -> memref<10240x128xf32, #tpu.memory_space<vmem_shared>>
          tpu.wait_indirect_dma semaphore(%arg20 : memref<!tpu.dma_semaphore, #tpu.memory_space<semaphore_mem>>) src(%arg9 : memref<64x128xf32, #tpu.memory_space<vmem>>) dst(%dma_wait3A_272 : memref<10240x128xf32, #tpu.memory_space<vmem_shared>>)
        } else {
        }
        %add3A_160 = arith.constant 2 : i32
        %add3A_161 = arith.addi %add3A_157, %add3A_160 : i32
        %sub3A_162 = arith.subi %add3A_161, %mul3A_67 : i32
        %dma_start3A_163 = arith.constant 0 : i32
        %dma_start3A_164 = tpu.memref_slice %arg11[%sub3A_162, %dma_start3A_163] : memref<40x64xi32, #tpu.memory_space<vmem>> -> memref<1x64xi32, #tpu.memory_space<vmem>>
        %dma_start3A_165 = tpu.memref_squeeze %dma_start3A_164 : memref<1x64xi32, #tpu.memory_space<vmem>> -> memref<64xi32, #tpu.memory_space<vmem>>
        %dma_start3A_166 = arith.constant 0 : i32
        %dma_start3A_167 = arith.constant 0 : i32
        %dma_start3A_168 = tpu.memref_slice %arg2[%dma_start3A_166, %dma_start3A_167] : memref<20000x128xf32, #tpu.memory_space<hbm>> -> memref<20000x128xf32, #tpu.memory_space<hbm>>
        tpu.enqueue_indirect_dma source(%dma_start3A_168 : memref<20000x128xf32, #tpu.memory_space<hbm>>) target(%arg9 : memref<64x128xf32, #tpu.memory_space<vmem>>) offsets(%dma_start3A_165 : memref<64xi32, #tpu.memory_space<vmem>>) semaphore(%arg16 : memref<!tpu.dma_semaphore, #tpu.memory_space<semaphore_mem>>)
        %sub3A_169 = arith.subi %add3A_157, %mul3A_67 : i32
        %dma_wait3A_170 = arith.constant 0 : i32
        %dma_wait3A_171 = tpu.memref_slice %arg11[%sub3A_169, %dma_wait3A_170] : memref<40x64xi32, #tpu.memory_space<vmem>> -> memref<1x64xi32, #tpu.memory_space<vmem>>
        %dma_wait3A_172 = tpu.memref_squeeze %dma_wait3A_171 : memref<1x64xi32, #tpu.memory_space<vmem>> -> memref<64xi32, #tpu.memory_space<vmem>>
        %dma_wait3A_173 = arith.constant 0 : i32
        %dma_wait3A_174 = arith.constant 0 : i32
        %dma_wait3A_175 = tpu.memref_slice %arg2[%dma_wait3A_173, %dma_wait3A_174] : memref<20000x128xf32, #tpu.memory_space<hbm>> -> memref<20000x128xf32, #tpu.memory_space<hbm>>
        tpu.wait_indirect_dma semaphore(%arg14 : memref<!tpu.dma_semaphore, #tpu.memory_space<semaphore_mem>>) src(%dma_wait3A_175 : memref<20000x128xf32, #tpu.memory_space<hbm>>) dst(%arg7 : memref<64x128xf32, #tpu.memory_space<vmem>>)
        %sub3A_176 = arith.subi %add3A_157, %mul3A_67 : i32
        %dma_start3A_177 = arith.constant 0 : i32
        %dma_start3A_178 = tpu.memref_slice %arg12[%sub3A_176, %dma_start3A_177] : memref<40x64xi32, #tpu.memory_space<vmem>> -> memref<1x64xi32, #tpu.memory_space<vmem>>
        %dma_start3A_179 = tpu.memref_squeeze %dma_start3A_178 : memref<1x64xi32, #tpu.memory_space<vmem>> -> memref<64xi32, #tpu.memory_space<vmem>>
        %dma_start3A_180 = arith.constant 0 : i32
        %dma_start3A_181 = arith.constant 0 : i32
        %dma_start3A_182 = tpu.memref_slice %arg22[%dma_start3A_180, %dma_start3A_181] : memref<10240x128xf32, #tpu.memory_space<vmem_shared>> -> memref<10240x128xf32, #tpu.memory_space<vmem_shared>>
        tpu.enqueue_indirect_dma source(%arg7 : memref<64x128xf32, #tpu.memory_space<vmem>>) target(%dma_start3A_182 : memref<10240x128xf32, #tpu.memory_space<vmem_shared>>) offsets(%dma_start3A_179 : memref<64xi32, #tpu.memory_space<vmem>>) semaphore(%arg18 : memref<!tpu.dma_semaphore, #tpu.memory_space<semaphore_mem>>) {add = true}
        %mul3A_183 = arith.constant 4 : i32
        %mul3A_184 = arith.muli %mul3A_183, %scan3A_151 : i32
        %add3A_185 = arith.addi %mul3A_67, %mul3A_184 : i32
        %add3A_186 = arith.constant 1 : i32
        %add3A_187 = arith.addi %add3A_185, %add3A_186 : i32
        %gt3A_188 = arith.constant 0 : i32
        %gt3A_189 = arith.cmpi sgt, %scan3A_151, %gt3A_188 : i32
        %convert_element_type3A_190 = arith.extui %gt3A_189 : i1 to i32
        %cond3A_191 = arith.constant 0 : i32
        %cond3A_192 = arith.cmpi ne, %convert_element_type3A_190, %cond3A_191 : i32
        scf.if %cond3A_192 {
          %sub3A_264 = arith.constant 2 : i32
          %sub3A_265 = arith.subi %add3A_187, %sub3A_264 : i32
          %sub3A_266 = arith.subi %sub3A_265, %mul3A_67 : i32
          %dma_wait3A_267 = arith.constant 0 : i32
          %dma_wait3A_268 = tpu.memref_slice %arg12[%sub3A_266, %dma_wait3A_267] : memref<40x64xi32, #tpu.memory_space<vmem>> -> memref<1x64xi32, #tpu.memory_space<vmem>>
          %dma_wait3A_269 = tpu.memref_squeeze %dma_wait3A_268 : memref<1x64xi32, #tpu.memory_space<vmem>> -> memref<64xi32, #tpu.memory_space<vmem>>
          %dma_wait3A_270 = arith.constant 0 : i32
          %dma_wait3A_271 = arith.constant 0 : i32
          %dma_wait3A_272 = tpu.memref_slice %arg22[%dma_wait3A_270, %dma_wait3A_271] : memref<10240x128xf32, #tpu.memory_space<vmem_shared>> -> memref<10240x128xf32, #tpu.memory_space<vmem_shared>>
          tpu.wait_indirect_dma semaphore(%arg21 : memref<!tpu.dma_semaphore, #tpu.memory_space<semaphore_mem>>) src(%arg10 : memref<64x128xf32, #tpu.memory_space<vmem>>) dst(%dma_wait3A_272 : memref<10240x128xf32, #tpu.memory_space<vmem_shared>>)
        } else {
        }
        %add3A_193 = arith.constant 2 : i32
        %add3A_194 = arith.addi %add3A_187, %add3A_193 : i32
        %sub3A_195 = arith.subi %add3A_194, %mul3A_67 : i32
        %dma_start3A_196 = arith.constant 0 : i32
        %dma_start3A_197 = tpu.memref_slice %arg11[%sub3A_195, %dma_start3A_196] : memref<40x64xi32, #tpu.memory_space<vmem>> -> memref<1x64xi32, #tpu.memory_space<vmem>>
        %dma_start3A_198 = tpu.memref_squeeze %dma_start3A_197 : memref<1x64xi32, #tpu.memory_space<vmem>> -> memref<64xi32, #tpu.memory_space<vmem>>
        %dma_start3A_199 = arith.constant 0 : i32
        %dma_start3A_200 = arith.constant 0 : i32
        %dma_start3A_201 = tpu.memref_slice %arg2[%dma_start3A_199, %dma_start3A_200] : memref<20000x128xf32, #tpu.memory_space<hbm>> -> memref<20000x128xf32, #tpu.memory_space<hbm>>
        tpu.enqueue_indirect_dma source(%dma_start3A_201 : memref<20000x128xf32, #tpu.memory_space<hbm>>) target(%arg10 : memref<64x128xf32, #tpu.memory_space<vmem>>) offsets(%dma_start3A_198 : memref<64xi32, #tpu.memory_space<vmem>>) semaphore(%arg17 : memref<!tpu.dma_semaphore, #tpu.memory_space<semaphore_mem>>)
        %sub3A_202 = arith.subi %add3A_187, %mul3A_67 : i32
        %dma_wait3A_203 = arith.constant 0 : i32
        %dma_wait3A_204 = tpu.memref_slice %arg11[%sub3A_202, %dma_wait3A_203] : memref<40x64xi32, #tpu.memory_space<vmem>> -> memref<1x64xi32, #tpu.memory_space<vmem>>
        %dma_wait3A_205 = tpu.memref_squeeze %dma_wait3A_204 : memref<1x64xi32, #tpu.memory_space<vmem>> -> memref<64xi32, #tpu.memory_space<vmem>>
        %dma_wait3A_206 = arith.constant 0 : i32
        %dma_wait3A_207 = arith.constant 0 : i32
        %dma_wait3A_208 = tpu.memref_slice %arg2[%dma_wait3A_206, %dma_wait3A_207] : memref<20000x128xf32, #tpu.memory_space<hbm>> -> memref<20000x128xf32, #tpu.memory_space<hbm>>
        tpu.wait_indirect_dma semaphore(%arg15 : memref<!tpu.dma_semaphore, #tpu.memory_space<semaphore_mem>>) src(%dma_wait3A_208 : memref<20000x128xf32, #tpu.memory_space<hbm>>) dst(%arg8 : memref<64x128xf32, #tpu.memory_space<vmem>>)
        %sub3A_209 = arith.subi %add3A_187, %mul3A_67 : i32
        %dma_start3A_210 = arith.constant 0 : i32
        %dma_start3A_211 = tpu.memref_slice %arg12[%sub3A_209, %dma_start3A_210] : memref<40x64xi32, #tpu.memory_space<vmem>> -> memref<1x64xi32, #tpu.memory_space<vmem>>
        %dma_start3A_212 = tpu.memref_squeeze %dma_start3A_211 : memref<1x64xi32, #tpu.memory_space<vmem>> -> memref<64xi32, #tpu.memory_space<vmem>>
        %dma_start3A_213 = arith.constant 0 : i32
        %dma_start3A_214 = arith.constant 0 : i32
        %dma_start3A_215 = tpu.memref_slice %arg22[%dma_start3A_213, %dma_start3A_214] : memref<10240x128xf32, #tpu.memory_space<vmem_shared>> -> memref<10240x128xf32, #tpu.memory_space<vmem_shared>>
        tpu.enqueue_indirect_dma source(%arg8 : memref<64x128xf32, #tpu.memory_space<vmem>>) target(%dma_start3A_215 : memref<10240x128xf32, #tpu.memory_space<vmem_shared>>) offsets(%dma_start3A_212 : memref<64xi32, #tpu.memory_space<vmem>>) semaphore(%arg19 : memref<!tpu.dma_semaphore, #tpu.memory_space<semaphore_mem>>) {add = true}
        %mul3A_216 = arith.constant 4 : i32
        %mul3A_217 = arith.muli %mul3A_216, %scan3A_151 : i32
        %add3A_218 = arith.addi %mul3A_67, %mul3A_217 : i32
        %add3A_219 = arith.constant 2 : i32
        %add3A_220 = arith.addi %add3A_218, %add3A_219 : i32
        %lt3A = arith.constant 9 : i32
        %lt3A_221 = arith.cmpi slt, %scan3A_151, %lt3A : i32
        %convert_element_type3A_222 = arith.extui %lt3A_221 : i1 to i32
        %cond3A_223 = arith.constant 0 : i32
        %cond3A_224 = arith.cmpi ne, %convert_element_type3A_222, %cond3A_223 : i32
        scf.if %cond3A_224 {
          %sub3A_264 = arith.constant 2 : i32
          %sub3A_265 = arith.subi %add3A_220, %sub3A_264 : i32
          %sub3A_266 = arith.subi %sub3A_265, %mul3A_67 : i32
          %dma_wait3A_267 = arith.constant 0 : i32
          %dma_wait3A_268 = tpu.memref_slice %arg12[%sub3A_266, %dma_wait3A_267] : memref<40x64xi32, #tpu.memory_space<vmem>> -> memref<1x64xi32, #tpu.memory_space<vmem>>
          %dma_wait3A_269 = tpu.memref_squeeze %dma_wait3A_268 : memref<1x64xi32, #tpu.memory_space<vmem>> -> memref<64xi32, #tpu.memory_space<vmem>>
          %dma_wait3A_270 = arith.constant 0 : i32
          %dma_wait3A_271 = arith.constant 0 : i32
          %dma_wait3A_272 = tpu.memref_slice %arg22[%dma_wait3A_270, %dma_wait3A_271] : memref<10240x128xf32, #tpu.memory_space<vmem_shared>> -> memref<10240x128xf32, #tpu.memory_space<vmem_shared>>
          tpu.wait_indirect_dma semaphore(%arg18 : memref<!tpu.dma_semaphore, #tpu.memory_space<semaphore_mem>>) src(%arg7 : memref<64x128xf32, #tpu.memory_space<vmem>>) dst(%dma_wait3A_272 : memref<10240x128xf32, #tpu.memory_space<vmem_shared>>)
          %add3A_273 = arith.constant 2 : i32
          %add3A_274 = arith.addi %add3A_220, %add3A_273 : i32
          %sub3A_275 = arith.subi %add3A_274, %mul3A_67 : i32
          %dma_start3A_276 = arith.constant 0 : i32
          %dma_start3A_277 = tpu.memref_slice %arg11[%sub3A_275, %dma_start3A_276] : memref<40x64xi32, #tpu.memory_space<vmem>> -> memref<1x64xi32, #tpu.memory_space<vmem>>
          %dma_start3A_278 = tpu.memref_squeeze %dma_start3A_277 : memref<1x64xi32, #tpu.memory_space<vmem>> -> memref<64xi32, #tpu.memory_space<vmem>>
          %dma_start3A_279 = arith.constant 0 : i32
          %dma_start3A_280 = arith.constant 0 : i32
          %dma_start3A_281 = tpu.memref_slice %arg2[%dma_start3A_279, %dma_start3A_280] : memref<20000x128xf32, #tpu.memory_space<hbm>> -> memref<20000x128xf32, #tpu.memory_space<hbm>>
          tpu.enqueue_indirect_dma source(%dma_start3A_281 : memref<20000x128xf32, #tpu.memory_space<hbm>>) target(%arg7 : memref<64x128xf32, #tpu.memory_space<vmem>>) offsets(%dma_start3A_278 : memref<64xi32, #tpu.memory_space<vmem>>) semaphore(%arg14 : memref<!tpu.dma_semaphore, #tpu.memory_space<semaphore_mem>>)
        } else {
        }
        %sub3A_225 = arith.subi %add3A_220, %mul3A_67 : i32
        %dma_wait3A_226 = arith.constant 0 : i32
        %dma_wait3A_227 = tpu.memref_slice %arg11[%sub3A_225, %dma_wait3A_226] : memref<40x64xi32, #tpu.memory_space<vmem>> -> memref<1x64xi32, #tpu.memory_space<vmem>>
        %dma_wait3A_228 = tpu.memref_squeeze %dma_wait3A_227 : memref<1x64xi32, #tpu.memory_space<vmem>> -> memref<64xi32, #tpu.memory_space<vmem>>
        %dma_wait3A_229 = arith.constant 0 : i32
        %dma_wait3A_230 = arith.constant 0 : i32
        %dma_wait3A_231 = tpu.memref_slice %arg2[%dma_wait3A_229, %dma_wait3A_230] : memref<20000x128xf32, #tpu.memory_space<hbm>> -> memref<20000x128xf32, #tpu.memory_space<hbm>>
        tpu.wait_indirect_dma semaphore(%arg16 : memref<!tpu.dma_semaphore, #tpu.memory_space<semaphore_mem>>) src(%dma_wait3A_231 : memref<20000x128xf32, #tpu.memory_space<hbm>>) dst(%arg9 : memref<64x128xf32, #tpu.memory_space<vmem>>)
        %sub3A_232 = arith.subi %add3A_220, %mul3A_67 : i32
        %dma_start3A_233 = arith.constant 0 : i32
        %dma_start3A_234 = tpu.memref_slice %arg12[%sub3A_232, %dma_start3A_233] : memref<40x64xi32, #tpu.memory_space<vmem>> -> memref<1x64xi32, #tpu.memory_space<vmem>>
        %dma_start3A_235 = tpu.memref_squeeze %dma_start3A_234 : memref<1x64xi32, #tpu.memory_space<vmem>> -> memref<64xi32, #tpu.memory_space<vmem>>
        %dma_start3A_236 = arith.constant 0 : i32
        %dma_start3A_237 = arith.constant 0 : i32
        %dma_start3A_238 = tpu.memref_slice %arg22[%dma_start3A_236, %dma_start3A_237] : memref<10240x128xf32, #tpu.memory_space<vmem_shared>> -> memref<10240x128xf32, #tpu.memory_space<vmem_shared>>
        tpu.enqueue_indirect_dma source(%arg9 : memref<64x128xf32, #tpu.memory_space<vmem>>) target(%dma_start3A_238 : memref<10240x128xf32, #tpu.memory_space<vmem_shared>>) offsets(%dma_start3A_235 : memref<64xi32, #tpu.memory_space<vmem>>) semaphore(%arg20 : memref<!tpu.dma_semaphore, #tpu.memory_space<semaphore_mem>>) {add = true}
        %mul3A_239 = arith.constant 4 : i32
        %mul3A_240 = arith.muli %mul3A_239, %scan3A_151 : i32
        %add3A_241 = arith.addi %mul3A_67, %mul3A_240 : i32
        %add3A_242 = arith.constant 3 : i32
        %add3A_243 = arith.addi %add3A_241, %add3A_242 : i32
        %lt3A_244 = arith.constant 9 : i32
        %lt3A_245 = arith.cmpi slt, %scan3A_151, %lt3A_244 : i32
        %convert_element_type3A_246 = arith.extui %lt3A_245 : i1 to i32
        %cond3A_247 = arith.constant 0 : i32
        %cond3A_248 = arith.cmpi ne, %convert_element_type3A_246, %cond3A_247 : i32
        scf.if %cond3A_248 {
          %sub3A_264 = arith.constant 2 : i32
          %sub3A_265 = arith.subi %add3A_243, %sub3A_264 : i32
          %sub3A_266 = arith.subi %sub3A_265, %mul3A_67 : i32
          %dma_wait3A_267 = arith.constant 0 : i32
          %dma_wait3A_268 = tpu.memref_slice %arg12[%sub3A_266, %dma_wait3A_267] : memref<40x64xi32, #tpu.memory_space<vmem>> -> memref<1x64xi32, #tpu.memory_space<vmem>>
          %dma_wait3A_269 = tpu.memref_squeeze %dma_wait3A_268 : memref<1x64xi32, #tpu.memory_space<vmem>> -> memref<64xi32, #tpu.memory_space<vmem>>
          %dma_wait3A_270 = arith.constant 0 : i32
          %dma_wait3A_271 = arith.constant 0 : i32
          %dma_wait3A_272 = tpu.memref_slice %arg22[%dma_wait3A_270, %dma_wait3A_271] : memref<10240x128xf32, #tpu.memory_space<vmem_shared>> -> memref<10240x128xf32, #tpu.memory_space<vmem_shared>>
          tpu.wait_indirect_dma semaphore(%arg19 : memref<!tpu.dma_semaphore, #tpu.memory_space<semaphore_mem>>) src(%arg8 : memref<64x128xf32, #tpu.memory_space<vmem>>) dst(%dma_wait3A_272 : memref<10240x128xf32, #tpu.memory_space<vmem_shared>>)
          %add3A_273 = arith.constant 2 : i32
          %add3A_274 = arith.addi %add3A_243, %add3A_273 : i32
          %sub3A_275 = arith.subi %add3A_274, %mul3A_67 : i32
          %dma_start3A_276 = arith.constant 0 : i32
          %dma_start3A_277 = tpu.memref_slice %arg11[%sub3A_275, %dma_start3A_276] : memref<40x64xi32, #tpu.memory_space<vmem>> -> memref<1x64xi32, #tpu.memory_space<vmem>>
          %dma_start3A_278 = tpu.memref_squeeze %dma_start3A_277 : memref<1x64xi32, #tpu.memory_space<vmem>> -> memref<64xi32, #tpu.memory_space<vmem>>
          %dma_start3A_279 = arith.constant 0 : i32
          %dma_start3A_280 = arith.constant 0 : i32
          %dma_start3A_281 = tpu.memref_slice %arg2[%dma_start3A_279, %dma_start3A_280] : memref<20000x128xf32, #tpu.memory_space<hbm>> -> memref<20000x128xf32, #tpu.memory_space<hbm>>
          tpu.enqueue_indirect_dma source(%dma_start3A_281 : memref<20000x128xf32, #tpu.memory_space<hbm>>) target(%arg8 : memref<64x128xf32, #tpu.memory_space<vmem>>) offsets(%dma_start3A_278 : memref<64xi32, #tpu.memory_space<vmem>>) semaphore(%arg15 : memref<!tpu.dma_semaphore, #tpu.memory_space<semaphore_mem>>)
        } else {
        }
        %sub3A_249 = arith.subi %add3A_243, %mul3A_67 : i32
        %dma_wait3A_250 = arith.constant 0 : i32
        %dma_wait3A_251 = tpu.memref_slice %arg11[%sub3A_249, %dma_wait3A_250] : memref<40x64xi32, #tpu.memory_space<vmem>> -> memref<1x64xi32, #tpu.memory_space<vmem>>
        %dma_wait3A_252 = tpu.memref_squeeze %dma_wait3A_251 : memref<1x64xi32, #tpu.memory_space<vmem>> -> memref<64xi32, #tpu.memory_space<vmem>>
        %dma_wait3A_253 = arith.constant 0 : i32
        %dma_wait3A_254 = arith.constant 0 : i32
        %dma_wait3A_255 = tpu.memref_slice %arg2[%dma_wait3A_253, %dma_wait3A_254] : memref<20000x128xf32, #tpu.memory_space<hbm>> -> memref<20000x128xf32, #tpu.memory_space<hbm>>
        tpu.wait_indirect_dma semaphore(%arg17 : memref<!tpu.dma_semaphore, #tpu.memory_space<semaphore_mem>>) src(%dma_wait3A_255 : memref<20000x128xf32, #tpu.memory_space<hbm>>) dst(%arg10 : memref<64x128xf32, #tpu.memory_space<vmem>>)
        %sub3A_256 = arith.subi %add3A_243, %mul3A_67 : i32
        %dma_start3A_257 = arith.constant 0 : i32
        %dma_start3A_258 = tpu.memref_slice %arg12[%sub3A_256, %dma_start3A_257] : memref<40x64xi32, #tpu.memory_space<vmem>> -> memref<1x64xi32, #tpu.memory_space<vmem>>
        %dma_start3A_259 = tpu.memref_squeeze %dma_start3A_258 : memref<1x64xi32, #tpu.memory_space<vmem>> -> memref<64xi32, #tpu.memory_space<vmem>>
        %dma_start3A_260 = arith.constant 0 : i32
        %dma_start3A_261 = arith.constant 0 : i32
        %dma_start3A_262 = tpu.memref_slice %arg22[%dma_start3A_260, %dma_start3A_261] : memref<10240x128xf32, #tpu.memory_space<vmem_shared>> -> memref<10240x128xf32, #tpu.memory_space<vmem_shared>>
        tpu.enqueue_indirect_dma source(%arg10 : memref<64x128xf32, #tpu.memory_space<vmem>>) target(%dma_start3A_262 : memref<10240x128xf32, #tpu.memory_space<vmem_shared>>) offsets(%dma_start3A_259 : memref<64xi32, #tpu.memory_space<vmem>>) semaphore(%arg21 : memref<!tpu.dma_semaphore, #tpu.memory_space<semaphore_mem>>) {add = true}
        %scan3A_263 = arith.constant 0 : i32
        scf.yield %scan3A_263 : i32
      }
      %scan3A_98 = arith.constant 10 : i32
      %add3A_99 = arith.constant 40 : i32
      %add3A_100 = arith.addi %mul3A_67, %add3A_99 : i32
      %sub3A_101 = arith.constant 4 : i32
      %sub3A_102 = arith.subi %add3A_100, %sub3A_101 : i32
      %add3A_103 = arith.constant 0 : i32
      %add3A_104 = arith.addi %sub3A_102, %add3A_103 : i32
      %sub3A_105 = arith.subi %add3A_104, %mul3A_67 : i32
      %dma_wait3A = arith.constant 0 : i32
      %dma_wait3A_106 = tpu.memref_slice %arg12[%sub3A_105, %dma_wait3A] : memref<40x64xi32, #tpu.memory_space<vmem>> -> memref<1x64xi32, #tpu.memory_space<vmem>>
      %dma_wait3A_107 = tpu.memref_squeeze %dma_wait3A_106 : memref<1x64xi32, #tpu.memory_space<vmem>> -> memref<64xi32, #tpu.memory_space<vmem>>
      %dma_wait3A_108 = arith.constant 0 : i32
      %dma_wait3A_109 = arith.constant 0 : i32
      %dma_wait3A_110 = tpu.memref_slice %arg22[%dma_wait3A_108, %dma_wait3A_109] : memref<10240x128xf32, #tpu.memory_space<vmem_shared>> -> memref<10240x128xf32, #tpu.memory_space<vmem_shared>>
      tpu.wait_indirect_dma semaphore(%arg18 : memref<!tpu.dma_semaphore, #tpu.memory_space<semaphore_mem>>) src(%arg7 : memref<64x128xf32, #tpu.memory_space<vmem>>) dst(%dma_wait3A_110 : memref<10240x128xf32, #tpu.memory_space<vmem_shared>>)
      %add3A_111 = arith.constant 40 : i32
      %add3A_112 = arith.addi %mul3A_67, %add3A_111 : i32
      %sub3A_113 = arith.constant 4 : i32
      %sub3A_114 = arith.subi %add3A_112, %sub3A_113 : i32
      %add3A_115 = arith.constant 1 : i32
      %add3A_116 = arith.addi %sub3A_114, %add3A_115 : i32
      %sub3A_117 = arith.subi %add3A_116, %mul3A_67 : i32
      %dma_wait3A_118 = arith.constant 0 : i32
      %dma_wait3A_119 = tpu.memref_slice %arg12[%sub3A_117, %dma_wait3A_118] : memref<40x64xi32, #tpu.memory_space<vmem>> -> memref<1x64xi32, #tpu.memory_space<vmem>>
      %dma_wait3A_120 = tpu.memref_squeeze %dma_wait3A_119 : memref<1x64xi32, #tpu.memory_space<vmem>> -> memref<64xi32, #tpu.memory_space<vmem>>
      %dma_wait3A_121 = arith.constant 0 : i32
      %dma_wait3A_122 = arith.constant 0 : i32
      %dma_wait3A_123 = tpu.memref_slice %arg22[%dma_wait3A_121, %dma_wait3A_122] : memref<10240x128xf32, #tpu.memory_space<vmem_shared>> -> memref<10240x128xf32, #tpu.memory_space<vmem_shared>>
      tpu.wait_indirect_dma semaphore(%arg19 : memref<!tpu.dma_semaphore, #tpu.memory_space<semaphore_mem>>) src(%arg8 : memref<64x128xf32, #tpu.memory_space<vmem>>) dst(%dma_wait3A_123 : memref<10240x128xf32, #tpu.memory_space<vmem_shared>>)
      %add3A_124 = arith.constant 40 : i32
      %add3A_125 = arith.addi %mul3A_67, %add3A_124 : i32
      %sub3A_126 = arith.constant 4 : i32
      %sub3A_127 = arith.subi %add3A_125, %sub3A_126 : i32
      %add3A_128 = arith.constant 2 : i32
      %add3A_129 = arith.addi %sub3A_127, %add3A_128 : i32
      %sub3A_130 = arith.subi %add3A_129, %mul3A_67 : i32
      %dma_wait3A_131 = arith.constant 0 : i32
      %dma_wait3A_132 = tpu.memref_slice %arg12[%sub3A_130, %dma_wait3A_131] : memref<40x64xi32, #tpu.memory_space<vmem>> -> memref<1x64xi32, #tpu.memory_space<vmem>>
      %dma_wait3A_133 = tpu.memref_squeeze %dma_wait3A_132 : memref<1x64xi32, #tpu.memory_space<vmem>> -> memref<64xi32, #tpu.memory_space<vmem>>
      %dma_wait3A_134 = arith.constant 0 : i32
      %dma_wait3A_135 = arith.constant 0 : i32
      %dma_wait3A_136 = tpu.memref_slice %arg22[%dma_wait3A_134, %dma_wait3A_135] : memref<10240x128xf32, #tpu.memory_space<vmem_shared>> -> memref<10240x128xf32, #tpu.memory_space<vmem_shared>>
      tpu.wait_indirect_dma semaphore(%arg20 : memref<!tpu.dma_semaphore, #tpu.memory_space<semaphore_mem>>) src(%arg9 : memref<64x128xf32, #tpu.memory_space<vmem>>) dst(%dma_wait3A_136 : memref<10240x128xf32, #tpu.memory_space<vmem_shared>>)
      %add3A_137 = arith.constant 40 : i32
      %add3A_138 = arith.addi %mul3A_67, %add3A_137 : i32
      %sub3A_139 = arith.constant 4 : i32
      %sub3A_140 = arith.subi %add3A_138, %sub3A_139 : i32
      %add3A_141 = arith.constant 3 : i32
      %add3A_142 = arith.addi %sub3A_140, %add3A_141 : i32
      %sub3A_143 = arith.subi %add3A_142, %mul3A_67 : i32
      %dma_wait3A_144 = arith.constant 0 : i32
      %dma_wait3A_145 = tpu.memref_slice %arg12[%sub3A_143, %dma_wait3A_144] : memref<40x64xi32, #tpu.memory_space<vmem>> -> memref<1x64xi32, #tpu.memory_space<vmem>>
      %dma_wait3A_146 = tpu.memref_squeeze %dma_wait3A_145 : memref<1x64xi32, #tpu.memory_space<vmem>> -> memref<64xi32, #tpu.memory_space<vmem>>
      %dma_wait3A_147 = arith.constant 0 : i32
      %dma_wait3A_148 = arith.constant 0 : i32
      %dma_wait3A_149 = tpu.memref_slice %arg22[%dma_wait3A_147, %dma_wait3A_148] : memref<10240x128xf32, #tpu.memory_space<vmem_shared>> -> memref<10240x128xf32, #tpu.memory_space<vmem_shared>>
      tpu.wait_indirect_dma semaphore(%arg21 : memref<!tpu.dma_semaphore, #tpu.memory_space<semaphore_mem>>) src(%arg10 : memref<64x128xf32, #tpu.memory_space<vmem>>) dst(%dma_wait3A_149 : memref<10240x128xf32, #tpu.memory_space<vmem_shared>>)
      %scan3A_150 = arith.constant 0 : i32
      scf.yield %scan3A_150 : i32
    }
    %scan3A_55 = arith.constant 8 : i32
    %barrier3A_56 = arith.constant 0 : index
    tpu.barrier barrier_id(%barrier3A_56)
    %mul3A_57 = arith.constant 640 : i32
    %mul3A_58 = arith.muli %arg1, %mul3A_57 : i32
    %mul3A_59 = arith.constant 10240 : i32
    %mul3A_60 = arith.muli %arg0, %mul3A_59 : i32
    %mul3A_61 = arith.constant 640 : i32
    %mul3A_62 = arith.muli %arg1, %mul3A_61 : i32
    %add3A_63 = arith.addi %mul3A_60, %mul3A_62 : i32
    "tpu.region"() ({
      %run_scoped3A = tpu.sem_alloc : memref<!tpu.dma_semaphore, #tpu.memory_space<semaphore_mem>>
      %dma_start3A = arith.constant 0 : i32
      %dma_start3A_64 = tpu.memref_slice %arg6[%add3A_63, %dma_start3A] : memref<20480x128xf32, #tpu.memory_space<hbm>> -> memref<640x128xf32, #tpu.memory_space<hbm>>
      %dma_start3A_65 = arith.constant 0 : i32
      %dma_start3A_66 = tpu.memref_slice %arg22[%mul3A_58, %dma_start3A_65] : memref<10240x128xf32, #tpu.memory_space<vmem_shared>> -> memref<640x128xf32, #tpu.memory_space<vmem_shared>>
      tpu.enqueue_dma source(%dma_start3A_66 : memref<640x128xf32, #tpu.memory_space<vmem_shared>>) target(%dma_start3A_64 : memref<640x128xf32, #tpu.memory_space<hbm>>) target_semaphore(%run_scoped3A : memref<!tpu.dma_semaphore, #tpu.memory_space<semaphore_mem>>)
      %dma_wait3A = arith.constant 0 : i32
      %dma_wait3A_67 = tpu.memref_slice %arg6[%add3A_63, %dma_wait3A] : memref<20480x128xf32, #tpu.memory_space<hbm>> -> memref<640x128xf32, #tpu.memory_space<hbm>>
      %dma_wait3A_68 = arith.constant 0 : i32
      %dma_wait3A_69 = tpu.memref_slice %arg22[%mul3A_58, %dma_wait3A_68] : memref<10240x128xf32, #tpu.memory_space<vmem_shared>> -> memref<640x128xf32, #tpu.memory_space<vmem_shared>>
      tpu.wait_dma2 semaphore(%run_scoped3A : memref<!tpu.dma_semaphore, #tpu.memory_space<semaphore_mem>>) src(%dma_wait3A_69 : memref<640x128xf32, #tpu.memory_space<vmem_shared>>) dst(%dma_wait3A_67 : memref<640x128xf32, #tpu.memory_space<hbm>>)
      tpu.yield
    }) : () -> ()
    return
  }
}

module attributes {stable_mosaic.version = 14 : i64} {
  func.func @_dense0_body(%arg0: i32, %arg1: memref<1000x128xf32, #tpu.memory_space<vmem>>, %arg2: memref<128x384xf32, #tpu.memory_space<vmem>>, %arg3: memref<2x1000x128xf32, #tpu.memory_space<vmem>>, %arg4: memref<1000x2xf32, #tpu.memory_space<vmem>>) attributes {dimension_semantics = [#tpu.dimension_semantics<arbitrary>], iteration_bounds = array<i64: 10>, scalar_prefetch = 0 : i64, scratch_operands = 0 : i64, tpu.core_type = #tpu.core_type<tc>, window_params = [{transform_indices = @transform_0, window_bounds = array<i64: 1000, 128>}, {pipeline_mode = #tpu.pipeline_mode<synchronous>, transform_indices = @transform_1, window_bounds = array<i64: 128, 384>}, {transform_indices = @transform_2, window_bounds = array<i64: 2, 1000, 128>}, {transform_indices = @transform_3, window_bounds = array<i64: 1000, 2>}]} {
    %get3A = arith.constant 0 : index
    %get3A_0 = arith.constant 0 : index
    %get3A_1 = vector.load %arg1[%get3A, %get3A_0] : memref<1000x128xf32, #tpu.memory_space<vmem>>, vector<1000x128xf32>
    %get3A_2 = arith.constant 0 : index
    %get3A_3 = arith.constant 0 : index
    %get3A_4 = vector.load %arg2[%get3A_2, %get3A_3] : memref<128x384xf32, #tpu.memory_space<vmem>>, vector<128x384xf32>
    %dot_general3A = arith.constant dense<0.000000e+00> : vector<1000x384xf32>
    %dot_general3A_5 = tpu.matmul %get3A_1, %get3A_4, %dot_general3A {dimension_numbers = #tpu.dot_dimension_numbers<[1], [0], [0], [1], [0, 0, 1, 1], [], []>, transpose_lhs_hint = false} : vector<1000x128xf32>, vector<128x384xf32>, vector<1000x384xf32> -> vector<1000x384xf32>
    %slice3A = vector.extract_strided_slice %dot_general3A_5 {offsets = [0, 0], sizes = [1000, 128], strides = [1, 1]} : vector<1000x384xf32> to vector<1000x128xf32>
    %swap3A = arith.constant 0 : index
    %swap3A_6 = arith.constant 0 : index
    %swap3A_7 = arith.constant 0 : index
    %swap3A_8 = vector.load %arg3[%swap3A, %swap3A_6, %swap3A_7] : memref<2x1000x128xf32, #tpu.memory_space<vmem>>, vector<1x1000x128xf32>
    %swap3A_9 = vector.shape_cast %swap3A_8 : vector<1x1000x128xf32> to vector<1000x128xf32>
    %swap3A_10 = vector.shape_cast %slice3A : vector<1000x128xf32> to vector<1x1000x128xf32>
    tpu.vector_store %arg3[%swap3A, %swap3A_6, %swap3A_7], %swap3A_10 {strides = array<i32>} : memref<2x1000x128xf32, #tpu.memory_space<vmem>>, vector<1x1000x128xf32>,
    %slice3A_11 = vector.extract_strided_slice %dot_general3A_5 {offsets = [0, 128], sizes = [1000, 128], strides = [1, 1]} : vector<1000x384xf32> to vector<1000x128xf32>
    %swap3A_12 = arith.constant 1 : index
    %swap3A_13 = arith.constant 0 : index
    %swap3A_14 = arith.constant 0 : index
    %swap3A_15 = vector.load %arg3[%swap3A_12, %swap3A_13, %swap3A_14] : memref<2x1000x128xf32, #tpu.memory_space<vmem>>, vector<1x1000x128xf32>
    %swap3A_16 = vector.shape_cast %swap3A_15 : vector<1x1000x128xf32> to vector<1000x128xf32>
    %swap3A_17 = vector.shape_cast %slice3A_11 : vector<1000x128xf32> to vector<1x1000x128xf32>
    tpu.vector_store %arg3[%swap3A_12, %swap3A_13, %swap3A_14], %swap3A_17 {strides = array<i32>} : memref<2x1000x128xf32, #tpu.memory_space<vmem>>, vector<1x1000x128xf32>,
    %slice3A_18 = vector.extract_strided_slice %dot_general3A_5 {offsets = [0, 256], sizes = [1000, 2], strides = [1, 1]} : vector<1000x384xf32> to vector<1000x2xf32>
    %swap3A_19 = arith.constant 0 : index
    %swap3A_20 = arith.constant 0 : index
    %swap3A_21 = vector.load %arg4[%swap3A_19, %swap3A_20] : memref<1000x2xf32, #tpu.memory_space<vmem>>, vector<1000x2xf32>
    tpu.vector_store %arg4[%swap3A_19, %swap3A_20], %slice3A_18 {strides = array<i32>} : memref<1000x2xf32, #tpu.memory_space<vmem>>, vector<1000x2xf32>,
    return
  }
  func.func @transform_0(%arg0: i32) -> (i32, i32) {
    %c0_i32 = arith.constant 0 : i32
    %c0_i32_0 = arith.constant 0 : i32
    return %arg0, %c0_i32 : i32, i32
  }
  func.func @transform_1(%arg0: i32) -> (i32, i32) {
    %c0_i32 = arith.constant 0 : i32
    %c0_i32_0 = arith.constant 0 : i32
    %c0_i32_1 = arith.constant 0 : i32
    return %c0_i32, %c0_i32_0 : i32, i32
  }
  func.func @transform_2(%arg0: i32) -> (i32, i32, i32) {
    %c0_i32 = arith.constant 0 : i32
    %c0_i32_0 = arith.constant 0 : i32
    %c0_i32_1 = arith.constant 0 : i32
    return %c0_i32, %arg0, %c0_i32_0 : i32, i32, i32
  }
  func.func @transform_3(%arg0: i32) -> (i32, i32) {
    %c0_i32 = arith.constant 0 : i32
    %c0_i32_0 = arith.constant 0 : i32
    return %arg0, %c0_i32 : i32, i32
  }
}

module attributes {stable_mosaic.version = 14 : i64} {
  func.func @_dense_norm_body(%arg0: i32, %arg1: memref<2x1000x128xf32, #tpu.memory_space<vmem>>, %arg2: memref<2x1000x1xf32, #tpu.memory_space<vmem>>, %arg3: memref<1x256xf32, #tpu.memory_space<vmem>>, %arg4: memref<2x128x384xf32, #tpu.memory_space<vmem>>, %arg5: memref<2x1000x128xf32, #tpu.memory_space<vmem>>, %arg6: memref<1000x2xf32, #tpu.memory_space<vmem>>) attributes {dimension_semantics = [#tpu.dimension_semantics<arbitrary>], iteration_bounds = array<i64: 10>, scalar_prefetch = 0 : i64, scratch_operands = 0 : i64, tpu.core_type = #tpu.core_type<tc>, window_params = [{transform_indices = @transform_0, window_bounds = array<i64: 2, 1000, 128>}, {transform_indices = @transform_1, window_bounds = array<i64: 2, 1000, 1>}, {pipeline_mode = #tpu.pipeline_mode<synchronous>, transform_indices = @transform_2, window_bounds = array<i64: 1, 256>}, {pipeline_mode = #tpu.pipeline_mode<synchronous>, transform_indices = @transform_3, window_bounds = array<i64: 2, 128, 384>}, {transform_indices = @transform_4, window_bounds = array<i64: 2, 1000, 128>}, {transform_indices = @transform_5, window_bounds = array<i64: 1000, 2>}]} {
    %get3A = arith.constant 0 : index
    %get3A_0 = arith.constant 0 : index
    %get3A_1 = arith.constant 0 : index
    %get3A_2 = vector.load %arg2[%get3A, %get3A_0, %get3A_1] : memref<2x1000x1xf32, #tpu.memory_space<vmem>>, vector<1x1000x1xf32>
    %get3A_3 = vector.shape_cast %get3A_2 : vector<1x1000x1xf32> to vector<1000x1xf32>
    %get3A_4 = arith.constant 1 : index
    %get3A_5 = arith.constant 0 : index
    %get3A_6 = arith.constant 0 : index
    %get3A_7 = vector.load %arg2[%get3A_4, %get3A_5, %get3A_6] : memref<2x1000x1xf32, #tpu.memory_space<vmem>>, vector<1x1000x1xf32>
    %get3A_8 = vector.shape_cast %get3A_7 : vector<1x1000x1xf32> to vector<1000x1xf32>
    %add3A = arith.addf %get3A_3, %get3A_8 : vector<1000x1xf32>
    %add3A_9 = arith.constant 1.000000e-16 : f32
    %add3A_10 = vector.broadcast %add3A_9 : f32 to vector<1000x1xf32>
    %add3A_11 = arith.addf %add3A, %add3A_10 : vector<1000x1xf32>
    %div3A = arith.constant 1.000000e+00 : f32
    %div3A_12 = vector.broadcast %div3A : f32 to vector<1000x1xf32>
    %div3A_13 = arith.divf %div3A_12, %add3A_11 : vector<1000x1xf32>
    %get3A_14 = arith.constant 0 : index
    %get3A_15 = arith.constant 0 : index
    %get3A_16 = vector.load %arg3[%get3A_14, %get3A_15] : memref<1x256xf32, #tpu.memory_space<vmem>>, vector<1x256xf32>
    %get3A_17 = arith.constant 0 : index
    %get3A_18 = arith.constant 0 : index
    %get3A_19 = arith.constant 0 : index
    %get3A_20 = vector.load %arg1[%get3A_17, %get3A_18, %get3A_19] : memref<2x1000x128xf32, #tpu.memory_space<vmem>>, vector<1x1000x128xf32>
    %get3A_21 = vector.shape_cast %get3A_20 : vector<1x1000x128xf32> to vector<1000x128xf32>
    %mul3A = vector.broadcast %div3A_13 : vector<1000x1xf32> to vector<1000x128xf32>
    %mul3A_22 = arith.mulf %get3A_21, %mul3A : vector<1000x128xf32>
    %slice3A = vector.extract_strided_slice %get3A_16 {offsets = [0, 0], sizes = [1, 128], strides = [1, 1]} : vector<1x256xf32> to vector<1x128xf32>
    %add3A_23 = vector.broadcast %slice3A : vector<1x128xf32> to vector<1000x128xf32>
    %add3A_24 = arith.addf %mul3A_22, %add3A_23 : vector<1000x128xf32>
    %max3A = arith.constant 0.000000e+00 : f32
    %max3A_25 = vector.broadcast %max3A : f32 to vector<1000x128xf32>
    %max3A_26 = arith.maximumf %add3A_24, %max3A_25 : vector<1000x128xf32>
    %get3A_27 = arith.constant 1 : index
    %get3A_28 = arith.constant 0 : index
    %get3A_29 = arith.constant 0 : index
    %get3A_30 = vector.load %arg1[%get3A_27, %get3A_28, %get3A_29] : memref<2x1000x128xf32, #tpu.memory_space<vmem>>, vector<1x1000x128xf32>
    %get3A_31 = vector.shape_cast %get3A_30 : vector<1x1000x128xf32> to vector<1000x128xf32>
    %mul3A_32 = vector.broadcast %div3A_13 : vector<1000x1xf32> to vector<1000x128xf32>
    %mul3A_33 = arith.mulf %get3A_31, %mul3A_32 : vector<1000x128xf32>
    %slice3A_34 = vector.extract_strided_slice %get3A_16 {offsets = [0, 128], sizes = [1, 128], strides = [1, 1]} : vector<1x256xf32> to vector<1x128xf32>
    %add3A_35 = vector.broadcast %slice3A_34 : vector<1x128xf32> to vector<1000x128xf32>
    %add3A_36 = arith.addf %mul3A_33, %add3A_35 : vector<1000x128xf32>
    %max3A_37 = arith.constant 0.000000e+00 : f32
    %max3A_38 = vector.broadcast %max3A_37 : f32 to vector<1000x128xf32>
    %max3A_39 = arith.maximumf %add3A_36, %max3A_38 : vector<1000x128xf32>
    %get3A_40 = arith.constant 0 : index
    %get3A_41 = arith.constant 0 : index
    %get3A_42 = arith.constant 0 : index
    %get3A_43 = vector.load %arg4[%get3A_40, %get3A_41, %get3A_42] : memref<2x128x384xf32, #tpu.memory_space<vmem>>, vector<1x128x384xf32>
    %get3A_44 = vector.shape_cast %get3A_43 : vector<1x128x384xf32> to vector<128x384xf32>
    %dot_general3A = arith.constant dense<0.000000e+00> : vector<1000x384xf32>
    %dot_general3A_45 = tpu.matmul %max3A_26, %get3A_44, %dot_general3A {dimension_numbers = #tpu.dot_dimension_numbers<[1], [0], [0], [1], [0, 0, 1, 1], [], []>, transpose_lhs_hint = false} : vector<1000x128xf32>, vector<128x384xf32>, vector<1000x384xf32> -> vector<1000x384xf32>
    %get3A_46 = arith.constant 1 : index
    %get3A_47 = arith.constant 0 : index
    %get3A_48 = arith.constant 0 : index
    %get3A_49 = vector.load %arg4[%get3A_46, %get3A_47, %get3A_48] : memref<2x128x384xf32, #tpu.memory_space<vmem>>, vector<1x128x384xf32>
    %get3A_50 = vector.shape_cast %get3A_49 : vector<1x128x384xf32> to vector<128x384xf32>
    %dot_general3A_51 = arith.constant dense<0.000000e+00> : vector<1000x384xf32>
    %dot_general3A_52 = tpu.matmul %max3A_39, %get3A_50, %dot_general3A_51 {dimension_numbers = #tpu.dot_dimension_numbers<[1], [0], [0], [1], [0, 0, 1, 1], [], []>, transpose_lhs_hint = false} : vector<1000x128xf32>, vector<128x384xf32>, vector<1000x384xf32> -> vector<1000x384xf32>
    %add3A_53 = arith.addf %dot_general3A_45, %dot_general3A_52 : vector<1000x384xf32>
    %slice3A_54 = vector.extract_strided_slice %add3A_53 {offsets = [0, 0], sizes = [1000, 128], strides = [1, 1]} : vector<1000x384xf32> to vector<1000x128xf32>
    %swap3A = arith.constant 0 : index
    %swap3A_55 = arith.constant 0 : index
    %swap3A_56 = arith.constant 0 : index
    %swap3A_57 = vector.load %arg5[%swap3A, %swap3A_55, %swap3A_56] : memref<2x1000x128xf32, #tpu.memory_space<vmem>>, vector<1x1000x128xf32>
    %swap3A_58 = vector.shape_cast %swap3A_57 : vector<1x1000x128xf32> to vector<1000x128xf32>
    %swap3A_59 = vector.shape_cast %slice3A_54 : vector<1000x128xf32> to vector<1x1000x128xf32>
    tpu.vector_store %arg5[%swap3A, %swap3A_55, %swap3A_56], %swap3A_59 {strides = array<i32>} : memref<2x1000x128xf32, #tpu.memory_space<vmem>>, vector<1x1000x128xf32>,
    %slice3A_60 = vector.extract_strided_slice %add3A_53 {offsets = [0, 128], sizes = [1000, 128], strides = [1, 1]} : vector<1000x384xf32> to vector<1000x128xf32>
    %swap3A_61 = arith.constant 1 : index
    %swap3A_62 = arith.constant 0 : index
    %swap3A_63 = arith.constant 0 : index
    %swap3A_64 = vector.load %arg5[%swap3A_61, %swap3A_62, %swap3A_63] : memref<2x1000x128xf32, #tpu.memory_space<vmem>>, vector<1x1000x128xf32>
    %swap3A_65 = vector.shape_cast %swap3A_64 : vector<1x1000x128xf32> to vector<1000x128xf32>
    %swap3A_66 = vector.shape_cast %slice3A_60 : vector<1000x128xf32> to vector<1x1000x128xf32>
    tpu.vector_store %arg5[%swap3A_61, %swap3A_62, %swap3A_63], %swap3A_66 {strides = array<i32>} : memref<2x1000x128xf32, #tpu.memory_space<vmem>>, vector<1x1000x128xf32>,
    %slice3A_67 = vector.extract_strided_slice %add3A_53 {offsets = [0, 256], sizes = [1000, 2], strides = [1, 1]} : vector<1000x384xf32> to vector<1000x2xf32>
    %swap3A_68 = arith.constant 0 : index
    %swap3A_69 = arith.constant 0 : index
    %swap3A_70 = vector.load %arg6[%swap3A_68, %swap3A_69] : memref<1000x2xf32, #tpu.memory_space<vmem>>, vector<1000x2xf32>
    tpu.vector_store %arg6[%swap3A_68, %swap3A_69], %slice3A_67 {strides = array<i32>} : memref<1000x2xf32, #tpu.memory_space<vmem>>, vector<1000x2xf32>,
    return
  }
  func.func @transform_0(%arg0: i32) -> (i32, i32, i32) {
    %c0_i32 = arith.constant 0 : i32
    %c0_i32_0 = arith.constant 0 : i32
    %c0_i32_1 = arith.constant 0 : i32
    return %c0_i32, %arg0, %c0_i32_0 : i32, i32, i32
  }
  func.func @transform_1(%arg0: i32) -> (i32, i32, i32) {
    %c0_i32 = arith.constant 0 : i32
    %c0_i32_0 = arith.constant 0 : i32
    %c0_i32_1 = arith.constant 0 : i32
    return %c0_i32, %arg0, %c0_i32_0 : i32, i32, i32
  }
  func.func @transform_2(%arg0: i32) -> (i32, i32) {
    %c0_i32 = arith.constant 0 : i32
    %c0_i32_0 = arith.constant 0 : i32
    %c0_i32_1 = arith.constant 0 : i32
    return %c0_i32, %c0_i32_0 : i32, i32
  }
  func.func @transform_3(%arg0: i32) -> (i32, i32, i32) {
    %c0_i32 = arith.constant 0 : i32
    %c0_i32_0 = arith.constant 0 : i32
    %c0_i32_1 = arith.constant 0 : i32
    %c0_i32_2 = arith.constant 0 : i32
    return %c0_i32, %c0_i32_0, %c0_i32_1 : i32, i32, i32
  }
  func.func @transform_4(%arg0: i32) -> (i32, i32, i32) {
    %c0_i32 = arith.constant 0 : i32
    %c0_i32_0 = arith.constant 0 : i32
    %c0_i32_1 = arith.constant 0 : i32
    return %c0_i32, %arg0, %c0_i32_0 : i32, i32, i32
  }
  func.func @transform_5(%arg0: i32) -> (i32, i32) {
    %c0_i32 = arith.constant 0 : i32
    %c0_i32_0 = arith.constant 0 : i32
    return %arg0, %c0_i32 : i32, i32
  }
}

module attributes {stable_mosaic.version = 14 : i64} {
  func.func @_pool_body(%arg0: i32, %arg1: memref<2x1000x128xf32, #tpu.memory_space<vmem>>, %arg2: memref<2x1000x1xf32, #tpu.memory_space<vmem>>, %arg3: memref<1x256xf32, #tpu.memory_space<vmem>>, %arg4: memref<1000x1xf32, #tpu.memory_space<vmem>>, %arg5: memref<256x512xf32, #tpu.memory_space<vmem>>, %arg6: memref<1x512xf32, #tpu.memory_space<vmem>>, %arg7: memref<512x128xf32, #tpu.memory_space<vmem>>, %arg8: memref<1x128xf32, #tpu.memory_space<vmem>>, %arg9: memref<64x128xf32, #tpu.memory_space<vmem>>, %arg10: memref<64x256xf32, #tpu.memory_space<vmem>>, %arg11: memref<64x1xf32, #tpu.memory_space<vmem>>) attributes {dimension_semantics = [#tpu.dimension_semantics<arbitrary>], iteration_bounds = array<i64: 10>, scalar_prefetch = 0 : i64, scratch_operands = 2 : i64, tpu.core_type = #tpu.core_type<tc>, window_params = [{transform_indices = @transform_0, window_bounds = array<i64: 2, 1000, 128>}, {transform_indices = @transform_1, window_bounds = array<i64: 2, 1000, 1>}, {pipeline_mode = #tpu.pipeline_mode<synchronous>, transform_indices = @transform_2, window_bounds = array<i64: 1, 256>}, {transform_indices = @transform_3, window_bounds = array<i64: 1000, 1>}, {pipeline_mode = #tpu.pipeline_mode<synchronous>, transform_indices = @transform_4, window_bounds = array<i64: 256, 512>}, {pipeline_mode = #tpu.pipeline_mode<synchronous>, transform_indices = @transform_5, window_bounds = array<i64: 1, 512>}, {pipeline_mode = #tpu.pipeline_mode<synchronous>, transform_indices = @transform_6, window_bounds = array<i64: 512, 128>}, {pipeline_mode = #tpu.pipeline_mode<synchronous>, transform_indices = @transform_7, window_bounds = array<i64: 1, 128>}, {pipeline_mode = #tpu.pipeline_mode<synchronous>, transform_indices = @transform_8, window_bounds = array<i64: 64, 128>}]} {
    %eq3A = arith.constant 0 : i32
    %eq3A_0 = arith.cmpi eq, %arg0, %eq3A : i32
    %convert_element_type3A = arith.extui %eq3A_0 : i1 to i32
    %cond3A = arith.constant 0 : i32
    %cond3A_1 = arith.cmpi ne, %convert_element_type3A, %cond3A : i32
    scf.if %cond3A_1 {
      %broadcast_in_dim3A_68 = arith.constant 0.000000e+00 : f32
      %broadcast_in_dim3A_69 = vector.broadcast %broadcast_in_dim3A_68 : f32 to vector<64x256xf32>
      %swap3A_70 = arith.constant 0 : index
      %swap3A_71 = arith.constant 0 : index
      %swap3A_72 = vector.load %arg10[%swap3A_70, %swap3A_71] : memref<64x256xf32, #tpu.memory_space<vmem>>, vector<64x256xf32>
      tpu.vector_store %arg10[%swap3A_70, %swap3A_71], %broadcast_in_dim3A_69 {strides = array<i32>} : memref<64x256xf32, #tpu.memory_space<vmem>>, vector<64x256xf32>,
      %broadcast_in_dim3A_73 = arith.constant 0.000000e+00 : f32
      %broadcast_in_dim3A_74 = vector.broadcast %broadcast_in_dim3A_73 : f32 to vector<64x1xf32>
      %swap3A_75 = arith.constant 0 : index
      %swap3A_76 = arith.constant 0 : index
      %swap3A_77 = vector.load %arg11[%swap3A_75, %swap3A_76] : memref<64x1xf32, #tpu.memory_space<vmem>>, vector<64x1xf32>
      tpu.vector_store %arg11[%swap3A_75, %swap3A_76], %broadcast_in_dim3A_74 {strides = array<i32>} : memref<64x1xf32, #tpu.memory_space<vmem>>, vector<64x1xf32>,
    } else {
    }
    %get3A = arith.constant 0 : index
    %get3A_2 = arith.constant 0 : index
    %get3A_3 = arith.constant 0 : index
    %get3A_4 = vector.load %arg2[%get3A, %get3A_2, %get3A_3] : memref<2x1000x1xf32, #tpu.memory_space<vmem>>, vector<1x1000x1xf32>
    %get3A_5 = vector.shape_cast %get3A_4 : vector<1x1000x1xf32> to vector<1000x1xf32>
    %get3A_6 = arith.constant 1 : index
    %get3A_7 = arith.constant 0 : index
    %get3A_8 = arith.constant 0 : index
    %get3A_9 = vector.load %arg2[%get3A_6, %get3A_7, %get3A_8] : memref<2x1000x1xf32, #tpu.memory_space<vmem>>, vector<1x1000x1xf32>
    %get3A_10 = vector.shape_cast %get3A_9 : vector<1x1000x1xf32> to vector<1000x1xf32>
    %add3A = arith.addf %get3A_5, %get3A_10 : vector<1000x1xf32>
    %add3A_11 = arith.constant 1.000000e-16 : f32
    %add3A_12 = vector.broadcast %add3A_11 : f32 to vector<1000x1xf32>
    %add3A_13 = arith.addf %add3A, %add3A_12 : vector<1000x1xf32>
    %div3A = arith.constant 1.000000e+00 : f32
    %div3A_14 = vector.broadcast %div3A : f32 to vector<1000x1xf32>
    %div3A_15 = arith.divf %div3A_14, %add3A_13 : vector<1000x1xf32>
    %get3A_16 = arith.constant 0 : index
    %get3A_17 = arith.constant 0 : index
    %get3A_18 = vector.load %arg3[%get3A_16, %get3A_17] : memref<1x256xf32, #tpu.memory_space<vmem>>, vector<1x256xf32>
    %get3A_19 = arith.constant 0 : index
    %get3A_20 = arith.constant 0 : index
    %get3A_21 = arith.constant 0 : index
    %get3A_22 = vector.load %arg1[%get3A_19, %get3A_20, %get3A_21] : memref<2x1000x128xf32, #tpu.memory_space<vmem>>, vector<1x1000x128xf32>
    %get3A_23 = vector.shape_cast %get3A_22 : vector<1x1000x128xf32> to vector<1000x128xf32>
    %mul3A = vector.broadcast %div3A_15 : vector<1000x1xf32> to vector<1000x128xf32>
    %mul3A_24 = arith.mulf %get3A_23, %mul3A : vector<1000x128xf32>
    %slice3A = vector.extract_strided_slice %get3A_18 {offsets = [0, 0], sizes = [1, 128], strides = [1, 1]} : vector<1x256xf32> to vector<1x128xf32>
    %add3A_25 = vector.broadcast %slice3A : vector<1x128xf32> to vector<1000x128xf32>
    %add3A_26 = arith.addf %mul3A_24, %add3A_25 : vector<1000x128xf32>
    %get3A_27 = arith.constant 1 : index
    %get3A_28 = arith.constant 0 : index
    %get3A_29 = arith.constant 0 : index
    %get3A_30 = vector.load %arg1[%get3A_27, %get3A_28, %get3A_29] : memref<2x1000x128xf32, #tpu.memory_space<vmem>>, vector<1x1000x128xf32>
    %get3A_31 = vector.shape_cast %get3A_30 : vector<1x1000x128xf32> to vector<1000x128xf32>
    %mul3A_32 = vector.broadcast %div3A_15 : vector<1000x1xf32> to vector<1000x128xf32>
    %mul3A_33 = arith.mulf %get3A_31, %mul3A_32 : vector<1000x128xf32>
    %slice3A_34 = vector.extract_strided_slice %get3A_18 {offsets = [0, 128], sizes = [1, 128], strides = [1, 1]} : vector<1x256xf32> to vector<1x128xf32>
    %add3A_35 = vector.broadcast %slice3A_34 : vector<1x128xf32> to vector<1000x128xf32>
    %add3A_36 = arith.addf %mul3A_33, %add3A_35 : vector<1000x128xf32>
    %concatenate3A = tpu.concatenate %add3A_26, %add3A_36 in 1 : vector<1000x128xf32>, vector<1000x128xf32> -> vector<1000x256xf32>
    %iota3A = tpu.iota {dimensions = array<i32: 1>} : vector<1000x64xi32>
    %convert_element_type3A_37 = arith.sitofp %iota3A : vector<1000x64xi32> to vector<1000x64xf32>
    %get3A_38 = arith.constant 0 : index
    %get3A_39 = arith.constant 0 : index
    %get3A_40 = vector.load %arg4[%get3A_38, %get3A_39] : memref<1000x1xf32, #tpu.memory_space<vmem>>, vector<1000x1xf32>
    %eq3A_41 = vector.broadcast %get3A_40 : vector<1000x1xf32> to vector<1000x64xf32>
    %eq3A_42 = arith.cmpf oeq, %eq3A_41, %convert_element_type3A_37 : vector<1000x64xf32>
    %jit3A = arith.constant 1.000000e+00 : f32
    %jit3A_43 = arith.constant 0.000000e+00 : f32
    %broadcast_in_dim3A = vector.broadcast %jit3A : f32 to vector<1000x64xf32>
    %broadcast_in_dim3A_44 = vector.broadcast %jit3A_43 : f32 to vector<1000x64xf32>
    %select_n3A = arith.select %eq3A_42, %broadcast_in_dim3A, %broadcast_in_dim3A_44 : vector<1000x64xi1>, vector<1000x64xf32>
    %get3A_45 = arith.constant 0 : index
    %get3A_46 = arith.constant 0 : index
    %get3A_47 = vector.load %arg10[%get3A_45, %get3A_46] : memref<64x256xf32, #tpu.memory_space<vmem>>, vector<64x256xf32>
    %dot_general3A = arith.constant dense<0.000000e+00> : vector<64x256xf32>
    %dot_general3A_48 = tpu.matmul %select_n3A, %concatenate3A, %dot_general3A {dimension_numbers = #tpu.dot_dimension_numbers<[0], [0], [1], [1], [0, 1, 1, 1], [], []>, transpose_lhs_hint = false} : vector<1000x64xf32>, vector<1000x256xf32>, vector<64x256xf32> -> vector<64x256xf32>
    %add3A_49 = arith.addf %get3A_47, %dot_general3A_48 : vector<64x256xf32>
    %swap3A = arith.constant 0 : index
    %swap3A_50 = arith.constant 0 : index
    %swap3A_51 = vector.load %arg10[%swap3A, %swap3A_50] : memref<64x256xf32, #tpu.memory_space<vmem>>, vector<64x256xf32>
    tpu.vector_store %arg10[%swap3A, %swap3A_50], %add3A_49 {strides = array<i32>} : memref<64x256xf32, #tpu.memory_space<vmem>>, vector<64x256xf32>,
    %get3A_52 = arith.constant 0 : index
    %get3A_53 = arith.constant 0 : index
    %get3A_54 = vector.load %arg11[%get3A_52, %get3A_53] : memref<64x1xf32, #tpu.memory_space<vmem>>, vector<64x1xf32>
    %broadcast_in_dim3A_55 = arith.constant 1.000000e+00 : f32
    %broadcast_in_dim3A_56 = vector.broadcast %broadcast_in_dim3A_55 : f32 to vector<1000x1xf32>
    %dot_general3A_57 = arith.constant dense<0.000000e+00> : vector<64x1xf32>
    %dot_general3A_58 = tpu.matmul %select_n3A, %broadcast_in_dim3A_56, %dot_general3A_57 {dimension_numbers = #tpu.dot_dimension_numbers<[0], [0], [1], [1], [0, 1, 1, 1], [], []>, transpose_lhs_hint = false} : vector<1000x64xf32>, vector<1000x1xf32>, vector<64x1xf32> -> vector<64x1xf32>
    %add3A_59 = arith.addf %get3A_54, %dot_general3A_58 : vector<64x1xf32>
    %swap3A_60 = arith.constant 0 : index
    %swap3A_61 = arith.constant 0 : index
    %swap3A_62 = vector.load %arg11[%swap3A_60, %swap3A_61] : memref<64x1xf32, #tpu.memory_space<vmem>>, vector<64x1xf32>
    tpu.vector_store %arg11[%swap3A_60, %swap3A_61], %add3A_59 {strides = array<i32>} : memref<64x1xf32, #tpu.memory_space<vmem>>, vector<64x1xf32>,
    %eq3A_63 = arith.constant 9 : i32
    %eq3A_64 = arith.cmpi eq, %arg0, %eq3A_63 : i32
    %convert_element_type3A_65 = arith.extui %eq3A_64 : i1 to i32
    %cond3A_66 = arith.constant 0 : i32
    %cond3A_67 = arith.cmpi ne, %convert_element_type3A_65, %cond3A_66 : i32
    scf.if %cond3A_67 {
      %get3A_68 = arith.constant 0 : index
      %get3A_69 = arith.constant 0 : index
      %get3A_70 = vector.load %arg10[%get3A_68, %get3A_69] : memref<64x256xf32, #tpu.memory_space<vmem>>, vector<64x256xf32>
      %get3A_71 = arith.constant 0 : index
      %get3A_72 = arith.constant 0 : index
      %get3A_73 = vector.load %arg11[%get3A_71, %get3A_72] : memref<64x1xf32, #tpu.memory_space<vmem>>, vector<64x1xf32>
      %max3A = arith.constant 1.000000e+00 : f32
      %max3A_74 = vector.broadcast %max3A : f32 to vector<64x1xf32>
      %max3A_75 = arith.maximumf %get3A_73, %max3A_74 : vector<64x1xf32>
      %div3A_76 = vector.broadcast %max3A_75 : vector<64x1xf32> to vector<64x256xf32>
      %div3A_77 = arith.divf %get3A_70, %div3A_76 : vector<64x256xf32>
      %get3A_78 = arith.constant 0 : index
      %get3A_79 = arith.constant 0 : index
      %get3A_80 = vector.load %arg5[%get3A_78, %get3A_79] : memref<256x512xf32, #tpu.memory_space<vmem>>, vector<256x512xf32>
      %dot_general3A_81 = arith.constant dense<0.000000e+00> : vector<64x512xf32>
      %dot_general3A_82 = tpu.matmul %div3A_77, %get3A_80, %dot_general3A_81 {dimension_numbers = #tpu.dot_dimension_numbers<[1], [0], [0], [1], [0, 0, 1, 1], [], []>, transpose_lhs_hint = false} : vector<64x256xf32>, vector<256x512xf32>, vector<64x512xf32> -> vector<64x512xf32>
      %get3A_83 = arith.constant 0 : index
      %get3A_84 = arith.constant 0 : index
      %get3A_85 = vector.load %arg6[%get3A_83, %get3A_84] : memref<1x512xf32, #tpu.memory_space<vmem>>, vector<1x512xf32>
      %add3A_86 = vector.broadcast %get3A_85 : vector<1x512xf32> to vector<64x512xf32>
      %add3A_87 = arith.addf %dot_general3A_82, %add3A_86 : vector<64x512xf32>
      %max3A_88 = arith.constant 0.000000e+00 : f32
      %max3A_89 = vector.broadcast %max3A_88 : f32 to vector<64x512xf32>
      %max3A_90 = arith.maximumf %add3A_87, %max3A_89 : vector<64x512xf32>
      %get3A_91 = arith.constant 0 : index
      %get3A_92 = arith.constant 0 : index
      %get3A_93 = vector.load %arg7[%get3A_91, %get3A_92] : memref<512x128xf32, #tpu.memory_space<vmem>>, vector<512x128xf32>
      %dot_general3A_94 = arith.constant dense<0.000000e+00> : vector<64x128xf32>
      %dot_general3A_95 = tpu.matmul %max3A_90, %get3A_93, %dot_general3A_94 {dimension_numbers = #tpu.dot_dimension_numbers<[1], [0], [0], [1], [0, 0, 1, 1], [], []>, transpose_lhs_hint = false} : vector<64x512xf32>, vector<512x128xf32>, vector<64x128xf32> -> vector<64x128xf32>
      %get3A_96 = arith.constant 0 : index
      %get3A_97 = arith.constant 0 : index
      %get3A_98 = vector.load %arg8[%get3A_96, %get3A_97] : memref<1x128xf32, #tpu.memory_space<vmem>>, vector<1x128xf32>
      %add3A_99 = vector.broadcast %get3A_98 : vector<1x128xf32> to vector<64x128xf32>
      %add3A_100 = arith.addf %dot_general3A_95, %add3A_99 : vector<64x128xf32>
      %swap3A_101 = arith.constant 0 : index
      %swap3A_102 = arith.constant 0 : index
      %swap3A_103 = vector.load %arg9[%swap3A_101, %swap3A_102] : memref<64x128xf32, #tpu.memory_space<vmem>>, vector<64x128xf32>
      tpu.vector_store %arg9[%swap3A_101, %swap3A_102], %add3A_100 {strides = array<i32>} : memref<64x128xf32, #tpu.memory_space<vmem>>, vector<64x128xf32>,
    } else {
    }
    return
  }
  func.func @transform_0(%arg0: i32) -> (i32, i32, i32) {
    %c0_i32 = arith.constant 0 : i32
    %c0_i32_0 = arith.constant 0 : i32
    %c0_i32_1 = arith.constant 0 : i32
    return %c0_i32, %arg0, %c0_i32_0 : i32, i32, i32
  }
  func.func @transform_1(%arg0: i32) -> (i32, i32, i32) {
    %c0_i32 = arith.constant 0 : i32
    %c0_i32_0 = arith.constant 0 : i32
    %c0_i32_1 = arith.constant 0 : i32
    return %c0_i32, %arg0, %c0_i32_0 : i32, i32, i32
  }
  func.func @transform_2(%arg0: i32) -> (i32, i32) {
    %c0_i32 = arith.constant 0 : i32
    %c0_i32_0 = arith.constant 0 : i32
    %c0_i32_1 = arith.constant 0 : i32
    return %c0_i32, %c0_i32_0 : i32, i32
  }
  func.func @transform_3(%arg0: i32) -> (i32, i32) {
    %c0_i32 = arith.constant 0 : i32
    %c0_i32_0 = arith.constant 0 : i32
    return %arg0, %c0_i32 : i32, i32
  }
  func.func @transform_4(%arg0: i32) -> (i32, i32) {
    %c0_i32 = arith.constant 0 : i32
    %c0_i32_0 = arith.constant 0 : i32
    %c0_i32_1 = arith.constant 0 : i32
    return %c0_i32, %c0_i32_0 : i32, i32
  }
  func.func @transform_5(%arg0: i32) -> (i32, i32) {
    %c0_i32 = arith.constant 0 : i32
    %c0_i32_0 = arith.constant 0 : i32
    %c0_i32_1 = arith.constant 0 : i32
    return %c0_i32, %c0_i32_0 : i32, i32
  }
  func.func @transform_6(%arg0: i32) -> (i32, i32) {
    %c0_i32 = arith.constant 0 : i32
    %c0_i32_0 = arith.constant 0 : i32
    %c0_i32_1 = arith.constant 0 : i32
    return %c0_i32, %c0_i32_0 : i32, i32
  }
  func.func @transform_7(%arg0: i32) -> (i32, i32) {
    %c0_i32 = arith.constant 0 : i32
    %c0_i32_0 = arith.constant 0 : i32
    %c0_i32_1 = arith.constant 0 : i32
    return %c0_i32, %c0_i32_0 : i32, i32
  }
  func.func @transform_8(%arg0: i32) -> (i32, i32) {
    %c0_i32 = arith.constant 0 : i32
    %c0_i32_0 = arith.constant 0 : i32
    %c0_i32_1 = arith.constant 0 : i32
    return %c0_i32, %c0_i32_0 : i32, i32
  }
}

</mosaic_0001>

<sc_bundles>
// kernel: kernel.12.cloned.1.call-start
scs
__scs_entry_jumppad:
0x0: {  	(pc) =	sbr.rel $0x88, $3  }
0x1: {  	(tag) =	ssettag $0x0;
	lr =	simm.s32 $0x1  }
0x2: {  	[smem:$0x3F8E] =	sst lr;
	_ =	strace $0xD0000000  }
0x3: {  	_ = 	snop  }
0x4: {  	_ = 	snop  }
0x5: {  	_ = 	snop  }
0x6: {  	_ = 	snop  }
0x7: {  	_ = 	snop  }
__scs_overlays_trampoline_lowered:
0x8: {  	[smem:$0x3F9D] =	sst s0  }
0x9: {  	[smem:$0x3F9E] =	sst s1  }
0xa: {  	[smem:$0x3F9F] =	sst s2  }
0xb: {  	[smem:$0x3FA0] =	sst s3  }
0xc: {  	[smem:$0x3FA1] =	sst s4  }
0xd: {  	[smem:$0x3FA2] =	sst s5  }
0xe: {  	[smem:$0x3FA3] =	sst s6  }
0xf: {  	[smem:$0x3FA4] =	sst s7  }
0x10: {  	[smem:$0x3FA5] =	sst s8  }
0x11: {  	[smem:$0x3FA6] =	sst s9;
	s0 =	simm.s32 @!p0 $0x0  }
0x12: {  	s1 =	sld [smem:$0x3F8C];
	s0 =	simm.s32 @p0 $0x1  }
0x13: {  	[smem:$0x3FA7] =	sst s0;
	s0 =	simm.s32 @!p1 $0x0  }
0x14: {  	s2 =	sld [smem:$0x3F8B];
	s0 =	simm.s32 @p1 $0x1  }
0x15: {  	[smem:$0x3FA8] =	sst s0;
	s0 =	simm.s32 @!p2 $0x0  }
0x16: {  	s3 =	sld [smem:$0x3FDB];
	s0 =	simm.s32 @p2 $0x1  }
0x17: {  	s4 =	simm.s32 $0x1BF5;
	[smem:$0x3FAA] =	sst s0  }
0x18: {  	s0 =	sld [smem:$0x3F8D];
	_ =	swait.ge [sflag:s4], $0x0  }
0x19: {  	s7 =	sld [smem:$0x3F8E]  }
0x1a: {  	s8 =	sadd.s32 $0xFFFFE003, lr  }
0x1b: {  	s9 =	sadd.s32 $0xFFFFFEF7, lr;
	s5 =	simm.s32 $0xFFFFFFFF;
	p2 =	slt.u32 s8, $0xFFFFF086  }
0x1c: {  	p1 =	slt.u32 s9, $0xF7A;
	s5 =	simm.s32 @!p2 $0x0  }
0x1d: {  	s5 =	simm.s32 @p1 $0x1;
	p0 =	seq.s32 s7, s2  }
0x1e: {  	s7 =	smul.u32 @!p0 $0xF7A, s2;
	p2 =	seq.s32 @!p0 s5, $0x0  }
0x1f: {  	s9 =	smul.u32 $0xF7A, s1;
	s8 =	simm.s32 @!p0 $0x1BF5;
	p2 =	por !p2, p0  }
0x20: {  	[sflag:s8] =	ssyncset.s32 @!p0 $0xFFFFF086;
	s6 =	sadd.s32 @!p0 s3, s7;
	s7 =	simm.s32 @!p0 $0x108  }
0x21: {  	s3 =	sadd.s32 s3, s9;
	s6 =	sadd.s32 @!p0 $0x88, s6;
	s7 =	simm.s32 @p2 $0x1082  }
0x22: {  	[simem:s7], [sflag:s8] =	dma.local @!p0 [hbm:s6], $0xF7A  }
0x23: {  	s9 =	sor.u32 $0xD0000000, s2;
	s6 =	simm.s32 $0x108;
	_ =	swait.ge @!p0 [sflag:s8], $0x0  }
0x24: {  	s3 =	sadd.s32 $0x88, s3;
	s6 =	simm.s32 @!p1 $0x1082;
	[sflag:s4] =	ssyncset.s32 $0xFFFFF086  }
0x25: {  	[simem:s6], [sflag:s4] =	dma.local [hbm:s3], $0xF7A  }
0x26: {  	[smem:$0x3F8E] =	sst s1;
	(tag) =	ssettag s2;
	_ =	strace s9  }
0x27: {  	s1 =	sld [smem:$0x3F9E]  }
0x28: {  	s2 =	sld [smem:$0x3F9F]  }
0x29: {  	s4 =	sld [smem:$0x3FA1]  }
0x2a: {  	p0 =	seq.s32 s5, $0x0;
	s5 =	sld [smem:$0x3FA2]  }
0x2b: {  	s6 =	sld [smem:$0x3FA3]  }
0x2c: {  	s7 =	sld [smem:$0x3FA4]  }
0x2d: {  	s3 =	simm.s32 $0x108;
	s8 =	sld [smem:$0x3FA5]  }
0x2e: {  	s3 =	simm.s32 @!p0 $0x1082;
	s9 =	sld [smem:$0x3FA6]  }
0x2f: {  	lr =	sadd.s32 s0, s3;
	s0 =	sld [smem:$0x3F9D]  }
0x30: {  	s3 =	sld [smem:$0x3FA0]  }
0x31: {  	[smem:$0x3FA9] =	sst s10  }
0x32: {  	s10 =	sld [smem:$0x3FA7];
	_ =	sdelay $0x3  }
0x33: {  	p0 =	seq.s32 s10, $0x1;
	s10 =	sld [smem:$0x3FA9];
	_ =	sdelay $0x3  }
0x34: {  	[smem:$0x3FA9] =	sst s10  }
0x35: {  	s10 =	sld [smem:$0x3FA8];
	_ =	sdelay $0x3  }
0x36: {  	p1 =	seq.s32 s10, $0x1;
	s10 =	sld [smem:$0x3FA9];
	_ =	sdelay $0x3  }
0x37: {  	[smem:$0x3FA9] =	sst s10  }
0x38: {  	s10 =	sld [smem:$0x3FAA]  }
0x39: {  	_ = 	snop;
	(pc) =	sbr.ind lr, $3  }
0x3a: {  	_ = 	snop  }
0x3b: {  	_ = 	snop  }
0x3c: {  	p2 =	seq.s32 s10, $0x1;
	s10 =	sld [smem:$0x3FA9]  }
0x3d: {  	_ =	shalt  }
0x3e: {  	_ =	shalt  }
0x3f: {  	_ =	shalt  }
0x40: {  	_ =	shalt  }
0x41: {  	_ =	shalt  }
0x42: {  	_ =	shalt  }
0x43: {  	_ =	shalt  }
0x44: {  	_ =	shalt  }
0x45: {  	_ =	shalt  }
0x46: {  	_ =	shalt  }
0x47: {  	_ =	shalt  }
0x48: {  	_ =	shalt  }
0x49: {  	_ =	shalt  }
0x4a: {  	_ =	shalt  }
0x4b: {  	_ =	shalt  }
0x4c: {  	_ =	shalt  }
0x4d: {  	_ =	shalt  }
0x4e: {  	_ =	shalt  }
0x4f: {  	_ =	shalt  }
0x50: {  	_ =	shalt  }
0x51: {  	_ =	shalt  }
0x52: {  	_ =	shalt  }
0x53: {  	_ =	shalt  }
0x54: {  	_ =	shalt  }
0x55: {  	_ =	shalt  }
0x56: {  	_ =	shalt  }
0x57: {  	_ =	shalt  }
0x58: {  	_ =	shalt  }
0x59: {  	_ =	shalt  }
0x5a: {  	_ =	shalt  }
0x5b: {  	_ =	shalt  }
0x5c: {  	_ =	shalt  }
0x5d: {  	_ =	shalt  }
0x5e: {  	_ =	shalt  }
0x5f: {  	_ =	shalt  }
0x60: {  	_ =	shalt  }
0x61: {  	_ =	shalt  }
0x62: {  	_ =	shalt  }
0x63: {  	_ =	shalt  }
0x64: {  	_ =	shalt  }
0x65: {  	_ =	shalt  }
0x66: {  	_ =	shalt  }
0x67: {  	_ =	shalt  }
0x68: {  	_ =	shalt  }
0x69: {  	_ =	shalt  }
0x6a: {  	_ =	shalt  }
0x6b: {  	_ =	shalt  }
0x6c: {  	_ =	shalt  }
0x6d: {  	_ =	shalt  }
0x6e: {  	_ =	shalt  }
0x6f: {  	_ =	shalt  }
0x70: {  	_ =	shalt  }
0x71: {  	_ =	shalt  }
0x72: {  	_ =	shalt  }
0x73: {  	_ =	shalt  }
0x74: {  	_ =	shalt  }
0x75: {  	_ =	shalt  }
0x76: {  	_ =	shalt  }
0x77: {  	_ =	shalt  }
0x78: {  	_ =	shalt  }
0x79: {  	_ =	shalt  }
0x7a: {  	_ =	shalt  }
0x7b: {  	_ =	shalt  }
0x7c: {  	_ =	shalt  }
0x7d: {  	_ =	shalt  }
0x7e: {  	_ =	shalt  }
0x7f: {  	_ =	shalt  }
0x80: {  	_ =	shalt  }
0x81: {  	_ =	shalt  }
0x82: {  	_ =	shalt  }
0x83: {  	_ =	shalt  }
0x84: {  	_ =	shalt  }
0x85: {  	_ =	shalt  }
0x86: {  	_ =	shalt  }
0x87: {  	_ =	shalt  }
.Lfunc_end0:
.L_simem_size_0:
called_computation_lowered:
.L_overlay_start_0:
0x88: {  	s2 =	sld [smem:$0x3FD9]  }
0x89: {  	s3 =	sld [smem:$0x3FFE];
	_ =	sdelay $0x1  }
0x8a: {  	s1 =	srdreg.scid  }
0x8b: {  	s0 =	sand.u32 $0x1, s1  }
0x8c: {  	s16 =	sshll.u32 s0, $0xA;
	s2 =	sadd.s32 s3, s2  }
0x8d: {  	s2 =	sadd.s32 s2, s16  }
0x8e: {  	[smem:$0x3FB5] =	sst s2  }
0x8f: {  	_ = 	snop  }
0x90: {  	(tm) =	ssettm $0x1  }
0x91: {  	s17 =	sld [smem:$0x3FFB];
	_ =	sdelay $0x3  }
0x92: {  	_ =	strace s17  }
0x93: {  	s2 =	sld [smem:$0x3FFC];
	_ =	sdelay $0x3  }
0x94: {  	_ =	strace s2  }
0x95: {  	s2 =	sld [smem:$0x3FFD];
	_ =	sdelay $0x3  }
0x96: {  	_ =	strace s2  }
0x97: {  	_ =	strace $0x8FFFFFFF  }
0x98: {  	s18 =	sld [smem:$0x3FDB];
	_ =	sdelay $0x1  }
0x99: {  	s19 =	simm.s32 $_scs_section_size  }
0x9a: {  	s4 =	simm.s32 $_size__tile_overlayer_lowered;
	s5 =	simm.s32 $_tile_overlayer_lowered  }
0x9b: {  	s22 =	simm.s32 $0x1BFF;
	s21 =	sshll.u32 s5, $0x1;
	s2 =	sadd.s32 s19, s18  }
0x9c: {  	s6 =	simm.s32 $0x0;
	s20 =	sshll.u32 s4, $0x1;
	s4 =	sadd.s32 s21, s2  }
0x9d: {  	[timem:s6], [sflag:s22] =	dma.local [hbm:s4], s20  }
0x9e: {  	_ =	swait.ge [sflag:s22], s20  }
0x9f: {  	s3 =	ssub.s32 $0x0, s20;
	[sflag:s22] =	ssyncset.done $0x0  }
0xa0: {  	[sflag:s22] =	ssyncadd.s32 s3;
	_ =	sdelay $0x1  }
0xa1: {  	s23 =	simm.s32 $0x1B8B  }
0xa2: {  	_ =	swait.ge [sflag:s23], $0x1  }
0xa3: {  	[sflag:s23] =	ssyncset.done $0x0  }
0xa4: {  	s25 =	simm.s32 $0x1B8E;
	s24 =	sld [smem:$0x3FFE];
	[sflag:s23] =	ssyncadd.s32 $0xFFFFFFFF  }
0xa5: {  	s26 =	simm.s32 $execute0_lowered;
	[smem:$0x3FD2] =	sst s25  }
0xa6: {  	s4 =	sshll.u32 s26, $0x1;
	_ =	strace $0x80000046;
	[dreg:$0x1] =	wrdreg $0xFFFFFFFF  }
0xa7: {  	s28 =	simm.s32 $_size_execute0_lowered;
	s2 =	sadd.s32 s2, s4;
	[dreg:$0x0] =	wrdreg $0x0  }
0xa8: {  	s4 =	sshll.u32 s28, $0x1;
	[dreg:$0x2] =	wrdreg s2  }
0xa9: {  	[dreg:$0x3] =	wrdreg s4  }
0xaa: {  	[dreg:$0x4] =	wrdreg $0xC0  }
0xab: {  	_ =	task [dreg:s6], $0x5FFFF  }
0xac: {  	[dreg:$0x1] =	wrdreg $0xFFFFFFFF  }
0xad: {  	[dreg:$0x0] =	wrdreg $0x60  }
0xae: {  	[dreg:$0x2] =	wrdreg s24  }
0xaf: {  	[dreg:$0x3] =	wrdreg $0xBA800  }
0xb0: {  	[dreg:$0x4] =	wrdreg $0x9  }
0xb1: {  	_ =	task.clear_ibuf [dreg:s6], $0x5FFFF;
	_ =	strace $0x90000046  }
0xb2: {  	s29 =	simm.s32 $0x9;
	_ =	strace $0x80000048  }
0xb3: {  	_ =	swait.ge [sflag:s29], $0x1  }
0xb4: {  	[sflag:s29] =	ssyncadd.s32 $0xFFFFFFFF  }
0xb5: {  	_ =	strace $0x90000048  }
0xb6: {  	_ =	sfence  }
0xb7: {  	s30 =	sld [smem:$0x0];
	_ =	sdelay $0x2  }
0xb8: {  	s31 =	sshll.u32 s1, $0xD;
	s1 =	sshrl.u32 s1, $0x2  }
0xb9: {  	s3 =	sand.u32 $0x4000, s31;
	s1 =	sadd.s32 s1, s30  }
0xba: {  	s0 =	sor.u32 s3, s0;
	s1 =	sshll.u32 s1, $0x11  }
0xbb: {  	s0 =	sor.u32 s1, s0  }
0xbc: {  	s0 =	sadd.s32 $0x8F2B, s0  }
0xbd: {  	[sflag:s0] =	ssyncadd.remote.s32 $0x1  }
0xbe: {  	_ =	sfence.sel $0xFFFF  }
0xbf: {  	[dreg:$0x0] =	wrdreg $0xFFFFFFFF;
	(pc) =	sbr.abs _section_cstart, $3  }
0xc0: {  	[dreg:$0x1] =	wrdreg $0xFFFFFFFF  }
0xc1: {  	_ =	task.clear_ibuf [dreg:s6], $0x2FFFF;
	_ =	strace $0x9FFFFFFF  }
0xc2: {  	(tm) =	ssettm $0x7FFFFFFF  }
0xc3: {  	_ =	shalt  }
tec
execute0_lowered:
.L_overlay_start_1:
0x0: {  	(tag) =	ssettag $0x1  }
0x1: {  	s8 =	rddreg [dreg:$0x0]  }
0x2: {  	s10 =	rddreg [dreg:$0x1]  }
0x3: {  	s0 =	rddreg [dreg:$0x2];
	s2 =	simm.s32 $0x0;
	s3 =	srdreg.scid  }
0x4: {  	s1 =	stileid.u32;
	s16 =	simm.s32 $0x5800;
	s17 =	simm.s32 $0x6800  }
0x5: {  	s18 =	simm.s32 $0x6000;
	s19 =	simm.s32 $0x80;
	s20 =	simm.s32 $0x400  }
0x6: {  	s21 =	simm.s32 $0x1400;
	s22 =	simm.s32 $0x14000;
	s23 =	simm.s32 $0x9000  }
0x7: {  	s24 =	simm.s32 $0xB800;
	s25 =	simm.s32 $0x0;
	[smem:$0x7FF] =	sst s2  }
0x8: {  	s9 =	sand.u32 $0x1, s3;
	s11 =	smul.u32 $0x280, s1;
	s3 =	sadd.s32 $0x65E00, s8  }
0x9: {  	s4 =	sadd.s32 $0x66400, s8;
	s5 =	sadd.s32 $0xDE00, s8;
	s6 =	sadd.s32 $0x4000, s8  }
0xa: {  	s7 =	sadd.s32 $0x66A00, s8;
	s13 =	sshrl.u32 s1, $0x3;
	s31 =	smul.u32 $0x5000, s1  }
0xb: {  	s14 =	sshll.u32 s1, $0x7;
	_ =	strace $0x80000047;
	s12 =	smul.u32 $0x2800, s9  }
0xc: {  	s28 =	ssub.s32 $0x2, s9;
	s13 =	smul.u32 $0x50000, s13;
	s30 =	sshll.u32 s9, $0x4  }
0xd: {  	s14 =	sand.u32 $0x380, s14;
	s29 =	sshrl.u32 s28, $0x1;
	s15 =	sshrl.u32 s31, $0x2  }
0xe: {  	s11 =	sadd.s32 s11, s12;
	s12 =	ssub.s32 s28, s29;
	s13 =	sshrl.u32 s13, $0x2  }
0xf: {  	s11 =	sshrl.u32 s11, $0x3;
	s13 =	sadd.s32 s13, s10;
	s10 =	sadd.s32 s15, s10  }
0x10: {  	s12 =	smax.u32 s12, $0x1;
	s15 =	simm.s32 $0x5000;
	s11 =	sadd.s32 s11, s8  }
0x11: {  	s8 =	sor.u32 s1, s30;
	s9 =	sadd.s32 s14, s13;
	s13 =	simm.s32 $0x1  }
0x12: {  	v0 =	vimm.f32 $0.0e+00;
	s14 =	simm.s32 $0x2800;
	s8 =	smul.u32 $0x2710, s8;
	s11 =	sadd.s32 $0x70800, s11  }
.LBB2_1:
0x13: {  	[tilespmem:s2], [sflag:$0x1] =	stream.linear.gather [hbm4b:s3+s2], $0x2800, $0x38;
	[tilespmem:$0xE280] =	vst v63  }
0x14: {  	_ =	swait.ge [sflag:s13], $0x2800  }
0x15: {  	[sflag:s13] =	ssyncset.done $0x0  }
0x16: {  	[sflag:s13] =	ssyncadd.s32 $0xFFFFD800  }
0x17: {  	[tilespmem:s14], [sflag:$0x1] =	stream.linear.gather [hbm4b:s4+s2], $0x2800, $0x38;
	[tilespmem:$0xE280] =	vst v63  }
0x18: {  	_ =	swait.ge [sflag:s13], $0x2800  }
0x19: {  	[sflag:s13] =	ssyncset.done $0x0  }
0x1a: {  	s26 =	simm.s32 $0x0;
	[sflag:s13] =	ssyncadd.s32 $0xFFFFD800  }
.LBB2_2:
0x1b: {  	p0 =	sne.s32 s26, $0x9FC0  }
.Ltmp0:
0x1c: {  	_ = 	snop;
	(pc) =	sbr.rel @p0 .LBB2_2-.Ltmp0, $3  }
0x1d: {  	_ =	sdelay $0x1  }
0x1e: {  	s28 =	sshra.s32 s26, $0x2  }
0x1f: {  	s26 =	sadd.s32 $0x40, s26;
	[tilespmem:s28+$0x6800] =	vst v0  }
0x20: {  	s28 =	simm.s32 $0x0  }
0x21: {  	v2 =	vld [tilespmem:s28+$0x2800]  }
0x22: {  	v1 =	vimm.f32 $-1.000000020e+30;
	s26 =	simm.s32 $0x40;
	v3 =	vimm.f32 $-1.000000020e+30;
	v4 =	vld [tilespmem:s28+$0x0]  }
.LBB2_4:
0x23: {  	p0 =	sne.s32 s26, $0x9FC0  }
.Ltmp1:
0x24: {  	_ = 	snop;
	(pc) =	sbr.rel @p0 .LBB2_4-.Ltmp1, $4  }
0x25: {  	_ = 	snop  }
0x26: {  	s28 =	sshra.s32 s26, $0x2;
	s26 =	sadd.s32 $0x40, s26;
	v1 =	vmax.f32 v1, v2  }
0x27: {  	v2 =	vld [tilespmem:s28+$0x2800];
	v3 =	vmax.f32 v3, v4  }
0x28: {  	v4 =	vld [tilespmem:s28+$0x0]  }
0x29: {  	_ =	sdelay $0x3  }
0x2a: {  	v3 =	vmax.f32 v3, v4  }
0x2b: {  	v1 =	vmax.f32 v1, v2;
	(v2sf) =	vpush v3, $0x0  }
0x2c: {  	(v2sf) =	vpush v1, $0x0  }
0x2d: {  	(v2sf) =	vpush v3, $0x1  }
0x2e: {  	(v2sf) =	vpush v1, $0x1  }
0x2f: {  	(v2sf) =	vpush v3, $0x2  }
0x30: {  	(v2sf) =	vpush v1, $0x2  }
0x31: {  	(v2sf) =	vpush v3, $0x3  }
0x32: {  	(v2sf) =	vpush v1, $0x3  }
0x33: {  	(v2sf) =	vpush v3, $0x4  }
0x34: {  	(v2sf) =	vpush v1, $0x4  }
0x35: {  	(v2sf) =	vpush v3, $0x5  }
0x36: {  	(v2sf) =	vpush v1, $0x5  }
0x37: {  	(v2sf) =	vpush v3, $0x6  }
0x38: {  	(v2sf) =	vpush v1, $0x6  }
0x39: {  	(v2sf) =	vpush v3, $0x7  }
0x3a: {  	s26 =	spop (v2sf);
	(v2sf) =	vpush v1, $0x7  }
0x3b: {  	s28 =	spop (v2sf);
	(v2sf) =	vpush v3, $0x8  }
0x3c: {  	s29 =	spop (v2sf);
	(v2sf) =	vpush v1, $0x8  }
0x3d: {  	s30 =	spop (v2sf);
	(v2sf) =	vpush v3, $0x9  }
0x3e: {  	s26 =	smax.f32 s26, s29;
	s29 =	spop (v2sf);
	(v2sf) =	vpush v1, $0x9  }
0x3f: {  	s28 =	smax.f32 s28, s30;
	s31 =	spop (v2sf);
	(v2sf) =	vpush v3, $0xA  }
0x40: {  	s26 =	smax.f32 s26, s29;
	s29 =	spop (v2sf);
	(v2sf) =	vpush v1, $0xA  }
0x41: {  	s28 =	smax.f32 s28, s31;
	s31 =	spop (v2sf);
	(v2sf) =	vpush v3, $0xB  }
0x42: {  	s26 =	smax.f32 s26, s29;
	s29 =	spop (v2sf);
	(v2sf) =	vpush v1, $0xB  }
0x43: {  	s28 =	smax.f32 s28, s31;
	s31 =	spop (v2sf);
	(v2sf) =	vpush v3, $0xC  }
0x44: {  	s26 =	smax.f32 s26, s29;
	s29 =	spop (v2sf);
	(v2sf) =	vpush v1, $0xC  }
0x45: {  	s28 =	smax.f32 s28, s31;
	s31 =	spop (v2sf);
	(v2sf) =	vpush v3, $0xD  }
0x46: {  	s26 =	smax.f32 s26, s29;
	s29 =	spop (v2sf);
	(v2sf) =	vpush v1, $0xD  }
0x47: {  	s28 =	smax.f32 s28, s31;
	s31 =	spop (v2sf);
	(v2sf) =	vpush v3, $0xE  }
0x48: {  	s26 =	smax.f32 s26, s29;
	s29 =	spop (v2sf);
	(v2sf) =	vpush v1, $0xE  }
0x49: {  	s28 =	smax.f32 s28, s31;
	s31 =	spop (v2sf);
	(v2sf) =	vpush v3, $0xF  }
0x4a: {  	s26 =	smax.f32 s26, s29;
	s29 =	spop (v2sf);
	(v2sf) =	vpush v1, $0xF  }
0x4b: {  	s28 =	smax.f32 s28, s31;
	s31 =	spop (v2sf)  }
0x4c: {  	s26 =	smax.f32 s26, s29;
	s29 =	spop (v2sf)  }
0x4d: {  	s28 =	smax.f32 s28, s31;
	s31 =	spop (v2sf)  }
0x4e: {  	s26 =	smax.f32 s26, s29;
	s29 =	spop (v2sf)  }
0x4f: {  	s28 =	smax.f32 s28, s31;
	s31 =	spop (v2sf)  }
0x50: {  	s26 =	smax.f32 s26, s29;
	s29 =	spop (v2sf)  }
0x51: {  	s28 =	smax.f32 s28, s31;
	s31 =	spop (v2sf)  }
0x52: {  	s26 =	smax.f32 s26, s29;
	s29 =	spop (v2sf)  }
0x53: {  	s28 =	smax.f32 s28, s31;
	s31 =	spop (v2sf)  }
0x54: {  	s26 =	smax.f32 s26, s29;
	s29 =	spop (v2sf)  }
0x55: {  	s28 =	smax.f32 s28, s31;
	s31 =	spop (v2sf)  }
0x56: {  	s26 =	smax.f32 s26, s29;
	s29 =	spop (v2sf)  }
0x57: {  	s28 =	smax.f32 s28, s31;
	s31 =	spop (v2sf)  }
0x58: {  	s26 =	smax.f32 s26, s29;
	s29 =	spop (v2sf)  }
0x59: {  	s28 =	smax.f32 s28, s31;
	s31 =	spop (v2sf)  }
0x5a: {  	s26 =	smax.f32 s26, s29;
	s28 =	smax.f32 s28, s31  }
0x5b: {  	s26 =	sadd.f32 s28, s26;
	_ =	sdelay $0x1  }
0x5c: {  	p0 =	sgt.f32 s26, $0.0e+00;
	s28 =	smul.f32 $2.000000030e-01, s26  }
0x5d: {  	_ = 	snop  }
0x5e: {  	s28 =	smov.u32 @p0 s26  }
0x5f: {  	s26 =	simm.s32 $0x0;
	v1 =	vmov s28;
	s28 =	simm.s32 $0x0  }
.LBB2_6:
0x60: {  	s29 =	smul.u32 $0x7D0, s28;
	_ =	sdelay $0x1  }
0x61: {  	s29 =	sadd.s32 s8, s29  }
0x62: {  	s29 =	sshrl.u32 s29, $0x3  }
0x63: {  	s30 =	sadd.s32 s5, s29  }
0x64: {  	[tilespmem:s15], [sflag:$0x1] =	stream.linear.gather [hbm4b:s30+s26], $0x7D0, $0x38;
	[tilespmem:$0xE280] =	vst v63  }
0x65: {  	_ =	swait.ge [sflag:s13], $0x7D0  }
0x66: {  	[sflag:s13] =	ssyncset.done $0x0  }
0x67: {  	s30 =	sadd.s32 s6, s29;
	[sflag:s13] =	ssyncadd.s32 $0xFFFFF830  }
0x68: {  	[tilespmem:s16], [sflag:$0x1] =	stream.linear.gather [hbm4b:s30+s26], $0x7D0, $0x38;
	[tilespmem:$0xE280] =	vst v63  }
0x69: {  	_ =	swait.ge [sflag:s13], $0x7D0  }
0x6a: {  	[sflag:s13] =	ssyncset.done $0x0  }
0x6b: {  	s30 =	simm.s32 $0x0;
	[sflag:s13] =	ssyncadd.s32 $0xFFFFF830  }
0x6c: {  	v2 =	vld [tilespmem:s30+$0x5800]  }
0x6d: {  	s31 =	simm.s32 $0x40;
	v3 =	vld [tilespmem:s30+$0x5000]  }
.LBB2_7:
0x6e: {  	p0 =	sne.s32 s31, $0x1F00;
	_ =	sdelay $0x5  }
0x6f: {  	v4 =	vld.idx.msk [tilespmem:v2+s14+$0x0], $0xffff  }
0x70: {  	v3 =	vld.idx.msk [tilespmem:v3+s2+$0x0], $0xffff;
	_ =	sdelay $0x5  }
0x71: {  	v3 =	vadd.f32 v4, v3;
	_ =	sdelay $0x1  }
0x72: {  	v4 =	vmul.f32 $2.000000030e-01, v3  }
0x73: {  	vm0 =	vgt.f32 v3, $0.0e+00  }
0x74: {  	v3 =	vsel vm0, v3, v4  }
0x75: {  	v3 =	vsub.f32 v3, v1;
	_ =	sdelay $0x1  }
0x76: {  	v3 =	vmul.f32 $1.442695020e+00, v3;
	_ =	sdelay $0x1  }
0x77: {  	(erf) = vpow2.f32 v3;
	_ =	sdelay $0x8  }
.Ltmp2:
0x78: {  	v3 =	vpop (erf);
	(pc) =	sbr.rel @p0 .LBB2_7-.Ltmp2, $4  }
0x79: {  	[tilespmem:s30+$0x6000] =	vst v3  }
0x7a: {  	s30 =	sshra.s32 s31, $0x2;
	[tilespmem:v2+s17+$0x0] =	vst.idx.add.f32.msk $0xffff, v3  }
0x7b: {  	v2 =	vld [tilespmem:s30+$0x5800]  }
0x7c: {  	s31 =	sadd.s32 $0x40, s31;
	v3 =	vld [tilespmem:s30+$0x5000]  }
0x7d: {  	_ =	sdelay $0x6  }
0x7e: {  	v4 =	vld.idx.msk [tilespmem:v2+s14+$0x0], $0xffff  }
0x7f: {  	v3 =	vld.idx.msk [tilespmem:v3+s2+$0x0], $0xffff;
	_ =	sdelay $0x4  }
0x80: {  	v3 =	vadd.f32 v4, v3;
	_ =	sdelay $0x1  }
0x81: {  	v4 =	vmul.f32 $2.000000030e-01, v3  }
0x82: {  	vm0 =	vgt.f32 v3, $0.0e+00  }
0x83: {  	v3 =	vsel vm0, v3, v4  }
0x84: {  	v3 =	vsub.f32 v3, v1;
	_ =	sdelay $0x1  }
0x85: {  	v3 =	vmul.f32 $1.442695020e+00, v3;
	_ =	sdelay $0x1  }
0x86: {  	(erf) = vpow2.f32 v3;
	_ =	sdelay $0x8  }
0x87: {  	s28 =	sadd.s32 $0x1, s28;
	v3 =	vpop (erf)  }
0x88: {  	p0 =	sne.s32 s28, $0x5;
	[tilespmem:s30+$0x6000] =	vst v3  }
.Ltmp3:
0x89: {  	s29 =	sadd.s32 s7, s29;
	[tilespmem:v2+s17+$0x0] =	vst.idx.add.f32.msk $0xffff, v3;
	(pc) =	sbr.rel @p0 .LBB2_6-.Ltmp3, $4  }
0x8a: {  	[hbm4b:s29+s2] =	stream.linear.scatter [tilespmem:s18], [sflag:$0x1], $0x7D0, $0x38;
	[tilespmem:$0xE280] =	vst v63  }
0x8b: {  	_ =	swait.ge [sflag:s13], $0x7D0  }
0x8c: {  	[sflag:s13] =	ssyncset.done $0x0  }
0x8d: {  	[sflag:s13] =	ssyncadd.s32 $0xFFFFF830  }
0x8e: {  	[spmem:s9] =	stream.strided.scatter [tilespmem:s17], [sflag:$0x1], $0x2800, s20, s19, $0x38;
	[tilespmem:$0xE280] =	vst v63  }
0x8f: {  	_ =	swait.ge [sflag:s13], $0x2800  }
0x90: {  	[sflag:s13] =	ssyncset.done $0x0  }
0x91: {  	[sflag:s13] =	ssyncadd.s32 $0xFFFFD800  }
0x92: {  	[bflag:$0x0] =	sbarrier.arrive $0xFFFF  }
0x93: {  	[tilespmem:s23], [sflag:$0x1] =	stream.strided.gather [spmem:s10], $0x2800, s22, s21, $0x38;
	[tilespmem:$0xE280] =	vst v63  }
0x94: {  	s26 =	simm.s32 $0x0;
	_ =	swait.ge [sflag:s13], $0x2800  }
0x95: {  	s28 =	sand.u32 $0x70, s26;
	s26 =	sand.u32 $0x1C00, s26;
	[sflag:s13] =	ssyncset.done $0x0  }
0x96: {  	s26 =	sor.u32 s28, s26;
	[sflag:s13] =	ssyncadd.s32 $0xFFFFD800  }
0x97: {  	v1 =	vld [tilespmem:s26+$0x9000];
	_ =	sdelay $0x1  }
0x98: {  	v2 =	vld [tilespmem:s26+$0x9080];
	_ =	sdelay $0x1  }
0x99: {  	v3 =	vld [tilespmem:s26+$0x9100]  }
0x9a: {  	v1 =	vadd.f32 $0.0e+00, v1  }
0x9b: {  	v4 =	vld [tilespmem:s26+$0x9180]  }
0x9c: {  	v1 =	vadd.f32 v2, v1  }
0x9d: {  	v2 =	vld [tilespmem:s26+$0x9200]  }
0x9e: {  	v1 =	vadd.f32 v3, v1  }
0x9f: {  	v3 =	vld [tilespmem:s26+$0x9280]  }
0xa0: {  	v1 =	vadd.f32 v4, v1  }
0xa1: {  	v60 =	vld [tilespmem:s26+$0x9300]  }
0xa2: {  	v1 =	vadd.f32 v2, v1  }
0xa3: {  	v2 =	vld [tilespmem:s26+$0x9380]  }
0xa4: {  	v1 =	vadd.f32 v3, v1  }
0xa5: {  	v3 =	vld [tilespmem:s26+$0xA400]  }
0xa6: {  	v1 =	vadd.f32 v60, v1  }
0xa7: {  	v61 =	vld [tilespmem:s26+$0xA480]  }
0xa8: {  	v1 =	vadd.f32 v2, v1  }
0xa9: {  	v2 =	vld [tilespmem:s26+$0xA500]  }
0xaa: {  	v1 =	vadd.f32 v3, v1  }
0xab: {  	v3 =	vld [tilespmem:s26+$0xA580]  }
0xac: {  	v1 =	vadd.f32 v61, v1  }
0xad: {  	v62 =	vld [tilespmem:s26+$0xA600]  }
0xae: {  	v1 =	vadd.f32 v2, v1  }
0xaf: {  	v2 =	vld [tilespmem:s26+$0xA680]  }
0xb0: {  	v1 =	vadd.f32 v3, v1  }
0xb1: {  	v3 =	vld [tilespmem:s26+$0xA700]  }
0xb2: {  	v1 =	vadd.f32 v62, v1  }
0xb3: {  	v63 =	vld [tilespmem:s26+$0xA780]  }
0xb4: {  	v1 =	vadd.f32 v2, v1;
	_ =	sdelay $0x1  }
0xb5: {  	v1 =	vadd.f32 v3, v1  }
0xb6: {  	s29 =	simm.s32 $0x10  }
0xb7: {  	s30 =	sand.u32 $0x70, s29;
	s28 =	simm.s32 $0x80;
	v1 =	vadd.f32 v63, v1  }
0xb8: {  	s29 =	simm.s32 $0x20;
	s31 =	sand.u32 $0x1C00, s28;
	s26 =	simm.s32 $0xB800  }
.LBB2_10:
0xb9: {  	p0 =	sne.s32 s29, $0x270;
	s30 =	sor.u32 s30, s31;
	[tilespmem:s26+$0x0] =	vst v1  }
0xba: {  	v1 =	vld [tilespmem:s30+$0x9000];
	_ =	sdelay $0x1  }
0xbb: {  	v2 =	vld [tilespmem:s30+$0x9080];
	_ =	sdelay $0x1  }
0xbc: {  	v3 =	vld [tilespmem:s30+$0x9100]  }
0xbd: {  	v1 =	vadd.f32 $0.0e+00, v1  }
0xbe: {  	v4 =	vld [tilespmem:s30+$0x9180]  }
0xbf: {  	v1 =	vadd.f32 v2, v1  }
0xc0: {  	v2 =	vld [tilespmem:s30+$0x9200]  }
0xc1: {  	v1 =	vadd.f32 v3, v1  }
0xc2: {  	v3 =	vld [tilespmem:s30+$0x9280]  }
0xc3: {  	v1 =	vadd.f32 v4, v1  }
0xc4: {  	v4 =	vld [tilespmem:s30+$0x9300]  }
0xc5: {  	v1 =	vadd.f32 v2, v1  }
0xc6: {  	v2 =	vld [tilespmem:s30+$0x9380]  }
0xc7: {  	v1 =	vadd.f32 v3, v1  }
0xc8: {  	v3 =	vld [tilespmem:s30+$0xA400]  }
0xc9: {  	v1 =	vadd.f32 v4, v1  }
0xca: {  	v4 =	vld [tilespmem:s30+$0xA480]  }
0xcb: {  	v1 =	vadd.f32 v2, v1  }
0xcc: {  	v2 =	vld [tilespmem:s30+$0xA500]  }
0xcd: {  	v1 =	vadd.f32 v3, v1  }
0xce: {  	v3 =	vld [tilespmem:s30+$0xA580]  }
0xcf: {  	v1 =	vadd.f32 v4, v1  }
0xd0: {  	v4 =	vld [tilespmem:s30+$0xA600]  }
0xd1: {  	v1 =	vadd.f32 v2, v1  }
0xd2: {  	v2 =	vld [tilespmem:s30+$0xA680]  }
0xd3: {  	v1 =	vadd.f32 v3, v1  }
0xd4: {  	v3 =	vld [tilespmem:s30+$0xA700]  }
0xd5: {  	v1 =	vadd.f32 v4, v1  }
0xd6: {  	v4 =	vld [tilespmem:s30+$0xA780]  }
0xd7: {  	v1 =	vadd.f32 v2, v1  }
.Ltmp4:
0xd8: {  	(pc) =	sbr.rel @p0 .LBB2_10-.Ltmp4, $3  }
0xd9: {  	v1 =	vadd.f32 v3, v1;
	_ =	sdelay $0x1  }
0xda: {  	s28 =	sadd.s32 $0x80, s28;
	s26 =	sadd.s32 $0x10, s26;
	v1 =	vadd.f32 v4, v1  }
0xdb: {  	s31 =	sand.u32 $0x1C00, s28;
	s30 =	sand.u32 $0x70, s29;
	s29 =	sadd.s32 $0x10, s29  }
0xdc: {  	s28 =	sor.u32 s30, s31;
	[tilespmem:s26+$0x0] =	vst v1  }
0xdd: {  	v1 =	vld [tilespmem:s28+$0x9000];
	_ =	sdelay $0x1  }
0xde: {  	v2 =	vld [tilespmem:s28+$0x9080];
	_ =	sdelay $0x1  }
0xdf: {  	v3 =	vld [tilespmem:s28+$0x9100]  }
0xe0: {  	v1 =	vadd.f32 $0.0e+00, v1  }
0xe1: {  	v4 =	vld [tilespmem:s28+$0x9180]  }
0xe2: {  	v1 =	vadd.f32 v2, v1  }
0xe3: {  	v2 =	vld [tilespmem:s28+$0x9200]  }
0xe4: {  	v1 =	vadd.f32 v3, v1  }
0xe5: {  	v3 =	vld [tilespmem:s28+$0x9280]  }
0xe6: {  	v1 =	vadd.f32 v4, v1  }
0xe7: {  	v60 =	vld [tilespmem:s28+$0x9300]  }
0xe8: {  	v1 =	vadd.f32 v2, v1  }
0xe9: {  	v2 =	vld [tilespmem:s28+$0x9380]  }
0xea: {  	v1 =	vadd.f32 v3, v1  }
0xeb: {  	v3 =	vld [tilespmem:s28+$0xA400]  }
0xec: {  	v1 =	vadd.f32 v60, v1  }
0xed: {  	v61 =	vld [tilespmem:s28+$0xA480]  }
0xee: {  	v1 =	vadd.f32 v2, v1  }
0xef: {  	v2 =	vld [tilespmem:s28+$0xA500]  }
0xf0: {  	v1 =	vadd.f32 v3, v1  }
0xf1: {  	v3 =	vld [tilespmem:s28+$0xA580]  }
0xf2: {  	v1 =	vadd.f32 v61, v1  }
0xf3: {  	v62 =	vld [tilespmem:s28+$0xA600]  }
0xf4: {  	v1 =	vadd.f32 v2, v1  }
0xf5: {  	v2 =	vld [tilespmem:s28+$0xA680]  }
0xf6: {  	v1 =	vadd.f32 v3, v1  }
0xf7: {  	v3 =	vld [tilespmem:s28+$0xA700]  }
0xf8: {  	v1 =	vadd.f32 v62, v1  }
0xf9: {  	v63 =	vld [tilespmem:s28+$0xA780]  }
0xfa: {  	v1 =	vadd.f32 v2, v1;
	_ =	sdelay $0x1  }
0xfb: {  	v1 =	vadd.f32 v3, v1;
	_ =	sdelay $0x1  }
0xfc: {  	s25 =	sadd.s32 $0x1, s25;
	v1 =	vadd.f32 v63, v1  }
0xfd: {  	s31 =	sadd.s32 $0x10, s26;
	p0 =	sne.s32 s25, s12  }
.Ltmp5:
0xfe: {  	[tilespmem:s31+$0x0] =	vst v1;
	(pc) =	sbr.rel @p0 .LBB2_1-.Ltmp5, $4  }
0xff: {  	[hbm4b:s11+s2] =	stream.linear.scatter [tilespmem:s24], [sflag:$0x1], $0x280, $0x38;
	[tilespmem:$0xE280] =	vst v63  }
0x100: {  	_ =	swait.ge [sflag:s13], $0x280  }
0x101: {  	[sflag:s13] =	ssyncset.done $0x0  }
0x102: {  	[sflag:s13] =	ssyncadd.s32 $0xFFFFFD80  }
0x103: {  	_ =	sfence.sel $0x180000  }
0x104: {  	[bflag:$0x0] =	sbarrier.arrive $0xFFFF  }
0x105: {  	p0 =	sne.s32 s1, $0x0;
	_ =	strace $0x90000047  }
0x106: {  	s0 =	sadd.s32 @!p0 $0x100000, s0;
	[bflag:$0x2] =	sbarrier.arrive $0xFFFF  }
0x107: {  	[sflag:s0] =	ssyncadd.tile.s32 @!p0 $0x1;
	_ =	shalt  }
.Lfunc_end2:
_tile_overlayer_lowered:
.L_overlay_start_2:
0x108: {  	(tag) =	ssettag $0x2  }
0x109: {  	s0 =	rddreg [dreg:$0x0];
	s2 =	stileid.u32  }
0x10a: {  	s1 =	rddreg [dreg:$0x1];
	p0 =	sne.s32 s2, $0x0  }
0x10b: {  	s3 =	rddreg [dreg:$0x2];
	[bflag:$0x3] =	sbarrier.arrive $0xFFFF;
	s2 =	simm.s32 @!p0 $0x1C01  }
0x10c: {  	[timem:s3], [sflag:s2] =	dma.local @!p0 [hbm:s0], s1  }
0x10d: {  	s0 =	simm.s32 @!p0 $0x1  }
0x10e: {  	_ =	swait.ge @!p0 [sflag:s0], s1  }
0x10f: {  	s1 =	ssub.s32 @!p0 $0x0, s1;
	[sflag:s0] =	ssyncset.done @!p0 $0x0  }
0x110: {  	[sflag:s0] =	ssyncadd.s32 @!p0 s1  }
0x111: {  	[bflag:$0x3] =	sbarrier.arrive $0xFFFF  }
0x112: {  	_ =	shalt  }

// kernel: kernel.15.cloned.1.call-start
scs
__scs_entry_jumppad:
0x0: {  	(pc) =	sbr.rel $0x88, $3  }
0x1: {  	(tag) =	ssettag $0x0;
	lr =	simm.s32 $0x1  }
0x2: {  	[smem:$0x3F8E] =	sst lr;
	_ =	strace $0xD0000000  }
0x3: {  	_ = 	snop  }
0x4: {  	_ = 	snop  }
0x5: {  	_ = 	snop  }
0x6: {  	_ = 	snop  }
0x7: {  	_ = 	snop  }
__scs_overlays_trampoline_lowered:
0x8: {  	[smem:$0x3F9D] =	sst s0  }
0x9: {  	[smem:$0x3F9E] =	sst s1  }
0xa: {  	[smem:$0x3F9F] =	sst s2  }
0xb: {  	[smem:$0x3FA0] =	sst s3  }
0xc: {  	[smem:$0x3FA1] =	sst s4  }
0xd: {  	[smem:$0x3FA2] =	sst s5  }
0xe: {  	[smem:$0x3FA3] =	sst s6  }
0xf: {  	[smem:$0x3FA4] =	sst s7  }
0x10: {  	[smem:$0x3FA5] =	sst s8  }
0x11: {  	[smem:$0x3FA6] =	sst s9;
	s0 =	simm.s32 @!p0 $0x0  }
0x12: {  	s1 =	sld [smem:$0x3F8C];
	s0 =	simm.s32 @p0 $0x1  }
0x13: {  	[smem:$0x3FA7] =	sst s0;
	s0 =	simm.s32 @!p1 $0x0  }
0x14: {  	s2 =	sld [smem:$0x3F8B];
	s0 =	simm.s32 @p1 $0x1  }
0x15: {  	[smem:$0x3FA8] =	sst s0;
	s0 =	simm.s32 @!p2 $0x0  }
0x16: {  	s3 =	sld [smem:$0x3FDB];
	s0 =	simm.s32 @p2 $0x1  }
0x17: {  	s4 =	simm.s32 $0x1BF5;
	[smem:$0x3FAA] =	sst s0  }
0x18: {  	s0 =	sld [smem:$0x3F8D];
	_ =	swait.ge [sflag:s4], $0x0  }
0x19: {  	s7 =	sld [smem:$0x3F8E]  }
0x1a: {  	s8 =	sadd.s32 $0xFFFFE003, lr  }
0x1b: {  	s9 =	sadd.s32 $0xFFFFFEF7, lr;
	s5 =	simm.s32 $0xFFFFFFFF;
	p2 =	slt.u32 s8, $0xFFFFF086  }
0x1c: {  	p1 =	slt.u32 s9, $0xF7A;
	s5 =	simm.s32 @!p2 $0x0  }
0x1d: {  	s5 =	simm.s32 @p1 $0x1;
	p0 =	seq.s32 s7, s2  }
0x1e: {  	s7 =	smul.u32 @!p0 $0xF7A, s2;
	p2 =	seq.s32 @!p0 s5, $0x0  }
0x1f: {  	s9 =	smul.u32 $0xF7A, s1;
	s8 =	simm.s32 @!p0 $0x1BF5;
	p2 =	por !p2, p0  }
0x20: {  	[sflag:s8] =	ssyncset.s32 @!p0 $0xFFFFF086;
	s6 =	sadd.s32 @!p0 s3, s7;
	s7 =	simm.s32 @!p0 $0x108  }
0x21: {  	s3 =	sadd.s32 s3, s9;
	s6 =	sadd.s32 @!p0 $0x88, s6;
	s7 =	simm.s32 @p2 $0x1082  }
0x22: {  	[simem:s7], [sflag:s8] =	dma.local @!p0 [hbm:s6], $0xF7A  }
0x23: {  	s9 =	sor.u32 $0xD0000000, s2;
	s6 =	simm.s32 $0x108;
	_ =	swait.ge @!p0 [sflag:s8], $0x0  }
0x24: {  	s3 =	sadd.s32 $0x88, s3;
	s6 =	simm.s32 @!p1 $0x1082;
	[sflag:s4] =	ssyncset.s32 $0xFFFFF086  }
0x25: {  	[simem:s6], [sflag:s4] =	dma.local [hbm:s3], $0xF7A  }
0x26: {  	[smem:$0x3F8E] =	sst s1;
	(tag) =	ssettag s2;
	_ =	strace s9  }
0x27: {  	s1 =	sld [smem:$0x3F9E]  }
0x28: {  	s2 =	sld [smem:$0x3F9F]  }
0x29: {  	s4 =	sld [smem:$0x3FA1]  }
0x2a: {  	p0 =	seq.s32 s5, $0x0;
	s5 =	sld [smem:$0x3FA2]  }
0x2b: {  	s6 =	sld [smem:$0x3FA3]  }
0x2c: {  	s7 =	sld [smem:$0x3FA4]  }
0x2d: {  	s3 =	simm.s32 $0x108;
	s8 =	sld [smem:$0x3FA5]  }
0x2e: {  	s3 =	simm.s32 @!p0 $0x1082;
	s9 =	sld [smem:$0x3FA6]  }
0x2f: {  	lr =	sadd.s32 s0, s3;
	s0 =	sld [smem:$0x3F9D]  }
0x30: {  	s3 =	sld [smem:$0x3FA0]  }
0x31: {  	[smem:$0x3FA9] =	sst s10  }
0x32: {  	s10 =	sld [smem:$0x3FA7];
	_ =	sdelay $0x3  }
0x33: {  	p0 =	seq.s32 s10, $0x1;
	s10 =	sld [smem:$0x3FA9];
	_ =	sdelay $0x3  }
0x34: {  	[smem:$0x3FA9] =	sst s10  }
0x35: {  	s10 =	sld [smem:$0x3FA8];
	_ =	sdelay $0x3  }
0x36: {  	p1 =	seq.s32 s10, $0x1;
	s10 =	sld [smem:$0x3FA9];
	_ =	sdelay $0x3  }
0x37: {  	[smem:$0x3FA9] =	sst s10  }
0x38: {  	s10 =	sld [smem:$0x3FAA]  }
0x39: {  	_ = 	snop;
	(pc) =	sbr.ind lr, $3  }
0x3a: {  	_ = 	snop  }
0x3b: {  	_ = 	snop  }
0x3c: {  	p2 =	seq.s32 s10, $0x1;
	s10 =	sld [smem:$0x3FA9]  }
0x3d: {  	_ =	shalt  }
0x3e: {  	_ =	shalt  }
0x3f: {  	_ =	shalt  }
0x40: {  	_ =	shalt  }
0x41: {  	_ =	shalt  }
0x42: {  	_ =	shalt  }
0x43: {  	_ =	shalt  }
0x44: {  	_ =	shalt  }
0x45: {  	_ =	shalt  }
0x46: {  	_ =	shalt  }
0x47: {  	_ =	shalt  }
0x48: {  	_ =	shalt  }
0x49: {  	_ =	shalt  }
0x4a: {  	_ =	shalt  }
0x4b: {  	_ =	shalt  }
0x4c: {  	_ =	shalt  }
0x4d: {  	_ =	shalt  }
0x4e: {  	_ =	shalt  }
0x4f: {  	_ =	shalt  }
0x50: {  	_ =	shalt  }
0x51: {  	_ =	shalt  }
0x52: {  	_ =	shalt  }
0x53: {  	_ =	shalt  }
0x54: {  	_ =	shalt  }
0x55: {  	_ =	shalt  }
0x56: {  	_ =	shalt  }
0x57: {  	_ =	shalt  }
0x58: {  	_ =	shalt  }
0x59: {  	_ =	shalt  }
0x5a: {  	_ =	shalt  }
0x5b: {  	_ =	shalt  }
0x5c: {  	_ =	shalt  }
0x5d: {  	_ =	shalt  }
0x5e: {  	_ =	shalt  }
0x5f: {  	_ =	shalt  }
0x60: {  	_ =	shalt  }
0x61: {  	_ =	shalt  }
0x62: {  	_ =	shalt  }
0x63: {  	_ =	shalt  }
0x64: {  	_ =	shalt  }
0x65: {  	_ =	shalt  }
0x66: {  	_ =	shalt  }
0x67: {  	_ =	shalt  }
0x68: {  	_ =	shalt  }
0x69: {  	_ =	shalt  }
0x6a: {  	_ =	shalt  }
0x6b: {  	_ =	shalt  }
0x6c: {  	_ =	shalt  }
0x6d: {  	_ =	shalt  }
0x6e: {  	_ =	shalt  }
0x6f: {  	_ =	shalt  }
0x70: {  	_ =	shalt  }
0x71: {  	_ =	shalt  }
0x72: {  	_ =	shalt  }
0x73: {  	_ =	shalt  }
0x74: {  	_ =	shalt  }
0x75: {  	_ =	shalt  }
0x76: {  	_ =	shalt  }
0x77: {  	_ =	shalt  }
0x78: {  	_ =	shalt  }
0x79: {  	_ =	shalt  }
0x7a: {  	_ =	shalt  }
0x7b: {  	_ =	shalt  }
0x7c: {  	_ =	shalt  }
0x7d: {  	_ =	shalt  }
0x7e: {  	_ =	shalt  }
0x7f: {  	_ =	shalt  }
0x80: {  	_ =	shalt  }
0x81: {  	_ =	shalt  }
0x82: {  	_ =	shalt  }
0x83: {  	_ =	shalt  }
0x84: {  	_ =	shalt  }
0x85: {  	_ =	shalt  }
0x86: {  	_ =	shalt  }
0x87: {  	_ =	shalt  }
.Lfunc_end0:
.L_simem_size_0:
called_computation.1_lowered:
.L_overlay_start_0:
0x88: {  	s2 =	sld [smem:$0x3FD9]  }
0x89: {  	s3 =	sld [smem:$0x3FFE];
	_ =	sdelay $0x1  }
0x8a: {  	s1 =	srdreg.scid  }
0x8b: {  	s0 =	sand.u32 $0x1, s1  }
0x8c: {  	s16 =	sshll.u32 s0, $0xA;
	s2 =	sadd.s32 s3, s2  }
0x8d: {  	s2 =	sadd.s32 s2, s16  }
0x8e: {  	[smem:$0x3FB5] =	sst s2  }
0x8f: {  	_ = 	snop  }
0x90: {  	(tm) =	ssettm $0x1  }
0x91: {  	s17 =	sld [smem:$0x3FFB];
	_ =	sdelay $0x3  }
0x92: {  	_ =	strace s17  }
0x93: {  	s2 =	sld [smem:$0x3FFC];
	_ =	sdelay $0x3  }
0x94: {  	_ =	strace s2  }
0x95: {  	s2 =	sld [smem:$0x3FFD];
	_ =	sdelay $0x3  }
0x96: {  	_ =	strace s2  }
0x97: {  	_ =	strace $0x8FFFFFFF  }
0x98: {  	s18 =	sld [smem:$0x3FDB];
	_ =	sdelay $0x1  }
0x99: {  	s19 =	simm.s32 $_scs_section_size  }
0x9a: {  	s4 =	simm.s32 $_size__tile_overlayer_lowered;
	s5 =	simm.s32 $_tile_overlayer_lowered  }
0x9b: {  	s22 =	simm.s32 $0x1BFF;
	s21 =	sshll.u32 s5, $0x1;
	s2 =	sadd.s32 s19, s18  }
0x9c: {  	s6 =	simm.s32 $0x0;
	s20 =	sshll.u32 s4, $0x1;
	s4 =	sadd.s32 s21, s2  }
0x9d: {  	[timem:s6], [sflag:s22] =	dma.local [hbm:s4], s20  }
0x9e: {  	_ =	swait.ge [sflag:s22], s20  }
0x9f: {  	s3 =	ssub.s32 $0x0, s20;
	[sflag:s22] =	ssyncset.done $0x0  }
0xa0: {  	[sflag:s22] =	ssyncadd.s32 s3;
	_ =	sdelay $0x1  }
0xa1: {  	s23 =	simm.s32 $0x1B8B  }
0xa2: {  	_ =	swait.ge [sflag:s23], $0x1  }
0xa3: {  	[sflag:s23] =	ssyncset.done $0x0  }
0xa4: {  	s25 =	simm.s32 $0x1B8E;
	s24 =	sld [smem:$0x3FFE];
	[sflag:s23] =	ssyncadd.s32 $0xFFFFFFFF  }
0xa5: {  	s26 =	simm.s32 $execute0_lowered;
	[smem:$0x3FD2] =	sst s25  }
0xa6: {  	s4 =	sshll.u32 s26, $0x1;
	_ =	strace $0x80000049;
	[dreg:$0x1] =	wrdreg $0xFFFFFFFF  }
0xa7: {  	s28 =	simm.s32 $_size_execute0_lowered;
	s2 =	sadd.s32 s2, s4;
	[dreg:$0x0] =	wrdreg $0x0  }
0xa8: {  	s4 =	sshll.u32 s28, $0x1;
	[dreg:$0x2] =	wrdreg s2  }
0xa9: {  	[dreg:$0x3] =	wrdreg s4  }
0xaa: {  	[dreg:$0x4] =	wrdreg $0xC0  }
0xab: {  	_ =	task [dreg:s6], $0x5FFFF  }
0xac: {  	[dreg:$0x1] =	wrdreg $0xFFFFFFFF  }
0xad: {  	[dreg:$0x0] =	wrdreg $0x60  }
0xae: {  	[dreg:$0x2] =	wrdreg s24  }
0xaf: {  	[dreg:$0x3] =	wrdreg $0xBC000  }
0xb0: {  	[dreg:$0x4] =	wrdreg $0x9  }
0xb1: {  	_ =	task.clear_ibuf [dreg:s6], $0x5FFFF;
	_ =	strace $0x90000049  }
0xb2: {  	s29 =	simm.s32 $0x9;
	_ =	strace $0x8000004B  }
0xb3: {  	_ =	swait.ge [sflag:s29], $0x1  }
0xb4: {  	[sflag:s29] =	ssyncadd.s32 $0xFFFFFFFF  }
0xb5: {  	_ =	strace $0x9000004B  }
0xb6: {  	_ =	sfence  }
0xb7: {  	s30 =	sld [smem:$0x0];
	_ =	sdelay $0x2  }
0xb8: {  	s31 =	sshll.u32 s1, $0xD;
	s1 =	sshrl.u32 s1, $0x2  }
0xb9: {  	s3 =	sand.u32 $0x4000, s31;
	s1 =	sadd.s32 s1, s30  }
0xba: {  	s0 =	sor.u32 s3, s0;
	s1 =	sshll.u32 s1, $0x11  }
0xbb: {  	s0 =	sor.u32 s1, s0  }
0xbc: {  	s0 =	sadd.s32 $0x8F2B, s0  }
0xbd: {  	[sflag:s0] =	ssyncadd.remote.s32 $0x1  }
0xbe: {  	_ =	sfence.sel $0xFFFF  }
0xbf: {  	[dreg:$0x0] =	wrdreg $0xFFFFFFFF;
	(pc) =	sbr.abs _section_cstart, $3  }
0xc0: {  	[dreg:$0x1] =	wrdreg $0xFFFFFFFF  }
0xc1: {  	_ =	task.clear_ibuf [dreg:s6], $0x2FFFF;
	_ =	strace $0x9FFFFFFF  }
0xc2: {  	(tm) =	ssettm $0x7FFFFFFF  }
0xc3: {  	_ =	shalt  }
tec
execute0_lowered:
.L_overlay_start_1:
0x0: {  	(tag) =	ssettag $0x1  }
0x1: {  	s0 =	rddreg [dreg:$0x0]  }
0x2: {  	s2 =	rddreg [dreg:$0x1]  }
0x3: {  	s1 =	srdreg.scid;
	s11 =	stileid.u32  }
0x4: {  	s3 =	simm.s32 $0x0;
	s28 =	simm.s32 $0x2000;
	s30 =	simm.s32 $0x4000  }
0x5: {  	s31 =	simm.s32 $0x1;
	s15 =	simm.s32 $0x6;
	s8 =	smul.u32 $0x2800, s11  }
0x6: {  	s29 =	simm.s32 $0x9380;
	s1 =	sand.u32 $0x1, s1;
	s10 =	smul.u32 $0x50000, s11  }
0x7: {  	[smem:$0x7FF] =	sst s3;
	s4 =	sadd.s32 $0x17C00, s0;
	s5 =	sadd.s32 $0x71200, s0  }
0x8: {  	s6 =	sadd.s32 $0x85200, s0;
	s7 =	sadd.s32 $0x99200, s0;
	s10 =	sshrl.u32 s10, $0x2  }
0x9: {  	s9 =	smul.u32 $0x28000, s1;
	_ =	strace $0x8000004A;
	s19 =	sadd.s32 s10, s2  }
0xa: {  	s12 =	ssub.s32 $0x2, s1;
	s16 =	sadd.s32 $0x2000, s19;
	[dreg:$0x3] =	wrdreg s19  }
0xb: {  	s14 =	smul.u32 $0x2710, s1;
	s17 =	sadd.s32 $0x4000, s19;
	[dreg:$0x4] =	wrdreg s16  }
0xc: {  	s1 =	simm.s32 $0x6000;
	s18 =	sadd.s32 $0x6000, s19;
	[dreg:$0x5] =	wrdreg s17  }
0xd: {  	s13 =	sshrl.u32 s12, $0x1;
	s20 =	sadd.s32 $0x8000, s19;
	[dreg:$0x6] =	wrdreg s18  }
0xe: {  	s8 =	sadd.s32 s8, s9;
	s21 =	sadd.s32 $0xA000, s19;
	[dreg:$0x7] =	wrdreg s20  }
0xf: {  	s9 =	simm.s32 $0x2;
	s22 =	sadd.s32 $0xC000, s19;
	[dreg:$0x8] =	wrdreg s21  }
0x10: {  	s10 =	simm.s32 $0xA700;
	s23 =	sadd.s32 $0xE000, s19;
	[dreg:$0x9] =	wrdreg s22  }
0x11: {  	s0 =	sadd.s32 s8, s0;
	s24 =	sadd.s32 $0x10000, s19;
	[dreg:$0xa] =	wrdreg s23  }
0x12: {  	s8 =	ssub.s32 s12, s13;
	s25 =	sadd.s32 $0x12000, s19;
	[dreg:$0xb] =	wrdreg s24  }
0x13: {  	s13 =	simm.s32 $0x3;
	s12 =	simm.s32 $0xA780;
	[dreg:$0xc] =	wrdreg s25  }
0x14: {  	s18 =	smul.u32 $0x140, s11;
	s0 =	sadd.s32 $0xAD200, s0;
	s26 =	smax.u32 s8, $0x1  }
0x15: {  	s21 =	simm.s32 $0x9;
	s22 =	simm.s32 $0x8000;
	s23 =	simm.s32 $0x9400  }
0x16: {  	s25 =	simm.s32 $0x40;
	s11 =	simm.s32 $0x5;
	s17 =	simm.s32 $0x4  }
0x17: {  	s20 =	simm.s32 $0x7;
	s8 =	simm.s32 $0x8;
	[dreg:$0xd] =	wrdreg s0  }
0x18: {  	v1 =	vimm.f32 $0.0e+00;
	v0 =	vmov s14;
	s16 =	simm.s32 $0x0;
	[dreg:$0xe] =	wrdreg s26;
	s0 =	simm.s32 $0xA680  }
.LBB2_1:
0x19: {  	[dreg:$0xf] =	wrdreg s16;
	s14 =	simm.s32 $0x0;
	s16 =	simm.s32 $0x200  }
.LBB2_2:
0x1a: {  	p0 =	sne.s32 s16, $0x7E00;
	[tilespmem:s14+$0x70] =	vst v1  }
0x1b: {  	[tilespmem:s14+$0x0] =	vst v1  }
0x1c: {  	[tilespmem:s14+$0x10] =	vst v1  }
.Ltmp0:
0x1d: {  	[tilespmem:s14+$0x20] =	vst v1;
	(pc) =	sbr.rel @p0 .LBB2_2-.Ltmp0, $4  }
0x1e: {  	[tilespmem:s14+$0x30] =	vst v1  }
0x1f: {  	[tilespmem:s14+$0x40] =	vst v1  }
0x20: {  	[tilespmem:s14+$0x50] =	vst v1  }
0x21: {  	[tilespmem:s14+$0x60] =	vst v1;
	s14 =	sshra.s32 s16, $0x2;
	s16 =	sadd.s32 $0x200, s16  }
0x22: {  	[tilespmem:s14+$0x70] =	vst v1  }
0x23: {  	[tilespmem:s14+$0x0] =	vst v1  }
0x24: {  	[tilespmem:s14+$0x10] =	vst v1  }
0x25: {  	[tilespmem:s14+$0x20] =	vst v1  }
0x26: {  	[tilespmem:s14+$0x30] =	vst v1  }
0x27: {  	[tilespmem:s14+$0x40] =	vst v1  }
0x28: {  	[tilespmem:s14+$0x50] =	vst v1  }
0x29: {  	[tilespmem:s14+$0x60] =	vst v1;
	s14 =	simm.s32 $0x0  }
0x2a: {  	[spmem:s19] =	stream.linear.scatter [tilespmem:s14], [sflag:$0x9], $0x2000, $0x38;
	[tilespmem:$0x1FC00] =	vst v63  }
0x2b: {  	_ =	swait.ge [sflag:s21], $0x2000  }
0x2c: {  	[sflag:s21] =	ssyncset.done $0x0  }
0x2d: {  	s16 =	rddreg [dreg:$0x4];
	[sflag:s21] =	ssyncadd.s32 $0xFFFFE000  }
0x2e: {  	[spmem:s16] =	stream.linear.scatter [tilespmem:s14], [sflag:$0x9], $0x2000, $0x38;
	[tilespmem:$0x1FC00] =	vst v63  }
0x2f: {  	_ =	swait.ge [sflag:s21], $0x2000  }
0x30: {  	[sflag:s21] =	ssyncset.done $0x0  }
0x31: {  	s24 =	rddreg [dreg:$0x5];
	[sflag:s21] =	ssyncadd.s32 $0xFFFFE000  }
0x32: {  	[spmem:s24] =	stream.linear.scatter [tilespmem:s14], [sflag:$0x9], $0x2000, $0x38;
	[tilespmem:$0x1FC00] =	vst v63  }
0x33: {  	_ =	swait.ge [sflag:s21], $0x2000  }
0x34: {  	[sflag:s21] =	ssyncset.done $0x0  }
0x35: {  	s26 =	rddreg [dreg:$0x6];
	[sflag:s21] =	ssyncadd.s32 $0xFFFFE000  }
0x36: {  	[spmem:s26] =	stream.linear.scatter [tilespmem:s14], [sflag:$0x9], $0x2000, $0x38;
	[tilespmem:$0x1FC00] =	vst v63  }
0x37: {  	_ =	swait.ge [sflag:s21], $0x2000  }
0x38: {  	[sflag:s21] =	ssyncset.done $0x0  }
0x39: {  	s19 =	rddreg [dreg:$0x7];
	[sflag:s21] =	ssyncadd.s32 $0xFFFFE000  }
0x3a: {  	[spmem:s19] =	stream.linear.scatter [tilespmem:s14], [sflag:$0x9], $0x2000, $0x38;
	[tilespmem:$0x1FC00] =	vst v63  }
0x3b: {  	_ =	swait.ge [sflag:s21], $0x2000  }
0x3c: {  	[sflag:s21] =	ssyncset.done $0x0  }
0x3d: {  	s24 =	rddreg [dreg:$0x8];
	[sflag:s21] =	ssyncadd.s32 $0xFFFFE000  }
0x3e: {  	[spmem:s24] =	stream.linear.scatter [tilespmem:s14], [sflag:$0x9], $0x2000, $0x38;
	[tilespmem:$0x1FC00] =	vst v63  }
0x3f: {  	_ =	swait.ge [sflag:s21], $0x2000  }
0x40: {  	[sflag:s21] =	ssyncset.done $0x0  }
0x41: {  	s26 =	rddreg [dreg:$0x9];
	[sflag:s21] =	ssyncadd.s32 $0xFFFFE000  }
0x42: {  	[spmem:s26] =	stream.linear.scatter [tilespmem:s14], [sflag:$0x9], $0x2000, $0x38;
	[tilespmem:$0x1FC00] =	vst v63  }
0x43: {  	_ =	swait.ge [sflag:s21], $0x2000  }
0x44: {  	[sflag:s21] =	ssyncset.done $0x0  }
0x45: {  	s19 =	rddreg [dreg:$0xa];
	[sflag:s21] =	ssyncadd.s32 $0xFFFFE000  }
0x46: {  	[spmem:s19] =	stream.linear.scatter [tilespmem:s14], [sflag:$0x9], $0x2000, $0x38;
	[tilespmem:$0x1FC00] =	vst v63  }
0x47: {  	_ =	swait.ge [sflag:s21], $0x2000  }
0x48: {  	[sflag:s21] =	ssyncset.done $0x0  }
0x49: {  	s24 =	rddreg [dreg:$0xb];
	[sflag:s21] =	ssyncadd.s32 $0xFFFFE000  }
0x4a: {  	[spmem:s24] =	stream.linear.scatter [tilespmem:s14], [sflag:$0x9], $0x2000, $0x38;
	[tilespmem:$0x1FC00] =	vst v63  }
0x4b: {  	_ =	swait.ge [sflag:s21], $0x2000  }
0x4c: {  	[sflag:s21] =	ssyncset.done $0x0  }
0x4d: {  	s26 =	rddreg [dreg:$0xc];
	[sflag:s21] =	ssyncadd.s32 $0xFFFFE000  }
0x4e: {  	[spmem:s26] =	stream.linear.scatter [tilespmem:s14], [sflag:$0x9], $0x2000, $0x38;
	[tilespmem:$0x1FC00] =	vst v63  }
0x4f: {  	_ =	swait.ge [sflag:s21], $0x2000  }
0x50: {  	[sflag:s21] =	ssyncset.done $0x0  }
0x51: {  	[sflag:s21] =	ssyncadd.s32 $0xFFFFE000  }
0x52: {  	s16 =	simm.s32 $0x0;
	[bflag:$0x0] =	sbarrier.arrive $0xFFFF  }
.LBB2_4:
0x53: {  	s19 =	smul.u32 $0x28, s16;
	_ =	sdelay $0x1  }
0x54: {  	s19 =	sadd.s32 s18, s19  }
0x55: {  	s19 =	sshll.u32 s19, $0x4  }
0x56: {  	s24 =	sadd.s32 s5, s19  }
0x57: {  	[tilespmem:s22], [sflag:$0x9] =	stream.linear.gather [hbm4b:s24+s14], $0x1400, $0x38;
	[tilespmem:$0x1FC00] =	vst v63  }
0x58: {  	_ =	swait.ge [sflag:s21], $0x1400  }
0x59: {  	[sflag:s21] =	ssyncset.done $0x0  }
0x5a: {  	s26 =	sadd.s32 s6, s19;
	[sflag:s21] =	ssyncadd.s32 $0xFFFFEC00  }
0x5b: {  	[tilespmem:s23], [sflag:$0x9] =	stream.linear.gather [hbm4b:s26+s14], $0x1400, $0x38;
	[tilespmem:$0x1FC00] =	vst v63  }
0x5c: {  	_ =	swait.ge [sflag:s21], $0x1400  }
0x5d: {  	[sflag:s21] =	ssyncset.done $0x0  }
0x5e: {  	s19 =	sadd.s32 s7, s19;
	s26 =	simm.s32 $0xA800;
	[sflag:s21] =	ssyncadd.s32 $0xFFFFEC00  }
0x5f: {  	[tilespmem:s26], [sflag:$0x9] =	stream.linear.gather [hbm4b:s19+s14], $0x1400, $0x38;
	[tilespmem:$0x1FC00] =	vst v63  }
0x60: {  	_ =	swait.ge [sflag:s21], $0x1400  }
0x61: {  	[sflag:s21] =	ssyncset.done $0x0  }
0x62: {  	s19 =	simm.s32 $0x0;
	[sflag:s21] =	ssyncadd.s32 $0xFFFFEC00  }
0x63: {  	v4 =	vld [tilespmem:s19+$0x8000]  }
0x64: {  	v3 =	vld [tilespmem:s19+$0x8010]  }
0x65: {  	s24 =	simm.s32 $0x200;
	v2 =	vld [tilespmem:s19+$0x8020]  }
.LBB2_5:
0x66: {  	p0 =	sne.s32 s24, $0x4E00;
	v5 =	vld [tilespmem:s19+$0x8030];
	_ =	sdelay $0x1  }
.Ltmp1:
0x67: {  	v4 =	vadd.s32 v0, v4;
	(pc) =	sbr.rel @p0 .LBB2_5-.Ltmp1, $4  }
0x68: {  	s26 =	sshra.s32 s24, $0x2;
	[tilespmem:s19+$0x8000] =	vst v4;
	v3 =	vadd.s32 v0, v3  }
0x69: {  	v4 =	vld [tilespmem:s26+$0x8000];
	[tilespmem:s19+$0x8010] =	vst v3;
	v2 =	vadd.s32 v0, v2  }
0x6a: {  	v3 =	vld [tilespmem:s26+$0x8010];
	[tilespmem:s19+$0x8020] =	vst v2;
	v5 =	vadd.s32 v0, v5  }
0x6b: {  	s24 =	sadd.s32 $0x200, s24;
	v2 =	vld [tilespmem:s26+$0x8020];
	[tilespmem:s19+$0x8030] =	vst v5;
	s19 =	smov.u32 s26  }
0x6c: {  	v5 =	vld [tilespmem:s19+$0x8030];
	_ =	sdelay $0x1  }
0x6d: {  	v4 =	vadd.s32 v0, v4  }
0x6e: {  	[tilespmem:s19+$0x8000] =	vst v4;
	v3 =	vadd.s32 v0, v3  }
0x6f: {  	[tilespmem:s19+$0x8010] =	vst v3;
	v2 =	vadd.s32 v0, v2  }
0x70: {  	[tilespmem:s19+$0x8020] =	vst v2;
	v2 =	vadd.s32 v0, v5  }
0x71: {  	[tilespmem:s19+$0x8030] =	vst v2;
	s19 =	simm.s32 $0x0  }
0x72: {  	[tilespmem:s19], [sflag:$0x1] =	stream.indirect.gather [hbm4b:s4+s25], $0x80, s22, s25, $0xb8;
	[tilespmem:$0x1FC00] =	vst v63  }
0x73: {  	s24 =	simm.s32 $0x8080  }
0x74: {  	[tilespmem:s28], [sflag:$0x2] =	stream.indirect.gather [hbm4b:s4+s25], $0x80, s24, s25, $0xb8;
	[tilespmem:$0x1FC00] =	vst v63  }
0x75: {  	s26 =	simm.s32 $0x8100  }
0x76: {  	[tilespmem:s30], [sflag:$0x3] =	stream.indirect.gather [hbm4b:s4+s25], $0x80, s26, s25, $0xb8;
	[tilespmem:$0x1FC00] =	vst v63  }
0x77: {  	_ =	swait.ge [sflag:s31], $0x2000  }
0x78: {  	[sflag:s31] =	ssyncset.done $0x0  }
0x79: {  	[sflag:s31] =	ssyncadd.s32 $0xFFFFE000  }
0x7a: {  	[spmem:s2] =	stream.indirect.scatter.add.f32 [tilespmem:s19], [sflag:$0x5], $0x80, s23, s25, $0xb8;
	[tilespmem:$0x1FC00] =	vst v63  }
0x7b: {  	s26 =	simm.s32 $0x8180  }
0x7c: {  	[tilespmem:s1], [sflag:$0x4] =	stream.indirect.gather [hbm4b:s4+s25], $0x80, s26, s25, $0xb8;
	[tilespmem:$0x1FC00] =	vst v63  }
0x7d: {  	_ =	swait.ge [sflag:s9], $0x2000  }
0x7e: {  	[sflag:s9] =	ssyncset.done $0x0  }
0x7f: {  	s26 =	simm.s32 $0x9480;
	[sflag:s9] =	ssyncadd.s32 $0xFFFFE000  }
0x80: {  	[spmem:s2] =	stream.indirect.scatter.add.f32 [tilespmem:s28], [sflag:$0x6], $0x80, s26, s25, $0xb8;
	[tilespmem:$0x1FC00] =	vst v63  }
0x81: {  	_ =	swait.ge [sflag:s11], $0x2000  }
0x82: {  	[sflag:s11] =	ssyncset.done $0x0  }
0x83: {  	s26 =	simm.s32 $0x8200;
	[sflag:s11] =	ssyncadd.s32 $0xFFFFE000  }
0x84: {  	[tilespmem:s19], [sflag:$0x1] =	stream.indirect.gather [hbm4b:s4+s25], $0x80, s26, s25, $0xb8;
	[tilespmem:$0x1FC00] =	vst v63  }
0x85: {  	_ =	swait.ge [sflag:s13], $0x2000  }
0x86: {  	[sflag:s13] =	ssyncset.done $0x0  }
0x87: {  	s24 =	simm.s32 $0x9500;
	[sflag:s13] =	ssyncadd.s32 $0xFFFFE000  }
0x88: {  	[spmem:s2] =	stream.indirect.scatter.add.f32 [tilespmem:s30], [sflag:$0x7], $0x80, s24, s25, $0xb8;
	[tilespmem:$0x1FC00] =	vst v63  }
0x89: {  	_ =	swait.ge [sflag:s15], $0x2000  }
0x8a: {  	[sflag:s15] =	ssyncset.done $0x0  }
0x8b: {  	s26 =	simm.s32 $0x8280;
	[sflag:s15] =	ssyncadd.s32 $0xFFFFE000  }
0x8c: {  	[tilespmem:s28], [sflag:$0x2] =	stream.indirect.gather [hbm4b:s4+s25], $0x80, s26, s25, $0xb8;
	[tilespmem:$0x1FC00] =	vst v63  }
0x8d: {  	_ =	swait.ge [sflag:s17], $0x2000  }
0x8e: {  	[sflag:s17] =	ssyncset.done $0x0  }
0x8f: {  	s24 =	simm.s32 $0x9580;
	[sflag:s17] =	ssyncadd.s32 $0xFFFFE000  }
0x90: {  	[spmem:s2] =	stream.indirect.scatter.add.f32 [tilespmem:s1], [sflag:$0x8], $0x80, s24, s25, $0xb8;
	[tilespmem:$0x1FC00] =	vst v63  }
0x91: {  	_ =	swait.ge [sflag:s20], $0x2000  }
0x92: {  	[sflag:s20] =	ssyncset.done $0x0  }
0x93: {  	s26 =	simm.s32 $0x8300;
	[sflag:s20] =	ssyncadd.s32 $0xFFFFE000  }
0x94: {  	[tilespmem:s30], [sflag:$0x3] =	stream.indirect.gather [hbm4b:s4+s25], $0x80, s26, s25, $0xb8;
	[tilespmem:$0x1FC00] =	vst v63  }
0x95: {  	_ =	swait.ge [sflag:s31], $0x2000  }
0x96: {  	[sflag:s31] =	ssyncset.done $0x0  }
0x97: {  	s24 =	simm.s32 $0x9600;
	[sflag:s31] =	ssyncadd.s32 $0xFFFFE000  }
0x98: {  	[spmem:s2] =	stream.indirect.scatter.add.f32 [tilespmem:s3], [sflag:$0x5], $0x80, s24, s25, $0xb8;
	[tilespmem:$0x1FC00] =	vst v63  }
0x99: {  	_ =	swait.ge [sflag:s8], $0x2000  }
0x9a: {  	[sflag:s8] =	ssyncset.done $0x0  }
0x9b: {  	s26 =	simm.s32 $0x8380;
	[sflag:s8] =	ssyncadd.s32 $0xFFFFE000  }
0x9c: {  	[tilespmem:s1], [sflag:$0x4] =	stream.indirect.gather [hbm4b:s4+s25], $0x80, s26, s25, $0xb8;
	[tilespmem:$0x1FC00] =	vst v63  }
0x9d: {  	_ =	swait.ge [sflag:s9], $0x2000  }
0x9e: {  	[sflag:s9] =	ssyncset.done $0x0  }
0x9f: {  	s24 =	simm.s32 $0x9680;
	[sflag:s9] =	ssyncadd.s32 $0xFFFFE000  }
0xa0: {  	[spmem:s2] =	stream.indirect.scatter.add.f32 [tilespmem:s28], [sflag:$0x6], $0x80, s24, s25, $0xb8;
	[tilespmem:$0x1FC00] =	vst v63  }
0xa1: {  	_ =	swait.ge [sflag:s11], $0x2000  }
0xa2: {  	[sflag:s11] =	ssyncset.done $0x0  }
0xa3: {  	s26 =	simm.s32 $0x8400;
	[sflag:s11] =	ssyncadd.s32 $0xFFFFE000  }
0xa4: {  	[tilespmem:s3], [sflag:$0x1] =	stream.indirect.gather [hbm4b:s4+s25], $0x80, s26, s25, $0xb8;
	[tilespmem:$0x1FC00] =	vst v63  }
0xa5: {  	_ =	swait.ge [sflag:s13], $0x2000  }
0xa6: {  	[sflag:s13] =	ssyncset.done $0x0  }
0xa7: {  	s24 =	simm.s32 $0x9700;
	[sflag:s13] =	ssyncadd.s32 $0xFFFFE000  }
0xa8: {  	[spmem:s2] =	stream.indirect.scatter.add.f32 [tilespmem:s30], [sflag:$0x7], $0x80, s24, s25, $0xb8;
	[tilespmem:$0x1FC00] =	vst v63  }
0xa9: {  	_ =	swait.ge [sflag:s15], $0x2000  }
0xaa: {  	[sflag:s15] =	ssyncset.done $0x0  }
0xab: {  	s26 =	simm.s32 $0x8480;
	[sflag:s15] =	ssyncadd.s32 $0xFFFFE000  }
0xac: {  	[tilespmem:s28], [sflag:$0x2] =	stream.indirect.gather [hbm4b:s4+s25], $0x80, s26, s25, $0xb8;
	[tilespmem:$0x1FC00] =	vst v63  }
0xad: {  	_ =	swait.ge [sflag:s17], $0x2000  }
0xae: {  	[sflag:s17] =	ssyncset.done $0x0  }
0xaf: {  	s19 =	simm.s32 $0x800;
	s24 =	simm.s32 $0x9780;
	[sflag:s17] =	ssyncadd.s32 $0xFFFFE000  }
.LBB2_7:
0xb0: {  	[spmem:s2] =	stream.indirect.scatter.add.f32 [tilespmem:s1], [sflag:$0x8], $0x80, s24, s25, $0xb8;
	[tilespmem:$0x1FC00] =	vst v63  }
0xb1: {  	s24 =	smov.u32 s19  }
0xb2: {  	p0 =	sne.s32 s19, $0x3800;
	s19 =	sadd.s32 $0x800, s19;
	_ =	swait.ge [sflag:s20], $0x2000  }
0xb3: {  	s24 =	sshra.s32 s24, $0x2;
	[sflag:s20] =	ssyncset.done $0x0  }
0xb4: {  	s26 =	sadd.s32 $0x8300, s24;
	[sflag:s20] =	ssyncadd.s32 $0xFFFFE000  }
0xb5: {  	[tilespmem:s30], [sflag:$0x3] =	stream.indirect.gather [hbm4b:s4+s25], $0x80, s26, s25, $0xb8;
	[tilespmem:$0x1FC00] =	vst v63  }
0xb6: {  	_ =	swait.ge [sflag:s31], $0x2000  }
0xb7: {  	[sflag:s31] =	ssyncset.done $0x0  }
0xb8: {  	s26 =	sadd.s32 $0x9600, s24;
	[sflag:s31] =	ssyncadd.s32 $0xFFFFE000  }
0xb9: {  	[spmem:s2] =	stream.indirect.scatter.add.f32 [tilespmem:s3], [sflag:$0x5], $0x80, s26, s25, $0xb8;
	[tilespmem:$0x1FC00] =	vst v63  }
0xba: {  	_ =	swait.ge [sflag:s8], $0x2000  }
0xbb: {  	[sflag:s8] =	ssyncset.done $0x0  }
0xbc: {  	s26 =	sadd.s32 $0x8380, s24;
	[sflag:s8] =	ssyncadd.s32 $0xFFFFE000  }
0xbd: {  	[tilespmem:s1], [sflag:$0x4] =	stream.indirect.gather [hbm4b:s4+s25], $0x80, s26, s25, $0xb8;
	[tilespmem:$0x1FC00] =	vst v63  }
0xbe: {  	_ =	swait.ge [sflag:s9], $0x2000  }
0xbf: {  	[sflag:s9] =	ssyncset.done $0x0  }
0xc0: {  	s26 =	sadd.s32 $0x9680, s24;
	[sflag:s9] =	ssyncadd.s32 $0xFFFFE000  }
0xc1: {  	[spmem:s2] =	stream.indirect.scatter.add.f32 [tilespmem:s28], [sflag:$0x6], $0x80, s26, s25, $0xb8;
	[tilespmem:$0x1FC00] =	vst v63  }
0xc2: {  	_ =	swait.ge [sflag:s11], $0x2000  }
0xc3: {  	[sflag:s11] =	ssyncset.done $0x0  }
0xc4: {  	s26 =	sadd.s32 $0x8400, s24;
	[sflag:s11] =	ssyncadd.s32 $0xFFFFE000  }
0xc5: {  	[tilespmem:s3], [sflag:$0x1] =	stream.indirect.gather [hbm4b:s4+s25], $0x80, s26, s25, $0xb8;
	[tilespmem:$0x1FC00] =	vst v63  }
0xc6: {  	_ =	swait.ge [sflag:s13], $0x2000  }
0xc7: {  	[sflag:s13] =	ssyncset.done $0x0  }
0xc8: {  	s26 =	sadd.s32 $0x9700, s24;
	[sflag:s13] =	ssyncadd.s32 $0xFFFFE000  }
0xc9: {  	[spmem:s2] =	stream.indirect.scatter.add.f32 [tilespmem:s30], [sflag:$0x7], $0x80, s26, s25, $0xb8;
	[tilespmem:$0x1FC00] =	vst v63  }
0xca: {  	_ =	swait.ge [sflag:s15], $0x2000  }
0xcb: {  	[sflag:s15] =	ssyncset.done $0x0  }
.Ltmp2:
0xcc: {  	s26 =	sadd.s32 $0x8480, s24;
	[sflag:s15] =	ssyncadd.s32 $0xFFFFE000;
	(pc) =	sbr.rel @p0 .LBB2_7-.Ltmp2, $4  }
0xcd: {  	[tilespmem:s28], [sflag:$0x2] =	stream.indirect.gather [hbm4b:s4+s25], $0x80, s26, s25, $0xb8;
	[tilespmem:$0x1FC00] =	vst v63  }
0xce: {  	_ =	swait.ge [sflag:s17], $0x2000  }
0xcf: {  	[sflag:s17] =	ssyncset.done $0x0  }
0xd0: {  	s24 =	sadd.s32 $0x9780, s24;
	[sflag:s17] =	ssyncadd.s32 $0xFFFFE000  }
0xd1: {  	[spmem:s2] =	stream.indirect.scatter.add.f32 [tilespmem:s1], [sflag:$0x8], $0x80, s24, s25, $0xb8;
	[tilespmem:$0x1FC00] =	vst v63  }
0xd2: {  	_ =	swait.ge [sflag:s20], $0x2000  }
0xd3: {  	[sflag:s20] =	ssyncset.done $0x0  }
0xd4: {  	s19 =	simm.s32 $0x9300;
	[sflag:s20] =	ssyncadd.s32 $0xFFFFE000  }
0xd5: {  	[tilespmem:s30], [sflag:$0x3] =	stream.indirect.gather [hbm4b:s4+s25], $0x80, s19, s25, $0xb8;
	[tilespmem:$0x1FC00] =	vst v63  }
0xd6: {  	_ =	swait.ge [sflag:s31], $0x2000  }
0xd7: {  	[sflag:s31] =	ssyncset.done $0x0  }
0xd8: {  	s26 =	simm.s32 $0xA600;
	[sflag:s31] =	ssyncadd.s32 $0xFFFFE000  }
0xd9: {  	[spmem:s2] =	stream.indirect.scatter.add.f32 [tilespmem:s3], [sflag:$0x5], $0x80, s26, s25, $0xb8;
	[tilespmem:$0x1FC00] =	vst v63  }
0xda: {  	_ =	swait.ge [sflag:s8], $0x2000  }
0xdb: {  	[sflag:s8] =	ssyncset.done $0x0  }
0xdc: {  	[sflag:s8] =	ssyncadd.s32 $0xFFFFE000  }
0xdd: {  	[tilespmem:s1], [sflag:$0x4] =	stream.indirect.gather [hbm4b:s4+s25], $0x80, s29, s25, $0xb8;
	[tilespmem:$0x1FC00] =	vst v63  }
0xde: {  	_ =	swait.ge [sflag:s9], $0x2000  }
0xdf: {  	[sflag:s9] =	ssyncset.done $0x0  }
0xe0: {  	[sflag:s9] =	ssyncadd.s32 $0xFFFFE000  }
0xe1: {  	[spmem:s2] =	stream.indirect.scatter.add.f32 [tilespmem:s28], [sflag:$0x6], $0x80, s0, s25, $0xb8;
	[tilespmem:$0x1FC00] =	vst v63  }
0xe2: {  	_ =	swait.ge [sflag:s13], $0x2000  }
0xe3: {  	[sflag:s13] =	ssyncset.done $0x0  }
0xe4: {  	[sflag:s13] =	ssyncadd.s32 $0xFFFFE000  }
0xe5: {  	[spmem:s2] =	stream.indirect.scatter.add.f32 [tilespmem:s30], [sflag:$0x7], $0x80, s10, s25, $0xb8;
	[tilespmem:$0x1FC00] =	vst v63  }
0xe6: {  	_ =	swait.ge [sflag:s17], $0x2000  }
0xe7: {  	[sflag:s17] =	ssyncset.done $0x0  }
0xe8: {  	[sflag:s17] =	ssyncadd.s32 $0xFFFFE000  }
0xe9: {  	[spmem:s2] =	stream.indirect.scatter.add.f32 [tilespmem:s1], [sflag:$0x8], $0x80, s12, s25, $0xb8;
	[tilespmem:$0x1FC00] =	vst v63  }
0xea: {  	_ =	swait.ge [sflag:s11], $0x2000  }
0xeb: {  	[sflag:s11] =	ssyncset.done $0x0  }
0xec: {  	[sflag:s11] =	ssyncadd.s32 $0xFFFFE000  }
0xed: {  	_ =	swait.ge [sflag:s15], $0x2000  }
0xee: {  	[sflag:s15] =	ssyncset.done $0x0  }
0xef: {  	s16 =	sadd.s32 $0x1, s16;
	[sflag:s15] =	ssyncadd.s32 $0xFFFFE000  }
0xf0: {  	p0 =	sne.s32 s16, $0x8;
	_ =	swait.ge [sflag:s20], $0x2000  }
.Ltmp3:
0xf1: {  	[sflag:s20] =	ssyncset.done $0x0;
	(pc) =	sbr.rel @p0 .LBB2_4-.Ltmp3, $4  }
0xf2: {  	[sflag:s20] =	ssyncadd.s32 $0xFFFFE000  }
0xf3: {  	_ =	swait.ge [sflag:s8], $0x2000  }
0xf4: {  	[sflag:s8] =	ssyncset.done $0x0  }
0xf5: {  	[sflag:s8] =	ssyncadd.s32 $0xFFFFE000  }
0xf6: {  	s14 =	stileid.u32;
	[bflag:$0x0] =	sbarrier.arrive $0xFFFF  }
0xf7: {  	s14 =	sshll.u32 s14, $0x6;
	s19 =	rddreg [dreg:$0x3]  }
0xf8: {  	s24 =	rddreg [dreg:$0xd];
	s14 =	sor.u32 $0x1C09, s14;
	s16 =	sshrl.u32 s19, $0x3  }
0xf9: {  	[hbm:s24], [sflag:s14] =	dma.local [spmem:s16], $0x2800  }
0xfa: {  	_ =	swait.ge [sflag:s21], $0x2800  }
0xfb: {  	s24 =	rddreg [dreg:$0xf]  }
0xfc: {  	s26 =	rddreg [dreg:$0xe];
	s16 =	sadd.s32 $0x1, s24  }
0xfd: {  	p0 =	sne.s32 s16, s26  }
.Ltmp4:
0xfe: {  	_ = 	snop;
	(pc) =	sbr.rel @p0 .LBB2_1-.Ltmp4, $3  }
0xff: {  	_ =	sdelay $0x1  }
0x100: {  	[sflag:s21] =	ssyncset.done $0x0  }
0x101: {  	[sflag:s21] =	ssyncadd.s32 $0xFFFFD800  }
0x102: {  	_ =	sfence.sel $0x180000  }
0x103: {  	[bflag:$0x0] =	sbarrier.arrive $0xFFFF  }
0x104: {  	_ =	strace $0x9000004A  }
0x105: {  	s0 =	stileid.u32;
	[bflag:$0x2] =	sbarrier.arrive $0xFFFF  }
0x106: {  	p0 =	sne.s32 s0, $0x0;
	s0 =	rddreg [dreg:$0x2]  }
0x107: {  	s0 =	sadd.s32 @!p0 $0x100000, s0  }
0x108: {  	[sflag:s0] =	ssyncadd.tile.s32 @!p0 $0x1;
	_ =	shalt  }
.Lfunc_end2:
_tile_overlayer_lowered:
.L_overlay_start_2:
0x109: {  	(tag) =	ssettag $0x2  }
0x10a: {  	s0 =	rddreg [dreg:$0x0];
	s2 =	stileid.u32  }
0x10b: {  	s1 =	rddreg [dreg:$0x1];
	p0 =	sne.s32 s2, $0x0  }
0x10c: {  	s3 =	rddreg [dreg:$0x2];
	[bflag:$0x3] =	sbarrier.arrive $0xFFFF;
	s2 =	simm.s32 @!p0 $0x1C09  }
0x10d: {  	[timem:s3], [sflag:s2] =	dma.local @!p0 [hbm:s0], s1  }
0x10e: {  	s0 =	simm.s32 @!p0 $0x9  }
0x10f: {  	_ =	swait.ge @!p0 [sflag:s0], s1  }
0x110: {  	s1 =	ssub.s32 @!p0 $0x0, s1;
	[sflag:s0] =	ssyncset.done @!p0 $0x0  }
0x111: {  	[sflag:s0] =	ssyncadd.s32 @!p0 s1  }
0x112: {  	[bflag:$0x3] =	sbarrier.arrive $0xFFFF  }
0x113: {  	_ =	shalt  }

// kernel: kernel.18.cloned.1.call-start
scs
__scs_entry_jumppad:
0x0: {  	(pc) =	sbr.rel $0x88, $3  }
0x1: {  	(tag) =	ssettag $0x0;
	lr =	simm.s32 $0x1  }
0x2: {  	[smem:$0x3F8E] =	sst lr;
	_ =	strace $0xD0000000  }
0x3: {  	_ = 	snop  }
0x4: {  	_ = 	snop  }
0x5: {  	_ = 	snop  }
0x6: {  	_ = 	snop  }
0x7: {  	_ = 	snop  }
__scs_overlays_trampoline_lowered:
0x8: {  	[smem:$0x3F9D] =	sst s0  }
0x9: {  	[smem:$0x3F9E] =	sst s1  }
0xa: {  	[smem:$0x3F9F] =	sst s2  }
0xb: {  	[smem:$0x3FA0] =	sst s3  }
0xc: {  	[smem:$0x3FA1] =	sst s4  }
0xd: {  	[smem:$0x3FA2] =	sst s5  }
0xe: {  	[smem:$0x3FA3] =	sst s6  }
0xf: {  	[smem:$0x3FA4] =	sst s7  }
0x10: {  	[smem:$0x3FA5] =	sst s8  }
0x11: {  	[smem:$0x3FA6] =	sst s9;
	s0 =	simm.s32 @!p0 $0x0  }
0x12: {  	s1 =	sld [smem:$0x3F8C];
	s0 =	simm.s32 @p0 $0x1  }
0x13: {  	[smem:$0x3FA7] =	sst s0;
	s0 =	simm.s32 @!p1 $0x0  }
0x14: {  	s2 =	sld [smem:$0x3F8B];
	s0 =	simm.s32 @p1 $0x1  }
0x15: {  	[smem:$0x3FA8] =	sst s0;
	s0 =	simm.s32 @!p2 $0x0  }
0x16: {  	s3 =	sld [smem:$0x3FDB];
	s0 =	simm.s32 @p2 $0x1  }
0x17: {  	s4 =	simm.s32 $0x1BF5;
	[smem:$0x3FAA] =	sst s0  }
0x18: {  	s0 =	sld [smem:$0x3F8D];
	_ =	swait.ge [sflag:s4], $0x0  }
0x19: {  	s7 =	sld [smem:$0x3F8E]  }
0x1a: {  	s8 =	sadd.s32 $0xFFFFE003, lr  }
0x1b: {  	s9 =	sadd.s32 $0xFFFFFEF7, lr;
	s5 =	simm.s32 $0xFFFFFFFF;
	p2 =	slt.u32 s8, $0xFFFFF086  }
0x1c: {  	p1 =	slt.u32 s9, $0xF7A;
	s5 =	simm.s32 @!p2 $0x0  }
0x1d: {  	s5 =	simm.s32 @p1 $0x1;
	p0 =	seq.s32 s7, s2  }
0x1e: {  	s7 =	smul.u32 @!p0 $0xF7A, s2;
	p2 =	seq.s32 @!p0 s5, $0x0  }
0x1f: {  	s9 =	smul.u32 $0xF7A, s1;
	s8 =	simm.s32 @!p0 $0x1BF5;
	p2 =	por !p2, p0  }
0x20: {  	[sflag:s8] =	ssyncset.s32 @!p0 $0xFFFFF086;
	s6 =	sadd.s32 @!p0 s3, s7;
	s7 =	simm.s32 @!p0 $0x108  }
0x21: {  	s3 =	sadd.s32 s3, s9;
	s6 =	sadd.s32 @!p0 $0x88, s6;
	s7 =	simm.s32 @p2 $0x1082  }
0x22: {  	[simem:s7], [sflag:s8] =	dma.local @!p0 [hbm:s6], $0xF7A  }
0x23: {  	s9 =	sor.u32 $0xD0000000, s2;
	s6 =	simm.s32 $0x108;
	_ =	swait.ge @!p0 [sflag:s8], $0x0  }
0x24: {  	s3 =	sadd.s32 $0x88, s3;
	s6 =	simm.s32 @!p1 $0x1082;
	[sflag:s4] =	ssyncset.s32 $0xFFFFF086  }
0x25: {  	[simem:s6], [sflag:s4] =	dma.local [hbm:s3], $0xF7A  }
0x26: {  	[smem:$0x3F8E] =	sst s1;
	(tag) =	ssettag s2;
	_ =	strace s9  }
0x27: {  	s1 =	sld [smem:$0x3F9E]  }
0x28: {  	s2 =	sld [smem:$0x3F9F]  }
0x29: {  	s4 =	sld [smem:$0x3FA1]  }
0x2a: {  	p0 =	seq.s32 s5, $0x0;
	s5 =	sld [smem:$0x3FA2]  }
0x2b: {  	s6 =	sld [smem:$0x3FA3]  }
0x2c: {  	s7 =	sld [smem:$0x3FA4]  }
0x2d: {  	s3 =	simm.s32 $0x108;
	s8 =	sld [smem:$0x3FA5]  }
0x2e: {  	s3 =	simm.s32 @!p0 $0x1082;
	s9 =	sld [smem:$0x3FA6]  }
0x2f: {  	lr =	sadd.s32 s0, s3;
	s0 =	sld [smem:$0x3F9D]  }
0x30: {  	s3 =	sld [smem:$0x3FA0]  }
0x31: {  	[smem:$0x3FA9] =	sst s10  }
0x32: {  	s10 =	sld [smem:$0x3FA7];
	_ =	sdelay $0x3  }
0x33: {  	p0 =	seq.s32 s10, $0x1;
	s10 =	sld [smem:$0x3FA9];
	_ =	sdelay $0x3  }
0x34: {  	[smem:$0x3FA9] =	sst s10  }
0x35: {  	s10 =	sld [smem:$0x3FA8];
	_ =	sdelay $0x3  }
0x36: {  	p1 =	seq.s32 s10, $0x1;
	s10 =	sld [smem:$0x3FA9];
	_ =	sdelay $0x3  }
0x37: {  	[smem:$0x3FA9] =	sst s10  }
0x38: {  	s10 =	sld [smem:$0x3FAA]  }
0x39: {  	_ = 	snop;
	(pc) =	sbr.ind lr, $3  }
0x3a: {  	_ = 	snop  }
0x3b: {  	_ = 	snop  }
0x3c: {  	p2 =	seq.s32 s10, $0x1;
	s10 =	sld [smem:$0x3FA9]  }
0x3d: {  	_ =	shalt  }
0x3e: {  	_ =	shalt  }
0x3f: {  	_ =	shalt  }
0x40: {  	_ =	shalt  }
0x41: {  	_ =	shalt  }
0x42: {  	_ =	shalt  }
0x43: {  	_ =	shalt  }
0x44: {  	_ =	shalt  }
0x45: {  	_ =	shalt  }
0x46: {  	_ =	shalt  }
0x47: {  	_ =	shalt  }
0x48: {  	_ =	shalt  }
0x49: {  	_ =	shalt  }
0x4a: {  	_ =	shalt  }
0x4b: {  	_ =	shalt  }
0x4c: {  	_ =	shalt  }
0x4d: {  	_ =	shalt  }
0x4e: {  	_ =	shalt  }
0x4f: {  	_ =	shalt  }
0x50: {  	_ =	shalt  }
0x51: {  	_ =	shalt  }
0x52: {  	_ =	shalt  }
0x53: {  	_ =	shalt  }
0x54: {  	_ =	shalt  }
0x55: {  	_ =	shalt  }
0x56: {  	_ =	shalt  }
0x57: {  	_ =	shalt  }
0x58: {  	_ =	shalt  }
0x59: {  	_ =	shalt  }
0x5a: {  	_ =	shalt  }
0x5b: {  	_ =	shalt  }
0x5c: {  	_ =	shalt  }
0x5d: {  	_ =	shalt  }
0x5e: {  	_ =	shalt  }
0x5f: {  	_ =	shalt  }
0x60: {  	_ =	shalt  }
0x61: {  	_ =	shalt  }
0x62: {  	_ =	shalt  }
0x63: {  	_ =	shalt  }
0x64: {  	_ =	shalt  }
0x65: {  	_ =	shalt  }
0x66: {  	_ =	shalt  }
0x67: {  	_ =	shalt  }
0x68: {  	_ =	shalt  }
0x69: {  	_ =	shalt  }
0x6a: {  	_ =	shalt  }
0x6b: {  	_ =	shalt  }
0x6c: {  	_ =	shalt  }
0x6d: {  	_ =	shalt  }
0x6e: {  	_ =	shalt  }
0x6f: {  	_ =	shalt  }
0x70: {  	_ =	shalt  }
0x71: {  	_ =	shalt  }
0x72: {  	_ =	shalt  }
0x73: {  	_ =	shalt  }
0x74: {  	_ =	shalt  }
0x75: {  	_ =	shalt  }
0x76: {  	_ =	shalt  }
0x77: {  	_ =	shalt  }
0x78: {  	_ =	shalt  }
0x79: {  	_ =	shalt  }
0x7a: {  	_ =	shalt  }
0x7b: {  	_ =	shalt  }
0x7c: {  	_ =	shalt  }
0x7d: {  	_ =	shalt  }
0x7e: {  	_ =	shalt  }
0x7f: {  	_ =	shalt  }
0x80: {  	_ =	shalt  }
0x81: {  	_ =	shalt  }
0x82: {  	_ =	shalt  }
0x83: {  	_ =	shalt  }
0x84: {  	_ =	shalt  }
0x85: {  	_ =	shalt  }
0x86: {  	_ =	shalt  }
0x87: {  	_ =	shalt  }
.Lfunc_end0:
.L_simem_size_0:
called_computation.2_lowered:
.L_overlay_start_0:
0x88: {  	s2 =	sld [smem:$0x3FD9]  }
0x89: {  	s3 =	sld [smem:$0x3FFE];
	_ =	sdelay $0x1  }
0x8a: {  	s1 =	srdreg.scid  }
0x8b: {  	s0 =	sand.u32 $0x1, s1  }
0x8c: {  	s16 =	sshll.u32 s0, $0xA;
	s2 =	sadd.s32 s3, s2  }
0x8d: {  	s2 =	sadd.s32 s2, s16  }
0x8e: {  	[smem:$0x3FB5] =	sst s2  }
0x8f: {  	_ = 	snop  }
0x90: {  	(tm) =	ssettm $0x1  }
0x91: {  	s17 =	sld [smem:$0x3FFB];
	_ =	sdelay $0x3  }
0x92: {  	_ =	strace s17  }
0x93: {  	s2 =	sld [smem:$0x3FFC];
	_ =	sdelay $0x3  }
0x94: {  	_ =	strace s2  }
0x95: {  	s2 =	sld [smem:$0x3FFD];
	_ =	sdelay $0x3  }
0x96: {  	_ =	strace s2  }
0x97: {  	_ =	strace $0x8FFFFFFF  }
0x98: {  	s18 =	sld [smem:$0x3FDB];
	_ =	sdelay $0x1  }
0x99: {  	s19 =	simm.s32 $_scs_section_size  }
0x9a: {  	s4 =	simm.s32 $_size__tile_overlayer_lowered;
	s5 =	simm.s32 $_tile_overlayer_lowered  }
0x9b: {  	s22 =	simm.s32 $0x1BFF;
	s21 =	sshll.u32 s5, $0x1;
	s2 =	sadd.s32 s19, s18  }
0x9c: {  	s6 =	simm.s32 $0x0;
	s20 =	sshll.u32 s4, $0x1;
	s4 =	sadd.s32 s21, s2  }
0x9d: {  	[timem:s6], [sflag:s22] =	dma.local [hbm:s4], s20  }
0x9e: {  	_ =	swait.ge [sflag:s22], s20  }
0x9f: {  	s3 =	ssub.s32 $0x0, s20;
	[sflag:s22] =	ssyncset.done $0x0  }
0xa0: {  	[sflag:s22] =	ssyncadd.s32 s3;
	_ =	sdelay $0x1  }
0xa1: {  	s23 =	simm.s32 $0x1B8B  }
0xa2: {  	_ =	swait.ge [sflag:s23], $0x1  }
0xa3: {  	[sflag:s23] =	ssyncset.done $0x0  }
0xa4: {  	s25 =	simm.s32 $0x1B8E;
	s24 =	sld [smem:$0x3FFE];
	[sflag:s23] =	ssyncadd.s32 $0xFFFFFFFF  }
0xa5: {  	s26 =	simm.s32 $execute0_lowered;
	[smem:$0x3FD2] =	sst s25  }
0xa6: {  	s4 =	sshll.u32 s26, $0x1;
	_ =	strace $0x8000004C;
	[dreg:$0x1] =	wrdreg $0xFFFFFFFF  }
0xa7: {  	s28 =	simm.s32 $_size_execute0_lowered;
	s2 =	sadd.s32 s2, s4;
	[dreg:$0x0] =	wrdreg $0x0  }
0xa8: {  	s4 =	sshll.u32 s28, $0x1;
	[dreg:$0x2] =	wrdreg s2  }
0xa9: {  	[dreg:$0x3] =	wrdreg s4  }
0xaa: {  	[dreg:$0x4] =	wrdreg $0xC0  }
0xab: {  	_ =	task [dreg:s6], $0x5FFFF  }
0xac: {  	[dreg:$0x1] =	wrdreg $0xFFFFFFFF  }
0xad: {  	[dreg:$0x0] =	wrdreg $0x60  }
0xae: {  	[dreg:$0x2] =	wrdreg s24  }
0xaf: {  	[dreg:$0x3] =	wrdreg $0xBA800  }
0xb0: {  	[dreg:$0x4] =	wrdreg $0x9  }
0xb1: {  	_ =	task.clear_ibuf [dreg:s6], $0x5FFFF;
	_ =	strace $0x9000004C  }
0xb2: {  	s29 =	simm.s32 $0x9;
	_ =	strace $0x8000004E  }
0xb3: {  	_ =	swait.ge [sflag:s29], $0x1  }
0xb4: {  	[sflag:s29] =	ssyncadd.s32 $0xFFFFFFFF  }
0xb5: {  	_ =	strace $0x9000004E  }
0xb6: {  	_ =	sfence  }
0xb7: {  	s30 =	sld [smem:$0x0];
	_ =	sdelay $0x2  }
0xb8: {  	s31 =	sshll.u32 s1, $0xD;
	s1 =	sshrl.u32 s1, $0x2  }
0xb9: {  	s3 =	sand.u32 $0x4000, s31;
	s1 =	sadd.s32 s1, s30  }
0xba: {  	s0 =	sor.u32 s3, s0;
	s1 =	sshll.u32 s1, $0x11  }
0xbb: {  	s0 =	sor.u32 s1, s0  }
0xbc: {  	s0 =	sadd.s32 $0x8F2B, s0  }
0xbd: {  	[sflag:s0] =	ssyncadd.remote.s32 $0x1  }
0xbe: {  	_ =	sfence.sel $0xFFFF  }
0xbf: {  	[dreg:$0x0] =	wrdreg $0xFFFFFFFF;
	(pc) =	sbr.abs _section_cstart, $3  }
0xc0: {  	[dreg:$0x1] =	wrdreg $0xFFFFFFFF  }
0xc1: {  	_ =	task.clear_ibuf [dreg:s6], $0x2FFFF;
	_ =	strace $0x9FFFFFFF  }
0xc2: {  	(tm) =	ssettm $0x7FFFFFFF  }
0xc3: {  	_ =	shalt  }
tec
execute0_lowered:
.L_overlay_start_1:
0x0: {  	(tag) =	ssettag $0x1  }
0x1: {  	s8 =	rddreg [dreg:$0x0]  }
0x2: {  	s10 =	rddreg [dreg:$0x1]  }
0x3: {  	s0 =	rddreg [dreg:$0x2];
	s2 =	simm.s32 $0x0;
	s3 =	srdreg.scid  }
0x4: {  	s1 =	stileid.u32;
	s16 =	simm.s32 $0x5800;
	s17 =	simm.s32 $0x6800  }
0x5: {  	s18 =	simm.s32 $0x6000;
	s19 =	simm.s32 $0x80;
	s20 =	simm.s32 $0x400  }
0x6: {  	s21 =	simm.s32 $0x1400;
	s22 =	simm.s32 $0x14000;
	s23 =	simm.s32 $0x9000  }
0x7: {  	s24 =	simm.s32 $0xB800;
	s25 =	simm.s32 $0x0;
	[smem:$0x7FF] =	sst s2  }
0x8: {  	s9 =	sand.u32 $0x1, s3;
	s11 =	smul.u32 $0x280, s1;
	s3 =	sadd.s32 $0x65E00, s8  }
0x9: {  	s4 =	sadd.s32 $0x66400, s8;
	s5 =	sadd.s32 $0xDE00, s8;
	s6 =	sadd.s32 $0x4000, s8  }
0xa: {  	s7 =	sadd.s32 $0x66A00, s8;
	s13 =	sshrl.u32 s1, $0x3;
	s31 =	smul.u32 $0x5000, s1  }
0xb: {  	s14 =	sshll.u32 s1, $0x7;
	_ =	strace $0x8000004D;
	s12 =	smul.u32 $0x2800, s9  }
0xc: {  	s28 =	ssub.s32 $0x2, s9;
	s13 =	smul.u32 $0x50000, s13;
	s30 =	sshll.u32 s9, $0x4  }
0xd: {  	s14 =	sand.u32 $0x380, s14;
	s29 =	sshrl.u32 s28, $0x1;
	s15 =	sshrl.u32 s31, $0x2  }
0xe: {  	s11 =	sadd.s32 s11, s12;
	s12 =	ssub.s32 s28, s29;
	s13 =	sshrl.u32 s13, $0x2  }
0xf: {  	s11 =	sshrl.u32 s11, $0x3;
	s13 =	sadd.s32 s13, s10;
	s10 =	sadd.s32 s15, s10  }
0x10: {  	s12 =	smax.u32 s12, $0x1;
	s15 =	simm.s32 $0x5000;
	s11 =	sadd.s32 s11, s8  }
0x11: {  	s8 =	sor.u32 s1, s30;
	s9 =	sadd.s32 s14, s13;
	s13 =	simm.s32 $0x1  }
0x12: {  	v0 =	vimm.f32 $0.0e+00;
	s14 =	simm.s32 $0x2800;
	s8 =	smul.u32 $0x2710, s8;
	s11 =	sadd.s32 $0x70800, s11  }
.LBB2_1:
0x13: {  	[tilespmem:s2], [sflag:$0x1] =	stream.linear.gather [hbm4b:s3+s2], $0x2800, $0x38;
	[tilespmem:$0xE280] =	vst v63  }
0x14: {  	_ =	swait.ge [sflag:s13], $0x2800  }
0x15: {  	[sflag:s13] =	ssyncset.done $0x0  }
0x16: {  	[sflag:s13] =	ssyncadd.s32 $0xFFFFD800  }
0x17: {  	[tilespmem:s14], [sflag:$0x1] =	stream.linear.gather [hbm4b:s4+s2], $0x2800, $0x38;
	[tilespmem:$0xE280] =	vst v63  }
0x18: {  	_ =	swait.ge [sflag:s13], $0x2800  }
0x19: {  	[sflag:s13] =	ssyncset.done $0x0  }
0x1a: {  	s26 =	simm.s32 $0x0;
	[sflag:s13] =	ssyncadd.s32 $0xFFFFD800  }
.LBB2_2:
0x1b: {  	p0 =	sne.s32 s26, $0x9FC0  }
.Ltmp0:
0x1c: {  	_ = 	snop;
	(pc) =	sbr.rel @p0 .LBB2_2-.Ltmp0, $3  }
0x1d: {  	_ =	sdelay $0x1  }
0x1e: {  	s28 =	sshra.s32 s26, $0x2  }
0x1f: {  	s26 =	sadd.s32 $0x40, s26;
	[tilespmem:s28+$0x6800] =	vst v0  }
0x20: {  	s28 =	simm.s32 $0x0  }
0x21: {  	v2 =	vld [tilespmem:s28+$0x2800]  }
0x22: {  	v1 =	vimm.f32 $-1.000000020e+30;
	s26 =	simm.s32 $0x40;
	v3 =	vimm.f32 $-1.000000020e+30;
	v4 =	vld [tilespmem:s28+$0x0]  }
.LBB2_4:
0x23: {  	p0 =	sne.s32 s26, $0x9FC0  }
.Ltmp1:
0x24: {  	_ = 	snop;
	(pc) =	sbr.rel @p0 .LBB2_4-.Ltmp1, $4  }
0x25: {  	_ = 	snop  }
0x26: {  	s28 =	sshra.s32 s26, $0x2;
	s26 =	sadd.s32 $0x40, s26;
	v1 =	vmax.f32 v1, v2  }
0x27: {  	v2 =	vld [tilespmem:s28+$0x2800];
	v3 =	vmax.f32 v3, v4  }
0x28: {  	v4 =	vld [tilespmem:s28+$0x0]  }
0x29: {  	_ =	sdelay $0x3  }
0x2a: {  	v3 =	vmax.f32 v3, v4  }
0x2b: {  	v1 =	vmax.f32 v1, v2;
	(v2sf) =	vpush v3, $0x0  }
0x2c: {  	(v2sf) =	vpush v1, $0x0  }
0x2d: {  	(v2sf) =	vpush v3, $0x1  }
0x2e: {  	(v2sf) =	vpush v1, $0x1  }
0x2f: {  	(v2sf) =	vpush v3, $0x2  }
0x30: {  	(v2sf) =	vpush v1, $0x2  }
0x31: {  	(v2sf) =	vpush v3, $0x3  }
0x32: {  	(v2sf) =	vpush v1, $0x3  }
0x33: {  	(v2sf) =	vpush v3, $0x4  }
0x34: {  	(v2sf) =	vpush v1, $0x4  }
0x35: {  	(v2sf) =	vpush v3, $0x5  }
0x36: {  	(v2sf) =	vpush v1, $0x5  }
0x37: {  	(v2sf) =	vpush v3, $0x6  }
0x38: {  	(v2sf) =	vpush v1, $0x6  }
0x39: {  	(v2sf) =	vpush v3, $0x7  }
0x3a: {  	s26 =	spop (v2sf);
	(v2sf) =	vpush v1, $0x7  }
0x3b: {  	s28 =	spop (v2sf);
	(v2sf) =	vpush v3, $0x8  }
0x3c: {  	s29 =	spop (v2sf);
	(v2sf) =	vpush v1, $0x8  }
0x3d: {  	s30 =	spop (v2sf);
	(v2sf) =	vpush v3, $0x9  }
0x3e: {  	s26 =	smax.f32 s26, s29;
	s29 =	spop (v2sf);
	(v2sf) =	vpush v1, $0x9  }
0x3f: {  	s28 =	smax.f32 s28, s30;
	s31 =	spop (v2sf);
	(v2sf) =	vpush v3, $0xA  }
0x40: {  	s26 =	smax.f32 s26, s29;
	s29 =	spop (v2sf);
	(v2sf) =	vpush v1, $0xA  }
0x41: {  	s28 =	smax.f32 s28, s31;
	s31 =	spop (v2sf);
	(v2sf) =	vpush v3, $0xB  }
0x42: {  	s26 =	smax.f32 s26, s29;
	s29 =	spop (v2sf);
	(v2sf) =	vpush v1, $0xB  }
0x43: {  	s28 =	smax.f32 s28, s31;
	s31 =	spop (v2sf);
	(v2sf) =	vpush v3, $0xC  }
0x44: {  	s26 =	smax.f32 s26, s29;
	s29 =	spop (v2sf);
	(v2sf) =	vpush v1, $0xC  }
0x45: {  	s28 =	smax.f32 s28, s31;
	s31 =	spop (v2sf);
	(v2sf) =	vpush v3, $0xD  }
0x46: {  	s26 =	smax.f32 s26, s29;
	s29 =	spop (v2sf);
	(v2sf) =	vpush v1, $0xD  }
0x47: {  	s28 =	smax.f32 s28, s31;
	s31 =	spop (v2sf);
	(v2sf) =	vpush v3, $0xE  }
0x48: {  	s26 =	smax.f32 s26, s29;
	s29 =	spop (v2sf);
	(v2sf) =	vpush v1, $0xE  }
0x49: {  	s28 =	smax.f32 s28, s31;
	s31 =	spop (v2sf);
	(v2sf) =	vpush v3, $0xF  }
0x4a: {  	s26 =	smax.f32 s26, s29;
	s29 =	spop (v2sf);
	(v2sf) =	vpush v1, $0xF  }
0x4b: {  	s28 =	smax.f32 s28, s31;
	s31 =	spop (v2sf)  }
0x4c: {  	s26 =	smax.f32 s26, s29;
	s29 =	spop (v2sf)  }
0x4d: {  	s28 =	smax.f32 s28, s31;
	s31 =	spop (v2sf)  }
0x4e: {  	s26 =	smax.f32 s26, s29;
	s29 =	spop (v2sf)  }
0x4f: {  	s28 =	smax.f32 s28, s31;
	s31 =	spop (v2sf)  }
0x50: {  	s26 =	smax.f32 s26, s29;
	s29 =	spop (v2sf)  }
0x51: {  	s28 =	smax.f32 s28, s31;
	s31 =	spop (v2sf)  }
0x52: {  	s26 =	smax.f32 s26, s29;
	s29 =	spop (v2sf)  }
0x53: {  	s28 =	smax.f32 s28, s31;
	s31 =	spop (v2sf)  }
0x54: {  	s26 =	smax.f32 s26, s29;
	s29 =	spop (v2sf)  }
0x55: {  	s28 =	smax.f32 s28, s31;
	s31 =	spop (v2sf)  }
0x56: {  	s26 =	smax.f32 s26, s29;
	s29 =	spop (v2sf)  }
0x57: {  	s28 =	smax.f32 s28, s31;
	s31 =	spop (v2sf)  }
0x58: {  	s26 =	smax.f32 s26, s29;
	s29 =	spop (v2sf)  }
0x59: {  	s28 =	smax.f32 s28, s31;
	s31 =	spop (v2sf)  }
0x5a: {  	s26 =	smax.f32 s26, s29;
	s28 =	smax.f32 s28, s31  }
0x5b: {  	s26 =	sadd.f32 s28, s26;
	_ =	sdelay $0x1  }
0x5c: {  	p0 =	sgt.f32 s26, $0.0e+00;
	s28 =	smul.f32 $2.000000030e-01, s26  }
0x5d: {  	_ = 	snop  }
0x5e: {  	s28 =	smov.u32 @p0 s26  }
0x5f: {  	s26 =	simm.s32 $0x0;
	v1 =	vmov s28;
	s28 =	simm.s32 $0x0  }
.LBB2_6:
0x60: {  	s29 =	smul.u32 $0x7D0, s28;
	_ =	sdelay $0x1  }
0x61: {  	s29 =	sadd.s32 s8, s29  }
0x62: {  	s29 =	sshrl.u32 s29, $0x3  }
0x63: {  	s30 =	sadd.s32 s5, s29  }
0x64: {  	[tilespmem:s15], [sflag:$0x1] =	stream.linear.gather [hbm4b:s30+s26], $0x7D0, $0x38;
	[tilespmem:$0xE280] =	vst v63  }
0x65: {  	_ =	swait.ge [sflag:s13], $0x7D0  }
0x66: {  	[sflag:s13] =	ssyncset.done $0x0  }
0x67: {  	s30 =	sadd.s32 s6, s29;
	[sflag:s13] =	ssyncadd.s32 $0xFFFFF830  }
0x68: {  	[tilespmem:s16], [sflag:$0x1] =	stream.linear.gather [hbm4b:s30+s26], $0x7D0, $0x38;
	[tilespmem:$0xE280] =	vst v63  }
0x69: {  	_ =	swait.ge [sflag:s13], $0x7D0  }
0x6a: {  	[sflag:s13] =	ssyncset.done $0x0  }
0x6b: {  	s30 =	simm.s32 $0x0;
	[sflag:s13] =	ssyncadd.s32 $0xFFFFF830  }
0x6c: {  	v2 =	vld [tilespmem:s30+$0x5800]  }
0x6d: {  	s31 =	simm.s32 $0x40;
	v3 =	vld [tilespmem:s30+$0x5000]  }
.LBB2_7:
0x6e: {  	p0 =	sne.s32 s31, $0x1F00;
	_ =	sdelay $0x5  }
0x6f: {  	v4 =	vld.idx.msk [tilespmem:v2+s14+$0x0], $0xffff  }
0x70: {  	v3 =	vld.idx.msk [tilespmem:v3+s2+$0x0], $0xffff;
	_ =	sdelay $0x5  }
0x71: {  	v3 =	vadd.f32 v4, v3;
	_ =	sdelay $0x1  }
0x72: {  	v4 =	vmul.f32 $2.000000030e-01, v3  }
0x73: {  	vm0 =	vgt.f32 v3, $0.0e+00  }
0x74: {  	v3 =	vsel vm0, v3, v4  }
0x75: {  	v3 =	vsub.f32 v3, v1;
	_ =	sdelay $0x1  }
0x76: {  	v3 =	vmul.f32 $1.442695020e+00, v3;
	_ =	sdelay $0x1  }
0x77: {  	(erf) = vpow2.f32 v3;
	_ =	sdelay $0x8  }
.Ltmp2:
0x78: {  	v3 =	vpop (erf);
	(pc) =	sbr.rel @p0 .LBB2_7-.Ltmp2, $4  }
0x79: {  	[tilespmem:s30+$0x6000] =	vst v3  }
0x7a: {  	s30 =	sshra.s32 s31, $0x2;
	[tilespmem:v2+s17+$0x0] =	vst.idx.add.f32.msk $0xffff, v3  }
0x7b: {  	v2 =	vld [tilespmem:s30+$0x5800]  }
0x7c: {  	s31 =	sadd.s32 $0x40, s31;
	v3 =	vld [tilespmem:s30+$0x5000]  }
0x7d: {  	_ =	sdelay $0x6  }
0x7e: {  	v4 =	vld.idx.msk [tilespmem:v2+s14+$0x0], $0xffff  }
0x7f: {  	v3 =	vld.idx.msk [tilespmem:v3+s2+$0x0], $0xffff;
	_ =	sdelay $0x4  }
0x80: {  	v3 =	vadd.f32 v4, v3;
	_ =	sdelay $0x1  }
0x81: {  	v4 =	vmul.f32 $2.000000030e-01, v3  }
0x82: {  	vm0 =	vgt.f32 v3, $0.0e+00  }
0x83: {  	v3 =	vsel vm0, v3, v4  }
0x84: {  	v3 =	vsub.f32 v3, v1;
	_ =	sdelay $0x1  }
0x85: {  	v3 =	vmul.f32 $1.442695020e+00, v3;
	_ =	sdelay $0x1  }
0x86: {  	(erf) = vpow2.f32 v3;
	_ =	sdelay $0x8  }
0x87: {  	s28 =	sadd.s32 $0x1, s28;
	v3 =	vpop (erf)  }
0x88: {  	p0 =	sne.s32 s28, $0x5;
	[tilespmem:s30+$0x6000] =	vst v3  }
.Ltmp3:
0x89: {  	s29 =	sadd.s32 s7, s29;
	[tilespmem:v2+s17+$0x0] =	vst.idx.add.f32.msk $0xffff, v3;
	(pc) =	sbr.rel @p0 .LBB2_6-.Ltmp3, $4  }
0x8a: {  	[hbm4b:s29+s2] =	stream.linear.scatter [tilespmem:s18], [sflag:$0x1], $0x7D0, $0x38;
	[tilespmem:$0xE280] =	vst v63  }
0x8b: {  	_ =	swait.ge [sflag:s13], $0x7D0  }
0x8c: {  	[sflag:s13] =	ssyncset.done $0x0  }
0x8d: {  	[sflag:s13] =	ssyncadd.s32 $0xFFFFF830  }
0x8e: {  	[spmem:s9] =	stream.strided.scatter [tilespmem:s17], [sflag:$0x1], $0x2800, s20, s19, $0x38;
	[tilespmem:$0xE280] =	vst v63  }
0x8f: {  	_ =	swait.ge [sflag:s13], $0x2800  }
0x90: {  	[sflag:s13] =	ssyncset.done $0x0  }
0x91: {  	[sflag:s13] =	ssyncadd.s32 $0xFFFFD800  }
0x92: {  	[bflag:$0x0] =	sbarrier.arrive $0xFFFF  }
0x93: {  	[tilespmem:s23], [sflag:$0x1] =	stream.strided.gather [spmem:s10], $0x2800, s22, s21, $0x38;
	[tilespmem:$0xE280] =	vst v63  }
0x94: {  	s26 =	simm.s32 $0x0;
	_ =	swait.ge [sflag:s13], $0x2800  }
0x95: {  	s28 =	sand.u32 $0x70, s26;
	s26 =	sand.u32 $0x1C00, s26;
	[sflag:s13] =	ssyncset.done $0x0  }
0x96: {  	s26 =	sor.u32 s28, s26;
	[sflag:s13] =	ssyncadd.s32 $0xFFFFD800  }
0x97: {  	v1 =	vld [tilespmem:s26+$0x9000];
	_ =	sdelay $0x1  }
0x98: {  	v2 =	vld [tilespmem:s26+$0x9080];
	_ =	sdelay $0x1  }
0x99: {  	v3 =	vld [tilespmem:s26+$0x9100]  }
0x9a: {  	v1 =	vadd.f32 $0.0e+00, v1  }
0x9b: {  	v4 =	vld [tilespmem:s26+$0x9180]  }
0x9c: {  	v1 =	vadd.f32 v2, v1  }
0x9d: {  	v2 =	vld [tilespmem:s26+$0x9200]  }
0x9e: {  	v1 =	vadd.f32 v3, v1  }
0x9f: {  	v3 =	vld [tilespmem:s26+$0x9280]  }
0xa0: {  	v1 =	vadd.f32 v4, v1  }
0xa1: {  	v60 =	vld [tilespmem:s26+$0x9300]  }
0xa2: {  	v1 =	vadd.f32 v2, v1  }
0xa3: {  	v2 =	vld [tilespmem:s26+$0x9380]  }
0xa4: {  	v1 =	vadd.f32 v3, v1  }
0xa5: {  	v3 =	vld [tilespmem:s26+$0xA400]  }
0xa6: {  	v1 =	vadd.f32 v60, v1  }
0xa7: {  	v61 =	vld [tilespmem:s26+$0xA480]  }
0xa8: {  	v1 =	vadd.f32 v2, v1  }
0xa9: {  	v2 =	vld [tilespmem:s26+$0xA500]  }
0xaa: {  	v1 =	vadd.f32 v3, v1  }
0xab: {  	v3 =	vld [tilespmem:s26+$0xA580]  }
0xac: {  	v1 =	vadd.f32 v61, v1  }
0xad: {  	v62 =	vld [tilespmem:s26+$0xA600]  }
0xae: {  	v1 =	vadd.f32 v2, v1  }
0xaf: {  	v2 =	vld [tilespmem:s26+$0xA680]  }
0xb0: {  	v1 =	vadd.f32 v3, v1  }
0xb1: {  	v3 =	vld [tilespmem:s26+$0xA700]  }
0xb2: {  	v1 =	vadd.f32 v62, v1  }
0xb3: {  	v63 =	vld [tilespmem:s26+$0xA780]  }
0xb4: {  	v1 =	vadd.f32 v2, v1;
	_ =	sdelay $0x1  }
0xb5: {  	v1 =	vadd.f32 v3, v1  }
0xb6: {  	s29 =	simm.s32 $0x10  }
0xb7: {  	s30 =	sand.u32 $0x70, s29;
	s28 =	simm.s32 $0x80;
	v1 =	vadd.f32 v63, v1  }
0xb8: {  	s29 =	simm.s32 $0x20;
	s31 =	sand.u32 $0x1C00, s28;
	s26 =	simm.s32 $0xB800  }
.LBB2_10:
0xb9: {  	p0 =	sne.s32 s29, $0x270;
	s30 =	sor.u32 s30, s31;
	[tilespmem:s26+$0x0] =	vst v1  }
0xba: {  	v1 =	vld [tilespmem:s30+$0x9000];
	_ =	sdelay $0x1  }
0xbb: {  	v2 =	vld [tilespmem:s30+$0x9080];
	_ =	sdelay $0x1  }
0xbc: {  	v3 =	vld [tilespmem:s30+$0x9100]  }
0xbd: {  	v1 =	vadd.f32 $0.0e+00, v1  }
0xbe: {  	v4 =	vld [tilespmem:s30+$0x9180]  }
0xbf: {  	v1 =	vadd.f32 v2, v1  }
0xc0: {  	v2 =	vld [tilespmem:s30+$0x9200]  }
0xc1: {  	v1 =	vadd.f32 v3, v1  }
0xc2: {  	v3 =	vld [tilespmem:s30+$0x9280]  }
0xc3: {  	v1 =	vadd.f32 v4, v1  }
0xc4: {  	v4 =	vld [tilespmem:s30+$0x9300]  }
0xc5: {  	v1 =	vadd.f32 v2, v1  }
0xc6: {  	v2 =	vld [tilespmem:s30+$0x9380]  }
0xc7: {  	v1 =	vadd.f32 v3, v1  }
0xc8: {  	v3 =	vld [tilespmem:s30+$0xA400]  }
0xc9: {  	v1 =	vadd.f32 v4, v1  }
0xca: {  	v4 =	vld [tilespmem:s30+$0xA480]  }
0xcb: {  	v1 =	vadd.f32 v2, v1  }
0xcc: {  	v2 =	vld [tilespmem:s30+$0xA500]  }
0xcd: {  	v1 =	vadd.f32 v3, v1  }
0xce: {  	v3 =	vld [tilespmem:s30+$0xA580]  }
0xcf: {  	v1 =	vadd.f32 v4, v1  }
0xd0: {  	v4 =	vld [tilespmem:s30+$0xA600]  }
0xd1: {  	v1 =	vadd.f32 v2, v1  }
0xd2: {  	v2 =	vld [tilespmem:s30+$0xA680]  }
0xd3: {  	v1 =	vadd.f32 v3, v1  }
0xd4: {  	v3 =	vld [tilespmem:s30+$0xA700]  }
0xd5: {  	v1 =	vadd.f32 v4, v1  }
0xd6: {  	v4 =	vld [tilespmem:s30+$0xA780]  }
0xd7: {  	v1 =	vadd.f32 v2, v1  }
.Ltmp4:
0xd8: {  	(pc) =	sbr.rel @p0 .LBB2_10-.Ltmp4, $3  }
0xd9: {  	v1 =	vadd.f32 v3, v1;
	_ =	sdelay $0x1  }
0xda: {  	s28 =	sadd.s32 $0x80, s28;
	s26 =	sadd.s32 $0x10, s26;
	v1 =	vadd.f32 v4, v1  }
0xdb: {  	s31 =	sand.u32 $0x1C00, s28;
	s30 =	sand.u32 $0x70, s29;
	s29 =	sadd.s32 $0x10, s29  }
0xdc: {  	s28 =	sor.u32 s30, s31;
	[tilespmem:s26+$0x0] =	vst v1  }
0xdd: {  	v1 =	vld [tilespmem:s28+$0x9000];
	_ =	sdelay $0x1  }
0xde: {  	v2 =	vld [tilespmem:s28+$0x9080];
	_ =	sdelay $0x1  }
0xdf: {  	v3 =	vld [tilespmem:s28+$0x9100]  }
0xe0: {  	v1 =	vadd.f32 $0.0e+00, v1  }
0xe1: {  	v4 =	vld [tilespmem:s28+$0x9180]  }
0xe2: {  	v1 =	vadd.f32 v2, v1  }
0xe3: {  	v2 =	vld [tilespmem:s28+$0x9200]  }
0xe4: {  	v1 =	vadd.f32 v3, v1  }
0xe5: {  	v3 =	vld [tilespmem:s28+$0x9280]  }
0xe6: {  	v1 =	vadd.f32 v4, v1  }
0xe7: {  	v60 =	vld [tilespmem:s28+$0x9300]  }
0xe8: {  	v1 =	vadd.f32 v2, v1  }
0xe9: {  	v2 =	vld [tilespmem:s28+$0x9380]  }
0xea: {  	v1 =	vadd.f32 v3, v1  }
0xeb: {  	v3 =	vld [tilespmem:s28+$0xA400]  }
0xec: {  	v1 =	vadd.f32 v60, v1  }
0xed: {  	v61 =	vld [tilespmem:s28+$0xA480]  }
0xee: {  	v1 =	vadd.f32 v2, v1  }
0xef: {  	v2 =	vld [tilespmem:s28+$0xA500]  }
0xf0: {  	v1 =	vadd.f32 v3, v1  }
0xf1: {  	v3 =	vld [tilespmem:s28+$0xA580]  }
0xf2: {  	v1 =	vadd.f32 v61, v1  }
0xf3: {  	v62 =	vld [tilespmem:s28+$0xA600]  }
0xf4: {  	v1 =	vadd.f32 v2, v1  }
0xf5: {  	v2 =	vld [tilespmem:s28+$0xA680]  }
0xf6: {  	v1 =	vadd.f32 v3, v1  }
0xf7: {  	v3 =	vld [tilespmem:s28+$0xA700]  }
0xf8: {  	v1 =	vadd.f32 v62, v1  }
0xf9: {  	v63 =	vld [tilespmem:s28+$0xA780]  }
0xfa: {  	v1 =	vadd.f32 v2, v1;
	_ =	sdelay $0x1  }
0xfb: {  	v1 =	vadd.f32 v3, v1;
	_ =	sdelay $0x1  }
0xfc: {  	s25 =	sadd.s32 $0x1, s25;
	v1 =	vadd.f32 v63, v1  }
0xfd: {  	s31 =	sadd.s32 $0x10, s26;
	p0 =	sne.s32 s25, s12  }
.Ltmp5:
0xfe: {  	[tilespmem:s31+$0x0] =	vst v1;
	(pc) =	sbr.rel @p0 .LBB2_1-.Ltmp5, $4  }
0xff: {  	[hbm4b:s11+s2] =	stream.linear.scatter [tilespmem:s24], [sflag:$0x1], $0x280, $0x38;
	[tilespmem:$0xE280] =	vst v63  }
0x100: {  	_ =	swait.ge [sflag:s13], $0x280  }
0x101: {  	[sflag:s13] =	ssyncset.done $0x0  }
0x102: {  	[sflag:s13] =	ssyncadd.s32 $0xFFFFFD80  }
0x103: {  	_ =	sfence.sel $0x180000  }
0x104: {  	[bflag:$0x0] =	sbarrier.arrive $0xFFFF  }
0x105: {  	p0 =	sne.s32 s1, $0x0;
	_ =	strace $0x9000004D  }
0x106: {  	s0 =	sadd.s32 @!p0 $0x100000, s0;
	[bflag:$0x2] =	sbarrier.arrive $0xFFFF  }
0x107: {  	[sflag:s0] =	ssyncadd.tile.s32 @!p0 $0x1;
	_ =	shalt  }
.Lfunc_end2:
_tile_overlayer_lowered:
.L_overlay_start_2:
0x108: {  	(tag) =	ssettag $0x2  }
0x109: {  	s0 =	rddreg [dreg:$0x0];
	s2 =	stileid.u32  }
0x10a: {  	s1 =	rddreg [dreg:$0x1];
	p0 =	sne.s32 s2, $0x0  }
0x10b: {  	s3 =	rddreg [dreg:$0x2];
	[bflag:$0x3] =	sbarrier.arrive $0xFFFF;
	s2 =	simm.s32 @!p0 $0x1C01  }
0x10c: {  	[timem:s3], [sflag:s2] =	dma.local @!p0 [hbm:s0], s1  }
0x10d: {  	s0 =	simm.s32 @!p0 $0x1  }
0x10e: {  	_ =	swait.ge @!p0 [sflag:s0], s1  }
0x10f: {  	s1 =	ssub.s32 @!p0 $0x0, s1;
	[sflag:s0] =	ssyncset.done @!p0 $0x0  }
0x110: {  	[sflag:s0] =	ssyncadd.s32 @!p0 s1  }
0x111: {  	[bflag:$0x3] =	sbarrier.arrive $0xFFFF  }
0x112: {  	_ =	shalt  }

// kernel: kernel.21.cloned.1.call-start
scs
__scs_entry_jumppad:
0x0: {  	(pc) =	sbr.rel $0x88, $3  }
0x1: {  	(tag) =	ssettag $0x0;
	lr =	simm.s32 $0x1  }
0x2: {  	[smem:$0x3F8E] =	sst lr;
	_ =	strace $0xD0000000  }
0x3: {  	_ = 	snop  }
0x4: {  	_ = 	snop  }
0x5: {  	_ = 	snop  }
0x6: {  	_ = 	snop  }
0x7: {  	_ = 	snop  }
__scs_overlays_trampoline_lowered:
0x8: {  	[smem:$0x3F9D] =	sst s0  }
0x9: {  	[smem:$0x3F9E] =	sst s1  }
0xa: {  	[smem:$0x3F9F] =	sst s2  }
0xb: {  	[smem:$0x3FA0] =	sst s3  }
0xc: {  	[smem:$0x3FA1] =	sst s4  }
0xd: {  	[smem:$0x3FA2] =	sst s5  }
0xe: {  	[smem:$0x3FA3] =	sst s6  }
0xf: {  	[smem:$0x3FA4] =	sst s7  }
0x10: {  	[smem:$0x3FA5] =	sst s8  }
0x11: {  	[smem:$0x3FA6] =	sst s9;
	s0 =	simm.s32 @!p0 $0x0  }
0x12: {  	s1 =	sld [smem:$0x3F8C];
	s0 =	simm.s32 @p0 $0x1  }
0x13: {  	[smem:$0x3FA7] =	sst s0;
	s0 =	simm.s32 @!p1 $0x0  }
0x14: {  	s2 =	sld [smem:$0x3F8B];
	s0 =	simm.s32 @p1 $0x1  }
0x15: {  	[smem:$0x3FA8] =	sst s0;
	s0 =	simm.s32 @!p2 $0x0  }
0x16: {  	s3 =	sld [smem:$0x3FDB];
	s0 =	simm.s32 @p2 $0x1  }
0x17: {  	s4 =	simm.s32 $0x1BF5;
	[smem:$0x3FAA] =	sst s0  }
0x18: {  	s0 =	sld [smem:$0x3F8D];
	_ =	swait.ge [sflag:s4], $0x0  }
0x19: {  	s7 =	sld [smem:$0x3F8E]  }
0x1a: {  	s8 =	sadd.s32 $0xFFFFE003, lr  }
0x1b: {  	s9 =	sadd.s32 $0xFFFFFEF7, lr;
	s5 =	simm.s32 $0xFFFFFFFF;
	p2 =	slt.u32 s8, $0xFFFFF086  }
0x1c: {  	p1 =	slt.u32 s9, $0xF7A;
	s5 =	simm.s32 @!p2 $0x0  }
0x1d: {  	s5 =	simm.s32 @p1 $0x1;
	p0 =	seq.s32 s7, s2  }
0x1e: {  	s7 =	smul.u32 @!p0 $0xF7A, s2;
	p2 =	seq.s32 @!p0 s5, $0x0  }
0x1f: {  	s9 =	smul.u32 $0xF7A, s1;
	s8 =	simm.s32 @!p0 $0x1BF5;
	p2 =	por !p2, p0  }
0x20: {  	[sflag:s8] =	ssyncset.s32 @!p0 $0xFFFFF086;
	s6 =	sadd.s32 @!p0 s3, s7;
	s7 =	simm.s32 @!p0 $0x108  }
0x21: {  	s3 =	sadd.s32 s3, s9;
	s6 =	sadd.s32 @!p0 $0x88, s6;
	s7 =	simm.s32 @p2 $0x1082  }
0x22: {  	[simem:s7], [sflag:s8] =	dma.local @!p0 [hbm:s6], $0xF7A  }
0x23: {  	s9 =	sor.u32 $0xD0000000, s2;
	s6 =	simm.s32 $0x108;
	_ =	swait.ge @!p0 [sflag:s8], $0x0  }
0x24: {  	s3 =	sadd.s32 $0x88, s3;
	s6 =	simm.s32 @!p1 $0x1082;
	[sflag:s4] =	ssyncset.s32 $0xFFFFF086  }
0x25: {  	[simem:s6], [sflag:s4] =	dma.local [hbm:s3], $0xF7A  }
0x26: {  	[smem:$0x3F8E] =	sst s1;
	(tag) =	ssettag s2;
	_ =	strace s9  }
0x27: {  	s1 =	sld [smem:$0x3F9E]  }
0x28: {  	s2 =	sld [smem:$0x3F9F]  }
0x29: {  	s4 =	sld [smem:$0x3FA1]  }
0x2a: {  	p0 =	seq.s32 s5, $0x0;
	s5 =	sld [smem:$0x3FA2]  }
0x2b: {  	s6 =	sld [smem:$0x3FA3]  }
0x2c: {  	s7 =	sld [smem:$0x3FA4]  }
0x2d: {  	s3 =	simm.s32 $0x108;
	s8 =	sld [smem:$0x3FA5]  }
0x2e: {  	s3 =	simm.s32 @!p0 $0x1082;
	s9 =	sld [smem:$0x3FA6]  }
0x2f: {  	lr =	sadd.s32 s0, s3;
	s0 =	sld [smem:$0x3F9D]  }
0x30: {  	s3 =	sld [smem:$0x3FA0]  }
0x31: {  	[smem:$0x3FA9] =	sst s10  }
0x32: {  	s10 =	sld [smem:$0x3FA7];
	_ =	sdelay $0x3  }
0x33: {  	p0 =	seq.s32 s10, $0x1;
	s10 =	sld [smem:$0x3FA9];
	_ =	sdelay $0x3  }
0x34: {  	[smem:$0x3FA9] =	sst s10  }
0x35: {  	s10 =	sld [smem:$0x3FA8];
	_ =	sdelay $0x3  }
0x36: {  	p1 =	seq.s32 s10, $0x1;
	s10 =	sld [smem:$0x3FA9];
	_ =	sdelay $0x3  }
0x37: {  	[smem:$0x3FA9] =	sst s10  }
0x38: {  	s10 =	sld [smem:$0x3FAA]  }
0x39: {  	_ = 	snop;
	(pc) =	sbr.ind lr, $3  }
0x3a: {  	_ = 	snop  }
0x3b: {  	_ = 	snop  }
0x3c: {  	p2 =	seq.s32 s10, $0x1;
	s10 =	sld [smem:$0x3FA9]  }
0x3d: {  	_ =	shalt  }
0x3e: {  	_ =	shalt  }
0x3f: {  	_ =	shalt  }
0x40: {  	_ =	shalt  }
0x41: {  	_ =	shalt  }
0x42: {  	_ =	shalt  }
0x43: {  	_ =	shalt  }
0x44: {  	_ =	shalt  }
0x45: {  	_ =	shalt  }
0x46: {  	_ =	shalt  }
0x47: {  	_ =	shalt  }
0x48: {  	_ =	shalt  }
0x49: {  	_ =	shalt  }
0x4a: {  	_ =	shalt  }
0x4b: {  	_ =	shalt  }
0x4c: {  	_ =	shalt  }
0x4d: {  	_ =	shalt  }
0x4e: {  	_ =	shalt  }
0x4f: {  	_ =	shalt  }
0x50: {  	_ =	shalt  }
0x51: {  	_ =	shalt  }
0x52: {  	_ =	shalt  }
0x53: {  	_ =	shalt  }
0x54: {  	_ =	shalt  }
0x55: {  	_ =	shalt  }
0x56: {  	_ =	shalt  }
0x57: {  	_ =	shalt  }
0x58: {  	_ =	shalt  }
0x59: {  	_ =	shalt  }
0x5a: {  	_ =	shalt  }
0x5b: {  	_ =	shalt  }
0x5c: {  	_ =	shalt  }
0x5d: {  	_ =	shalt  }
0x5e: {  	_ =	shalt  }
0x5f: {  	_ =	shalt  }
0x60: {  	_ =	shalt  }
0x61: {  	_ =	shalt  }
0x62: {  	_ =	shalt  }
0x63: {  	_ =	shalt  }
0x64: {  	_ =	shalt  }
0x65: {  	_ =	shalt  }
0x66: {  	_ =	shalt  }
0x67: {  	_ =	shalt  }
0x68: {  	_ =	shalt  }
0x69: {  	_ =	shalt  }
0x6a: {  	_ =	shalt  }
0x6b: {  	_ =	shalt  }
0x6c: {  	_ =	shalt  }
0x6d: {  	_ =	shalt  }
0x6e: {  	_ =	shalt  }
0x6f: {  	_ =	shalt  }
0x70: {  	_ =	shalt  }
0x71: {  	_ =	shalt  }
0x72: {  	_ =	shalt  }
0x73: {  	_ =	shalt  }
0x74: {  	_ =	shalt  }
0x75: {  	_ =	shalt  }
0x76: {  	_ =	shalt  }
0x77: {  	_ =	shalt  }
0x78: {  	_ =	shalt  }
0x79: {  	_ =	shalt  }
0x7a: {  	_ =	shalt  }
0x7b: {  	_ =	shalt  }
0x7c: {  	_ =	shalt  }
0x7d: {  	_ =	shalt  }
0x7e: {  	_ =	shalt  }
0x7f: {  	_ =	shalt  }
0x80: {  	_ =	shalt  }
0x81: {  	_ =	shalt  }
0x82: {  	_ =	shalt  }
0x83: {  	_ =	shalt  }
0x84: {  	_ =	shalt  }
0x85: {  	_ =	shalt  }
0x86: {  	_ =	shalt  }
0x87: {  	_ =	shalt  }
.Lfunc_end0:
.L_simem_size_0:
called_computation.3_lowered:
.L_overlay_start_0:
0x88: {  	s2 =	sld [smem:$0x3FD9]  }
0x89: {  	s3 =	sld [smem:$0x3FFE];
	_ =	sdelay $0x1  }
0x8a: {  	s1 =	srdreg.scid  }
0x8b: {  	s0 =	sand.u32 $0x1, s1  }
0x8c: {  	s16 =	sshll.u32 s0, $0xA;
	s2 =	sadd.s32 s3, s2  }
0x8d: {  	s2 =	sadd.s32 s2, s16  }
0x8e: {  	[smem:$0x3FB5] =	sst s2  }
0x8f: {  	_ = 	snop  }
0x90: {  	(tm) =	ssettm $0x1  }
0x91: {  	s17 =	sld [smem:$0x3FFB];
	_ =	sdelay $0x3  }
0x92: {  	_ =	strace s17  }
0x93: {  	s2 =	sld [smem:$0x3FFC];
	_ =	sdelay $0x3  }
0x94: {  	_ =	strace s2  }
0x95: {  	s2 =	sld [smem:$0x3FFD];
	_ =	sdelay $0x3  }
0x96: {  	_ =	strace s2  }
0x97: {  	_ =	strace $0x8FFFFFFF  }
0x98: {  	s18 =	sld [smem:$0x3FDB];
	_ =	sdelay $0x1  }
0x99: {  	s19 =	simm.s32 $_scs_section_size  }
0x9a: {  	s4 =	simm.s32 $_size__tile_overlayer_lowered;
	s5 =	simm.s32 $_tile_overlayer_lowered  }
0x9b: {  	s22 =	simm.s32 $0x1BFF;
	s21 =	sshll.u32 s5, $0x1;
	s2 =	sadd.s32 s19, s18  }
0x9c: {  	s6 =	simm.s32 $0x0;
	s20 =	sshll.u32 s4, $0x1;
	s4 =	sadd.s32 s21, s2  }
0x9d: {  	[timem:s6], [sflag:s22] =	dma.local [hbm:s4], s20  }
0x9e: {  	_ =	swait.ge [sflag:s22], s20  }
0x9f: {  	s3 =	ssub.s32 $0x0, s20;
	[sflag:s22] =	ssyncset.done $0x0  }
0xa0: {  	[sflag:s22] =	ssyncadd.s32 s3;
	_ =	sdelay $0x1  }
0xa1: {  	s23 =	simm.s32 $0x1B8B  }
0xa2: {  	_ =	swait.ge [sflag:s23], $0x1  }
0xa3: {  	[sflag:s23] =	ssyncset.done $0x0  }
0xa4: {  	s25 =	simm.s32 $0x1B8E;
	s24 =	sld [smem:$0x3FFE];
	[sflag:s23] =	ssyncadd.s32 $0xFFFFFFFF  }
0xa5: {  	s26 =	simm.s32 $execute0_lowered;
	[smem:$0x3FD2] =	sst s25  }
0xa6: {  	s4 =	sshll.u32 s26, $0x1;
	_ =	strace $0x8000004F;
	[dreg:$0x1] =	wrdreg $0xFFFFFFFF  }
0xa7: {  	s28 =	simm.s32 $_size_execute0_lowered;
	s2 =	sadd.s32 s2, s4;
	[dreg:$0x0] =	wrdreg $0x0  }
0xa8: {  	s4 =	sshll.u32 s28, $0x1;
	[dreg:$0x2] =	wrdreg s2  }
0xa9: {  	[dreg:$0x3] =	wrdreg s4  }
0xaa: {  	[dreg:$0x4] =	wrdreg $0xC0  }
0xab: {  	_ =	task [dreg:s6], $0x5FFFF  }
0xac: {  	[dreg:$0x1] =	wrdreg $0xFFFFFFFF  }
0xad: {  	[dreg:$0x0] =	wrdreg $0x60  }
0xae: {  	[dreg:$0x2] =	wrdreg s24  }
0xaf: {  	[dreg:$0x3] =	wrdreg $0xBC000  }
0xb0: {  	[dreg:$0x4] =	wrdreg $0x9  }
0xb1: {  	_ =	task.clear_ibuf [dreg:s6], $0x5FFFF;
	_ =	strace $0x9000004F  }
0xb2: {  	s29 =	simm.s32 $0x9;
	_ =	strace $0x80000051  }
0xb3: {  	_ =	swait.ge [sflag:s29], $0x1  }
0xb4: {  	[sflag:s29] =	ssyncadd.s32 $0xFFFFFFFF  }
0xb5: {  	_ =	strace $0x90000051  }
0xb6: {  	_ =	sfence  }
0xb7: {  	s30 =	sld [smem:$0x0];
	_ =	sdelay $0x2  }
0xb8: {  	s31 =	sshll.u32 s1, $0xD;
	s1 =	sshrl.u32 s1, $0x2  }
0xb9: {  	s3 =	sand.u32 $0x4000, s31;
	s1 =	sadd.s32 s1, s30  }
0xba: {  	s0 =	sor.u32 s3, s0;
	s1 =	sshll.u32 s1, $0x11  }
0xbb: {  	s0 =	sor.u32 s1, s0  }
0xbc: {  	s0 =	sadd.s32 $0x8F2B, s0  }
0xbd: {  	[sflag:s0] =	ssyncadd.remote.s32 $0x1  }
0xbe: {  	_ =	sfence.sel $0xFFFF  }
0xbf: {  	[dreg:$0x0] =	wrdreg $0xFFFFFFFF;
	(pc) =	sbr.abs _section_cstart, $3  }
0xc0: {  	[dreg:$0x1] =	wrdreg $0xFFFFFFFF  }
0xc1: {  	_ =	task.clear_ibuf [dreg:s6], $0x2FFFF;
	_ =	strace $0x9FFFFFFF  }
0xc2: {  	(tm) =	ssettm $0x7FFFFFFF  }
0xc3: {  	_ =	shalt  }
tec
execute0_lowered:
.L_overlay_start_1:
0x0: {  	(tag) =	ssettag $0x1  }
0x1: {  	s0 =	rddreg [dreg:$0x0]  }
0x2: {  	s2 =	rddreg [dreg:$0x1]  }
0x3: {  	s1 =	srdreg.scid;
	s11 =	stileid.u32  }
0x4: {  	s3 =	simm.s32 $0x0;
	s28 =	simm.s32 $0x2000;
	s30 =	simm.s32 $0x4000  }
0x5: {  	s31 =	simm.s32 $0x1;
	s15 =	simm.s32 $0x6;
	s8 =	smul.u32 $0x2800, s11  }
0x6: {  	s29 =	simm.s32 $0x9380;
	s1 =	sand.u32 $0x1, s1;
	s10 =	smul.u32 $0x50000, s11  }
0x7: {  	[smem:$0x7FF] =	sst s3;
	s4 =	sadd.s32 $0x17C00, s0;
	s5 =	sadd.s32 $0x71200, s0  }
0x8: {  	s6 =	sadd.s32 $0x85200, s0;
	s7 =	sadd.s32 $0x99200, s0;
	s10 =	sshrl.u32 s10, $0x2  }
0x9: {  	s9 =	smul.u32 $0x28000, s1;
	_ =	strace $0x80000050;
	s19 =	sadd.s32 s10, s2  }
0xa: {  	s12 =	ssub.s32 $0x2, s1;
	s16 =	sadd.s32 $0x2000, s19;
	[dreg:$0x3] =	wrdreg s19  }
0xb: {  	s14 =	smul.u32 $0x2710, s1;
	s17 =	sadd.s32 $0x4000, s19;
	[dreg:$0x4] =	wrdreg s16  }
0xc: {  	s1 =	simm.s32 $0x6000;
	s18 =	sadd.s32 $0x6000, s19;
	[dreg:$0x5] =	wrdreg s17  }
0xd: {  	s13 =	sshrl.u32 s12, $0x1;
	s20 =	sadd.s32 $0x8000, s19;
	[dreg:$0x6] =	wrdreg s18  }
0xe: {  	s8 =	sadd.s32 s8, s9;
	s21 =	sadd.s32 $0xA000, s19;
	[dreg:$0x7] =	wrdreg s20  }
0xf: {  	s9 =	simm.s32 $0x2;
	s22 =	sadd.s32 $0xC000, s19;
	[dreg:$0x8] =	wrdreg s21  }
0x10: {  	s10 =	simm.s32 $0xA700;
	s23 =	sadd.s32 $0xE000, s19;
	[dreg:$0x9] =	wrdreg s22  }
0x11: {  	s0 =	sadd.s32 s8, s0;
	s24 =	sadd.s32 $0x10000, s19;
	[dreg:$0xa] =	wrdreg s23  }
0x12: {  	s8 =	ssub.s32 s12, s13;
	s25 =	sadd.s32 $0x12000, s19;
	[dreg:$0xb] =	wrdreg s24  }
0x13: {  	s13 =	simm.s32 $0x3;
	s12 =	simm.s32 $0xA780;
	[dreg:$0xc] =	wrdreg s25  }
0x14: {  	s18 =	smul.u32 $0x140, s11;
	s0 =	sadd.s32 $0xAD200, s0;
	s26 =	smax.u32 s8, $0x1  }
0x15: {  	s21 =	simm.s32 $0x9;
	s22 =	simm.s32 $0x8000;
	s23 =	simm.s32 $0x9400  }
0x16: {  	s25 =	simm.s32 $0x40;
	s11 =	simm.s32 $0x5;
	s17 =	simm.s32 $0x4  }
0x17: {  	s20 =	simm.s32 $0x7;
	s8 =	simm.s32 $0x8;
	[dreg:$0xd] =	wrdreg s0  }
0x18: {  	v1 =	vimm.f32 $0.0e+00;
	v0 =	vmov s14;
	s16 =	simm.s32 $0x0;
	[dreg:$0xe] =	wrdreg s26;
	s0 =	simm.s32 $0xA680  }
.LBB2_1:
0x19: {  	[dreg:$0xf] =	wrdreg s16;
	s14 =	simm.s32 $0x0;
	s16 =	simm.s32 $0x200  }
.LBB2_2:
0x1a: {  	p0 =	sne.s32 s16, $0x7E00;
	[tilespmem:s14+$0x70] =	vst v1  }
0x1b: {  	[tilespmem:s14+$0x0] =	vst v1  }
0x1c: {  	[tilespmem:s14+$0x10] =	vst v1  }
.Ltmp0:
0x1d: {  	[tilespmem:s14+$0x20] =	vst v1;
	(pc) =	sbr.rel @p0 .LBB2_2-.Ltmp0, $4  }
0x1e: {  	[tilespmem:s14+$0x30] =	vst v1  }
0x1f: {  	[tilespmem:s14+$0x40] =	vst v1  }
0x20: {  	[tilespmem:s14+$0x50] =	vst v1  }
0x21: {  	[tilespmem:s14+$0x60] =	vst v1;
	s14 =	sshra.s32 s16, $0x2;
	s16 =	sadd.s32 $0x200, s16  }
0x22: {  	[tilespmem:s14+$0x70] =	vst v1  }
0x23: {  	[tilespmem:s14+$0x0] =	vst v1  }
0x24: {  	[tilespmem:s14+$0x10] =	vst v1  }
0x25: {  	[tilespmem:s14+$0x20] =	vst v1  }
0x26: {  	[tilespmem:s14+$0x30] =	vst v1  }
0x27: {  	[tilespmem:s14+$0x40] =	vst v1  }
0x28: {  	[tilespmem:s14+$0x50] =	vst v1  }
0x29: {  	[tilespmem:s14+$0x60] =	vst v1;
	s14 =	simm.s32 $0x0  }
0x2a: {  	[spmem:s19] =	stream.linear.scatter [tilespmem:s14], [sflag:$0x9], $0x2000, $0x38;
	[tilespmem:$0x1FC00] =	vst v63  }
0x2b: {  	_ =	swait.ge [sflag:s21], $0x2000  }
0x2c: {  	[sflag:s21] =	ssyncset.done $0x0  }
0x2d: {  	s16 =	rddreg [dreg:$0x4];
	[sflag:s21] =	ssyncadd.s32 $0xFFFFE000  }
0x2e: {  	[spmem:s16] =	stream.linear.scatter [tilespmem:s14], [sflag:$0x9], $0x2000, $0x38;
	[tilespmem:$0x1FC00] =	vst v63  }
0x2f: {  	_ =	swait.ge [sflag:s21], $0x2000  }
0x30: {  	[sflag:s21] =	ssyncset.done $0x0  }
0x31: {  	s24 =	rddreg [dreg:$0x5];
	[sflag:s21] =	ssyncadd.s32 $0xFFFFE000  }
0x32: {  	[spmem:s24] =	stream.linear.scatter [tilespmem:s14], [sflag:$0x9], $0x2000, $0x38;
	[tilespmem:$0x1FC00] =	vst v63  }
0x33: {  	_ =	swait.ge [sflag:s21], $0x2000  }
0x34: {  	[sflag:s21] =	ssyncset.done $0x0  }
0x35: {  	s26 =	rddreg [dreg:$0x6];
	[sflag:s21] =	ssyncadd.s32 $0xFFFFE000  }
0x36: {  	[spmem:s26] =	stream.linear.scatter [tilespmem:s14], [sflag:$0x9], $0x2000, $0x38;
	[tilespmem:$0x1FC00] =	vst v63  }
0x37: {  	_ =	swait.ge [sflag:s21], $0x2000  }
0x38: {  	[sflag:s21] =	ssyncset.done $0x0  }
0x39: {  	s19 =	rddreg [dreg:$0x7];
	[sflag:s21] =	ssyncadd.s32 $0xFFFFE000  }
0x3a: {  	[spmem:s19] =	stream.linear.scatter [tilespmem:s14], [sflag:$0x9], $0x2000, $0x38;
	[tilespmem:$0x1FC00] =	vst v63  }
0x3b: {  	_ =	swait.ge [sflag:s21], $0x2000  }
0x3c: {  	[sflag:s21] =	ssyncset.done $0x0  }
0x3d: {  	s24 =	rddreg [dreg:$0x8];
	[sflag:s21] =	ssyncadd.s32 $0xFFFFE000  }
0x3e: {  	[spmem:s24] =	stream.linear.scatter [tilespmem:s14], [sflag:$0x9], $0x2000, $0x38;
	[tilespmem:$0x1FC00] =	vst v63  }
0x3f: {  	_ =	swait.ge [sflag:s21], $0x2000  }
0x40: {  	[sflag:s21] =	ssyncset.done $0x0  }
0x41: {  	s26 =	rddreg [dreg:$0x9];
	[sflag:s21] =	ssyncadd.s32 $0xFFFFE000  }
0x42: {  	[spmem:s26] =	stream.linear.scatter [tilespmem:s14], [sflag:$0x9], $0x2000, $0x38;
	[tilespmem:$0x1FC00] =	vst v63  }
0x43: {  	_ =	swait.ge [sflag:s21], $0x2000  }
0x44: {  	[sflag:s21] =	ssyncset.done $0x0  }
0x45: {  	s19 =	rddreg [dreg:$0xa];
	[sflag:s21] =	ssyncadd.s32 $0xFFFFE000  }
0x46: {  	[spmem:s19] =	stream.linear.scatter [tilespmem:s14], [sflag:$0x9], $0x2000, $0x38;
	[tilespmem:$0x1FC00] =	vst v63  }
0x47: {  	_ =	swait.ge [sflag:s21], $0x2000  }
0x48: {  	[sflag:s21] =	ssyncset.done $0x0  }
0x49: {  	s24 =	rddreg [dreg:$0xb];
	[sflag:s21] =	ssyncadd.s32 $0xFFFFE000  }
0x4a: {  	[spmem:s24] =	stream.linear.scatter [tilespmem:s14], [sflag:$0x9], $0x2000, $0x38;
	[tilespmem:$0x1FC00] =	vst v63  }
0x4b: {  	_ =	swait.ge [sflag:s21], $0x2000  }
0x4c: {  	[sflag:s21] =	ssyncset.done $0x0  }
0x4d: {  	s26 =	rddreg [dreg:$0xc];
	[sflag:s21] =	ssyncadd.s32 $0xFFFFE000  }
0x4e: {  	[spmem:s26] =	stream.linear.scatter [tilespmem:s14], [sflag:$0x9], $0x2000, $0x38;
	[tilespmem:$0x1FC00] =	vst v63  }
0x4f: {  	_ =	swait.ge [sflag:s21], $0x2000  }
0x50: {  	[sflag:s21] =	ssyncset.done $0x0  }
0x51: {  	[sflag:s21] =	ssyncadd.s32 $0xFFFFE000  }
0x52: {  	s16 =	simm.s32 $0x0;
	[bflag:$0x0] =	sbarrier.arrive $0xFFFF  }
.LBB2_4:
0x53: {  	s19 =	smul.u32 $0x28, s16;
	_ =	sdelay $0x1  }
0x54: {  	s19 =	sadd.s32 s18, s19  }
0x55: {  	s19 =	sshll.u32 s19, $0x4  }
0x56: {  	s24 =	sadd.s32 s5, s19  }
0x57: {  	[tilespmem:s22], [sflag:$0x9] =	stream.linear.gather [hbm4b:s24+s14], $0x1400, $0x38;
	[tilespmem:$0x1FC00] =	vst v63  }
0x58: {  	_ =	swait.ge [sflag:s21], $0x1400  }
0x59: {  	[sflag:s21] =	ssyncset.done $0x0  }
0x5a: {  	s26 =	sadd.s32 s6, s19;
	[sflag:s21] =	ssyncadd.s32 $0xFFFFEC00  }
0x5b: {  	[tilespmem:s23], [sflag:$0x9] =	stream.linear.gather [hbm4b:s26+s14], $0x1400, $0x38;
	[tilespmem:$0x1FC00] =	vst v63  }
0x5c: {  	_ =	swait.ge [sflag:s21], $0x1400  }
0x5d: {  	[sflag:s21] =	ssyncset.done $0x0  }
0x5e: {  	s19 =	sadd.s32 s7, s19;
	s26 =	simm.s32 $0xA800;
	[sflag:s21] =	ssyncadd.s32 $0xFFFFEC00  }
0x5f: {  	[tilespmem:s26], [sflag:$0x9] =	stream.linear.gather [hbm4b:s19+s14], $0x1400, $0x38;
	[tilespmem:$0x1FC00] =	vst v63  }
0x60: {  	_ =	swait.ge [sflag:s21], $0x1400  }
0x61: {  	[sflag:s21] =	ssyncset.done $0x0  }
0x62: {  	s19 =	simm.s32 $0x0;
	[sflag:s21] =	ssyncadd.s32 $0xFFFFEC00  }
0x63: {  	v4 =	vld [tilespmem:s19+$0x8000]  }
0x64: {  	v3 =	vld [tilespmem:s19+$0x8010]  }
0x65: {  	s24 =	simm.s32 $0x200;
	v2 =	vld [tilespmem:s19+$0x8020]  }
.LBB2_5:
0x66: {  	p0 =	sne.s32 s24, $0x4E00;
	v5 =	vld [tilespmem:s19+$0x8030];
	_ =	sdelay $0x1  }
.Ltmp1:
0x67: {  	v4 =	vadd.s32 v0, v4;
	(pc) =	sbr.rel @p0 .LBB2_5-.Ltmp1, $4  }
0x68: {  	s26 =	sshra.s32 s24, $0x2;
	[tilespmem:s19+$0x8000] =	vst v4;
	v3 =	vadd.s32 v0, v3  }
0x69: {  	v4 =	vld [tilespmem:s26+$0x8000];
	[tilespmem:s19+$0x8010] =	vst v3;
	v2 =	vadd.s32 v0, v2  }
0x6a: {  	v3 =	vld [tilespmem:s26+$0x8010];
	[tilespmem:s19+$0x8020] =	vst v2;
	v5 =	vadd.s32 v0, v5  }
0x6b: {  	s24 =	sadd.s32 $0x200, s24;
	v2 =	vld [tilespmem:s26+$0x8020];
	[tilespmem:s19+$0x8030] =	vst v5;
	s19 =	smov.u32 s26  }
0x6c: {  	v5 =	vld [tilespmem:s19+$0x8030];
	_ =	sdelay $0x1  }
0x6d: {  	v4 =	vadd.s32 v0, v4  }
0x6e: {  	[tilespmem:s19+$0x8000] =	vst v4;
	v3 =	vadd.s32 v0, v3  }
0x6f: {  	[tilespmem:s19+$0x8010] =	vst v3;
	v2 =	vadd.s32 v0, v2  }
0x70: {  	[tilespmem:s19+$0x8020] =	vst v2;
	v2 =	vadd.s32 v0, v5  }
0x71: {  	[tilespmem:s19+$0x8030] =	vst v2;
	s19 =	simm.s32 $0x0  }
0x72: {  	[tilespmem:s19], [sflag:$0x1] =	stream.indirect.gather [hbm4b:s4+s25], $0x80, s22, s25, $0xb8;
	[tilespmem:$0x1FC00] =	vst v63  }
0x73: {  	s24 =	simm.s32 $0x8080  }
0x74: {  	[tilespmem:s28], [sflag:$0x2] =	stream.indirect.gather [hbm4b:s4+s25], $0x80, s24, s25, $0xb8;
	[tilespmem:$0x1FC00] =	vst v63  }
0x75: {  	s26 =	simm.s32 $0x8100  }
0x76: {  	[tilespmem:s30], [sflag:$0x3] =	stream.indirect.gather [hbm4b:s4+s25], $0x80, s26, s25, $0xb8;
	[tilespmem:$0x1FC00] =	vst v63  }
0x77: {  	_ =	swait.ge [sflag:s31], $0x2000  }
0x78: {  	[sflag:s31] =	ssyncset.done $0x0  }
0x79: {  	[sflag:s31] =	ssyncadd.s32 $0xFFFFE000  }
0x7a: {  	[spmem:s2] =	stream.indirect.scatter.add.f32 [tilespmem:s19], [sflag:$0x5], $0x80, s23, s25, $0xb8;
	[tilespmem:$0x1FC00] =	vst v63  }
0x7b: {  	s26 =	simm.s32 $0x8180  }
0x7c: {  	[tilespmem:s1], [sflag:$0x4] =	stream.indirect.gather [hbm4b:s4+s25], $0x80, s26, s25, $0xb8;
	[tilespmem:$0x1FC00] =	vst v63  }
0x7d: {  	_ =	swait.ge [sflag:s9], $0x2000  }
0x7e: {  	[sflag:s9] =	ssyncset.done $0x0  }
0x7f: {  	s26 =	simm.s32 $0x9480;
	[sflag:s9] =	ssyncadd.s32 $0xFFFFE000  }
0x80: {  	[spmem:s2] =	stream.indirect.scatter.add.f32 [tilespmem:s28], [sflag:$0x6], $0x80, s26, s25, $0xb8;
	[tilespmem:$0x1FC00] =	vst v63  }
0x81: {  	_ =	swait.ge [sflag:s11], $0x2000  }
0x82: {  	[sflag:s11] =	ssyncset.done $0x0  }
0x83: {  	s26 =	simm.s32 $0x8200;
	[sflag:s11] =	ssyncadd.s32 $0xFFFFE000  }
0x84: {  	[tilespmem:s19], [sflag:$0x1] =	stream.indirect.gather [hbm4b:s4+s25], $0x80, s26, s25, $0xb8;
	[tilespmem:$0x1FC00] =	vst v63  }
0x85: {  	_ =	swait.ge [sflag:s13], $0x2000  }
0x86: {  	[sflag:s13] =	ssyncset.done $0x0  }
0x87: {  	s24 =	simm.s32 $0x9500;
	[sflag:s13] =	ssyncadd.s32 $0xFFFFE000  }
0x88: {  	[spmem:s2] =	stream.indirect.scatter.add.f32 [tilespmem:s30], [sflag:$0x7], $0x80, s24, s25, $0xb8;
	[tilespmem:$0x1FC00] =	vst v63  }
0x89: {  	_ =	swait.ge [sflag:s15], $0x2000  }
0x8a: {  	[sflag:s15] =	ssyncset.done $0x0  }
0x8b: {  	s26 =	simm.s32 $0x8280;
	[sflag:s15] =	ssyncadd.s32 $0xFFFFE000  }
0x8c: {  	[tilespmem:s28], [sflag:$0x2] =	stream.indirect.gather [hbm4b:s4+s25], $0x80, s26, s25, $0xb8;
	[tilespmem:$0x1FC00] =	vst v63  }
0x8d: {  	_ =	swait.ge [sflag:s17], $0x2000  }
0x8e: {  	[sflag:s17] =	ssyncset.done $0x0  }
0x8f: {  	s24 =	simm.s32 $0x9580;
	[sflag:s17] =	ssyncadd.s32 $0xFFFFE000  }
0x90: {  	[spmem:s2] =	stream.indirect.scatter.add.f32 [tilespmem:s1], [sflag:$0x8], $0x80, s24, s25, $0xb8;
	[tilespmem:$0x1FC00] =	vst v63  }
0x91: {  	_ =	swait.ge [sflag:s20], $0x2000  }
0x92: {  	[sflag:s20] =	ssyncset.done $0x0  }
0x93: {  	s26 =	simm.s32 $0x8300;
	[sflag:s20] =	ssyncadd.s32 $0xFFFFE000  }
0x94: {  	[tilespmem:s30], [sflag:$0x3] =	stream.indirect.gather [hbm4b:s4+s25], $0x80, s26, s25, $0xb8;
	[tilespmem:$0x1FC00] =	vst v63  }
0x95: {  	_ =	swait.ge [sflag:s31], $0x2000  }
0x96: {  	[sflag:s31] =	ssyncset.done $0x0  }
0x97: {  	s24 =	simm.s32 $0x9600;
	[sflag:s31] =	ssyncadd.s32 $0xFFFFE000  }
0x98: {  	[spmem:s2] =	stream.indirect.scatter.add.f32 [tilespmem:s3], [sflag:$0x5], $0x80, s24, s25, $0xb8;
	[tilespmem:$0x1FC00] =	vst v63  }
0x99: {  	_ =	swait.ge [sflag:s8], $0x2000  }
0x9a: {  	[sflag:s8] =	ssyncset.done $0x0  }
0x9b: {  	s26 =	simm.s32 $0x8380;
	[sflag:s8] =	ssyncadd.s32 $0xFFFFE000  }
0x9c: {  	[tilespmem:s1], [sflag:$0x4] =	stream.indirect.gather [hbm4b:s4+s25], $0x80, s26, s25, $0xb8;
	[tilespmem:$0x1FC00] =	vst v63  }
0x9d: {  	_ =	swait.ge [sflag:s9], $0x2000  }
0x9e: {  	[sflag:s9] =	ssyncset.done $0x0  }
0x9f: {  	s24 =	simm.s32 $0x9680;
	[sflag:s9] =	ssyncadd.s32 $0xFFFFE000  }
0xa0: {  	[spmem:s2] =	stream.indirect.scatter.add.f32 [tilespmem:s28], [sflag:$0x6], $0x80, s24, s25, $0xb8;
	[tilespmem:$0x1FC00] =	vst v63  }
0xa1: {  	_ =	swait.ge [sflag:s11], $0x2000  }
0xa2: {  	[sflag:s11] =	ssyncset.done $0x0  }
0xa3: {  	s26 =	simm.s32 $0x8400;
	[sflag:s11] =	ssyncadd.s32 $0xFFFFE000  }
0xa4: {  	[tilespmem:s3], [sflag:$0x1] =	stream.indirect.gather [hbm4b:s4+s25], $0x80, s26, s25, $0xb8;
	[tilespmem:$0x1FC00] =	vst v63  }
0xa5: {  	_ =	swait.ge [sflag:s13], $0x2000  }
0xa6: {  	[sflag:s13] =	ssyncset.done $0x0  }
0xa7: {  	s24 =	simm.s32 $0x9700;
	[sflag:s13] =	ssyncadd.s32 $0xFFFFE000  }
0xa8: {  	[spmem:s2] =	stream.indirect.scatter.add.f32 [tilespmem:s30], [sflag:$0x7], $0x80, s24, s25, $0xb8;
	[tilespmem:$0x1FC00] =	vst v63  }
0xa9: {  	_ =	swait.ge [sflag:s15], $0x2000  }
0xaa: {  	[sflag:s15] =	ssyncset.done $0x0  }
0xab: {  	s26 =	simm.s32 $0x8480;
	[sflag:s15] =	ssyncadd.s32 $0xFFFFE000  }
0xac: {  	[tilespmem:s28], [sflag:$0x2] =	stream.indirect.gather [hbm4b:s4+s25], $0x80, s26, s25, $0xb8;
	[tilespmem:$0x1FC00] =	vst v63  }
0xad: {  	_ =	swait.ge [sflag:s17], $0x2000  }
0xae: {  	[sflag:s17] =	ssyncset.done $0x0  }
0xaf: {  	s19 =	simm.s32 $0x800;
	s24 =	simm.s32 $0x9780;
	[sflag:s17] =	ssyncadd.s32 $0xFFFFE000  }
.LBB2_7:
0xb0: {  	[spmem:s2] =	stream.indirect.scatter.add.f32 [tilespmem:s1], [sflag:$0x8], $0x80, s24, s25, $0xb8;
	[tilespmem:$0x1FC00] =	vst v63  }
0xb1: {  	s24 =	smov.u32 s19  }
0xb2: {  	p0 =	sne.s32 s19, $0x3800;
	s19 =	sadd.s32 $0x800, s19;
	_ =	swait.ge [sflag:s20], $0x2000  }
0xb3: {  	s24 =	sshra.s32 s24, $0x2;
	[sflag:s20] =	ssyncset.done $0x0  }
0xb4: {  	s26 =	sadd.s32 $0x8300, s24;
	[sflag:s20] =	ssyncadd.s32 $0xFFFFE000  }
0xb5: {  	[tilespmem:s30], [sflag:$0x3] =	stream.indirect.gather [hbm4b:s4+s25], $0x80, s26, s25, $0xb8;
	[tilespmem:$0x1FC00] =	vst v63  }
0xb6: {  	_ =	swait.ge [sflag:s31], $0x2000  }
0xb7: {  	[sflag:s31] =	ssyncset.done $0x0  }
0xb8: {  	s26 =	sadd.s32 $0x9600, s24;
	[sflag:s31] =	ssyncadd.s32 $0xFFFFE000  }
0xb9: {  	[spmem:s2] =	stream.indirect.scatter.add.f32 [tilespmem:s3], [sflag:$0x5], $0x80, s26, s25, $0xb8;
	[tilespmem:$0x1FC00] =	vst v63  }
0xba: {  	_ =	swait.ge [sflag:s8], $0x2000  }
0xbb: {  	[sflag:s8] =	ssyncset.done $0x0  }
0xbc: {  	s26 =	sadd.s32 $0x8380, s24;
	[sflag:s8] =	ssyncadd.s32 $0xFFFFE000  }
0xbd: {  	[tilespmem:s1], [sflag:$0x4] =	stream.indirect.gather [hbm4b:s4+s25], $0x80, s26, s25, $0xb8;
	[tilespmem:$0x1FC00] =	vst v63  }
0xbe: {  	_ =	swait.ge [sflag:s9], $0x2000  }
0xbf: {  	[sflag:s9] =	ssyncset.done $0x0  }
0xc0: {  	s26 =	sadd.s32 $0x9680, s24;
	[sflag:s9] =	ssyncadd.s32 $0xFFFFE000  }
0xc1: {  	[spmem:s2] =	stream.indirect.scatter.add.f32 [tilespmem:s28], [sflag:$0x6], $0x80, s26, s25, $0xb8;
	[tilespmem:$0x1FC00] =	vst v63  }
0xc2: {  	_ =	swait.ge [sflag:s11], $0x2000  }
0xc3: {  	[sflag:s11] =	ssyncset.done $0x0  }
0xc4: {  	s26 =	sadd.s32 $0x8400, s24;
	[sflag:s11] =	ssyncadd.s32 $0xFFFFE000  }
0xc5: {  	[tilespmem:s3], [sflag:$0x1] =	stream.indirect.gather [hbm4b:s4+s25], $0x80, s26, s25, $0xb8;
	[tilespmem:$0x1FC00] =	vst v63  }
0xc6: {  	_ =	swait.ge [sflag:s13], $0x2000  }
0xc7: {  	[sflag:s13] =	ssyncset.done $0x0  }
0xc8: {  	s26 =	sadd.s32 $0x9700, s24;
	[sflag:s13] =	ssyncadd.s32 $0xFFFFE000  }
0xc9: {  	[spmem:s2] =	stream.indirect.scatter.add.f32 [tilespmem:s30], [sflag:$0x7], $0x80, s26, s25, $0xb8;
	[tilespmem:$0x1FC00] =	vst v63  }
0xca: {  	_ =	swait.ge [sflag:s15], $0x2000  }
0xcb: {  	[sflag:s15] =	ssyncset.done $0x0  }
.Ltmp2:
0xcc: {  	s26 =	sadd.s32 $0x8480, s24;
	[sflag:s15] =	ssyncadd.s32 $0xFFFFE000;
	(pc) =	sbr.rel @p0 .LBB2_7-.Ltmp2, $4  }
0xcd: {  	[tilespmem:s28], [sflag:$0x2] =	stream.indirect.gather [hbm4b:s4+s25], $0x80, s26, s25, $0xb8;
	[tilespmem:$0x1FC00] =	vst v63  }
0xce: {  	_ =	swait.ge [sflag:s17], $0x2000  }
0xcf: {  	[sflag:s17] =	ssyncset.done $0x0  }
0xd0: {  	s24 =	sadd.s32 $0x9780, s24;
	[sflag:s17] =	ssyncadd.s32 $0xFFFFE000  }
0xd1: {  	[spmem:s2] =	stream.indirect.scatter.add.f32 [tilespmem:s1], [sflag:$0x8], $0x80, s24, s25, $0xb8;
	[tilespmem:$0x1FC00] =	vst v63  }
0xd2: {  	_ =	swait.ge [sflag:s20], $0x2000  }
0xd3: {  	[sflag:s20] =	ssyncset.done $0x0  }
0xd4: {  	s19 =	simm.s32 $0x9300;
	[sflag:s20] =	ssyncadd.s32 $0xFFFFE000  }
0xd5: {  	[tilespmem:s30], [sflag:$0x3] =	stream.indirect.gather [hbm4b:s4+s25], $0x80, s19, s25, $0xb8;
	[tilespmem:$0x1FC00] =	vst v63  }
0xd6: {  	_ =	swait.ge [sflag:s31], $0x2000  }
0xd7: {  	[sflag:s31] =	ssyncset.done $0x0  }
0xd8: {  	s26 =	simm.s32 $0xA600;
	[sflag:s31] =	ssyncadd.s32 $0xFFFFE000  }
0xd9: {  	[spmem:s2] =	stream.indirect.scatter.add.f32 [tilespmem:s3], [sflag:$0x5], $0x80, s26, s25, $0xb8;
	[tilespmem:$0x1FC00] =	vst v63  }
0xda: {  	_ =	swait.ge [sflag:s8], $0x2000  }
0xdb: {  	[sflag:s8] =	ssyncset.done $0x0  }
0xdc: {  	[sflag:s8] =	ssyncadd.s32 $0xFFFFE000  }
0xdd: {  	[tilespmem:s1], [sflag:$0x4] =	stream.indirect.gather [hbm4b:s4+s25], $0x80, s29, s25, $0xb8;
	[tilespmem:$0x1FC00] =	vst v63  }
0xde: {  	_ =	swait.ge [sflag:s9], $0x2000  }
0xdf: {  	[sflag:s9] =	ssyncset.done $0x0  }
0xe0: {  	[sflag:s9] =	ssyncadd.s32 $0xFFFFE000  }
0xe1: {  	[spmem:s2] =	stream.indirect.scatter.add.f32 [tilespmem:s28], [sflag:$0x6], $0x80, s0, s25, $0xb8;
	[tilespmem:$0x1FC00] =	vst v63  }
0xe2: {  	_ =	swait.ge [sflag:s13], $0x2000  }
0xe3: {  	[sflag:s13] =	ssyncset.done $0x0  }
0xe4: {  	[sflag:s13] =	ssyncadd.s32 $0xFFFFE000  }
0xe5: {  	[spmem:s2] =	stream.indirect.scatter.add.f32 [tilespmem:s30], [sflag:$0x7], $0x80, s10, s25, $0xb8;
	[tilespmem:$0x1FC00] =	vst v63  }
0xe6: {  	_ =	swait.ge [sflag:s17], $0x2000  }
0xe7: {  	[sflag:s17] =	ssyncset.done $0x0  }
0xe8: {  	[sflag:s17] =	ssyncadd.s32 $0xFFFFE000  }
0xe9: {  	[spmem:s2] =	stream.indirect.scatter.add.f32 [tilespmem:s1], [sflag:$0x8], $0x80, s12, s25, $0xb8;
	[tilespmem:$0x1FC00] =	vst v63  }
0xea: {  	_ =	swait.ge [sflag:s11], $0x2000  }
0xeb: {  	[sflag:s11] =	ssyncset.done $0x0  }
0xec: {  	[sflag:s11] =	ssyncadd.s32 $0xFFFFE000  }
0xed: {  	_ =	swait.ge [sflag:s15], $0x2000  }
0xee: {  	[sflag:s15] =	ssyncset.done $0x0  }
0xef: {  	s16 =	sadd.s32 $0x1, s16;
	[sflag:s15] =	ssyncadd.s32 $0xFFFFE000  }
0xf0: {  	p0 =	sne.s32 s16, $0x8;
	_ =	swait.ge [sflag:s20], $0x2000  }
.Ltmp3:
0xf1: {  	[sflag:s20] =	ssyncset.done $0x0;
	(pc) =	sbr.rel @p0 .LBB2_4-.Ltmp3, $4  }
0xf2: {  	[sflag:s20] =	ssyncadd.s32 $0xFFFFE000  }
0xf3: {  	_ =	swait.ge [sflag:s8], $0x2000  }
0xf4: {  	[sflag:s8] =	ssyncset.done $0x0  }
0xf5: {  	[sflag:s8] =	ssyncadd.s32 $0xFFFFE000  }
0xf6: {  	s14 =	stileid.u32;
	[bflag:$0x0] =	sbarrier.arrive $0xFFFF  }
0xf7: {  	s14 =	sshll.u32 s14, $0x6;
	s19 =	rddreg [dreg:$0x3]  }
0xf8: {  	s24 =	rddreg [dreg:$0xd];
	s14 =	sor.u32 $0x1C09, s14;
	s16 =	sshrl.u32 s19, $0x3  }
0xf9: {  	[hbm:s24], [sflag:s14] =	dma.local [spmem:s16], $0x2800  }
0xfa: {  	_ =	swait.ge [sflag:s21], $0x2800  }
0xfb: {  	s24 =	rddreg [dreg:$0xf]  }
0xfc: {  	s26 =	rddreg [dreg:$0xe];
	s16 =	sadd.s32 $0x1, s24  }
0xfd: {  	p0 =	sne.s32 s16, s26  }
.Ltmp4:
0xfe: {  	_ = 	snop;
	(pc) =	sbr.rel @p0 .LBB2_1-.Ltmp4, $3  }
0xff: {  	_ =	sdelay $0x1  }
0x100: {  	[sflag:s21] =	ssyncset.done $0x0  }
0x101: {  	[sflag:s21] =	ssyncadd.s32 $0xFFFFD800  }
0x102: {  	_ =	sfence.sel $0x180000  }
0x103: {  	[bflag:$0x0] =	sbarrier.arrive $0xFFFF  }
0x104: {  	_ =	strace $0x90000050  }
0x105: {  	s0 =	stileid.u32;
	[bflag:$0x2] =	sbarrier.arrive $0xFFFF  }
0x106: {  	p0 =	sne.s32 s0, $0x0;
	s0 =	rddreg [dreg:$0x2]  }
0x107: {  	s0 =	sadd.s32 @!p0 $0x100000, s0  }
0x108: {  	[sflag:s0] =	ssyncadd.tile.s32 @!p0 $0x1;
	_ =	shalt  }
.Lfunc_end2:
_tile_overlayer_lowered:
.L_overlay_start_2:
0x109: {  	(tag) =	ssettag $0x2  }
0x10a: {  	s0 =	rddreg [dreg:$0x0];
	s2 =	stileid.u32  }
0x10b: {  	s1 =	rddreg [dreg:$0x1];
	p0 =	sne.s32 s2, $0x0  }
0x10c: {  	s3 =	rddreg [dreg:$0x2];
	[bflag:$0x3] =	sbarrier.arrive $0xFFFF;
	s2 =	simm.s32 @!p0 $0x1C09  }
0x10d: {  	[timem:s3], [sflag:s2] =	dma.local @!p0 [hbm:s0], s1  }
0x10e: {  	s0 =	simm.s32 @!p0 $0x9  }
0x10f: {  	_ =	swait.ge @!p0 [sflag:s0], s1  }
0x110: {  	s1 =	ssub.s32 @!p0 $0x0, s1;
	[sflag:s0] =	ssyncset.done @!p0 $0x0  }
0x111: {  	[sflag:s0] =	ssyncadd.s32 @!p0 s1  }
0x112: {  	[bflag:$0x3] =	sbarrier.arrive $0xFFFF  }
0x113: {  	_ =	shalt  }

// kernel: kernel.24.cloned.1.call-start
scs
__scs_entry_jumppad:
0x0: {  	(pc) =	sbr.rel $0x88, $3  }
0x1: {  	(tag) =	ssettag $0x0;
	lr =	simm.s32 $0x1  }
0x2: {  	[smem:$0x3F8E] =	sst lr;
	_ =	strace $0xD0000000  }
0x3: {  	_ = 	snop  }
0x4: {  	_ = 	snop  }
0x5: {  	_ = 	snop  }
0x6: {  	_ = 	snop  }
0x7: {  	_ = 	snop  }
__scs_overlays_trampoline_lowered:
0x8: {  	[smem:$0x3F9D] =	sst s0  }
0x9: {  	[smem:$0x3F9E] =	sst s1  }
0xa: {  	[smem:$0x3F9F] =	sst s2  }
0xb: {  	[smem:$0x3FA0] =	sst s3  }
0xc: {  	[smem:$0x3FA1] =	sst s4  }
0xd: {  	[smem:$0x3FA2] =	sst s5  }
0xe: {  	[smem:$0x3FA3] =	sst s6  }
0xf: {  	[smem:$0x3FA4] =	sst s7  }
0x10: {  	[smem:$0x3FA5] =	sst s8  }
0x11: {  	[smem:$0x3FA6] =	sst s9;
	s0 =	simm.s32 @!p0 $0x0  }
0x12: {  	s1 =	sld [smem:$0x3F8C];
	s0 =	simm.s32 @p0 $0x1  }
0x13: {  	[smem:$0x3FA7] =	sst s0;
	s0 =	simm.s32 @!p1 $0x0  }
0x14: {  	s2 =	sld [smem:$0x3F8B];
	s0 =	simm.s32 @p1 $0x1  }
0x15: {  	[smem:$0x3FA8] =	sst s0;
	s0 =	simm.s32 @!p2 $0x0  }
0x16: {  	s3 =	sld [smem:$0x3FDB];
	s0 =	simm.s32 @p2 $0x1  }
0x17: {  	s4 =	simm.s32 $0x1BF5;
	[smem:$0x3FAA] =	sst s0  }
0x18: {  	s0 =	sld [smem:$0x3F8D];
	_ =	swait.ge [sflag:s4], $0x0  }
0x19: {  	s7 =	sld [smem:$0x3F8E]  }
0x1a: {  	s8 =	sadd.s32 $0xFFFFE003, lr  }
0x1b: {  	s9 =	sadd.s32 $0xFFFFFEF7, lr;
	s5 =	simm.s32 $0xFFFFFFFF;
	p2 =	slt.u32 s8, $0xFFFFF086  }
0x1c: {  	p1 =	slt.u32 s9, $0xF7A;
	s5 =	simm.s32 @!p2 $0x0  }
0x1d: {  	s5 =	simm.s32 @p1 $0x1;
	p0 =	seq.s32 s7, s2  }
0x1e: {  	s7 =	smul.u32 @!p0 $0xF7A, s2;
	p2 =	seq.s32 @!p0 s5, $0x0  }
0x1f: {  	s9 =	smul.u32 $0xF7A, s1;
	s8 =	simm.s32 @!p0 $0x1BF5;
	p2 =	por !p2, p0  }
0x20: {  	[sflag:s8] =	ssyncset.s32 @!p0 $0xFFFFF086;
	s6 =	sadd.s32 @!p0 s3, s7;
	s7 =	simm.s32 @!p0 $0x108  }
0x21: {  	s3 =	sadd.s32 s3, s9;
	s6 =	sadd.s32 @!p0 $0x88, s6;
	s7 =	simm.s32 @p2 $0x1082  }
0x22: {  	[simem:s7], [sflag:s8] =	dma.local @!p0 [hbm:s6], $0xF7A  }
0x23: {  	s9 =	sor.u32 $0xD0000000, s2;
	s6 =	simm.s32 $0x108;
	_ =	swait.ge @!p0 [sflag:s8], $0x0  }
0x24: {  	s3 =	sadd.s32 $0x88, s3;
	s6 =	simm.s32 @!p1 $0x1082;
	[sflag:s4] =	ssyncset.s32 $0xFFFFF086  }
0x25: {  	[simem:s6], [sflag:s4] =	dma.local [hbm:s3], $0xF7A  }
0x26: {  	[smem:$0x3F8E] =	sst s1;
	(tag) =	ssettag s2;
	_ =	strace s9  }
0x27: {  	s1 =	sld [smem:$0x3F9E]  }
0x28: {  	s2 =	sld [smem:$0x3F9F]  }
0x29: {  	s4 =	sld [smem:$0x3FA1]  }
0x2a: {  	p0 =	seq.s32 s5, $0x0;
	s5 =	sld [smem:$0x3FA2]  }
0x2b: {  	s6 =	sld [smem:$0x3FA3]  }
0x2c: {  	s7 =	sld [smem:$0x3FA4]  }
0x2d: {  	s3 =	simm.s32 $0x108;
	s8 =	sld [smem:$0x3FA5]  }
0x2e: {  	s3 =	simm.s32 @!p0 $0x1082;
	s9 =	sld [smem:$0x3FA6]  }
0x2f: {  	lr =	sadd.s32 s0, s3;
	s0 =	sld [smem:$0x3F9D]  }
0x30: {  	s3 =	sld [smem:$0x3FA0]  }
0x31: {  	[smem:$0x3FA9] =	sst s10  }
0x32: {  	s10 =	sld [smem:$0x3FA7];
	_ =	sdelay $0x3  }
0x33: {  	p0 =	seq.s32 s10, $0x1;
	s10 =	sld [smem:$0x3FA9];
	_ =	sdelay $0x3  }
0x34: {  	[smem:$0x3FA9] =	sst s10  }
0x35: {  	s10 =	sld [smem:$0x3FA8];
	_ =	sdelay $0x3  }
0x36: {  	p1 =	seq.s32 s10, $0x1;
	s10 =	sld [smem:$0x3FA9];
	_ =	sdelay $0x3  }
0x37: {  	[smem:$0x3FA9] =	sst s10  }
0x38: {  	s10 =	sld [smem:$0x3FAA]  }
0x39: {  	_ = 	snop;
	(pc) =	sbr.ind lr, $3  }
0x3a: {  	_ = 	snop  }
0x3b: {  	_ = 	snop  }
0x3c: {  	p2 =	seq.s32 s10, $0x1;
	s10 =	sld [smem:$0x3FA9]  }
0x3d: {  	_ =	shalt  }
0x3e: {  	_ =	shalt  }
0x3f: {  	_ =	shalt  }
0x40: {  	_ =	shalt  }
0x41: {  	_ =	shalt  }
0x42: {  	_ =	shalt  }
0x43: {  	_ =	shalt  }
0x44: {  	_ =	shalt  }
0x45: {  	_ =	shalt  }
0x46: {  	_ =	shalt  }
0x47: {  	_ =	shalt  }
0x48: {  	_ =	shalt  }
0x49: {  	_ =	shalt  }
0x4a: {  	_ =	shalt  }
0x4b: {  	_ =	shalt  }
0x4c: {  	_ =	shalt  }
0x4d: {  	_ =	shalt  }
0x4e: {  	_ =	shalt  }
0x4f: {  	_ =	shalt  }
0x50: {  	_ =	shalt  }
0x51: {  	_ =	shalt  }
0x52: {  	_ =	shalt  }
0x53: {  	_ =	shalt  }
0x54: {  	_ =	shalt  }
0x55: {  	_ =	shalt  }
0x56: {  	_ =	shalt  }
0x57: {  	_ =	shalt  }
0x58: {  	_ =	shalt  }
0x59: {  	_ =	shalt  }
0x5a: {  	_ =	shalt  }
0x5b: {  	_ =	shalt  }
0x5c: {  	_ =	shalt  }
0x5d: {  	_ =	shalt  }
0x5e: {  	_ =	shalt  }
0x5f: {  	_ =	shalt  }
0x60: {  	_ =	shalt  }
0x61: {  	_ =	shalt  }
0x62: {  	_ =	shalt  }
0x63: {  	_ =	shalt  }
0x64: {  	_ =	shalt  }
0x65: {  	_ =	shalt  }
0x66: {  	_ =	shalt  }
0x67: {  	_ =	shalt  }
0x68: {  	_ =	shalt  }
0x69: {  	_ =	shalt  }
0x6a: {  	_ =	shalt  }
0x6b: {  	_ =	shalt  }
0x6c: {  	_ =	shalt  }
0x6d: {  	_ =	shalt  }
0x6e: {  	_ =	shalt  }
0x6f: {  	_ =	shalt  }
0x70: {  	_ =	shalt  }
0x71: {  	_ =	shalt  }
0x72: {  	_ =	shalt  }
0x73: {  	_ =	shalt  }
0x74: {  	_ =	shalt  }
0x75: {  	_ =	shalt  }
0x76: {  	_ =	shalt  }
0x77: {  	_ =	shalt  }
0x78: {  	_ =	shalt  }
0x79: {  	_ =	shalt  }
0x7a: {  	_ =	shalt  }
0x7b: {  	_ =	shalt  }
0x7c: {  	_ =	shalt  }
0x7d: {  	_ =	shalt  }
0x7e: {  	_ =	shalt  }
0x7f: {  	_ =	shalt  }
0x80: {  	_ =	shalt  }
0x81: {  	_ =	shalt  }
0x82: {  	_ =	shalt  }
0x83: {  	_ =	shalt  }
0x84: {  	_ =	shalt  }
0x85: {  	_ =	shalt  }
0x86: {  	_ =	shalt  }
0x87: {  	_ =	shalt  }
.Lfunc_end0:
.L_simem_size_0:
called_computation.4_lowered:
.L_overlay_start_0:
0x88: {  	s2 =	sld [smem:$0x3FD9]  }
0x89: {  	s3 =	sld [smem:$0x3FFE];
	_ =	sdelay $0x1  }
0x8a: {  	s1 =	srdreg.scid  }
0x8b: {  	s0 =	sand.u32 $0x1, s1  }
0x8c: {  	s16 =	sshll.u32 s0, $0xA;
	s2 =	sadd.s32 s3, s2  }
0x8d: {  	s2 =	sadd.s32 s2, s16  }
0x8e: {  	[smem:$0x3FB5] =	sst s2  }
0x8f: {  	_ = 	snop  }
0x90: {  	(tm) =	ssettm $0x1  }
0x91: {  	s17 =	sld [smem:$0x3FFB];
	_ =	sdelay $0x3  }
0x92: {  	_ =	strace s17  }
0x93: {  	s2 =	sld [smem:$0x3FFC];
	_ =	sdelay $0x3  }
0x94: {  	_ =	strace s2  }
0x95: {  	s2 =	sld [smem:$0x3FFD];
	_ =	sdelay $0x3  }
0x96: {  	_ =	strace s2  }
0x97: {  	_ =	strace $0x8FFFFFFF  }
0x98: {  	s18 =	sld [smem:$0x3FDB];
	_ =	sdelay $0x1  }
0x99: {  	s19 =	simm.s32 $_scs_section_size  }
0x9a: {  	s4 =	simm.s32 $_size__tile_overlayer_lowered;
	s5 =	simm.s32 $_tile_overlayer_lowered  }
0x9b: {  	s22 =	simm.s32 $0x1BFF;
	s21 =	sshll.u32 s5, $0x1;
	s2 =	sadd.s32 s19, s18  }
0x9c: {  	s6 =	simm.s32 $0x0;
	s20 =	sshll.u32 s4, $0x1;
	s4 =	sadd.s32 s21, s2  }
0x9d: {  	[timem:s6], [sflag:s22] =	dma.local [hbm:s4], s20  }
0x9e: {  	_ =	swait.ge [sflag:s22], s20  }
0x9f: {  	s3 =	ssub.s32 $0x0, s20;
	[sflag:s22] =	ssyncset.done $0x0  }
0xa0: {  	[sflag:s22] =	ssyncadd.s32 s3;
	_ =	sdelay $0x1  }
0xa1: {  	s23 =	simm.s32 $0x1B8B  }
0xa2: {  	_ =	swait.ge [sflag:s23], $0x1  }
0xa3: {  	[sflag:s23] =	ssyncset.done $0x0  }
0xa4: {  	s25 =	simm.s32 $0x1B8E;
	s24 =	sld [smem:$0x3FFE];
	[sflag:s23] =	ssyncadd.s32 $0xFFFFFFFF  }
0xa5: {  	s26 =	simm.s32 $execute0_lowered;
	[smem:$0x3FD2] =	sst s25  }
0xa6: {  	s4 =	sshll.u32 s26, $0x1;
	_ =	strace $0x80000052;
	[dreg:$0x1] =	wrdreg $0xFFFFFFFF  }
0xa7: {  	s28 =	simm.s32 $_size_execute0_lowered;
	s2 =	sadd.s32 s2, s4;
	[dreg:$0x0] =	wrdreg $0x0  }
0xa8: {  	s4 =	sshll.u32 s28, $0x1;
	[dreg:$0x2] =	wrdreg s2  }
0xa9: {  	[dreg:$0x3] =	wrdreg s4  }
0xaa: {  	[dreg:$0x4] =	wrdreg $0xC0  }
0xab: {  	_ =	task [dreg:s6], $0x5FFFF  }
0xac: {  	[dreg:$0x1] =	wrdreg $0xFFFFFFFF  }
0xad: {  	[dreg:$0x0] =	wrdreg $0x60  }
0xae: {  	[dreg:$0x2] =	wrdreg s24  }
0xaf: {  	[dreg:$0x3] =	wrdreg $0xBA800  }
0xb0: {  	[dreg:$0x4] =	wrdreg $0x9  }
0xb1: {  	_ =	task.clear_ibuf [dreg:s6], $0x5FFFF;
	_ =	strace $0x90000052  }
0xb2: {  	s29 =	simm.s32 $0x9;
	_ =	strace $0x80000054  }
0xb3: {  	_ =	swait.ge [sflag:s29], $0x1  }
0xb4: {  	[sflag:s29] =	ssyncadd.s32 $0xFFFFFFFF  }
0xb5: {  	_ =	strace $0x90000054  }
0xb6: {  	_ =	sfence  }
0xb7: {  	s30 =	sld [smem:$0x0];
	_ =	sdelay $0x2  }
0xb8: {  	s31 =	sshll.u32 s1, $0xD;
	s1 =	sshrl.u32 s1, $0x2  }
0xb9: {  	s3 =	sand.u32 $0x4000, s31;
	s1 =	sadd.s32 s1, s30  }
0xba: {  	s0 =	sor.u32 s3, s0;
	s1 =	sshll.u32 s1, $0x11  }
0xbb: {  	s0 =	sor.u32 s1, s0  }
0xbc: {  	s0 =	sadd.s32 $0x8F2B, s0  }
0xbd: {  	[sflag:s0] =	ssyncadd.remote.s32 $0x1  }
0xbe: {  	_ =	sfence.sel $0xFFFF  }
0xbf: {  	[dreg:$0x0] =	wrdreg $0xFFFFFFFF;
	(pc) =	sbr.abs _section_cstart, $3  }
0xc0: {  	[dreg:$0x1] =	wrdreg $0xFFFFFFFF  }
0xc1: {  	_ =	task.clear_ibuf [dreg:s6], $0x2FFFF;
	_ =	strace $0x9FFFFFFF  }
0xc2: {  	(tm) =	ssettm $0x7FFFFFFF  }
0xc3: {  	_ =	shalt  }
tec
execute0_lowered:
.L_overlay_start_1:
0x0: {  	(tag) =	ssettag $0x1  }
0x1: {  	s8 =	rddreg [dreg:$0x0]  }
0x2: {  	s10 =	rddreg [dreg:$0x1]  }
0x3: {  	s0 =	rddreg [dreg:$0x2];
	s2 =	simm.s32 $0x0;
	s3 =	srdreg.scid  }
0x4: {  	s1 =	stileid.u32;
	s16 =	simm.s32 $0x5800;
	s17 =	simm.s32 $0x6800  }
0x5: {  	s18 =	simm.s32 $0x6000;
	s19 =	simm.s32 $0x80;
	s20 =	simm.s32 $0x400  }
0x6: {  	s21 =	simm.s32 $0x1400;
	s22 =	simm.s32 $0x14000;
	s23 =	simm.s32 $0x9000  }
0x7: {  	s24 =	simm.s32 $0xB800;
	s25 =	simm.s32 $0x0;
	[smem:$0x7FF] =	sst s2  }
0x8: {  	s9 =	sand.u32 $0x1, s3;
	s11 =	smul.u32 $0x280, s1;
	s3 =	sadd.s32 $0x65E00, s8  }
0x9: {  	s4 =	sadd.s32 $0x66400, s8;
	s5 =	sadd.s32 $0xDE00, s8;
	s6 =	sadd.s32 $0x4000, s8  }
0xa: {  	s7 =	sadd.s32 $0x66A00, s8;
	s13 =	sshrl.u32 s1, $0x3;
	s31 =	smul.u32 $0x5000, s1  }
0xb: {  	s14 =	sshll.u32 s1, $0x7;
	_ =	strace $0x80000053;
	s12 =	smul.u32 $0x2800, s9  }
0xc: {  	s28 =	ssub.s32 $0x2, s9;
	s13 =	smul.u32 $0x50000, s13;
	s30 =	sshll.u32 s9, $0x4  }
0xd: {  	s14 =	sand.u32 $0x380, s14;
	s29 =	sshrl.u32 s28, $0x1;
	s15 =	sshrl.u32 s31, $0x2  }
0xe: {  	s11 =	sadd.s32 s11, s12;
	s12 =	ssub.s32 s28, s29;
	s13 =	sshrl.u32 s13, $0x2  }
0xf: {  	s11 =	sshrl.u32 s11, $0x3;
	s13 =	sadd.s32 s13, s10;
	s10 =	sadd.s32 s15, s10  }
0x10: {  	s12 =	smax.u32 s12, $0x1;
	s15 =	simm.s32 $0x5000;
	s11 =	sadd.s32 s11, s8  }
0x11: {  	s8 =	sor.u32 s1, s30;
	s9 =	sadd.s32 s14, s13;
	s13 =	simm.s32 $0x1  }
0x12: {  	v0 =	vimm.f32 $0.0e+00;
	s14 =	simm.s32 $0x2800;
	s8 =	smul.u32 $0x2710, s8;
	s11 =	sadd.s32 $0x70800, s11  }
.LBB2_1:
0x13: {  	[tilespmem:s2], [sflag:$0x1] =	stream.linear.gather [hbm4b:s3+s2], $0x2800, $0x38;
	[tilespmem:$0xE280] =	vst v63  }
0x14: {  	_ =	swait.ge [sflag:s13], $0x2800  }
0x15: {  	[sflag:s13] =	ssyncset.done $0x0  }
0x16: {  	[sflag:s13] =	ssyncadd.s32 $0xFFFFD800  }
0x17: {  	[tilespmem:s14], [sflag:$0x1] =	stream.linear.gather [hbm4b:s4+s2], $0x2800, $0x38;
	[tilespmem:$0xE280] =	vst v63  }
0x18: {  	_ =	swait.ge [sflag:s13], $0x2800  }
0x19: {  	[sflag:s13] =	ssyncset.done $0x0  }
0x1a: {  	s26 =	simm.s32 $0x0;
	[sflag:s13] =	ssyncadd.s32 $0xFFFFD800  }
.LBB2_2:
0x1b: {  	p0 =	sne.s32 s26, $0x9FC0  }
.Ltmp0:
0x1c: {  	_ = 	snop;
	(pc) =	sbr.rel @p0 .LBB2_2-.Ltmp0, $3  }
0x1d: {  	_ =	sdelay $0x1  }
0x1e: {  	s28 =	sshra.s32 s26, $0x2  }
0x1f: {  	s26 =	sadd.s32 $0x40, s26;
	[tilespmem:s28+$0x6800] =	vst v0  }
0x20: {  	s28 =	simm.s32 $0x0  }
0x21: {  	v2 =	vld [tilespmem:s28+$0x2800]  }
0x22: {  	v1 =	vimm.f32 $-1.000000020e+30;
	s26 =	simm.s32 $0x40;
	v3 =	vimm.f32 $-1.000000020e+30;
	v4 =	vld [tilespmem:s28+$0x0]  }
.LBB2_4:
0x23: {  	p0 =	sne.s32 s26, $0x9FC0  }
.Ltmp1:
0x24: {  	_ = 	snop;
	(pc) =	sbr.rel @p0 .LBB2_4-.Ltmp1, $4  }
0x25: {  	_ = 	snop  }
0x26: {  	s28 =	sshra.s32 s26, $0x2;
	s26 =	sadd.s32 $0x40, s26;
	v1 =	vmax.f32 v1, v2  }
0x27: {  	v2 =	vld [tilespmem:s28+$0x2800];
	v3 =	vmax.f32 v3, v4  }
0x28: {  	v4 =	vld [tilespmem:s28+$0x0]  }
0x29: {  	_ =	sdelay $0x3  }
0x2a: {  	v3 =	vmax.f32 v3, v4  }
0x2b: {  	v1 =	vmax.f32 v1, v2;
	(v2sf) =	vpush v3, $0x0  }
0x2c: {  	(v2sf) =	vpush v1, $0x0  }
0x2d: {  	(v2sf) =	vpush v3, $0x1  }
0x2e: {  	(v2sf) =	vpush v1, $0x1  }
0x2f: {  	(v2sf) =	vpush v3, $0x2  }
0x30: {  	(v2sf) =	vpush v1, $0x2  }
0x31: {  	(v2sf) =	vpush v3, $0x3  }
0x32: {  	(v2sf) =	vpush v1, $0x3  }
0x33: {  	(v2sf) =	vpush v3, $0x4  }
0x34: {  	(v2sf) =	vpush v1, $0x4  }
0x35: {  	(v2sf) =	vpush v3, $0x5  }
0x36: {  	(v2sf) =	vpush v1, $0x5  }
0x37: {  	(v2sf) =	vpush v3, $0x6  }
0x38: {  	(v2sf) =	vpush v1, $0x6  }
0x39: {  	(v2sf) =	vpush v3, $0x7  }
0x3a: {  	s26 =	spop (v2sf);
	(v2sf) =	vpush v1, $0x7  }
0x3b: {  	s28 =	spop (v2sf);
	(v2sf) =	vpush v3, $0x8  }
0x3c: {  	s29 =	spop (v2sf);
	(v2sf) =	vpush v1, $0x8  }
0x3d: {  	s30 =	spop (v2sf);
	(v2sf) =	vpush v3, $0x9  }
0x3e: {  	s26 =	smax.f32 s26, s29;
	s29 =	spop (v2sf);
	(v2sf) =	vpush v1, $0x9  }
0x3f: {  	s28 =	smax.f32 s28, s30;
	s31 =	spop (v2sf);
	(v2sf) =	vpush v3, $0xA  }
0x40: {  	s26 =	smax.f32 s26, s29;
	s29 =	spop (v2sf);
	(v2sf) =	vpush v1, $0xA  }
0x41: {  	s28 =	smax.f32 s28, s31;
	s31 =	spop (v2sf);
	(v2sf) =	vpush v3, $0xB  }
0x42: {  	s26 =	smax.f32 s26, s29;
	s29 =	spop (v2sf);
	(v2sf) =	vpush v1, $0xB  }
0x43: {  	s28 =	smax.f32 s28, s31;
	s31 =	spop (v2sf);
	(v2sf) =	vpush v3, $0xC  }
0x44: {  	s26 =	smax.f32 s26, s29;
	s29 =	spop (v2sf);
	(v2sf) =	vpush v1, $0xC  }
0x45: {  	s28 =	smax.f32 s28, s31;
	s31 =	spop (v2sf);
	(v2sf) =	vpush v3, $0xD  }
0x46: {  	s26 =	smax.f32 s26, s29;
	s29 =	spop (v2sf);
	(v2sf) =	vpush v1, $0xD  }
0x47: {  	s28 =	smax.f32 s28, s31;
	s31 =	spop (v2sf);
	(v2sf) =	vpush v3, $0xE  }
0x48: {  	s26 =	smax.f32 s26, s29;
	s29 =	spop (v2sf);
	(v2sf) =	vpush v1, $0xE  }
0x49: {  	s28 =	smax.f32 s28, s31;
	s31 =	spop (v2sf);
	(v2sf) =	vpush v3, $0xF  }
0x4a: {  	s26 =	smax.f32 s26, s29;
	s29 =	spop (v2sf);
	(v2sf) =	vpush v1, $0xF  }
0x4b: {  	s28 =	smax.f32 s28, s31;
	s31 =	spop (v2sf)  }
0x4c: {  	s26 =	smax.f32 s26, s29;
	s29 =	spop (v2sf)  }
0x4d: {  	s28 =	smax.f32 s28, s31;
	s31 =	spop (v2sf)  }
0x4e: {  	s26 =	smax.f32 s26, s29;
	s29 =	spop (v2sf)  }
0x4f: {  	s28 =	smax.f32 s28, s31;
	s31 =	spop (v2sf)  }
0x50: {  	s26 =	smax.f32 s26, s29;
	s29 =	spop (v2sf)  }
0x51: {  	s28 =	smax.f32 s28, s31;
	s31 =	spop (v2sf)  }
0x52: {  	s26 =	smax.f32 s26, s29;
	s29 =	spop (v2sf)  }
0x53: {  	s28 =	smax.f32 s28, s31;
	s31 =	spop (v2sf)  }
0x54: {  	s26 =	smax.f32 s26, s29;
	s29 =	spop (v2sf)  }
0x55: {  	s28 =	smax.f32 s28, s31;
	s31 =	spop (v2sf)  }
0x56: {  	s26 =	smax.f32 s26, s29;
	s29 =	spop (v2sf)  }
0x57: {  	s28 =	smax.f32 s28, s31;
	s31 =	spop (v2sf)  }
0x58: {  	s26 =	smax.f32 s26, s29;
	s29 =	spop (v2sf)  }
0x59: {  	s28 =	smax.f32 s28, s31;
	s31 =	spop (v2sf)  }
0x5a: {  	s26 =	smax.f32 s26, s29;
	s28 =	smax.f32 s28, s31  }
0x5b: {  	s26 =	sadd.f32 s28, s26;
	_ =	sdelay $0x1  }
0x5c: {  	p0 =	sgt.f32 s26, $0.0e+00;
	s28 =	smul.f32 $2.000000030e-01, s26  }
0x5d: {  	_ = 	snop  }
0x5e: {  	s28 =	smov.u32 @p0 s26  }
0x5f: {  	s26 =	simm.s32 $0x0;
	v1 =	vmov s28;
	s28 =	simm.s32 $0x0  }
.LBB2_6:
0x60: {  	s29 =	smul.u32 $0x7D0, s28;
	_ =	sdelay $0x1  }
0x61: {  	s29 =	sadd.s32 s8, s29  }
0x62: {  	s29 =	sshrl.u32 s29, $0x3  }
0x63: {  	s30 =	sadd.s32 s5, s29  }
0x64: {  	[tilespmem:s15], [sflag:$0x1] =	stream.linear.gather [hbm4b:s30+s26], $0x7D0, $0x38;
	[tilespmem:$0xE280] =	vst v63  }
0x65: {  	_ =	swait.ge [sflag:s13], $0x7D0  }
0x66: {  	[sflag:s13] =	ssyncset.done $0x0  }
0x67: {  	s30 =	sadd.s32 s6, s29;
	[sflag:s13] =	ssyncadd.s32 $0xFFFFF830  }
0x68: {  	[tilespmem:s16], [sflag:$0x1] =	stream.linear.gather [hbm4b:s30+s26], $0x7D0, $0x38;
	[tilespmem:$0xE280] =	vst v63  }
0x69: {  	_ =	swait.ge [sflag:s13], $0x7D0  }
0x6a: {  	[sflag:s13] =	ssyncset.done $0x0  }
0x6b: {  	s30 =	simm.s32 $0x0;
	[sflag:s13] =	ssyncadd.s32 $0xFFFFF830  }
0x6c: {  	v2 =	vld [tilespmem:s30+$0x5800]  }
0x6d: {  	s31 =	simm.s32 $0x40;
	v3 =	vld [tilespmem:s30+$0x5000]  }
.LBB2_7:
0x6e: {  	p0 =	sne.s32 s31, $0x1F00;
	_ =	sdelay $0x5  }
0x6f: {  	v4 =	vld.idx.msk [tilespmem:v2+s14+$0x0], $0xffff  }
0x70: {  	v3 =	vld.idx.msk [tilespmem:v3+s2+$0x0], $0xffff;
	_ =	sdelay $0x5  }
0x71: {  	v3 =	vadd.f32 v4, v3;
	_ =	sdelay $0x1  }
0x72: {  	v4 =	vmul.f32 $2.000000030e-01, v3  }
0x73: {  	vm0 =	vgt.f32 v3, $0.0e+00  }
0x74: {  	v3 =	vsel vm0, v3, v4  }
0x75: {  	v3 =	vsub.f32 v3, v1;
	_ =	sdelay $0x1  }
0x76: {  	v3 =	vmul.f32 $1.442695020e+00, v3;
	_ =	sdelay $0x1  }
0x77: {  	(erf) = vpow2.f32 v3;
	_ =	sdelay $0x8  }
.Ltmp2:
0x78: {  	v3 =	vpop (erf);
	(pc) =	sbr.rel @p0 .LBB2_7-.Ltmp2, $4  }
0x79: {  	[tilespmem:s30+$0x6000] =	vst v3  }
0x7a: {  	s30 =	sshra.s32 s31, $0x2;
	[tilespmem:v2+s17+$0x0] =	vst.idx.add.f32.msk $0xffff, v3  }
0x7b: {  	v2 =	vld [tilespmem:s30+$0x5800]  }
0x7c: {  	s31 =	sadd.s32 $0x40, s31;
	v3 =	vld [tilespmem:s30+$0x5000]  }
0x7d: {  	_ =	sdelay $0x6  }
0x7e: {  	v4 =	vld.idx.msk [tilespmem:v2+s14+$0x0], $0xffff  }
0x7f: {  	v3 =	vld.idx.msk [tilespmem:v3+s2+$0x0], $0xffff;
	_ =	sdelay $0x4  }
0x80: {  	v3 =	vadd.f32 v4, v3;
	_ =	sdelay $0x1  }
0x81: {  	v4 =	vmul.f32 $2.000000030e-01, v3  }
0x82: {  	vm0 =	vgt.f32 v3, $0.0e+00  }
0x83: {  	v3 =	vsel vm0, v3, v4  }
0x84: {  	v3 =	vsub.f32 v3, v1;
	_ =	sdelay $0x1  }
0x85: {  	v3 =	vmul.f32 $1.442695020e+00, v3;
	_ =	sdelay $0x1  }
0x86: {  	(erf) = vpow2.f32 v3;
	_ =	sdelay $0x8  }
0x87: {  	s28 =	sadd.s32 $0x1, s28;
	v3 =	vpop (erf)  }
0x88: {  	p0 =	sne.s32 s28, $0x5;
	[tilespmem:s30+$0x6000] =	vst v3  }
.Ltmp3:
0x89: {  	s29 =	sadd.s32 s7, s29;
	[tilespmem:v2+s17+$0x0] =	vst.idx.add.f32.msk $0xffff, v3;
	(pc) =	sbr.rel @p0 .LBB2_6-.Ltmp3, $4  }
0x8a: {  	[hbm4b:s29+s2] =	stream.linear.scatter [tilespmem:s18], [sflag:$0x1], $0x7D0, $0x38;
	[tilespmem:$0xE280] =	vst v63  }
0x8b: {  	_ =	swait.ge [sflag:s13], $0x7D0  }
0x8c: {  	[sflag:s13] =	ssyncset.done $0x0  }
0x8d: {  	[sflag:s13] =	ssyncadd.s32 $0xFFFFF830  }
0x8e: {  	[spmem:s9] =	stream.strided.scatter [tilespmem:s17], [sflag:$0x1], $0x2800, s20, s19, $0x38;
	[tilespmem:$0xE280] =	vst v63  }
0x8f: {  	_ =	swait.ge [sflag:s13], $0x2800  }
0x90: {  	[sflag:s13] =	ssyncset.done $0x0  }
0x91: {  	[sflag:s13] =	ssyncadd.s32 $0xFFFFD800  }
0x92: {  	[bflag:$0x0] =	sbarrier.arrive $0xFFFF  }
0x93: {  	[tilespmem:s23], [sflag:$0x1] =	stream.strided.gather [spmem:s10], $0x2800, s22, s21, $0x38;
	[tilespmem:$0xE280] =	vst v63  }
0x94: {  	s26 =	simm.s32 $0x0;
	_ =	swait.ge [sflag:s13], $0x2800  }
0x95: {  	s28 =	sand.u32 $0x70, s26;
	s26 =	sand.u32 $0x1C00, s26;
	[sflag:s13] =	ssyncset.done $0x0  }
0x96: {  	s26 =	sor.u32 s28, s26;
	[sflag:s13] =	ssyncadd.s32 $0xFFFFD800  }
0x97: {  	v1 =	vld [tilespmem:s26+$0x9000];
	_ =	sdelay $0x1  }
0x98: {  	v2 =	vld [tilespmem:s26+$0x9080];
	_ =	sdelay $0x1  }
0x99: {  	v3 =	vld [tilespmem:s26+$0x9100]  }
0x9a: {  	v1 =	vadd.f32 $0.0e+00, v1  }
0x9b: {  	v4 =	vld [tilespmem:s26+$0x9180]  }
0x9c: {  	v1 =	vadd.f32 v2, v1  }
0x9d: {  	v2 =	vld [tilespmem:s26+$0x9200]  }
0x9e: {  	v1 =	vadd.f32 v3, v1  }
0x9f: {  	v3 =	vld [tilespmem:s26+$0x9280]  }
0xa0: {  	v1 =	vadd.f32 v4, v1  }
0xa1: {  	v60 =	vld [tilespmem:s26+$0x9300]  }
0xa2: {  	v1 =	vadd.f32 v2, v1  }
0xa3: {  	v2 =	vld [tilespmem:s26+$0x9380]  }
0xa4: {  	v1 =	vadd.f32 v3, v1  }
0xa5: {  	v3 =	vld [tilespmem:s26+$0xA400]  }
0xa6: {  	v1 =	vadd.f32 v60, v1  }
0xa7: {  	v61 =	vld [tilespmem:s26+$0xA480]  }
0xa8: {  	v1 =	vadd.f32 v2, v1  }
0xa9: {  	v2 =	vld [tilespmem:s26+$0xA500]  }
0xaa: {  	v1 =	vadd.f32 v3, v1  }
0xab: {  	v3 =	vld [tilespmem:s26+$0xA580]  }
0xac: {  	v1 =	vadd.f32 v61, v1  }
0xad: {  	v62 =	vld [tilespmem:s26+$0xA600]  }
0xae: {  	v1 =	vadd.f32 v2, v1  }
0xaf: {  	v2 =	vld [tilespmem:s26+$0xA680]  }
0xb0: {  	v1 =	vadd.f32 v3, v1  }
0xb1: {  	v3 =	vld [tilespmem:s26+$0xA700]  }
0xb2: {  	v1 =	vadd.f32 v62, v1  }
0xb3: {  	v63 =	vld [tilespmem:s26+$0xA780]  }
0xb4: {  	v1 =	vadd.f32 v2, v1;
	_ =	sdelay $0x1  }
0xb5: {  	v1 =	vadd.f32 v3, v1  }
0xb6: {  	s29 =	simm.s32 $0x10  }
0xb7: {  	s30 =	sand.u32 $0x70, s29;
	s28 =	simm.s32 $0x80;
	v1 =	vadd.f32 v63, v1  }
0xb8: {  	s29 =	simm.s32 $0x20;
	s31 =	sand.u32 $0x1C00, s28;
	s26 =	simm.s32 $0xB800  }
.LBB2_10:
0xb9: {  	p0 =	sne.s32 s29, $0x270;
	s30 =	sor.u32 s30, s31;
	[tilespmem:s26+$0x0] =	vst v1  }
0xba: {  	v1 =	vld [tilespmem:s30+$0x9000];
	_ =	sdelay $0x1  }
0xbb: {  	v2 =	vld [tilespmem:s30+$0x9080];
	_ =	sdelay $0x1  }
0xbc: {  	v3 =	vld [tilespmem:s30+$0x9100]  }
0xbd: {  	v1 =	vadd.f32 $0.0e+00, v1  }
0xbe: {  	v4 =	vld [tilespmem:s30+$0x9180]  }
0xbf: {  	v1 =	vadd.f32 v2, v1  }
0xc0: {  	v2 =	vld [tilespmem:s30+$0x9200]  }
0xc1: {  	v1 =	vadd.f32 v3, v1  }
0xc2: {  	v3 =	vld [tilespmem:s30+$0x9280]  }
0xc3: {  	v1 =	vadd.f32 v4, v1  }
0xc4: {  	v4 =	vld [tilespmem:s30+$0x9300]  }
0xc5: {  	v1 =	vadd.f32 v2, v1  }
0xc6: {  	v2 =	vld [tilespmem:s30+$0x9380]  }
0xc7: {  	v1 =	vadd.f32 v3, v1  }
0xc8: {  	v3 =	vld [tilespmem:s30+$0xA400]  }
0xc9: {  	v1 =	vadd.f32 v4, v1  }
0xca: {  	v4 =	vld [tilespmem:s30+$0xA480]  }
0xcb: {  	v1 =	vadd.f32 v2, v1  }
0xcc: {  	v2 =	vld [tilespmem:s30+$0xA500]  }
0xcd: {  	v1 =	vadd.f32 v3, v1  }
0xce: {  	v3 =	vld [tilespmem:s30+$0xA580]  }
0xcf: {  	v1 =	vadd.f32 v4, v1  }
0xd0: {  	v4 =	vld [tilespmem:s30+$0xA600]  }
0xd1: {  	v1 =	vadd.f32 v2, v1  }
0xd2: {  	v2 =	vld [tilespmem:s30+$0xA680]  }
0xd3: {  	v1 =	vadd.f32 v3, v1  }
0xd4: {  	v3 =	vld [tilespmem:s30+$0xA700]  }
0xd5: {  	v1 =	vadd.f32 v4, v1  }
0xd6: {  	v4 =	vld [tilespmem:s30+$0xA780]  }
0xd7: {  	v1 =	vadd.f32 v2, v1  }
.Ltmp4:
0xd8: {  	(pc) =	sbr.rel @p0 .LBB2_10-.Ltmp4, $3  }
0xd9: {  	v1 =	vadd.f32 v3, v1;
	_ =	sdelay $0x1  }
0xda: {  	s28 =	sadd.s32 $0x80, s28;
	s26 =	sadd.s32 $0x10, s26;
	v1 =	vadd.f32 v4, v1  }
0xdb: {  	s31 =	sand.u32 $0x1C00, s28;
	s30 =	sand.u32 $0x70, s29;
	s29 =	sadd.s32 $0x10, s29  }
0xdc: {  	s28 =	sor.u32 s30, s31;
	[tilespmem:s26+$0x0] =	vst v1  }
0xdd: {  	v1 =	vld [tilespmem:s28+$0x9000];
	_ =	sdelay $0x1  }
0xde: {  	v2 =	vld [tilespmem:s28+$0x9080];
	_ =	sdelay $0x1  }
0xdf: {  	v3 =	vld [tilespmem:s28+$0x9100]  }
0xe0: {  	v1 =	vadd.f32 $0.0e+00, v1  }
0xe1: {  	v4 =	vld [tilespmem:s28+$0x9180]  }
0xe2: {  	v1 =	vadd.f32 v2, v1  }
0xe3: {  	v2 =	vld [tilespmem:s28+$0x9200]  }
0xe4: {  	v1 =	vadd.f32 v3, v1  }
0xe5: {  	v3 =	vld [tilespmem:s28+$0x9280]  }
0xe6: {  	v1 =	vadd.f32 v4, v1  }
0xe7: {  	v60 =	vld [tilespmem:s28+$0x9300]  }
0xe8: {  	v1 =	vadd.f32 v2, v1  }
0xe9: {  	v2 =	vld [tilespmem:s28+$0x9380]  }
0xea: {  	v1 =	vadd.f32 v3, v1  }
0xeb: {  	v3 =	vld [tilespmem:s28+$0xA400]  }
0xec: {  	v1 =	vadd.f32 v60, v1  }
0xed: {  	v61 =	vld [tilespmem:s28+$0xA480]  }
0xee: {  	v1 =	vadd.f32 v2, v1  }
0xef: {  	v2 =	vld [tilespmem:s28+$0xA500]  }
0xf0: {  	v1 =	vadd.f32 v3, v1  }
0xf1: {  	v3 =	vld [tilespmem:s28+$0xA580]  }
0xf2: {  	v1 =	vadd.f32 v61, v1  }
0xf3: {  	v62 =	vld [tilespmem:s28+$0xA600]  }
0xf4: {  	v1 =	vadd.f32 v2, v1  }
0xf5: {  	v2 =	vld [tilespmem:s28+$0xA680]  }
0xf6: {  	v1 =	vadd.f32 v3, v1  }
0xf7: {  	v3 =	vld [tilespmem:s28+$0xA700]  }
0xf8: {  	v1 =	vadd.f32 v62, v1  }
0xf9: {  	v63 =	vld [tilespmem:s28+$0xA780]  }
0xfa: {  	v1 =	vadd.f32 v2, v1;
	_ =	sdelay $0x1  }
0xfb: {  	v1 =	vadd.f32 v3, v1;
	_ =	sdelay $0x1  }
0xfc: {  	s25 =	sadd.s32 $0x1, s25;
	v1 =	vadd.f32 v63, v1  }
0xfd: {  	s31 =	sadd.s32 $0x10, s26;
	p0 =	sne.s32 s25, s12  }
.Ltmp5:
0xfe: {  	[tilespmem:s31+$0x0] =	vst v1;
	(pc) =	sbr.rel @p0 .LBB2_1-.Ltmp5, $4  }
0xff: {  	[hbm4b:s11+s2] =	stream.linear.scatter [tilespmem:s24], [sflag:$0x1], $0x280, $0x38;
	[tilespmem:$0xE280] =	vst v63  }
0x100: {  	_ =	swait.ge [sflag:s13], $0x280  }
0x101: {  	[sflag:s13] =	ssyncset.done $0x0  }
0x102: {  	[sflag:s13] =	ssyncadd.s32 $0xFFFFFD80  }
0x103: {  	_ =	sfence.sel $0x180000  }
0x104: {  	[bflag:$0x0] =	sbarrier.arrive $0xFFFF  }
0x105: {  	p0 =	sne.s32 s1, $0x0;
	_ =	strace $0x90000053  }
0x106: {  	s0 =	sadd.s32 @!p0 $0x100000, s0;
	[bflag:$0x2] =	sbarrier.arrive $0xFFFF  }
0x107: {  	[sflag:s0] =	ssyncadd.tile.s32 @!p0 $0x1;
	_ =	shalt  }
.Lfunc_end2:
_tile_overlayer_lowered:
.L_overlay_start_2:
0x108: {  	(tag) =	ssettag $0x2  }
0x109: {  	s0 =	rddreg [dreg:$0x0];
	s2 =	stileid.u32  }
0x10a: {  	s1 =	rddreg [dreg:$0x1];
	p0 =	sne.s32 s2, $0x0  }
0x10b: {  	s3 =	rddreg [dreg:$0x2];
	[bflag:$0x3] =	sbarrier.arrive $0xFFFF;
	s2 =	simm.s32 @!p0 $0x1C01  }
0x10c: {  	[timem:s3], [sflag:s2] =	dma.local @!p0 [hbm:s0], s1  }
0x10d: {  	s0 =	simm.s32 @!p0 $0x1  }
0x10e: {  	_ =	swait.ge @!p0 [sflag:s0], s1  }
0x10f: {  	s1 =	ssub.s32 @!p0 $0x0, s1;
	[sflag:s0] =	ssyncset.done @!p0 $0x0  }
0x110: {  	[sflag:s0] =	ssyncadd.s32 @!p0 s1  }
0x111: {  	[bflag:$0x3] =	sbarrier.arrive $0xFFFF  }
0x112: {  	_ =	shalt  }

// kernel: kernel.27.cloned.1.call-start
scs
__scs_entry_jumppad:
0x0: {  	(pc) =	sbr.rel $0x88, $3  }
0x1: {  	(tag) =	ssettag $0x0;
	lr =	simm.s32 $0x1  }
0x2: {  	[smem:$0x3F8E] =	sst lr;
	_ =	strace $0xD0000000  }
0x3: {  	_ = 	snop  }
0x4: {  	_ = 	snop  }
0x5: {  	_ = 	snop  }
0x6: {  	_ = 	snop  }
0x7: {  	_ = 	snop  }
__scs_overlays_trampoline_lowered:
0x8: {  	[smem:$0x3F9D] =	sst s0  }
0x9: {  	[smem:$0x3F9E] =	sst s1  }
0xa: {  	[smem:$0x3F9F] =	sst s2  }
0xb: {  	[smem:$0x3FA0] =	sst s3  }
0xc: {  	[smem:$0x3FA1] =	sst s4  }
0xd: {  	[smem:$0x3FA2] =	sst s5  }
0xe: {  	[smem:$0x3FA3] =	sst s6  }
0xf: {  	[smem:$0x3FA4] =	sst s7  }
0x10: {  	[smem:$0x3FA5] =	sst s8  }
0x11: {  	[smem:$0x3FA6] =	sst s9;
	s0 =	simm.s32 @!p0 $0x0  }
0x12: {  	s1 =	sld [smem:$0x3F8C];
	s0 =	simm.s32 @p0 $0x1  }
0x13: {  	[smem:$0x3FA7] =	sst s0;
	s0 =	simm.s32 @!p1 $0x0  }
0x14: {  	s2 =	sld [smem:$0x3F8B];
	s0 =	simm.s32 @p1 $0x1  }
0x15: {  	[smem:$0x3FA8] =	sst s0;
	s0 =	simm.s32 @!p2 $0x0  }
0x16: {  	s3 =	sld [smem:$0x3FDB];
	s0 =	simm.s32 @p2 $0x1  }
0x17: {  	s4 =	simm.s32 $0x1BF5;
	[smem:$0x3FAA] =	sst s0  }
0x18: {  	s0 =	sld [smem:$0x3F8D];
	_ =	swait.ge [sflag:s4], $0x0  }
0x19: {  	s7 =	sld [smem:$0x3F8E]  }
0x1a: {  	s8 =	sadd.s32 $0xFFFFE003, lr  }
0x1b: {  	s9 =	sadd.s32 $0xFFFFFEF7, lr;
	s5 =	simm.s32 $0xFFFFFFFF;
	p2 =	slt.u32 s8, $0xFFFFF086  }
0x1c: {  	p1 =	slt.u32 s9, $0xF7A;
	s5 =	simm.s32 @!p2 $0x0  }
0x1d: {  	s5 =	simm.s32 @p1 $0x1;
	p0 =	seq.s32 s7, s2  }
0x1e: {  	s7 =	smul.u32 @!p0 $0xF7A, s2;
	p2 =	seq.s32 @!p0 s5, $0x0  }
0x1f: {  	s9 =	smul.u32 $0xF7A, s1;
	s8 =	simm.s32 @!p0 $0x1BF5;
	p2 =	por !p2, p0  }
0x20: {  	[sflag:s8] =	ssyncset.s32 @!p0 $0xFFFFF086;
	s6 =	sadd.s32 @!p0 s3, s7;
	s7 =	simm.s32 @!p0 $0x108  }
0x21: {  	s3 =	sadd.s32 s3, s9;
	s6 =	sadd.s32 @!p0 $0x88, s6;
	s7 =	simm.s32 @p2 $0x1082  }
0x22: {  	[simem:s7], [sflag:s8] =	dma.local @!p0 [hbm:s6], $0xF7A  }
0x23: {  	s9 =	sor.u32 $0xD0000000, s2;
	s6 =	simm.s32 $0x108;
	_ =	swait.ge @!p0 [sflag:s8], $0x0  }
0x24: {  	s3 =	sadd.s32 $0x88, s3;
	s6 =	simm.s32 @!p1 $0x1082;
	[sflag:s4] =	ssyncset.s32 $0xFFFFF086  }
0x25: {  	[simem:s6], [sflag:s4] =	dma.local [hbm:s3], $0xF7A  }
0x26: {  	[smem:$0x3F8E] =	sst s1;
	(tag) =	ssettag s2;
	_ =	strace s9  }
0x27: {  	s1 =	sld [smem:$0x3F9E]  }
0x28: {  	s2 =	sld [smem:$0x3F9F]  }
0x29: {  	s4 =	sld [smem:$0x3FA1]  }
0x2a: {  	p0 =	seq.s32 s5, $0x0;
	s5 =	sld [smem:$0x3FA2]  }
0x2b: {  	s6 =	sld [smem:$0x3FA3]  }
0x2c: {  	s7 =	sld [smem:$0x3FA4]  }
0x2d: {  	s3 =	simm.s32 $0x108;
	s8 =	sld [smem:$0x3FA5]  }
0x2e: {  	s3 =	simm.s32 @!p0 $0x1082;
	s9 =	sld [smem:$0x3FA6]  }
0x2f: {  	lr =	sadd.s32 s0, s3;
	s0 =	sld [smem:$0x3F9D]  }
0x30: {  	s3 =	sld [smem:$0x3FA0]  }
0x31: {  	[smem:$0x3FA9] =	sst s10  }
0x32: {  	s10 =	sld [smem:$0x3FA7];
	_ =	sdelay $0x3  }
0x33: {  	p0 =	seq.s32 s10, $0x1;
	s10 =	sld [smem:$0x3FA9];
	_ =	sdelay $0x3  }
0x34: {  	[smem:$0x3FA9] =	sst s10  }
0x35: {  	s10 =	sld [smem:$0x3FA8];
	_ =	sdelay $0x3  }
0x36: {  	p1 =	seq.s32 s10, $0x1;
	s10 =	sld [smem:$0x3FA9];
	_ =	sdelay $0x3  }
0x37: {  	[smem:$0x3FA9] =	sst s10  }
0x38: {  	s10 =	sld [smem:$0x3FAA]  }
0x39: {  	_ = 	snop;
	(pc) =	sbr.ind lr, $3  }
0x3a: {  	_ = 	snop  }
0x3b: {  	_ = 	snop  }
0x3c: {  	p2 =	seq.s32 s10, $0x1;
	s10 =	sld [smem:$0x3FA9]  }
0x3d: {  	_ =	shalt  }
0x3e: {  	_ =	shalt  }
0x3f: {  	_ =	shalt  }
0x40: {  	_ =	shalt  }
0x41: {  	_ =	shalt  }
0x42: {  	_ =	shalt  }
0x43: {  	_ =	shalt  }
0x44: {  	_ =	shalt  }
0x45: {  	_ =	shalt  }
0x46: {  	_ =	shalt  }
0x47: {  	_ =	shalt  }
0x48: {  	_ =	shalt  }
0x49: {  	_ =	shalt  }
0x4a: {  	_ =	shalt  }
0x4b: {  	_ =	shalt  }
0x4c: {  	_ =	shalt  }
0x4d: {  	_ =	shalt  }
0x4e: {  	_ =	shalt  }
0x4f: {  	_ =	shalt  }
0x50: {  	_ =	shalt  }
0x51: {  	_ =	shalt  }
0x52: {  	_ =	shalt  }
0x53: {  	_ =	shalt  }
0x54: {  	_ =	shalt  }
0x55: {  	_ =	shalt  }
0x56: {  	_ =	shalt  }
0x57: {  	_ =	shalt  }
0x58: {  	_ =	shalt  }
0x59: {  	_ =	shalt  }
0x5a: {  	_ =	shalt  }
0x5b: {  	_ =	shalt  }
0x5c: {  	_ =	shalt  }
0x5d: {  	_ =	shalt  }
0x5e: {  	_ =	shalt  }
0x5f: {  	_ =	shalt  }
0x60: {  	_ =	shalt  }
0x61: {  	_ =	shalt  }
0x62: {  	_ =	shalt  }
0x63: {  	_ =	shalt  }
0x64: {  	_ =	shalt  }
0x65: {  	_ =	shalt  }
0x66: {  	_ =	shalt  }
0x67: {  	_ =	shalt  }
0x68: {  	_ =	shalt  }
0x69: {  	_ =	shalt  }
0x6a: {  	_ =	shalt  }
0x6b: {  	_ =	shalt  }
0x6c: {  	_ =	shalt  }
0x6d: {  	_ =	shalt  }
0x6e: {  	_ =	shalt  }
0x6f: {  	_ =	shalt  }
0x70: {  	_ =	shalt  }
0x71: {  	_ =	shalt  }
0x72: {  	_ =	shalt  }
0x73: {  	_ =	shalt  }
0x74: {  	_ =	shalt  }
0x75: {  	_ =	shalt  }
0x76: {  	_ =	shalt  }
0x77: {  	_ =	shalt  }
0x78: {  	_ =	shalt  }
0x79: {  	_ =	shalt  }
0x7a: {  	_ =	shalt  }
0x7b: {  	_ =	shalt  }
0x7c: {  	_ =	shalt  }
0x7d: {  	_ =	shalt  }
0x7e: {  	_ =	shalt  }
0x7f: {  	_ =	shalt  }
0x80: {  	_ =	shalt  }
0x81: {  	_ =	shalt  }
0x82: {  	_ =	shalt  }
0x83: {  	_ =	shalt  }
0x84: {  	_ =	shalt  }
0x85: {  	_ =	shalt  }
0x86: {  	_ =	shalt  }
0x87: {  	_ =	shalt  }
.Lfunc_end0:
.L_simem_size_0:
called_computation.5_lowered:
.L_overlay_start_0:
0x88: {  	s2 =	sld [smem:$0x3FD9]  }
0x89: {  	s3 =	sld [smem:$0x3FFE];
	_ =	sdelay $0x1  }
0x8a: {  	s1 =	srdreg.scid  }
0x8b: {  	s0 =	sand.u32 $0x1, s1  }
0x8c: {  	s16 =	sshll.u32 s0, $0xA;
	s2 =	sadd.s32 s3, s2  }
0x8d: {  	s2 =	sadd.s32 s2, s16  }
0x8e: {  	[smem:$0x3FB5] =	sst s2  }
0x8f: {  	_ = 	snop  }
0x90: {  	(tm) =	ssettm $0x1  }
0x91: {  	s17 =	sld [smem:$0x3FFB];
	_ =	sdelay $0x3  }
0x92: {  	_ =	strace s17  }
0x93: {  	s2 =	sld [smem:$0x3FFC];
	_ =	sdelay $0x3  }
0x94: {  	_ =	strace s2  }
0x95: {  	s2 =	sld [smem:$0x3FFD];
	_ =	sdelay $0x3  }
0x96: {  	_ =	strace s2  }
0x97: {  	_ =	strace $0x8FFFFFFF  }
0x98: {  	s18 =	sld [smem:$0x3FDB];
	_ =	sdelay $0x1  }
0x99: {  	s19 =	simm.s32 $_scs_section_size  }
0x9a: {  	s4 =	simm.s32 $_size__tile_overlayer_lowered;
	s5 =	simm.s32 $_tile_overlayer_lowered  }
0x9b: {  	s22 =	simm.s32 $0x1BFF;
	s21 =	sshll.u32 s5, $0x1;
	s2 =	sadd.s32 s19, s18  }
0x9c: {  	s6 =	simm.s32 $0x0;
	s20 =	sshll.u32 s4, $0x1;
	s4 =	sadd.s32 s21, s2  }
0x9d: {  	[timem:s6], [sflag:s22] =	dma.local [hbm:s4], s20  }
0x9e: {  	_ =	swait.ge [sflag:s22], s20  }
0x9f: {  	s3 =	ssub.s32 $0x0, s20;
	[sflag:s22] =	ssyncset.done $0x0  }
0xa0: {  	[sflag:s22] =	ssyncadd.s32 s3;
	_ =	sdelay $0x1  }
0xa1: {  	s23 =	simm.s32 $0x1B8B  }
0xa2: {  	_ =	swait.ge [sflag:s23], $0x1  }
0xa3: {  	[sflag:s23] =	ssyncset.done $0x0  }
0xa4: {  	s25 =	simm.s32 $0x1B8E;
	s24 =	sld [smem:$0x3FFE];
	[sflag:s23] =	ssyncadd.s32 $0xFFFFFFFF  }
0xa5: {  	s26 =	simm.s32 $execute0_lowered;
	[smem:$0x3FD2] =	sst s25  }
0xa6: {  	s4 =	sshll.u32 s26, $0x1;
	_ =	strace $0x80000055;
	[dreg:$0x1] =	wrdreg $0xFFFFFFFF  }
0xa7: {  	s28 =	simm.s32 $_size_execute0_lowered;
	s2 =	sadd.s32 s2, s4;
	[dreg:$0x0] =	wrdreg $0x0  }
0xa8: {  	s4 =	sshll.u32 s28, $0x1;
	[dreg:$0x2] =	wrdreg s2  }
0xa9: {  	[dreg:$0x3] =	wrdreg s4  }
0xaa: {  	[dreg:$0x4] =	wrdreg $0xC0  }
0xab: {  	_ =	task [dreg:s6], $0x5FFFF  }
0xac: {  	[dreg:$0x1] =	wrdreg $0xFFFFFFFF  }
0xad: {  	[dreg:$0x0] =	wrdreg $0x60  }
0xae: {  	[dreg:$0x2] =	wrdreg s24  }
0xaf: {  	[dreg:$0x3] =	wrdreg $0xBC000  }
0xb0: {  	[dreg:$0x4] =	wrdreg $0x9  }
0xb1: {  	_ =	task.clear_ibuf [dreg:s6], $0x5FFFF;
	_ =	strace $0x90000055  }
0xb2: {  	s29 =	simm.s32 $0x9;
	_ =	strace $0x80000057  }
0xb3: {  	_ =	swait.ge [sflag:s29], $0x1  }
0xb4: {  	[sflag:s29] =	ssyncadd.s32 $0xFFFFFFFF  }
0xb5: {  	_ =	strace $0x90000057  }
0xb6: {  	_ =	sfence  }
0xb7: {  	s30 =	sld [smem:$0x0];
	_ =	sdelay $0x2  }
0xb8: {  	s31 =	sshll.u32 s1, $0xD;
	s1 =	sshrl.u32 s1, $0x2  }
0xb9: {  	s3 =	sand.u32 $0x4000, s31;
	s1 =	sadd.s32 s1, s30  }
0xba: {  	s0 =	sor.u32 s3, s0;
	s1 =	sshll.u32 s1, $0x11  }
0xbb: {  	s0 =	sor.u32 s1, s0  }
0xbc: {  	s0 =	sadd.s32 $0x8F2B, s0  }
0xbd: {  	[sflag:s0] =	ssyncadd.remote.s32 $0x1  }
0xbe: {  	_ =	sfence.sel $0xFFFF  }
0xbf: {  	[dreg:$0x0] =	wrdreg $0xFFFFFFFF;
	(pc) =	sbr.abs _section_cstart, $3  }
0xc0: {  	[dreg:$0x1] =	wrdreg $0xFFFFFFFF  }
0xc1: {  	_ =	task.clear_ibuf [dreg:s6], $0x2FFFF;
	_ =	strace $0x9FFFFFFF  }
0xc2: {  	(tm) =	ssettm $0x7FFFFFFF  }
0xc3: {  	_ =	shalt  }
tec
execute0_lowered:
.L_overlay_start_1:
0x0: {  	(tag) =	ssettag $0x1  }
0x1: {  	s0 =	rddreg [dreg:$0x0]  }
0x2: {  	s2 =	rddreg [dreg:$0x1]  }
0x3: {  	s1 =	srdreg.scid;
	s11 =	stileid.u32  }
0x4: {  	s3 =	simm.s32 $0x0;
	s28 =	simm.s32 $0x2000;
	s30 =	simm.s32 $0x4000  }
0x5: {  	s31 =	simm.s32 $0x1;
	s15 =	simm.s32 $0x6;
	s8 =	smul.u32 $0x2800, s11  }
0x6: {  	s29 =	simm.s32 $0x9380;
	s1 =	sand.u32 $0x1, s1;
	s10 =	smul.u32 $0x50000, s11  }
0x7: {  	[smem:$0x7FF] =	sst s3;
	s4 =	sadd.s32 $0x17C00, s0;
	s5 =	sadd.s32 $0x71200, s0  }
0x8: {  	s6 =	sadd.s32 $0x85200, s0;
	s7 =	sadd.s32 $0x99200, s0;
	s10 =	sshrl.u32 s10, $0x2  }
0x9: {  	s9 =	smul.u32 $0x28000, s1;
	_ =	strace $0x80000056;
	s19 =	sadd.s32 s10, s2  }
0xa: {  	s12 =	ssub.s32 $0x2, s1;
	s16 =	sadd.s32 $0x2000, s19;
	[dreg:$0x3] =	wrdreg s19  }
0xb: {  	s14 =	smul.u32 $0x2710, s1;
	s17 =	sadd.s32 $0x4000, s19;
	[dreg:$0x4] =	wrdreg s16  }
0xc: {  	s1 =	simm.s32 $0x6000;
	s18 =	sadd.s32 $0x6000, s19;
	[dreg:$0x5] =	wrdreg s17  }
0xd: {  	s13 =	sshrl.u32 s12, $0x1;
	s20 =	sadd.s32 $0x8000, s19;
	[dreg:$0x6] =	wrdreg s18  }
0xe: {  	s8 =	sadd.s32 s8, s9;
	s21 =	sadd.s32 $0xA000, s19;
	[dreg:$0x7] =	wrdreg s20  }
0xf: {  	s9 =	simm.s32 $0x2;
	s22 =	sadd.s32 $0xC000, s19;
	[dreg:$0x8] =	wrdreg s21  }
0x10: {  	s10 =	simm.s32 $0xA700;
	s23 =	sadd.s32 $0xE000, s19;
	[dreg:$0x9] =	wrdreg s22  }
0x11: {  	s0 =	sadd.s32 s8, s0;
	s24 =	sadd.s32 $0x10000, s19;
	[dreg:$0xa] =	wrdreg s23  }
0x12: {  	s8 =	ssub.s32 s12, s13;
	s25 =	sadd.s32 $0x12000, s19;
	[dreg:$0xb] =	wrdreg s24  }
0x13: {  	s13 =	simm.s32 $0x3;
	s12 =	simm.s32 $0xA780;
	[dreg:$0xc] =	wrdreg s25  }
0x14: {  	s18 =	smul.u32 $0x140, s11;
	s0 =	sadd.s32 $0xAD200, s0;
	s26 =	smax.u32 s8, $0x1  }
0x15: {  	s21 =	simm.s32 $0x9;
	s22 =	simm.s32 $0x8000;
	s23 =	simm.s32 $0x9400  }
0x16: {  	s25 =	simm.s32 $0x40;
	s11 =	simm.s32 $0x5;
	s17 =	simm.s32 $0x4  }
0x17: {  	s20 =	simm.s32 $0x7;
	s8 =	simm.s32 $0x8;
	[dreg:$0xd] =	wrdreg s0  }
0x18: {  	v1 =	vimm.f32 $0.0e+00;
	v0 =	vmov s14;
	s16 =	simm.s32 $0x0;
	[dreg:$0xe] =	wrdreg s26;
	s0 =	simm.s32 $0xA680  }
.LBB2_1:
0x19: {  	[dreg:$0xf] =	wrdreg s16;
	s14 =	simm.s32 $0x0;
	s16 =	simm.s32 $0x200  }
.LBB2_2:
0x1a: {  	p0 =	sne.s32 s16, $0x7E00;
	[tilespmem:s14+$0x70] =	vst v1  }
0x1b: {  	[tilespmem:s14+$0x0] =	vst v1  }
0x1c: {  	[tilespmem:s14+$0x10] =	vst v1  }
.Ltmp0:
0x1d: {  	[tilespmem:s14+$0x20] =	vst v1;
	(pc) =	sbr.rel @p0 .LBB2_2-.Ltmp0, $4  }
0x1e: {  	[tilespmem:s14+$0x30] =	vst v1  }
0x1f: {  	[tilespmem:s14+$0x40] =	vst v1  }
0x20: {  	[tilespmem:s14+$0x50] =	vst v1  }
0x21: {  	[tilespmem:s14+$0x60] =	vst v1;
	s14 =	sshra.s32 s16, $0x2;
	s16 =	sadd.s32 $0x200, s16  }
0x22: {  	[tilespmem:s14+$0x70] =	vst v1  }
0x23: {  	[tilespmem:s14+$0x0] =	vst v1  }
0x24: {  	[tilespmem:s14+$0x10] =	vst v1  }
0x25: {  	[tilespmem:s14+$0x20] =	vst v1  }
0x26: {  	[tilespmem:s14+$0x30] =	vst v1  }
0x27: {  	[tilespmem:s14+$0x40] =	vst v1  }
0x28: {  	[tilespmem:s14+$0x50] =	vst v1  }
0x29: {  	[tilespmem:s14+$0x60] =	vst v1;
	s14 =	simm.s32 $0x0  }
0x2a: {  	[spmem:s19] =	stream.linear.scatter [tilespmem:s14], [sflag:$0x9], $0x2000, $0x38;
	[tilespmem:$0x1FC00] =	vst v63  }
0x2b: {  	_ =	swait.ge [sflag:s21], $0x2000  }
0x2c: {  	[sflag:s21] =	ssyncset.done $0x0  }
0x2d: {  	s16 =	rddreg [dreg:$0x4];
	[sflag:s21] =	ssyncadd.s32 $0xFFFFE000  }
0x2e: {  	[spmem:s16] =	stream.linear.scatter [tilespmem:s14], [sflag:$0x9], $0x2000, $0x38;
	[tilespmem:$0x1FC00] =	vst v63  }
0x2f: {  	_ =	swait.ge [sflag:s21], $0x2000  }
0x30: {  	[sflag:s21] =	ssyncset.done $0x0  }
0x31: {  	s24 =	rddreg [dreg:$0x5];
	[sflag:s21] =	ssyncadd.s32 $0xFFFFE000  }
0x32: {  	[spmem:s24] =	stream.linear.scatter [tilespmem:s14], [sflag:$0x9], $0x2000, $0x38;
	[tilespmem:$0x1FC00] =	vst v63  }
0x33: {  	_ =	swait.ge [sflag:s21], $0x2000  }
0x34: {  	[sflag:s21] =	ssyncset.done $0x0  }
0x35: {  	s26 =	rddreg [dreg:$0x6];
	[sflag:s21] =	ssyncadd.s32 $0xFFFFE000  }
0x36: {  	[spmem:s26] =	stream.linear.scatter [tilespmem:s14], [sflag:$0x9], $0x2000, $0x38;
	[tilespmem:$0x1FC00] =	vst v63  }
0x37: {  	_ =	swait.ge [sflag:s21], $0x2000  }
0x38: {  	[sflag:s21] =	ssyncset.done $0x0  }
0x39: {  	s19 =	rddreg [dreg:$0x7];
	[sflag:s21] =	ssyncadd.s32 $0xFFFFE000  }
0x3a: {  	[spmem:s19] =	stream.linear.scatter [tilespmem:s14], [sflag:$0x9], $0x2000, $0x38;
	[tilespmem:$0x1FC00] =	vst v63  }
0x3b: {  	_ =	swait.ge [sflag:s21], $0x2000  }
0x3c: {  	[sflag:s21] =	ssyncset.done $0x0  }
0x3d: {  	s24 =	rddreg [dreg:$0x8];
	[sflag:s21] =	ssyncadd.s32 $0xFFFFE000  }
0x3e: {  	[spmem:s24] =	stream.linear.scatter [tilespmem:s14], [sflag:$0x9], $0x2000, $0x38;
	[tilespmem:$0x1FC00] =	vst v63  }
0x3f: {  	_ =	swait.ge [sflag:s21], $0x2000  }
0x40: {  	[sflag:s21] =	ssyncset.done $0x0  }
0x41: {  	s26 =	rddreg [dreg:$0x9];
	[sflag:s21] =	ssyncadd.s32 $0xFFFFE000  }
0x42: {  	[spmem:s26] =	stream.linear.scatter [tilespmem:s14], [sflag:$0x9], $0x2000, $0x38;
	[tilespmem:$0x1FC00] =	vst v63  }
0x43: {  	_ =	swait.ge [sflag:s21], $0x2000  }
0x44: {  	[sflag:s21] =	ssyncset.done $0x0  }
0x45: {  	s19 =	rddreg [dreg:$0xa];
	[sflag:s21] =	ssyncadd.s32 $0xFFFFE000  }
0x46: {  	[spmem:s19] =	stream.linear.scatter [tilespmem:s14], [sflag:$0x9], $0x2000, $0x38;
	[tilespmem:$0x1FC00] =	vst v63  }
0x47: {  	_ =	swait.ge [sflag:s21], $0x2000  }
0x48: {  	[sflag:s21] =	ssyncset.done $0x0  }
0x49: {  	s24 =	rddreg [dreg:$0xb];
	[sflag:s21] =	ssyncadd.s32 $0xFFFFE000  }
0x4a: {  	[spmem:s24] =	stream.linear.scatter [tilespmem:s14], [sflag:$0x9], $0x2000, $0x38;
	[tilespmem:$0x1FC00] =	vst v63  }
0x4b: {  	_ =	swait.ge [sflag:s21], $0x2000  }
0x4c: {  	[sflag:s21] =	ssyncset.done $0x0  }
0x4d: {  	s26 =	rddreg [dreg:$0xc];
	[sflag:s21] =	ssyncadd.s32 $0xFFFFE000  }
0x4e: {  	[spmem:s26] =	stream.linear.scatter [tilespmem:s14], [sflag:$0x9], $0x2000, $0x38;
	[tilespmem:$0x1FC00] =	vst v63  }
0x4f: {  	_ =	swait.ge [sflag:s21], $0x2000  }
0x50: {  	[sflag:s21] =	ssyncset.done $0x0  }
0x51: {  	[sflag:s21] =	ssyncadd.s32 $0xFFFFE000  }
0x52: {  	s16 =	simm.s32 $0x0;
	[bflag:$0x0] =	sbarrier.arrive $0xFFFF  }
.LBB2_4:
0x53: {  	s19 =	smul.u32 $0x28, s16;
	_ =	sdelay $0x1  }
0x54: {  	s19 =	sadd.s32 s18, s19  }
0x55: {  	s19 =	sshll.u32 s19, $0x4  }
0x56: {  	s24 =	sadd.s32 s5, s19  }
0x57: {  	[tilespmem:s22], [sflag:$0x9] =	stream.linear.gather [hbm4b:s24+s14], $0x1400, $0x38;
	[tilespmem:$0x1FC00] =	vst v63  }
0x58: {  	_ =	swait.ge [sflag:s21], $0x1400  }
0x59: {  	[sflag:s21] =	ssyncset.done $0x0  }
0x5a: {  	s26 =	sadd.s32 s6, s19;
	[sflag:s21] =	ssyncadd.s32 $0xFFFFEC00  }
0x5b: {  	[tilespmem:s23], [sflag:$0x9] =	stream.linear.gather [hbm4b:s26+s14], $0x1400, $0x38;
	[tilespmem:$0x1FC00] =	vst v63  }
0x5c: {  	_ =	swait.ge [sflag:s21], $0x1400  }
0x5d: {  	[sflag:s21] =	ssyncset.done $0x0  }
0x5e: {  	s19 =	sadd.s32 s7, s19;
	s26 =	simm.s32 $0xA800;
	[sflag:s21] =	ssyncadd.s32 $0xFFFFEC00  }
0x5f: {  	[tilespmem:s26], [sflag:$0x9] =	stream.linear.gather [hbm4b:s19+s14], $0x1400, $0x38;
	[tilespmem:$0x1FC00] =	vst v63  }
0x60: {  	_ =	swait.ge [sflag:s21], $0x1400  }
0x61: {  	[sflag:s21] =	ssyncset.done $0x0  }
0x62: {  	s19 =	simm.s32 $0x0;
	[sflag:s21] =	ssyncadd.s32 $0xFFFFEC00  }
0x63: {  	v4 =	vld [tilespmem:s19+$0x8000]  }
0x64: {  	v3 =	vld [tilespmem:s19+$0x8010]  }
0x65: {  	s24 =	simm.s32 $0x200;
	v2 =	vld [tilespmem:s19+$0x8020]  }
.LBB2_5:
0x66: {  	p0 =	sne.s32 s24, $0x4E00;
	v5 =	vld [tilespmem:s19+$0x8030];
	_ =	sdelay $0x1  }
.Ltmp1:
0x67: {  	v4 =	vadd.s32 v0, v4;
	(pc) =	sbr.rel @p0 .LBB2_5-.Ltmp1, $4  }
0x68: {  	s26 =	sshra.s32 s24, $0x2;
	[tilespmem:s19+$0x8000] =	vst v4;
	v3 =	vadd.s32 v0, v3  }
0x69: {  	v4 =	vld [tilespmem:s26+$0x8000];
	[tilespmem:s19+$0x8010] =	vst v3;
	v2 =	vadd.s32 v0, v2  }
0x6a: {  	v3 =	vld [tilespmem:s26+$0x8010];
	[tilespmem:s19+$0x8020] =	vst v2;
	v5 =	vadd.s32 v0, v5  }
0x6b: {  	s24 =	sadd.s32 $0x200, s24;
	v2 =	vld [tilespmem:s26+$0x8020];
	[tilespmem:s19+$0x8030] =	vst v5;
	s19 =	smov.u32 s26  }
0x6c: {  	v5 =	vld [tilespmem:s19+$0x8030];
	_ =	sdelay $0x1  }
0x6d: {  	v4 =	vadd.s32 v0, v4  }
0x6e: {  	[tilespmem:s19+$0x8000] =	vst v4;
	v3 =	vadd.s32 v0, v3  }
0x6f: {  	[tilespmem:s19+$0x8010] =	vst v3;
	v2 =	vadd.s32 v0, v2  }
0x70: {  	[tilespmem:s19+$0x8020] =	vst v2;
	v2 =	vadd.s32 v0, v5  }
0x71: {  	[tilespmem:s19+$0x8030] =	vst v2;
	s19 =	simm.s32 $0x0  }
0x72: {  	[tilespmem:s19], [sflag:$0x1] =	stream.indirect.gather [hbm4b:s4+s25], $0x80, s22, s25, $0xb8;
	[tilespmem:$0x1FC00] =	vst v63  }
0x73: {  	s24 =	simm.s32 $0x8080  }
0x74: {  	[tilespmem:s28], [sflag:$0x2] =	stream.indirect.gather [hbm4b:s4+s25], $0x80, s24, s25, $0xb8;
	[tilespmem:$0x1FC00] =	vst v63  }
0x75: {  	s26 =	simm.s32 $0x8100  }
0x76: {  	[tilespmem:s30], [sflag:$0x3] =	stream.indirect.gather [hbm4b:s4+s25], $0x80, s26, s25, $0xb8;
	[tilespmem:$0x1FC00] =	vst v63  }
0x77: {  	_ =	swait.ge [sflag:s31], $0x2000  }
0x78: {  	[sflag:s31] =	ssyncset.done $0x0  }
0x79: {  	[sflag:s31] =	ssyncadd.s32 $0xFFFFE000  }
0x7a: {  	[spmem:s2] =	stream.indirect.scatter.add.f32 [tilespmem:s19], [sflag:$0x5], $0x80, s23, s25, $0xb8;
	[tilespmem:$0x1FC00] =	vst v63  }
0x7b: {  	s26 =	simm.s32 $0x8180  }
0x7c: {  	[tilespmem:s1], [sflag:$0x4] =	stream.indirect.gather [hbm4b:s4+s25], $0x80, s26, s25, $0xb8;
	[tilespmem:$0x1FC00] =	vst v63  }
0x7d: {  	_ =	swait.ge [sflag:s9], $0x2000  }
0x7e: {  	[sflag:s9] =	ssyncset.done $0x0  }
0x7f: {  	s26 =	simm.s32 $0x9480;
	[sflag:s9] =	ssyncadd.s32 $0xFFFFE000  }
0x80: {  	[spmem:s2] =	stream.indirect.scatter.add.f32 [tilespmem:s28], [sflag:$0x6], $0x80, s26, s25, $0xb8;
	[tilespmem:$0x1FC00] =	vst v63  }
0x81: {  	_ =	swait.ge [sflag:s11], $0x2000  }
0x82: {  	[sflag:s11] =	ssyncset.done $0x0  }
0x83: {  	s26 =	simm.s32 $0x8200;
	[sflag:s11] =	ssyncadd.s32 $0xFFFFE000  }
0x84: {  	[tilespmem:s19], [sflag:$0x1] =	stream.indirect.gather [hbm4b:s4+s25], $0x80, s26, s25, $0xb8;
	[tilespmem:$0x1FC00] =	vst v63  }
0x85: {  	_ =	swait.ge [sflag:s13], $0x2000  }
0x86: {  	[sflag:s13] =	ssyncset.done $0x0  }
0x87: {  	s24 =	simm.s32 $0x9500;
	[sflag:s13] =	ssyncadd.s32 $0xFFFFE000  }
0x88: {  	[spmem:s2] =	stream.indirect.scatter.add.f32 [tilespmem:s30], [sflag:$0x7], $0x80, s24, s25, $0xb8;
	[tilespmem:$0x1FC00] =	vst v63  }
0x89: {  	_ =	swait.ge [sflag:s15], $0x2000  }
0x8a: {  	[sflag:s15] =	ssyncset.done $0x0  }
0x8b: {  	s26 =	simm.s32 $0x8280;
	[sflag:s15] =	ssyncadd.s32 $0xFFFFE000  }
0x8c: {  	[tilespmem:s28], [sflag:$0x2] =	stream.indirect.gather [hbm4b:s4+s25], $0x80, s26, s25, $0xb8;
	[tilespmem:$0x1FC00] =	vst v63  }
0x8d: {  	_ =	swait.ge [sflag:s17], $0x2000  }
0x8e: {  	[sflag:s17] =	ssyncset.done $0x0  }
0x8f: {  	s24 =	simm.s32 $0x9580;
	[sflag:s17] =	ssyncadd.s32 $0xFFFFE000  }
0x90: {  	[spmem:s2] =	stream.indirect.scatter.add.f32 [tilespmem:s1], [sflag:$0x8], $0x80, s24, s25, $0xb8;
	[tilespmem:$0x1FC00] =	vst v63  }
0x91: {  	_ =	swait.ge [sflag:s20], $0x2000  }
0x92: {  	[sflag:s20] =	ssyncset.done $0x0  }
0x93: {  	s26 =	simm.s32 $0x8300;
	[sflag:s20] =	ssyncadd.s32 $0xFFFFE000  }
0x94: {  	[tilespmem:s30], [sflag:$0x3] =	stream.indirect.gather [hbm4b:s4+s25], $0x80, s26, s25, $0xb8;
	[tilespmem:$0x1FC00] =	vst v63  }
0x95: {  	_ =	swait.ge [sflag:s31], $0x2000  }
0x96: {  	[sflag:s31] =	ssyncset.done $0x0  }
0x97: {  	s24 =	simm.s32 $0x9600;
	[sflag:s31] =	ssyncadd.s32 $0xFFFFE000  }
0x98: {  	[spmem:s2] =	stream.indirect.scatter.add.f32 [tilespmem:s3], [sflag:$0x5], $0x80, s24, s25, $0xb8;
	[tilespmem:$0x1FC00] =	vst v63  }
0x99: {  	_ =	swait.ge [sflag:s8], $0x2000  }
0x9a: {  	[sflag:s8] =	ssyncset.done $0x0  }
0x9b: {  	s26 =	simm.s32 $0x8380;
	[sflag:s8] =	ssyncadd.s32 $0xFFFFE000  }
0x9c: {  	[tilespmem:s1], [sflag:$0x4] =	stream.indirect.gather [hbm4b:s4+s25], $0x80, s26, s25, $0xb8;
	[tilespmem:$0x1FC00] =	vst v63  }
0x9d: {  	_ =	swait.ge [sflag:s9], $0x2000  }
0x9e: {  	[sflag:s9] =	ssyncset.done $0x0  }
0x9f: {  	s24 =	simm.s32 $0x9680;
	[sflag:s9] =	ssyncadd.s32 $0xFFFFE000  }
0xa0: {  	[spmem:s2] =	stream.indirect.scatter.add.f32 [tilespmem:s28], [sflag:$0x6], $0x80, s24, s25, $0xb8;
	[tilespmem:$0x1FC00] =	vst v63  }
0xa1: {  	_ =	swait.ge [sflag:s11], $0x2000  }
0xa2: {  	[sflag:s11] =	ssyncset.done $0x0  }
0xa3: {  	s26 =	simm.s32 $0x8400;
	[sflag:s11] =	ssyncadd.s32 $0xFFFFE000  }
0xa4: {  	[tilespmem:s3], [sflag:$0x1] =	stream.indirect.gather [hbm4b:s4+s25], $0x80, s26, s25, $0xb8;
	[tilespmem:$0x1FC00] =	vst v63  }
0xa5: {  	_ =	swait.ge [sflag:s13], $0x2000  }
0xa6: {  	[sflag:s13] =	ssyncset.done $0x0  }
0xa7: {  	s24 =	simm.s32 $0x9700;
	[sflag:s13] =	ssyncadd.s32 $0xFFFFE000  }
0xa8: {  	[spmem:s2] =	stream.indirect.scatter.add.f32 [tilespmem:s30], [sflag:$0x7], $0x80, s24, s25, $0xb8;
	[tilespmem:$0x1FC00] =	vst v63  }
0xa9: {  	_ =	swait.ge [sflag:s15], $0x2000  }
0xaa: {  	[sflag:s15] =	ssyncset.done $0x0  }
0xab: {  	s26 =	simm.s32 $0x8480;
	[sflag:s15] =	ssyncadd.s32 $0xFFFFE000  }
0xac: {  	[tilespmem:s28], [sflag:$0x2] =	stream.indirect.gather [hbm4b:s4+s25], $0x80, s26, s25, $0xb8;
	[tilespmem:$0x1FC00] =	vst v63  }
0xad: {  	_ =	swait.ge [sflag:s17], $0x2000  }
0xae: {  	[sflag:s17] =	ssyncset.done $0x0  }
0xaf: {  	s19 =	simm.s32 $0x800;
	s24 =	simm.s32 $0x9780;
	[sflag:s17] =	ssyncadd.s32 $0xFFFFE000  }
.LBB2_7:
0xb0: {  	[spmem:s2] =	stream.indirect.scatter.add.f32 [tilespmem:s1], [sflag:$0x8], $0x80, s24, s25, $0xb8;
	[tilespmem:$0x1FC00] =	vst v63  }
0xb1: {  	s24 =	smov.u32 s19  }
0xb2: {  	p0 =	sne.s32 s19, $0x3800;
	s19 =	sadd.s32 $0x800, s19;
	_ =	swait.ge [sflag:s20], $0x2000  }
0xb3: {  	s24 =	sshra.s32 s24, $0x2;
	[sflag:s20] =	ssyncset.done $0x0  }
0xb4: {  	s26 =	sadd.s32 $0x8300, s24;
	[sflag:s20] =	ssyncadd.s32 $0xFFFFE000  }
0xb5: {  	[tilespmem:s30], [sflag:$0x3] =	stream.indirect.gather [hbm4b:s4+s25], $0x80, s26, s25, $0xb8;
	[tilespmem:$0x1FC00] =	vst v63  }
0xb6: {  	_ =	swait.ge [sflag:s31], $0x2000  }
0xb7: {  	[sflag:s31] =	ssyncset.done $0x0  }
0xb8: {  	s26 =	sadd.s32 $0x9600, s24;
	[sflag:s31] =	ssyncadd.s32 $0xFFFFE000  }
0xb9: {  	[spmem:s2] =	stream.indirect.scatter.add.f32 [tilespmem:s3], [sflag:$0x5], $0x80, s26, s25, $0xb8;
	[tilespmem:$0x1FC00] =	vst v63  }
0xba: {  	_ =	swait.ge [sflag:s8], $0x2000  }
0xbb: {  	[sflag:s8] =	ssyncset.done $0x0  }
0xbc: {  	s26 =	sadd.s32 $0x8380, s24;
	[sflag:s8] =	ssyncadd.s32 $0xFFFFE000  }
0xbd: {  	[tilespmem:s1], [sflag:$0x4] =	stream.indirect.gather [hbm4b:s4+s25], $0x80, s26, s25, $0xb8;
	[tilespmem:$0x1FC00] =	vst v63  }
0xbe: {  	_ =	swait.ge [sflag:s9], $0x2000  }
0xbf: {  	[sflag:s9] =	ssyncset.done $0x0  }
0xc0: {  	s26 =	sadd.s32 $0x9680, s24;
	[sflag:s9] =	ssyncadd.s32 $0xFFFFE000  }
0xc1: {  	[spmem:s2] =	stream.indirect.scatter.add.f32 [tilespmem:s28], [sflag:$0x6], $0x80, s26, s25, $0xb8;
	[tilespmem:$0x1FC00] =	vst v63  }
0xc2: {  	_ =	swait.ge [sflag:s11], $0x2000  }
0xc3: {  	[sflag:s11] =	ssyncset.done $0x0  }
0xc4: {  	s26 =	sadd.s32 $0x8400, s24;
	[sflag:s11] =	ssyncadd.s32 $0xFFFFE000  }
0xc5: {  	[tilespmem:s3], [sflag:$0x1] =	stream.indirect.gather [hbm4b:s4+s25], $0x80, s26, s25, $0xb8;
	[tilespmem:$0x1FC00] =	vst v63  }
0xc6: {  	_ =	swait.ge [sflag:s13], $0x2000  }
0xc7: {  	[sflag:s13] =	ssyncset.done $0x0  }
0xc8: {  	s26 =	sadd.s32 $0x9700, s24;
	[sflag:s13] =	ssyncadd.s32 $0xFFFFE000  }
0xc9: {  	[spmem:s2] =	stream.indirect.scatter.add.f32 [tilespmem:s30], [sflag:$0x7], $0x80, s26, s25, $0xb8;
	[tilespmem:$0x1FC00] =	vst v63  }
0xca: {  	_ =	swait.ge [sflag:s15], $0x2000  }
0xcb: {  	[sflag:s15] =	ssyncset.done $0x0  }
.Ltmp2:
0xcc: {  	s26 =	sadd.s32 $0x8480, s24;
	[sflag:s15] =	ssyncadd.s32 $0xFFFFE000;
	(pc) =	sbr.rel @p0 .LBB2_7-.Ltmp2, $4  }
0xcd: {  	[tilespmem:s28], [sflag:$0x2] =	stream.indirect.gather [hbm4b:s4+s25], $0x80, s26, s25, $0xb8;
	[tilespmem:$0x1FC00] =	vst v63  }
0xce: {  	_ =	swait.ge [sflag:s17], $0x2000  }
0xcf: {  	[sflag:s17] =	ssyncset.done $0x0  }
0xd0: {  	s24 =	sadd.s32 $0x9780, s24;
	[sflag:s17] =	ssyncadd.s32 $0xFFFFE000  }
0xd1: {  	[spmem:s2] =	stream.indirect.scatter.add.f32 [tilespmem:s1], [sflag:$0x8], $0x80, s24, s25, $0xb8;
	[tilespmem:$0x1FC00] =	vst v63  }
0xd2: {  	_ =	swait.ge [sflag:s20], $0x2000  }
0xd3: {  	[sflag:s20] =	ssyncset.done $0x0  }
0xd4: {  	s19 =	simm.s32 $0x9300;
	[sflag:s20] =	ssyncadd.s32 $0xFFFFE000  }
0xd5: {  	[tilespmem:s30], [sflag:$0x3] =	stream.indirect.gather [hbm4b:s4+s25], $0x80, s19, s25, $0xb8;
	[tilespmem:$0x1FC00] =	vst v63  }
0xd6: {  	_ =	swait.ge [sflag:s31], $0x2000  }
0xd7: {  	[sflag:s31] =	ssyncset.done $0x0  }
0xd8: {  	s26 =	simm.s32 $0xA600;
	[sflag:s31] =	ssyncadd.s32 $0xFFFFE000  }
0xd9: {  	[spmem:s2] =	stream.indirect.scatter.add.f32 [tilespmem:s3], [sflag:$0x5], $0x80, s26, s25, $0xb8;
	[tilespmem:$0x1FC00] =	vst v63  }
0xda: {  	_ =	swait.ge [sflag:s8], $0x2000  }
0xdb: {  	[sflag:s8] =	ssyncset.done $0x0  }
0xdc: {  	[sflag:s8] =	ssyncadd.s32 $0xFFFFE000  }
0xdd: {  	[tilespmem:s1], [sflag:$0x4] =	stream.indirect.gather [hbm4b:s4+s25], $0x80, s29, s25, $0xb8;
	[tilespmem:$0x1FC00] =	vst v63  }
0xde: {  	_ =	swait.ge [sflag:s9], $0x2000  }
0xdf: {  	[sflag:s9] =	ssyncset.done $0x0  }
0xe0: {  	[sflag:s9] =	ssyncadd.s32 $0xFFFFE000  }
0xe1: {  	[spmem:s2] =	stream.indirect.scatter.add.f32 [tilespmem:s28], [sflag:$0x6], $0x80, s0, s25, $0xb8;
	[tilespmem:$0x1FC00] =	vst v63  }
0xe2: {  	_ =	swait.ge [sflag:s13], $0x2000  }
0xe3: {  	[sflag:s13] =	ssyncset.done $0x0  }
0xe4: {  	[sflag:s13] =	ssyncadd.s32 $0xFFFFE000  }
0xe5: {  	[spmem:s2] =	stream.indirect.scatter.add.f32 [tilespmem:s30], [sflag:$0x7], $0x80, s10, s25, $0xb8;
	[tilespmem:$0x1FC00] =	vst v63  }
0xe6: {  	_ =	swait.ge [sflag:s17], $0x2000  }
0xe7: {  	[sflag:s17] =	ssyncset.done $0x0  }
0xe8: {  	[sflag:s17] =	ssyncadd.s32 $0xFFFFE000  }
0xe9: {  	[spmem:s2] =	stream.indirect.scatter.add.f32 [tilespmem:s1], [sflag:$0x8], $0x80, s12, s25, $0xb8;
	[tilespmem:$0x1FC00] =	vst v63  }
0xea: {  	_ =	swait.ge [sflag:s11], $0x2000  }
0xeb: {  	[sflag:s11] =	ssyncset.done $0x0  }
0xec: {  	[sflag:s11] =	ssyncadd.s32 $0xFFFFE000  }
0xed: {  	_ =	swait.ge [sflag:s15], $0x2000  }
0xee: {  	[sflag:s15] =	ssyncset.done $0x0  }
0xef: {  	s16 =	sadd.s32 $0x1, s16;
	[sflag:s15] =	ssyncadd.s32 $0xFFFFE000  }
0xf0: {  	p0 =	sne.s32 s16, $0x8;
	_ =	swait.ge [sflag:s20], $0x2000  }
.Ltmp3:
0xf1: {  	[sflag:s20] =	ssyncset.done $0x0;
	(pc) =	sbr.rel @p0 .LBB2_4-.Ltmp3, $4  }
0xf2: {  	[sflag:s20] =	ssyncadd.s32 $0xFFFFE000  }
0xf3: {  	_ =	swait.ge [sflag:s8], $0x2000  }
0xf4: {  	[sflag:s8] =	ssyncset.done $0x0  }
0xf5: {  	[sflag:s8] =	ssyncadd.s32 $0xFFFFE000  }
0xf6: {  	s14 =	stileid.u32;
	[bflag:$0x0] =	sbarrier.arrive $0xFFFF  }
0xf7: {  	s14 =	sshll.u32 s14, $0x6;
	s19 =	rddreg [dreg:$0x3]  }
0xf8: {  	s24 =	rddreg [dreg:$0xd];
	s14 =	sor.u32 $0x1C09, s14;
	s16 =	sshrl.u32 s19, $0x3  }
0xf9: {  	[hbm:s24], [sflag:s14] =	dma.local [spmem:s16], $0x2800  }
0xfa: {  	_ =	swait.ge [sflag:s21], $0x2800  }
0xfb: {  	s24 =	rddreg [dreg:$0xf]  }
0xfc: {  	s26 =	rddreg [dreg:$0xe];
	s16 =	sadd.s32 $0x1, s24  }
0xfd: {  	p0 =	sne.s32 s16, s26  }
.Ltmp4:
0xfe: {  	_ = 	snop;
	(pc) =	sbr.rel @p0 .LBB2_1-.Ltmp4, $3  }
0xff: {  	_ =	sdelay $0x1  }
0x100: {  	[sflag:s21] =	ssyncset.done $0x0  }
0x101: {  	[sflag:s21] =	ssyncadd.s32 $0xFFFFD800  }
0x102: {  	_ =	sfence.sel $0x180000  }
0x103: {  	[bflag:$0x0] =	sbarrier.arrive $0xFFFF  }
0x104: {  	_ =	strace $0x90000056  }
0x105: {  	s0 =	stileid.u32;
	[bflag:$0x2] =	sbarrier.arrive $0xFFFF  }
0x106: {  	p0 =	sne.s32 s0, $0x0;
	s0 =	rddreg [dreg:$0x2]  }
0x107: {  	s0 =	sadd.s32 @!p0 $0x100000, s0  }
0x108: {  	[sflag:s0] =	ssyncadd.tile.s32 @!p0 $0x1;
	_ =	shalt  }
.Lfunc_end2:
_tile_overlayer_lowered:
.L_overlay_start_2:
0x109: {  	(tag) =	ssettag $0x2  }
0x10a: {  	s0 =	rddreg [dreg:$0x0];
	s2 =	stileid.u32  }
0x10b: {  	s1 =	rddreg [dreg:$0x1];
	p0 =	sne.s32 s2, $0x0  }
0x10c: {  	s3 =	rddreg [dreg:$0x2];
	[bflag:$0x3] =	sbarrier.arrive $0xFFFF;
	s2 =	simm.s32 @!p0 $0x1C09  }
0x10d: {  	[timem:s3], [sflag:s2] =	dma.local @!p0 [hbm:s0], s1  }
0x10e: {  	s0 =	simm.s32 @!p0 $0x9  }
0x10f: {  	_ =	swait.ge @!p0 [sflag:s0], s1  }
0x110: {  	s1 =	ssub.s32 @!p0 $0x0, s1;
	[sflag:s0] =	ssyncset.done @!p0 $0x0  }
0x111: {  	[sflag:s0] =	ssyncadd.s32 @!p0 s1  }
0x112: {  	[bflag:$0x3] =	sbarrier.arrive $0xFFFF  }
0x113: {  	_ =	shalt  }

</sc_bundles>
